<compile_context>
chip_gen: v7x
topology: tpu7x:2x2x1
jax: 0.10.2.dev20260603
libtpu: 0.0.44.dev20260713+nightly
codegen_flags: <defaults>
</compile_context>

<pallas_src>
import functools

import jax
import jax.numpy as jnp
import numpy as np
from jax import lax
from jax.experimental import pallas as pl
from jax.experimental.pallas import tpu as pltpu
from jax.experimental.pallas import tpu_sc as plsc

N = 10000
E = 320000
D = 128
DE = 16
H = 128

NODE_BLK = 2048
N_PAD = 10240
EDGE_PACK = 16
ER = E // EDGE_PACK
EDGE_BLK = 2000

NUM_TILES = 32
CH = E // NUM_TILES
LANES = 16



def _np_threefry_uniform(n):
    def rotl(x, r):
        return ((x << np.uint32(r)) | (x >> np.uint32(32 - r))).astype(np.uint32)

    ks = [np.uint32(0), np.uint32(42),
          np.uint32(0 ^ 42 ^ 0x1BD11BDA)]
    x0 = (np.zeros(n, np.uint32) + ks[0]).astype(np.uint32)
    x1 = (np.arange(n, dtype=np.uint32) + ks[1]).astype(np.uint32)
    rot = [[13, 15, 26, 6], [17, 29, 16, 24]]
    for i in range(5):
        for r in rot[i % 2]:
            x0 = (x0 + x1).astype(np.uint32)
            x1 = (rotl(x1, r) ^ x0).astype(np.uint32)
        x0 = (x0 + ks[(i + 1) % 3]).astype(np.uint32)
        x1 = (x1 + ks[(i + 2) % 3] + np.uint32(i + 1)).astype(np.uint32)
    bits = (x0 ^ x1).astype(np.uint32)
    f = ((bits >> np.uint32(9)) | np.uint32(0x3F800000)).view(np.float32)
    return f - np.float32(1.0)


_u = _np_threefry_uniform(E)
_bias = 0.0001
_eps = (np.float32(_bias - (1.0 - _bias)) * _u
        + np.float32(1.0 - _bias)).astype(np.float32)
_NOISE = (np.log(_eps) - np.log(np.float32(1.0) - _eps)).astype(np.float32)
del _u, _eps


def _leaky(x):
    return jnp.maximum(x, 0.01 * x)


def _node_body(x_ref, w1_ref, w2_ref, src_ref, dst_ref):
    h = _leaky(
        jnp.dot(x_ref[...].astype(jnp.bfloat16), w1_ref[...],
                preferred_element_type=jnp.float32)
    )
    out = jnp.dot(h.astype(jnp.bfloat16), w2_ref[...],
                  preferred_element_type=jnp.float32)
    i = pl.program_id(0)
    src_ref[pl.ds(i * NODE_BLK, NODE_BLK)] = out[:, 0]
    dst_ref[pl.ds(i * NODE_BLK, NODE_BLK)] = out[:, 1]


def _edge_body(x_ref, w1_ref, w2_ref, b_ref, out_ref):
    h = _leaky(
        jnp.dot(w1_ref[...], x_ref[...].astype(jnp.bfloat16),
                preferred_element_type=jnp.float32).astype(jnp.bfloat16)
    )
    w_e = jnp.dot(w2_ref[...], h,
                  preferred_element_type=jnp.float32)
    out_ref[...] = w_e + b_ref[:, 0:1]


ACTIVE_TILES = 25
TPE = E // ACTIVE_TILES
SC_CHUNK = 3200
NCHUNK = TPE // SC_CHUNK
UNROLL = 8


def _sc_gather_body(wsrc_hbm, wdst_hbm, ei_hbm, noise_hbm,
                    gath_hbm,
                    wsrc_v, wdst_v, src_v, dst_v, noise_v, out_v,
                    insem, outsem):
    wid = lax.axis_index("s") * 2 + lax.axis_index("c")

    @pl.when(wid < ACTIVE_TILES)
    def _():
        base0 = wid * TPE

        def issue(c, b):
            eoff = pl.multiple_of(base0 + c * SC_CHUNK, 128)
            return [
                pltpu.async_copy(ei_hbm.at[pl.ds(eoff, SC_CHUNK)],
                                 src_v.at[b], insem[b]),
                pltpu.async_copy(ei_hbm.at[pl.ds(E + eoff, SC_CHUNK)],
                                 dst_v.at[b], insem[b]),
                pltpu.async_copy(noise_hbm.at[pl.ds(eoff, SC_CHUNK)],
                                 noise_v.at[b], insem[b]),
            ]

        pending = {0: issue(0, 0)}
        pltpu.sync_copy(wsrc_hbm, wsrc_v)
        pltpu.sync_copy(wdst_hbm, wdst_v)

        outw = {}
        for c in range(NCHUNK):
            b = c % 2
            if c + 1 < NCHUNK:
                pending[(c + 1) % 2] = issue(c + 1, (c + 1) % 2)
            for cp in pending[b]:
                cp.wait()
            if c - 2 in outw:
                outw.pop(c - 2).wait()

            def step(i, _):
                for j in range(UNROLL):
                    sl = pl.ds((i * UNROLL + j) * LANES, LANES)
                    gs = plsc.load_gather(wsrc_v, [src_v[b, sl]])
                    gd = plsc.load_gather(wdst_v, [dst_v[b, sl]])
                    out_v[b, sl] = noise_v[b, sl] + gs + gd
                return 0

            lax.fori_loop(0, SC_CHUNK // (LANES * UNROLL), step, 0)
            eoff = pl.multiple_of(base0 + c * SC_CHUNK, 128)
            outw[c] = pltpu.async_copy(
                out_v.at[b], gath_hbm.at[pl.ds(eoff, SC_CHUNK)], outsem[b])
        for c in sorted(outw):
            outw[c].wait()


@functools.partial(
    pl.kernel,
    out_type=jax.ShapeDtypeStruct((E,), jnp.float32),
    mesh=plsc.VectorSubcoreMesh(core_axis_name="c", subcore_axis_name="s"),
    compiler_params=pltpu.CompilerParams(needs_layout_passes=False),
    scratch_types=[
        pltpu.VMEM((N_PAD,), jnp.float32),
        pltpu.VMEM((N_PAD,), jnp.float32),
        pltpu.VMEM((2, SC_CHUNK), jnp.int32),
        pltpu.VMEM((2, SC_CHUNK), jnp.int32),
        pltpu.VMEM((2, SC_CHUNK), jnp.float32),
        pltpu.VMEM((2, SC_CHUNK), jnp.float32),
        [pltpu.SemaphoreType.DMA, pltpu.SemaphoreType.DMA],
        [pltpu.SemaphoreType.DMA, pltpu.SemaphoreType.DMA],
    ],
)
def _sc_gather(*refs):
    _sc_gather_body(*refs)


def _sc_gate_body(gath_hbm, base_hbm,
                  aug_hbm, psum_hbm,
                  gath_v, slab_v, out_v, acc_v, insem, outsem):
    wid = lax.axis_index("s") * 2 + lax.axis_index("c")

    @pl.when(wid < ACTIVE_TILES)
    def _():
        base0 = wid * TPE

        def issue(c, b):
            eoff = pl.multiple_of(base0 + c * SC_CHUNK, 128)
            return [
                pltpu.async_copy(base_hbm.at[:, pl.ds(eoff, SC_CHUNK)],
                                 slab_v.at[b], insem[b]),
                pltpu.async_copy(gath_hbm.at[pl.ds(eoff, SC_CHUNK)],
                                 gath_v.at[b], insem[b]),
            ]

        pending = {0: issue(0, 0)}
        acc = jnp.zeros((LANES,), jnp.float32)
        outw = {}
        for c in range(NCHUNK):
            b = c % 2
            if c + 1 < NCHUNK:
                pending[(c + 1) % 2] = issue(c + 1, (c + 1) % 2)
            for cp in pending[b]:
                cp.wait()
            if c - 2 in outw:
                outw.pop(c - 2).wait()

            def step(i, acc):
                for j in range(UNROLL):
                    sl = pl.ds((i * UNROLL + j) * LANES, LANES)
                    x = (slab_v[b, 0, sl] + gath_v[b, sl]) * 2.0
                    a = 1.0 / (1.0 + jnp.exp(-x))
                    out_v[b, sl] = a
                    acc = acc + a
                return acc

            acc = lax.fori_loop(0, SC_CHUNK // (LANES * UNROLL), step, acc)
            eoff = pl.multiple_of(base0 + c * SC_CHUNK, 128)
            outw[c] = pltpu.async_copy(
                out_v.at[b], aug_hbm.at[pl.ds(eoff, SC_CHUNK)], outsem[b])
        for c in sorted(outw):
            outw[c].wait()
        acc_v[...] = acc
        pltpu.sync_copy(acc_v, psum_hbm.at[wid])


@functools.partial(
    pl.kernel,
    out_type=(
        jax.ShapeDtypeStruct((E,), jnp.float32),
        jax.ShapeDtypeStruct((ACTIVE_TILES, LANES), jnp.float32),
    ),
    mesh=plsc.VectorSubcoreMesh(core_axis_name="c", subcore_axis_name="s"),
    compiler_params=pltpu.CompilerParams(needs_layout_passes=False),
    scratch_types=[
        pltpu.VMEM((2, SC_CHUNK), jnp.float32),
        pltpu.VMEM((2, 8, SC_CHUNK), jnp.float32),
        pltpu.VMEM((2, SC_CHUNK), jnp.float32),
        pltpu.VMEM((LANES,), jnp.float32),
        [pltpu.SemaphoreType.DMA, pltpu.SemaphoreType.DMA],
        [pltpu.SemaphoreType.DMA, pltpu.SemaphoreType.DMA],
    ],
)
def _sc_gate(*refs):
    _sc_gate_body(*refs)


def kernel(node_emb, edge_index, edge_attr,
           W_src1, b_src1, W_src2, b_src2,
           W_dst1, b_dst1, W_dst2, b_dst2,
           W_e1, b_e1, W_e2, b_e2):
    w1_cat = jnp.concatenate([W_src1, W_dst1], axis=1).astype(jnp.bfloat16)
    w2_cat = jnp.zeros((2 * H, 8), jnp.float32)
    w2_cat = w2_cat.at[:H, 0].set(W_src2[:, 0])
    w2_cat = w2_cat.at[H:, 1].set(W_dst2[:, 0]).astype(jnp.bfloat16)
    w_src2d, w_dst2d = pl.pallas_call(
        _node_body,
        grid=(N_PAD // NODE_BLK,),
        in_specs=[
            pl.BlockSpec((NODE_BLK, D), lambda i: (i, 0)),
            pl.BlockSpec((D, 2 * H), lambda i: (0, 0)),
            pl.BlockSpec((2 * H, 8), lambda i: (0, 0)),
        ],
        out_specs=(
            pl.BlockSpec((N_PAD,), lambda i: (0,)),
            pl.BlockSpec((N_PAD,), lambda i: (0,)),
        ),
        out_shape=(
            jax.ShapeDtypeStruct((N_PAD,), jnp.float32),
            jax.ShapeDtypeStruct((N_PAD,), jnp.float32),
        ),
    )(node_emb, w1_cat, w2_cat)

    xT = edge_attr.T
    w1t = W_e1.T.astype(jnp.bfloat16)
    w2s = jnp.broadcast_to(W_e2[:, 0],
                           (8, H)).astype(jnp.bfloat16)
    b_all = jnp.broadcast_to(b_e2 + b_src2 + b_dst2, (8, 128))
    LB = 64000
    baseT = pl.pallas_call(
        _edge_body,
        grid=(E // LB,),
        in_specs=[
            pl.BlockSpec((DE, LB), lambda i: (0, i)),
            pl.BlockSpec((H, DE), lambda i: (0, 0)),
            pl.BlockSpec((8, H), lambda i: (0, 0)),
            pl.BlockSpec((8, 128), lambda i: (0, 0)),
        ],
        out_specs=pl.BlockSpec((8, LB), lambda i: (0, i)),
        out_shape=jax.ShapeDtypeStruct((8, E), jnp.float32),
    )(xT, w1t, w2s, b_all)

    noise = jnp.asarray(_NOISE)
    gath = _sc_gather(w_src2d, w_dst2d, edge_index.reshape(2 * E), noise)
    aug, psum = _sc_gate(gath, baseT)
    reg = jnp.float32(1.0) - jnp.sum(psum) / jnp.float32(E)
    return (reg, aug)

# --- scband reference (transcript-rebuilt; emitter-appended) ---
"""Pipeline reference for scband-edge-drop-learner-37160057045562 (READ-ONLY COPY).

The authoritative reference and input builder live on the scoring server;
editing this copy changes nothing except your own understanding.
"""

import jax, jax.numpy as jnp
import numpy as np

N = 10000
E = 320000
D = 128
DE = 16
H = 128


def _xavier(key, shape):
    fan_in, fan_out = shape[0], shape[1]
    limit = np.sqrt(6.0 / (fan_in + fan_out))
    return jax.random.uniform(key, shape, jnp.float32, -limit, limit)


def _leaky_relu(x):
    return jnp.where(x >= 0, x, 0.01 * x)


def _mlp(x, W1, b1, W2, b2):
    return _leaky_relu(x @ W1 + b1) @ W2 + b2


def setup_inputs(seed: int = 0) -> dict:
    key = jax.random.key(seed)
    ks = jax.random.split(key, 12)
    node_emb = jax.random.normal(ks[0], (N, D), jnp.float32)
    edge_index = jax.random.randint(ks[1], (2, E), 0, N, dtype=jnp.int32)
    edge_attr = jax.random.normal(ks[2], (E, DE), jnp.float32)
    W_src1 = _xavier(ks[3], (D, H)); b_src1 = jnp.zeros((H,), jnp.float32)
    W_src2 = _xavier(ks[4], (H, 1)); b_src2 = jnp.zeros((1,), jnp.float32)
    W_dst1 = _xavier(ks[5], (D, H)); b_dst1 = jnp.zeros((H,), jnp.float32)
    W_dst2 = _xavier(ks[6], (H, 1)); b_dst2 = jnp.zeros((1,), jnp.float32)
    W_e1 = _xavier(ks[7], (DE, H)); b_e1 = jnp.zeros((H,), jnp.float32)
    W_e2 = _xavier(ks[8], (H, 1)); b_e2 = jnp.zeros((1,), jnp.float32)
    return {"node_emb": node_emb, "edge_index": edge_index, "edge_attr": edge_attr,
            "W_src1": W_src1, "b_src1": b_src1, "W_src2": W_src2, "b_src2": b_src2,
            "W_dst1": W_dst1, "b_dst1": b_dst1, "W_dst2": W_dst2, "b_dst2": b_dst2,
            "W_e1": W_e1, "b_e1": b_e1, "W_e2": W_e2, "b_e2": b_e2}


def reference(node_emb, edge_index, edge_attr,
              W_src1, b_src1, W_src2, b_src2,
              W_dst1, b_dst1, W_dst2, b_dst2,
              W_e1, b_e1, W_e2, b_e2):
    temperature = 0.5
    w_src = _mlp(node_emb, W_src1, b_src1, W_src2, b_src2)  # [N,1]
    w_dst = _mlp(node_emb, W_dst1, b_dst1, W_dst2, b_dst2)  # [N,1]
    src = edge_index[0]
    dst = edge_index[1]
    # dgl u_add_v: gather per-edge src/dst node scalars and add
    weight = jnp.take(w_src, src, axis=0) + jnp.take(w_dst, dst, axis=0)  # [E,1]
    w_edge = _mlp(edge_attr, W_e1, b_e1, W_e2, b_e2)  # [E,1]
    weight = weight + w_edge
    weight = jnp.squeeze(weight, axis=-1)  # [E]
    bias = 0.0 + 0.0001
    u = jax.random.uniform(jax.random.key(42), weight.shape, jnp.float32)
    eps = (bias - (1.0 - bias)) * u + (1.0 - bias)
    gate_inputs = jnp.log(eps) - jnp.log(1.0 - eps)
    gate_inputs = (gate_inputs + weight) / temperature
    aug_edge_weight = jax.nn.sigmoid(gate_inputs)
    edge_drop_out_prob = 1.0 - aug_edge_weight
    reg = jnp.mean(edge_drop_out_prob)
    return (reg, aug_edge_weight)

if __name__ == "__main__":
    import jax
    _d = setup_inputs()
    print(jax.jit(kernel)(*tuple(_d.values())))

</pallas_src>

<mosaic_0001>
#map = affine_map<(d0, d1) -> (0)>
module attributes {stable_mosaic.version = 14 : i64} {
  func.func @_sc_gather(%arg0: i32, %arg1: i32, %arg2: memref<10240xf32, #tpu.memory_space<hbm>>, %arg3: memref<10240xf32, #tpu.memory_space<hbm>>, %arg4: memref<640000xi32, #tpu.memory_space<hbm>>, %arg5: memref<320000xf32, #tpu.memory_space<hbm>>, %arg6: memref<320000xf32, #tpu.memory_space<hbm>>, %arg7: memref<10240xf32, #tpu.memory_space<vmem>>, %arg8: memref<10240xf32, #tpu.memory_space<vmem>>, %arg9: memref<2x3200xi32, #tpu.memory_space<vmem>>, %arg10: memref<2x3200xi32, #tpu.memory_space<vmem>>, %arg11: memref<2x3200xf32, #tpu.memory_space<vmem>>, %arg12: memref<2x3200xf32, #tpu.memory_space<vmem>>, %arg13: memref<!tpu.dma_semaphore, #tpu.memory_space<semaphore_mem>>, %arg14: memref<!tpu.dma_semaphore, #tpu.memory_space<semaphore_mem>>, %arg15: memref<!tpu.dma_semaphore, #tpu.memory_space<semaphore_mem>>, %arg16: memref<!tpu.dma_semaphore, #tpu.memory_space<semaphore_mem>>) attributes {dimension_semantics = [#tpu.dimension_semantics<core_parallel>, #tpu.dimension_semantics<subcore_parallel>], iteration_bounds = array<i64: 2, 16>, scalar_prefetch = 0 : i64, scratch_operands = 10 : i64, tpu.core_type = #tpu.core_type<sc_vector_subcore>, window_params = [{transform_indices = #map}, {transform_indices = #map}, {transform_indices = #map}, {transform_indices = #map}, {transform_indices = #map}]} {
    %mul3A = arith.constant 2 : i32
    %mul3A_0 = arith.muli %arg1, %mul3A : i32
    %add3A = arith.addi %mul3A_0, %arg0 : i32
    %lt3A = arith.constant 25 : i32
    %lt3A_1 = arith.cmpi slt, %add3A, %lt3A : i32
    %convert_element_type3A = arith.extui %lt3A_1 : i1 to i32
    %cond3A = arith.constant 0 : i32
    %cond3A_2 = arith.cmpi ne, %convert_element_type3A, %cond3A : i32
    scf.if %cond3A_2 {
      %mul3A_3 = arith.constant 12800 : i32
      %mul3A_4 = arith.muli %add3A, %mul3A_3 : i32
      %add3A_5 = arith.constant 0 : i32
      %add3A_6 = arith.addi %mul3A_4, %add3A_5 : i32
      %multiple_of3A = tpu.assume_multiple %add3A_6, 128 : i32
      %dma_start3A = arith.constant 0 : i32
      %dma_start3A_7 = arith.constant 0 : i32
      %dma_start3A_8 = tpu.memref_slice %arg9[%dma_start3A, %dma_start3A_7] : memref<2x3200xi32, #tpu.memory_space<vmem>> -> memref<1x3200xi32, #tpu.memory_space<vmem>>
      %dma_start3A_9 = tpu.memref_squeeze %dma_start3A_8 : memref<1x3200xi32, #tpu.memory_space<vmem>> -> memref<3200xi32, #tpu.memory_space<vmem>>
      %dma_start3A_10 = tpu.memref_slice %arg4[%multiple_of3A] : memref<640000xi32, #tpu.memory_space<hbm>> -> memref<3200xi32, #tpu.memory_space<hbm>>
      %dma_start3A_11 = arith.constant 0 : i32
      %dma_start3A_12 = tpu.memref_slice %arg9[%dma_start3A, %dma_start3A_11] : memref<2x3200xi32, #tpu.memory_space<vmem>> -> memref<1x3200xi32, #tpu.memory_space<vmem>>
      %dma_start3A_13 = tpu.memref_squeeze %dma_start3A_12 : memref<1x3200xi32, #tpu.memory_space<vmem>> -> memref<3200xi32, #tpu.memory_space<vmem>>
      %dma_start3A_14 = tpu.memref_slice %arg4[%multiple_of3A] : memref<640000xi32, #tpu.memory_space<hbm>> -> memref<3200xi32, #tpu.memory_space<hbm>>
      tpu.enqueue_dma source(%dma_start3A_14 : memref<3200xi32, #tpu.memory_space<hbm>>) target(%dma_start3A_13 : memref<3200xi32, #tpu.memory_space<vmem>>) target_semaphore(%arg13 : memref<!tpu.dma_semaphore, #tpu.memory_space<semaphore_mem>>)
      %add3A_15 = arith.constant 320000 : i32
      %add3A_16 = arith.addi %add3A_15, %multiple_of3A : i32
      %dma_start3A_17 = arith.constant 0 : i32
      %dma_start3A_18 = arith.constant 0 : i32
      %dma_start3A_19 = tpu.memref_slice %arg10[%dma_start3A_17, %dma_start3A_18] : memref<2x3200xi32, #tpu.memory_space<vmem>> -> memref<1x3200xi32, #tpu.memory_space<vmem>>
      %dma_start3A_20 = tpu.memref_squeeze %dma_start3A_19 : memref<1x3200xi32, #tpu.memory_space<vmem>> -> memref<3200xi32, #tpu.memory_space<vmem>>
      %dma_start3A_21 = tpu.memref_slice %arg4[%add3A_16] : memref<640000xi32, #tpu.memory_space<hbm>> -> memref<3200xi32, #tpu.memory_space<hbm>>
      %dma_start3A_22 = arith.constant 0 : i32
      %dma_start3A_23 = tpu.memref_slice %arg10[%dma_start3A_17, %dma_start3A_22] : memref<2x3200xi32, #tpu.memory_space<vmem>> -> memref<1x3200xi32, #tpu.memory_space<vmem>>
      %dma_start3A_24 = tpu.memref_squeeze %dma_start3A_23 : memref<1x3200xi32, #tpu.memory_space<vmem>> -> memref<3200xi32, #tpu.memory_space<vmem>>
      %dma_start3A_25 = tpu.memref_slice %arg4[%add3A_16] : memref<640000xi32, #tpu.memory_space<hbm>> -> memref<3200xi32, #tpu.memory_space<hbm>>
      tpu.enqueue_dma source(%dma_start3A_25 : memref<3200xi32, #tpu.memory_space<hbm>>) target(%dma_start3A_24 : memref<3200xi32, #tpu.memory_space<vmem>>) target_semaphore(%arg13 : memref<!tpu.dma_semaphore, #tpu.memory_space<semaphore_mem>>)
      %dma_start3A_26 = arith.constant 0 : i32
      %dma_start3A_27 = arith.constant 0 : i32
      %dma_start3A_28 = tpu.memref_slice %arg11[%dma_start3A_26, %dma_start3A_27] : memref<2x3200xf32, #tpu.memory_space<vmem>> -> memref<1x3200xf32, #tpu.memory_space<vmem>>
      %dma_start3A_29 = tpu.memref_squeeze %dma_start3A_28 : memref<1x3200xf32, #tpu.memory_space<vmem>> -> memref<3200xf32, #tpu.memory_space<vmem>>
      %dma_start3A_30 = tpu.memref_slice %arg5[%multiple_of3A] : memref<320000xf32, #tpu.memory_space<hbm>> -> memref<3200xf32, #tpu.memory_space<hbm>>
      %dma_start3A_31 = arith.constant 0 : i32
      %dma_start3A_32 = tpu.memref_slice %arg11[%dma_start3A_26, %dma_start3A_31] : memref<2x3200xf32, #tpu.memory_space<vmem>> -> memref<1x3200xf32, #tpu.memory_space<vmem>>
      %dma_start3A_33 = tpu.memref_squeeze %dma_start3A_32 : memref<1x3200xf32, #tpu.memory_space<vmem>> -> memref<3200xf32, #tpu.memory_space<vmem>>
      %dma_start3A_34 = tpu.memref_slice %arg5[%multiple_of3A] : memref<320000xf32, #tpu.memory_space<hbm>> -> memref<3200xf32, #tpu.memory_space<hbm>>
      tpu.enqueue_dma source(%dma_start3A_34 : memref<3200xf32, #tpu.memory_space<hbm>>) target(%dma_start3A_33 : memref<3200xf32, #tpu.memory_space<vmem>>) target_semaphore(%arg13 : memref<!tpu.dma_semaphore, #tpu.memory_space<semaphore_mem>>)
      "tpu.region"() ({
        %run_scoped3A = tpu.sem_alloc : memref<!tpu.dma_semaphore, #tpu.memory_space<semaphore_mem>>
        tpu.enqueue_dma source(%arg2 : memref<10240xf32, #tpu.memory_space<hbm>>) target(%arg7 : memref<10240xf32, #tpu.memory_space<vmem>>) target_semaphore(%run_scoped3A : memref<!tpu.dma_semaphore, #tpu.memory_space<semaphore_mem>>)
        tpu.wait_dma2 semaphore(%run_scoped3A : memref<!tpu.dma_semaphore, #tpu.memory_space<semaphore_mem>>) src(%arg2 : memref<10240xf32, #tpu.memory_space<hbm>>) dst(%arg7 : memref<10240xf32, #tpu.memory_space<vmem>>)
        tpu.yield
      }) : () -> ()
      "tpu.region"() ({
        %run_scoped3A = tpu.sem_alloc : memref<!tpu.dma_semaphore, #tpu.memory_space<semaphore_mem>>
        tpu.enqueue_dma source(%arg3 : memref<10240xf32, #tpu.memory_space<hbm>>) target(%arg8 : memref<10240xf32, #tpu.memory_space<vmem>>) target_semaphore(%run_scoped3A : memref<!tpu.dma_semaphore, #tpu.memory_space<semaphore_mem>>)
        tpu.wait_dma2 semaphore(%run_scoped3A : memref<!tpu.dma_semaphore, #tpu.memory_space<semaphore_mem>>) src(%arg3 : memref<10240xf32, #tpu.memory_space<hbm>>) dst(%arg8 : memref<10240xf32, #tpu.memory_space<vmem>>)
        tpu.yield
      }) : () -> ()
      %add3A_35 = arith.constant 3200 : i32
      %add3A_36 = arith.addi %mul3A_4, %add3A_35 : i32
      %multiple_of3A_37 = tpu.assume_multiple %add3A_36, 128 : i32
      %dma_start3A_38 = arith.constant 1 : i32
      %dma_start3A_39 = arith.constant 0 : i32
      %dma_start3A_40 = tpu.memref_slice %arg9[%dma_start3A_38, %dma_start3A_39] : memref<2x3200xi32, #tpu.memory_space<vmem>> -> memref<1x3200xi32, #tpu.memory_space<vmem>>
      %dma_start3A_41 = tpu.memref_squeeze %dma_start3A_40 : memref<1x3200xi32, #tpu.memory_space<vmem>> -> memref<3200xi32, #tpu.memory_space<vmem>>
      %dma_start3A_42 = tpu.memref_slice %arg4[%multiple_of3A_37] : memref<640000xi32, #tpu.memory_space<hbm>> -> memref<3200xi32, #tpu.memory_space<hbm>>
      %dma_start3A_43 = arith.constant 0 : i32
      %dma_start3A_44 = tpu.memref_slice %arg9[%dma_start3A_38, %dma_start3A_43] : memref<2x3200xi32, #tpu.memory_space<vmem>> -> memref<1x3200xi32, #tpu.memory_space<vmem>>
      %dma_start3A_45 = tpu.memref_squeeze %dma_start3A_44 : memref<1x3200xi32, #tpu.memory_space<vmem>> -> memref<3200xi32, #tpu.memory_space<vmem>>
      %dma_start3A_46 = tpu.memref_slice %arg4[%multiple_of3A_37] : memref<640000xi32, #tpu.memory_space<hbm>> -> memref<3200xi32, #tpu.memory_space<hbm>>
      tpu.enqueue_dma source(%dma_start3A_46 : memref<3200xi32, #tpu.memory_space<hbm>>) target(%dma_start3A_45 : memref<3200xi32, #tpu.memory_space<vmem>>) target_semaphore(%arg14 : memref<!tpu.dma_semaphore, #tpu.memory_space<semaphore_mem>>)
      %add3A_47 = arith.constant 320000 : i32
      %add3A_48 = arith.addi %add3A_47, %multiple_of3A_37 : i32
      %dma_start3A_49 = arith.constant 1 : i32
      %dma_start3A_50 = arith.constant 0 : i32
      %dma_start3A_51 = tpu.memref_slice %arg10[%dma_start3A_49, %dma_start3A_50] : memref<2x3200xi32, #tpu.memory_space<vmem>> -> memref<1x3200xi32, #tpu.memory_space<vmem>>
      %dma_start3A_52 = tpu.memref_squeeze %dma_start3A_51 : memref<1x3200xi32, #tpu.memory_space<vmem>> -> memref<3200xi32, #tpu.memory_space<vmem>>
      %dma_start3A_53 = tpu.memref_slice %arg4[%add3A_48] : memref<640000xi32, #tpu.memory_space<hbm>> -> memref<3200xi32, #tpu.memory_space<hbm>>
      %dma_start3A_54 = arith.constant 0 : i32
      %dma_start3A_55 = tpu.memref_slice %arg10[%dma_start3A_49, %dma_start3A_54] : memref<2x3200xi32, #tpu.memory_space<vmem>> -> memref<1x3200xi32, #tpu.memory_space<vmem>>
      %dma_start3A_56 = tpu.memref_squeeze %dma_start3A_55 : memref<1x3200xi32, #tpu.memory_space<vmem>> -> memref<3200xi32, #tpu.memory_space<vmem>>
      %dma_start3A_57 = tpu.memref_slice %arg4[%add3A_48] : memref<640000xi32, #tpu.memory_space<hbm>> -> memref<3200xi32, #tpu.memory_space<hbm>>
      tpu.enqueue_dma source(%dma_start3A_57 : memref<3200xi32, #tpu.memory_space<hbm>>) target(%dma_start3A_56 : memref<3200xi32, #tpu.memory_space<vmem>>) target_semaphore(%arg14 : memref<!tpu.dma_semaphore, #tpu.memory_space<semaphore_mem>>)
      %dma_start3A_58 = arith.constant 1 : i32
      %dma_start3A_59 = arith.constant 0 : i32
      %dma_start3A_60 = tpu.memref_slice %arg11[%dma_start3A_58, %dma_start3A_59] : memref<2x3200xf32, #tpu.memory_space<vmem>> -> memref<1x3200xf32, #tpu.memory_space<vmem>>
      %dma_start3A_61 = tpu.memref_squeeze %dma_start3A_60 : memref<1x3200xf32, #tpu.memory_space<vmem>> -> memref<3200xf32, #tpu.memory_space<vmem>>
      %dma_start3A_62 = tpu.memref_slice %arg5[%multiple_of3A_37] : memref<320000xf32, #tpu.memory_space<hbm>> -> memref<3200xf32, #tpu.memory_space<hbm>>
      %dma_start3A_63 = arith.constant 0 : i32
      %dma_start3A_64 = tpu.memref_slice %arg11[%dma_start3A_58, %dma_start3A_63] : memref<2x3200xf32, #tpu.memory_space<vmem>> -> memref<1x3200xf32, #tpu.memory_space<vmem>>
      %dma_start3A_65 = tpu.memref_squeeze %dma_start3A_64 : memref<1x3200xf32, #tpu.memory_space<vmem>> -> memref<3200xf32, #tpu.memory_space<vmem>>
      %dma_start3A_66 = tpu.memref_slice %arg5[%multiple_of3A_37] : memref<320000xf32, #tpu.memory_space<hbm>> -> memref<3200xf32, #tpu.memory_space<hbm>>
      tpu.enqueue_dma source(%dma_start3A_66 : memref<3200xf32, #tpu.memory_space<hbm>>) target(%dma_start3A_65 : memref<3200xf32, #tpu.memory_space<vmem>>) target_semaphore(%arg14 : memref<!tpu.dma_semaphore, #tpu.memory_space<semaphore_mem>>)
      %dma_wait3A = arith.constant 0 : i32
      %dma_wait3A_67 = arith.constant 0 : i32
      %dma_wait3A_68 = tpu.memref_slice %arg9[%dma_wait3A, %dma_wait3A_67] : memref<2x3200xi32, #tpu.memory_space<vmem>> -> memref<1x3200xi32, #tpu.memory_space<vmem>>
      %dma_wait3A_69 = tpu.memref_squeeze %dma_wait3A_68 : memref<1x3200xi32, #tpu.memory_space<vmem>> -> memref<3200xi32, #tpu.memory_space<vmem>>
      %dma_wait3A_70 = tpu.memref_slice %arg4[%multiple_of3A] : memref<640000xi32, #tpu.memory_space<hbm>> -> memref<3200xi32, #tpu.memory_space<hbm>>
      %dma_wait3A_71 = arith.constant 0 : i32
      %dma_wait3A_72 = tpu.memref_slice %arg9[%dma_wait3A, %dma_wait3A_71] : memref<2x3200xi32, #tpu.memory_space<vmem>> -> memref<1x3200xi32, #tpu.memory_space<vmem>>
      %dma_wait3A_73 = tpu.memref_squeeze %dma_wait3A_72 : memref<1x3200xi32, #tpu.memory_space<vmem>> -> memref<3200xi32, #tpu.memory_space<vmem>>
      %dma_wait3A_74 = tpu.memref_slice %arg4[%multiple_of3A] : memref<640000xi32, #tpu.memory_space<hbm>> -> memref<3200xi32, #tpu.memory_space<hbm>>
      tpu.wait_dma2 semaphore(%arg13 : memref<!tpu.dma_semaphore, #tpu.memory_space<semaphore_mem>>) src(%dma_wait3A_74 : memref<3200xi32, #tpu.memory_space<hbm>>) dst(%dma_wait3A_73 : memref<3200xi32, #tpu.memory_space<vmem>>)
      %dma_wait3A_75 = arith.constant 0 : i32
      %dma_wait3A_76 = arith.constant 0 : i32
      %dma_wait3A_77 = tpu.memref_slice %arg10[%dma_wait3A_75, %dma_wait3A_76] : memref<2x3200xi32, #tpu.memory_space<vmem>> -> memref<1x3200xi32, #tpu.memory_space<vmem>>
      %dma_wait3A_78 = tpu.memref_squeeze %dma_wait3A_77 : memref<1x3200xi32, #tpu.memory_space<vmem>> -> memref<3200xi32, #tpu.memory_space<vmem>>
      %dma_wait3A_79 = tpu.memref_slice %arg4[%add3A_16] : memref<640000xi32, #tpu.memory_space<hbm>> -> memref<3200xi32, #tpu.memory_space<hbm>>
      %dma_wait3A_80 = arith.constant 0 : i32
      %dma_wait3A_81 = tpu.memref_slice %arg10[%dma_wait3A_75, %dma_wait3A_80] : memref<2x3200xi32, #tpu.memory_space<vmem>> -> memref<1x3200xi32, #tpu.memory_space<vmem>>
      %dma_wait3A_82 = tpu.memref_squeeze %dma_wait3A_81 : memref<1x3200xi32, #tpu.memory_space<vmem>> -> memref<3200xi32, #tpu.memory_space<vmem>>
      %dma_wait3A_83 = tpu.memref_slice %arg4[%add3A_16] : memref<640000xi32, #tpu.memory_space<hbm>> -> memref<3200xi32, #tpu.memory_space<hbm>>
      tpu.wait_dma2 semaphore(%arg13 : memref<!tpu.dma_semaphore, #tpu.memory_space<semaphore_mem>>) src(%dma_wait3A_83 : memref<3200xi32, #tpu.memory_space<hbm>>) dst(%dma_wait3A_82 : memref<3200xi32, #tpu.memory_space<vmem>>)
      %dma_wait3A_84 = arith.constant 0 : i32
      %dma_wait3A_85 = arith.constant 0 : i32
      %dma_wait3A_86 = tpu.memref_slice %arg11[%dma_wait3A_84, %dma_wait3A_85] : memref<2x3200xf32, #tpu.memory_space<vmem>> -> memref<1x3200xf32, #tpu.memory_space<vmem>>
      %dma_wait3A_87 = tpu.memref_squeeze %dma_wait3A_86 : memref<1x3200xf32, #tpu.memory_space<vmem>> -> memref<3200xf32, #tpu.memory_space<vmem>>
      %dma_wait3A_88 = tpu.memref_slice %arg5[%multiple_of3A] : memref<320000xf32, #tpu.memory_space<hbm>> -> memref<3200xf32, #tpu.memory_space<hbm>>
      %dma_wait3A_89 = arith.constant 0 : i32
      %dma_wait3A_90 = tpu.memref_slice %arg11[%dma_wait3A_84, %dma_wait3A_89] : memref<2x3200xf32, #tpu.memory_space<vmem>> -> memref<1x3200xf32, #tpu.memory_space<vmem>>
      %dma_wait3A_91 = tpu.memref_squeeze %dma_wait3A_90 : memref<1x3200xf32, #tpu.memory_space<vmem>> -> memref<3200xf32, #tpu.memory_space<vmem>>
      %dma_wait3A_92 = tpu.memref_slice %arg5[%multiple_of3A] : memref<320000xf32, #tpu.memory_space<hbm>> -> memref<3200xf32, #tpu.memory_space<hbm>>
      tpu.wait_dma2 semaphore(%arg13 : memref<!tpu.dma_semaphore, #tpu.memory_space<semaphore_mem>>) src(%dma_wait3A_92 : memref<3200xf32, #tpu.memory_space<hbm>>) dst(%dma_wait3A_91 : memref<3200xf32, #tpu.memory_space<vmem>>)
      %scan3A = arith.constant 0 : i32
      %scan3A_93 = arith.constant 0 : i32
      %scan3A_94 = arith.constant 25 : i32
      %scan3A_95 = arith.addi %scan3A_93, %scan3A_94 : i32
      %scan3A_96 = arith.constant 1 : i32
      %scan3A_97 = scf.for %scan3A_349 = %scan3A_93 to %scan3A_95 step %scan3A_96 iter_args(%scan3A_350 = %scan3A) -> (i32)  : i32 {
        %mul3A_351 = arith.constant 8 : i32
        %mul3A_352 = arith.muli %scan3A_349, %mul3A_351 : i32
        %add3A_353 = arith.constant 0 : i32
        %add3A_354 = arith.addi %mul3A_352, %add3A_353 : i32
        %mul3A_355 = arith.constant 16 : i32
        %mul3A_356 = arith.muli %add3A_354, %mul3A_355 : i32
        %get3A = arith.constant 0 : i32
        %get3A_357 = arith.index_cast %get3A : i32 to index
        %get3A_358 = arith.index_cast %mul3A_356 : i32 to index
        %get3A_359 = tpu.vector_load %arg9[%get3A_357, %get3A_358] {strides = array<i32>} : memref<2x3200xi32, #tpu.memory_space<vmem>>, vector<16xi32>,
        %gather3A = tpu.vector_load_idx %arg7[%get3A_359] : memref<10240xf32, #tpu.memory_space<vmem>>[vector<16xi32>], vector<16xf32>,
        %get3A_360 = arith.constant 0 : i32
        %get3A_361 = arith.index_cast %get3A_360 : i32 to index
        %get3A_362 = arith.index_cast %mul3A_356 : i32 to index
        %get3A_363 = tpu.vector_load %arg10[%get3A_361, %get3A_362] {strides = array<i32>} : memref<2x3200xi32, #tpu.memory_space<vmem>>, vector<16xi32>,
        %gather3A_364 = tpu.vector_load_idx %arg8[%get3A_363] : memref<10240xf32, #tpu.memory_space<vmem>>[vector<16xi32>], vector<16xf32>,
        %get3A_365 = arith.constant 0 : i32
        %get3A_366 = arith.index_cast %get3A_365 : i32 to index
        %get3A_367 = arith.index_cast %mul3A_356 : i32 to index
        %get3A_368 = tpu.vector_load %arg11[%get3A_366, %get3A_367] {strides = array<i32>} : memref<2x3200xf32, #tpu.memory_space<vmem>>, vector<16xf32>,
        %add3A_369 = arith.addf %get3A_368, %gather3A : vector<16xf32>
        %add3A_370 = arith.addf %add3A_369, %gather3A_364 : vector<16xf32>
        %swap3A = arith.constant 0 : i32
        %swap3A_371 = arith.index_cast %swap3A : i32 to index
        %swap3A_372 = arith.index_cast %mul3A_356 : i32 to index
        %swap3A_373 = tpu.vector_load %arg12[%swap3A_371, %swap3A_372] {strides = array<i32>} : memref<2x3200xf32, #tpu.memory_space<vmem>>, vector<16xf32>,
        tpu.vector_store %arg12[%swap3A_371, %swap3A_372], %add3A_370 {strides = array<i32>} : memref<2x3200xf32, #tpu.memory_space<vmem>>, vector<16xf32>,
        %mul3A_374 = arith.constant 8 : i32
        %mul3A_375 = arith.muli %scan3A_349, %mul3A_374 : i32
        %add3A_376 = arith.constant 1 : i32
        %add3A_377 = arith.addi %mul3A_375, %add3A_376 : i32
        %mul3A_378 = arith.constant 16 : i32
        %mul3A_379 = arith.muli %add3A_377, %mul3A_378 : i32
        %get3A_380 = arith.constant 0 : i32
        %get3A_381 = arith.index_cast %get3A_380 : i32 to index
        %get3A_382 = arith.index_cast %mul3A_379 : i32 to index
        %get3A_383 = tpu.vector_load %arg9[%get3A_381, %get3A_382] {strides = array<i32>} : memref<2x3200xi32, #tpu.memory_space<vmem>>, vector<16xi32>,
        %gather3A_384 = tpu.vector_load_idx %arg7[%get3A_383] : memref<10240xf32, #tpu.memory_space<vmem>>[vector<16xi32>], vector<16xf32>,
        %get3A_385 = arith.constant 0 : i32
        %get3A_386 = arith.index_cast %get3A_385 : i32 to index
        %get3A_387 = arith.index_cast %mul3A_379 : i32 to index
        %get3A_388 = tpu.vector_load %arg10[%get3A_386, %get3A_387] {strides = array<i32>} : memref<2x3200xi32, #tpu.memory_space<vmem>>, vector<16xi32>,
        %gather3A_389 = tpu.vector_load_idx %arg8[%get3A_388] : memref<10240xf32, #tpu.memory_space<vmem>>[vector<16xi32>], vector<16xf32>,
        %get3A_390 = arith.constant 0 : i32
        %get3A_391 = arith.index_cast %get3A_390 : i32 to index
        %get3A_392 = arith.index_cast %mul3A_379 : i32 to index
        %get3A_393 = tpu.vector_load %arg11[%get3A_391, %get3A_392] {strides = array<i32>} : memref<2x3200xf32, #tpu.memory_space<vmem>>, vector<16xf32>,
        %add3A_394 = arith.addf %get3A_393, %gather3A_384 : vector<16xf32>
        %add3A_395 = arith.addf %add3A_394, %gather3A_389 : vector<16xf32>
        %swap3A_396 = arith.constant 0 : i32
        %swap3A_397 = arith.index_cast %swap3A_396 : i32 to index
        %swap3A_398 = arith.index_cast %mul3A_379 : i32 to index
        %swap3A_399 = tpu.vector_load %arg12[%swap3A_397, %swap3A_398] {strides = array<i32>} : memref<2x3200xf32, #tpu.memory_space<vmem>>, vector<16xf32>,
        tpu.vector_store %arg12[%swap3A_397, %swap3A_398], %add3A_395 {strides = array<i32>} : memref<2x3200xf32, #tpu.memory_space<vmem>>, vector<16xf32>,
        %mul3A_400 = arith.constant 8 : i32
        %mul3A_401 = arith.muli %scan3A_349, %mul3A_400 : i32
        %add3A_402 = arith.constant 2 : i32
        %add3A_403 = arith.addi %mul3A_401, %add3A_402 : i32
        %mul3A_404 = arith.constant 16 : i32
        %mul3A_405 = arith.muli %add3A_403, %mul3A_404 : i32
        %get3A_406 = arith.constant 0 : i32
        %get3A_407 = arith.index_cast %get3A_406 : i32 to index
        %get3A_408 = arith.index_cast %mul3A_405 : i32 to index
        %get3A_409 = tpu.vector_load %arg9[%get3A_407, %get3A_408] {strides = array<i32>} : memref<2x3200xi32, #tpu.memory_space<vmem>>, vector<16xi32>,
        %gather3A_410 = tpu.vector_load_idx %arg7[%get3A_409] : memref<10240xf32, #tpu.memory_space<vmem>>[vector<16xi32>], vector<16xf32>,
        %get3A_411 = arith.constant 0 : i32
        %get3A_412 = arith.index_cast %get3A_411 : i32 to index
        %get3A_413 = arith.index_cast %mul3A_405 : i32 to index
        %get3A_414 = tpu.vector_load %arg10[%get3A_412, %get3A_413] {strides = array<i32>} : memref<2x3200xi32, #tpu.memory_space<vmem>>, vector<16xi32>,
        %gather3A_415 = tpu.vector_load_idx %arg8[%get3A_414] : memref<10240xf32, #tpu.memory_space<vmem>>[vector<16xi32>], vector<16xf32>,
        %get3A_416 = arith.constant 0 : i32
        %get3A_417 = arith.index_cast %get3A_416 : i32 to index
        %get3A_418 = arith.index_cast %mul3A_405 : i32 to index
        %get3A_419 = tpu.vector_load %arg11[%get3A_417, %get3A_418] {strides = array<i32>} : memref<2x3200xf32, #tpu.memory_space<vmem>>, vector<16xf32>,
        %add3A_420 = arith.addf %get3A_419, %gather3A_410 : vector<16xf32>
        %add3A_421 = arith.addf %add3A_420, %gather3A_415 : vector<16xf32>
        %swap3A_422 = arith.constant 0 : i32
        %swap3A_423 = arith.index_cast %swap3A_422 : i32 to index
        %swap3A_424 = arith.index_cast %mul3A_405 : i32 to index
        %swap3A_425 = tpu.vector_load %arg12[%swap3A_423, %swap3A_424] {strides = array<i32>} : memref<2x3200xf32, #tpu.memory_space<vmem>>, vector<16xf32>,
        tpu.vector_store %arg12[%swap3A_423, %swap3A_424], %add3A_421 {strides = array<i32>} : memref<2x3200xf32, #tpu.memory_space<vmem>>, vector<16xf32>,
        %mul3A_426 = arith.constant 8 : i32
        %mul3A_427 = arith.muli %scan3A_349, %mul3A_426 : i32
        %add3A_428 = arith.constant 3 : i32
        %add3A_429 = arith.addi %mul3A_427, %add3A_428 : i32
        %mul3A_430 = arith.constant 16 : i32
        %mul3A_431 = arith.muli %add3A_429, %mul3A_430 : i32
        %get3A_432 = arith.constant 0 : i32
        %get3A_433 = arith.index_cast %get3A_432 : i32 to index
        %get3A_434 = arith.index_cast %mul3A_431 : i32 to index
        %get3A_435 = tpu.vector_load %arg9[%get3A_433, %get3A_434] {strides = array<i32>} : memref<2x3200xi32, #tpu.memory_space<vmem>>, vector<16xi32>,
        %gather3A_436 = tpu.vector_load_idx %arg7[%get3A_435] : memref<10240xf32, #tpu.memory_space<vmem>>[vector<16xi32>], vector<16xf32>,
        %get3A_437 = arith.constant 0 : i32
        %get3A_438 = arith.index_cast %get3A_437 : i32 to index
        %get3A_439 = arith.index_cast %mul3A_431 : i32 to index
        %get3A_440 = tpu.vector_load %arg10[%get3A_438, %get3A_439] {strides = array<i32>} : memref<2x3200xi32, #tpu.memory_space<vmem>>, vector<16xi32>,
        %gather3A_441 = tpu.vector_load_idx %arg8[%get3A_440] : memref<10240xf32, #tpu.memory_space<vmem>>[vector<16xi32>], vector<16xf32>,
        %get3A_442 = arith.constant 0 : i32
        %get3A_443 = arith.index_cast %get3A_442 : i32 to index
        %get3A_444 = arith.index_cast %mul3A_431 : i32 to index
        %get3A_445 = tpu.vector_load %arg11[%get3A_443, %get3A_444] {strides = array<i32>} : memref<2x3200xf32, #tpu.memory_space<vmem>>, vector<16xf32>,
        %add3A_446 = arith.addf %get3A_445, %gather3A_436 : vector<16xf32>
        %add3A_447 = arith.addf %add3A_446, %gather3A_441 : vector<16xf32>
        %swap3A_448 = arith.constant 0 : i32
        %swap3A_449 = arith.index_cast %swap3A_448 : i32 to index
        %swap3A_450 = arith.index_cast %mul3A_431 : i32 to index
        %swap3A_451 = tpu.vector_load %arg12[%swap3A_449, %swap3A_450] {strides = array<i32>} : memref<2x3200xf32, #tpu.memory_space<vmem>>, vector<16xf32>,
        tpu.vector_store %arg12[%swap3A_449, %swap3A_450], %add3A_447 {strides = array<i32>} : memref<2x3200xf32, #tpu.memory_space<vmem>>, vector<16xf32>,
        %mul3A_452 = arith.constant 8 : i32
        %mul3A_453 = arith.muli %scan3A_349, %mul3A_452 : i32
        %add3A_454 = arith.constant 4 : i32
        %add3A_455 = arith.addi %mul3A_453, %add3A_454 : i32
        %mul3A_456 = arith.constant 16 : i32
        %mul3A_457 = arith.muli %add3A_455, %mul3A_456 : i32
        %get3A_458 = arith.constant 0 : i32
        %get3A_459 = arith.index_cast %get3A_458 : i32 to index
        %get3A_460 = arith.index_cast %mul3A_457 : i32 to index
        %get3A_461 = tpu.vector_load %arg9[%get3A_459, %get3A_460] {strides = array<i32>} : memref<2x3200xi32, #tpu.memory_space<vmem>>, vector<16xi32>,
        %gather3A_462 = tpu.vector_load_idx %arg7[%get3A_461] : memref<10240xf32, #tpu.memory_space<vmem>>[vector<16xi32>], vector<16xf32>,
        %get3A_463 = arith.constant 0 : i32
        %get3A_464 = arith.index_cast %get3A_463 : i32 to index
        %get3A_465 = arith.index_cast %mul3A_457 : i32 to index
        %get3A_466 = tpu.vector_load %arg10[%get3A_464, %get3A_465] {strides = array<i32>} : memref<2x3200xi32, #tpu.memory_space<vmem>>, vector<16xi32>,
        %gather3A_467 = tpu.vector_load_idx %arg8[%get3A_466] : memref<10240xf32, #tpu.memory_space<vmem>>[vector<16xi32>], vector<16xf32>,
        %get3A_468 = arith.constant 0 : i32
        %get3A_469 = arith.index_cast %get3A_468 : i32 to index
        %get3A_470 = arith.index_cast %mul3A_457 : i32 to index
        %get3A_471 = tpu.vector_load %arg11[%get3A_469, %get3A_470] {strides = array<i32>} : memref<2x3200xf32, #tpu.memory_space<vmem>>, vector<16xf32>,
        %add3A_472 = arith.addf %get3A_471, %gather3A_462 : vector<16xf32>
        %add3A_473 = arith.addf %add3A_472, %gather3A_467 : vector<16xf32>
        %swap3A_474 = arith.constant 0 : i32
        %swap3A_475 = arith.index_cast %swap3A_474 : i32 to index
        %swap3A_476 = arith.index_cast %mul3A_457 : i32 to index
        %swap3A_477 = tpu.vector_load %arg12[%swap3A_475, %swap3A_476] {strides = array<i32>} : memref<2x3200xf32, #tpu.memory_space<vmem>>, vector<16xf32>,
        tpu.vector_store %arg12[%swap3A_475, %swap3A_476], %add3A_473 {strides = array<i32>} : memref<2x3200xf32, #tpu.memory_space<vmem>>, vector<16xf32>,
        %mul3A_478 = arith.constant 8 : i32
        %mul3A_479 = arith.muli %scan3A_349, %mul3A_478 : i32
        %add3A_480 = arith.constant 5 : i32
        %add3A_481 = arith.addi %mul3A_479, %add3A_480 : i32
        %mul3A_482 = arith.constant 16 : i32
        %mul3A_483 = arith.muli %add3A_481, %mul3A_482 : i32
        %get3A_484 = arith.constant 0 : i32
        %get3A_485 = arith.index_cast %get3A_484 : i32 to index
        %get3A_486 = arith.index_cast %mul3A_483 : i32 to index
        %get3A_487 = tpu.vector_load %arg9[%get3A_485, %get3A_486] {strides = array<i32>} : memref<2x3200xi32, #tpu.memory_space<vmem>>, vector<16xi32>,
        %gather3A_488 = tpu.vector_load_idx %arg7[%get3A_487] : memref<10240xf32, #tpu.memory_space<vmem>>[vector<16xi32>], vector<16xf32>,
        %get3A_489 = arith.constant 0 : i32
        %get3A_490 = arith.index_cast %get3A_489 : i32 to index
        %get3A_491 = arith.index_cast %mul3A_483 : i32 to index
        %get3A_492 = tpu.vector_load %arg10[%get3A_490, %get3A_491] {strides = array<i32>} : memref<2x3200xi32, #tpu.memory_space<vmem>>, vector<16xi32>,
        %gather3A_493 = tpu.vector_load_idx %arg8[%get3A_492] : memref<10240xf32, #tpu.memory_space<vmem>>[vector<16xi32>], vector<16xf32>,
        %get3A_494 = arith.constant 0 : i32
        %get3A_495 = arith.index_cast %get3A_494 : i32 to index
        %get3A_496 = arith.index_cast %mul3A_483 : i32 to index
        %get3A_497 = tpu.vector_load %arg11[%get3A_495, %get3A_496] {strides = array<i32>} : memref<2x3200xf32, #tpu.memory_space<vmem>>, vector<16xf32>,
        %add3A_498 = arith.addf %get3A_497, %gather3A_488 : vector<16xf32>
        %add3A_499 = arith.addf %add3A_498, %gather3A_493 : vector<16xf32>
        %swap3A_500 = arith.constant 0 : i32
        %swap3A_501 = arith.index_cast %swap3A_500 : i32 to index
        %swap3A_502 = arith.index_cast %mul3A_483 : i32 to index
        %swap3A_503 = tpu.vector_load %arg12[%swap3A_501, %swap3A_502] {strides = array<i32>} : memref<2x3200xf32, #tpu.memory_space<vmem>>, vector<16xf32>,
        tpu.vector_store %arg12[%swap3A_501, %swap3A_502], %add3A_499 {strides = array<i32>} : memref<2x3200xf32, #tpu.memory_space<vmem>>, vector<16xf32>,
        %mul3A_504 = arith.constant 8 : i32
        %mul3A_505 = arith.muli %scan3A_349, %mul3A_504 : i32
        %add3A_506 = arith.constant 6 : i32
        %add3A_507 = arith.addi %mul3A_505, %add3A_506 : i32
        %mul3A_508 = arith.constant 16 : i32
        %mul3A_509 = arith.muli %add3A_507, %mul3A_508 : i32
        %get3A_510 = arith.constant 0 : i32
        %get3A_511 = arith.index_cast %get3A_510 : i32 to index
        %get3A_512 = arith.index_cast %mul3A_509 : i32 to index
        %get3A_513 = tpu.vector_load %arg9[%get3A_511, %get3A_512] {strides = array<i32>} : memref<2x3200xi32, #tpu.memory_space<vmem>>, vector<16xi32>,
        %gather3A_514 = tpu.vector_load_idx %arg7[%get3A_513] : memref<10240xf32, #tpu.memory_space<vmem>>[vector<16xi32>], vector<16xf32>,
        %get3A_515 = arith.constant 0 : i32
        %get3A_516 = arith.index_cast %get3A_515 : i32 to index
        %get3A_517 = arith.index_cast %mul3A_509 : i32 to index
        %get3A_518 = tpu.vector_load %arg10[%get3A_516, %get3A_517] {strides = array<i32>} : memref<2x3200xi32, #tpu.memory_space<vmem>>, vector<16xi32>,
        %gather3A_519 = tpu.vector_load_idx %arg8[%get3A_518] : memref<10240xf32, #tpu.memory_space<vmem>>[vector<16xi32>], vector<16xf32>,
        %get3A_520 = arith.constant 0 : i32
        %get3A_521 = arith.index_cast %get3A_520 : i32 to index
        %get3A_522 = arith.index_cast %mul3A_509 : i32 to index
        %get3A_523 = tpu.vector_load %arg11[%get3A_521, %get3A_522] {strides = array<i32>} : memref<2x3200xf32, #tpu.memory_space<vmem>>, vector<16xf32>,
        %add3A_524 = arith.addf %get3A_523, %gather3A_514 : vector<16xf32>
        %add3A_525 = arith.addf %add3A_524, %gather3A_519 : vector<16xf32>
        %swap3A_526 = arith.constant 0 : i32
        %swap3A_527 = arith.index_cast %swap3A_526 : i32 to index
        %swap3A_528 = arith.index_cast %mul3A_509 : i32 to index
        %swap3A_529 = tpu.vector_load %arg12[%swap3A_527, %swap3A_528] {strides = array<i32>} : memref<2x3200xf32, #tpu.memory_space<vmem>>, vector<16xf32>,
        tpu.vector_store %arg12[%swap3A_527, %swap3A_528], %add3A_525 {strides = array<i32>} : memref<2x3200xf32, #tpu.memory_space<vmem>>, vector<16xf32>,
        %mul3A_530 = arith.constant 8 : i32
        %mul3A_531 = arith.muli %scan3A_349, %mul3A_530 : i32
        %add3A_532 = arith.constant 7 : i32
        %add3A_533 = arith.addi %mul3A_531, %add3A_532 : i32
        %mul3A_534 = arith.constant 16 : i32
        %mul3A_535 = arith.muli %add3A_533, %mul3A_534 : i32
        %get3A_536 = arith.constant 0 : i32
        %get3A_537 = arith.index_cast %get3A_536 : i32 to index
        %get3A_538 = arith.index_cast %mul3A_535 : i32 to index
        %get3A_539 = tpu.vector_load %arg9[%get3A_537, %get3A_538] {strides = array<i32>} : memref<2x3200xi32, #tpu.memory_space<vmem>>, vector<16xi32>,
        %gather3A_540 = tpu.vector_load_idx %arg7[%get3A_539] : memref<10240xf32, #tpu.memory_space<vmem>>[vector<16xi32>], vector<16xf32>,
        %get3A_541 = arith.constant 0 : i32
        %get3A_542 = arith.index_cast %get3A_541 : i32 to index
        %get3A_543 = arith.index_cast %mul3A_535 : i32 to index
        %get3A_544 = tpu.vector_load %arg10[%get3A_542, %get3A_543] {strides = array<i32>} : memref<2x3200xi32, #tpu.memory_space<vmem>>, vector<16xi32>,
        %gather3A_545 = tpu.vector_load_idx %arg8[%get3A_544] : memref<10240xf32, #tpu.memory_space<vmem>>[vector<16xi32>], vector<16xf32>,
        %get3A_546 = arith.constant 0 : i32
        %get3A_547 = arith.index_cast %get3A_546 : i32 to index
        %get3A_548 = arith.index_cast %mul3A_535 : i32 to index
        %get3A_549 = tpu.vector_load %arg11[%get3A_547, %get3A_548] {strides = array<i32>} : memref<2x3200xf32, #tpu.memory_space<vmem>>, vector<16xf32>,
        %add3A_550 = arith.addf %get3A_549, %gather3A_540 : vector<16xf32>
        %add3A_551 = arith.addf %add3A_550, %gather3A_545 : vector<16xf32>
        %swap3A_552 = arith.constant 0 : i32
        %swap3A_553 = arith.index_cast %swap3A_552 : i32 to index
        %swap3A_554 = arith.index_cast %mul3A_535 : i32 to index
        %swap3A_555 = tpu.vector_load %arg12[%swap3A_553, %swap3A_554] {strides = array<i32>} : memref<2x3200xf32, #tpu.memory_space<vmem>>, vector<16xf32>,
        tpu.vector_store %arg12[%swap3A_553, %swap3A_554], %add3A_551 {strides = array<i32>} : memref<2x3200xf32, #tpu.memory_space<vmem>>, vector<16xf32>,
        %scan3A_556 = arith.constant 0 : i32
        scf.yield %scan3A_556 : i32
      }
      %scan3A_98 = arith.constant 25 : i32
      %add3A_99 = arith.constant 0 : i32
      %add3A_100 = arith.addi %mul3A_4, %add3A_99 : i32
      %multiple_of3A_101 = tpu.assume_multiple %add3A_100, 128 : i32
      %dma_start3A_102 = arith.constant 0 : i32
      %dma_start3A_103 = arith.constant 0 : i32
      %dma_start3A_104 = tpu.memref_slice %arg12[%dma_start3A_102, %dma_start3A_103] : memref<2x3200xf32, #tpu.memory_space<vmem>> -> memref<1x3200xf32, #tpu.memory_space<vmem>>
      %dma_start3A_105 = tpu.memref_squeeze %dma_start3A_104 : memref<1x3200xf32, #tpu.memory_space<vmem>> -> memref<3200xf32, #tpu.memory_space<vmem>>
      %dma_start3A_106 = tpu.memref_slice %arg6[%multiple_of3A_101] : memref<320000xf32, #tpu.memory_space<hbm>> -> memref<3200xf32, #tpu.memory_space<hbm>>
      %dma_start3A_107 = tpu.memref_slice %arg6[%multiple_of3A_101] : memref<320000xf32, #tpu.memory_space<hbm>> -> memref<3200xf32, #tpu.memory_space<hbm>>
      %dma_start3A_108 = arith.constant 0 : i32
      %dma_start3A_109 = tpu.memref_slice %arg12[%dma_start3A_102, %dma_start3A_108] : memref<2x3200xf32, #tpu.memory_space<vmem>> -> memref<1x3200xf32, #tpu.memory_space<vmem>>
      %dma_start3A_110 = tpu.memref_squeeze %dma_start3A_109 : memref<1x3200xf32, #tpu.memory_space<vmem>> -> memref<3200xf32, #tpu.memory_space<vmem>>
      tpu.enqueue_dma source(%dma_start3A_110 : memref<3200xf32, #tpu.memory_space<vmem>>) target(%dma_start3A_107 : memref<3200xf32, #tpu.memory_space<hbm>>) target_semaphore(%arg15 : memref<!tpu.dma_semaphore, #tpu.memory_space<semaphore_mem>>)
      %add3A_111 = arith.constant 6400 : i32
      %add3A_112 = arith.addi %mul3A_4, %add3A_111 : i32
      %multiple_of3A_113 = tpu.assume_multiple %add3A_112, 128 : i32
      %dma_start3A_114 = arith.constant 0 : i32
      %dma_start3A_115 = arith.constant 0 : i32
      %dma_start3A_116 = tpu.memref_slice %arg9[%dma_start3A_114, %dma_start3A_115] : memref<2x3200xi32, #tpu.memory_space<vmem>> -> memref<1x3200xi32, #tpu.memory_space<vmem>>
      %dma_start3A_117 = tpu.memref_squeeze %dma_start3A_116 : memref<1x3200xi32, #tpu.memory_space<vmem>> -> memref<3200xi32, #tpu.memory_space<vmem>>
      %dma_start3A_118 = tpu.memref_slice %arg4[%multiple_of3A_113] : memref<640000xi32, #tpu.memory_space<hbm>> -> memref<3200xi32, #tpu.memory_space<hbm>>
      %dma_start3A_119 = arith.constant 0 : i32
      %dma_start3A_120 = tpu.memref_slice %arg9[%dma_start3A_114, %dma_start3A_119] : memref<2x3200xi32, #tpu.memory_space<vmem>> -> memref<1x3200xi32, #tpu.memory_space<vmem>>
      %dma_start3A_121 = tpu.memref_squeeze %dma_start3A_120 : memref<1x3200xi32, #tpu.memory_space<vmem>> -> memref<3200xi32, #tpu.memory_space<vmem>>
      %dma_start3A_122 = tpu.memref_slice %arg4[%multiple_of3A_113] : memref<640000xi32, #tpu.memory_space<hbm>> -> memref<3200xi32, #tpu.memory_space<hbm>>
      tpu.enqueue_dma source(%dma_start3A_122 : memref<3200xi32, #tpu.memory_space<hbm>>) target(%dma_start3A_121 : memref<3200xi32, #tpu.memory_space<vmem>>) target_semaphore(%arg13 : memref<!tpu.dma_semaphore, #tpu.memory_space<semaphore_mem>>)
      %add3A_123 = arith.constant 320000 : i32
      %add3A_124 = arith.addi %add3A_123, %multiple_of3A_113 : i32
      %dma_start3A_125 = arith.constant 0 : i32
      %dma_start3A_126 = arith.constant 0 : i32
      %dma_start3A_127 = tpu.memref_slice %arg10[%dma_start3A_125, %dma_start3A_126] : memref<2x3200xi32, #tpu.memory_space<vmem>> -> memref<1x3200xi32, #tpu.memory_space<vmem>>
      %dma_start3A_128 = tpu.memref_squeeze %dma_start3A_127 : memref<1x3200xi32, #tpu.memory_space<vmem>> -> memref<3200xi32, #tpu.memory_space<vmem>>
      %dma_start3A_129 = tpu.memref_slice %arg4[%add3A_124] : memref<640000xi32, #tpu.memory_space<hbm>> -> memref<3200xi32, #tpu.memory_space<hbm>>
      %dma_start3A_130 = arith.constant 0 : i32
      %dma_start3A_131 = tpu.memref_slice %arg10[%dma_start3A_125, %dma_start3A_130] : memref<2x3200xi32, #tpu.memory_space<vmem>> -> memref<1x3200xi32, #tpu.memory_space<vmem>>
      %dma_start3A_132 = tpu.memref_squeeze %dma_start3A_131 : memref<1x3200xi32, #tpu.memory_space<vmem>> -> memref<3200xi32, #tpu.memory_space<vmem>>
      %dma_start3A_133 = tpu.memref_slice %arg4[%add3A_124] : memref<640000xi32, #tpu.memory_space<hbm>> -> memref<3200xi32, #tpu.memory_space<hbm>>
      tpu.enqueue_dma source(%dma_start3A_133 : memref<3200xi32, #tpu.memory_space<hbm>>) target(%dma_start3A_132 : memref<3200xi32, #tpu.memory_space<vmem>>) target_semaphore(%arg13 : memref<!tpu.dma_semaphore, #tpu.memory_space<semaphore_mem>>)
      %dma_start3A_134 = arith.constant 0 : i32
      %dma_start3A_135 = arith.constant 0 : i32
      %dma_start3A_136 = tpu.memref_slice %arg11[%dma_start3A_134, %dma_start3A_135] : memref<2x3200xf32, #tpu.memory_space<vmem>> -> memref<1x3200xf32, #tpu.memory_space<vmem>>
      %dma_start3A_137 = tpu.memref_squeeze %dma_start3A_136 : memref<1x3200xf32, #tpu.memory_space<vmem>> -> memref<3200xf32, #tpu.memory_space<vmem>>
      %dma_start3A_138 = tpu.memref_slice %arg5[%multiple_of3A_113] : memref<320000xf32, #tpu.memory_space<hbm>> -> memref<3200xf32, #tpu.memory_space<hbm>>
      %dma_start3A_139 = arith.constant 0 : i32
      %dma_start3A_140 = tpu.memref_slice %arg11[%dma_start3A_134, %dma_start3A_139] : memref<2x3200xf32, #tpu.memory_space<vmem>> -> memref<1x3200xf32, #tpu.memory_space<vmem>>
      %dma_start3A_141 = tpu.memref_squeeze %dma_start3A_140 : memref<1x3200xf32, #tpu.memory_space<vmem>> -> memref<3200xf32, #tpu.memory_space<vmem>>
      %dma_start3A_142 = tpu.memref_slice %arg5[%multiple_of3A_113] : memref<320000xf32, #tpu.memory_space<hbm>> -> memref<3200xf32, #tpu.memory_space<hbm>>
      tpu.enqueue_dma source(%dma_start3A_142 : memref<3200xf32, #tpu.memory_space<hbm>>) target(%dma_start3A_141 : memref<3200xf32, #tpu.memory_space<vmem>>) target_semaphore(%arg13 : memref<!tpu.dma_semaphore, #tpu.memory_space<semaphore_mem>>)
      %dma_wait3A_143 = arith.constant 1 : i32
      %dma_wait3A_144 = arith.constant 0 : i32
      %dma_wait3A_145 = tpu.memref_slice %arg9[%dma_wait3A_143, %dma_wait3A_144] : memref<2x3200xi32, #tpu.memory_space<vmem>> -> memref<1x3200xi32, #tpu.memory_space<vmem>>
      %dma_wait3A_146 = tpu.memref_squeeze %dma_wait3A_145 : memref<1x3200xi32, #tpu.memory_space<vmem>> -> memref<3200xi32, #tpu.memory_space<vmem>>
      %dma_wait3A_147 = tpu.memref_slice %arg4[%multiple_of3A_37] : memref<640000xi32, #tpu.memory_space<hbm>> -> memref<3200xi32, #tpu.memory_space<hbm>>
      %dma_wait3A_148 = arith.constant 0 : i32
      %dma_wait3A_149 = tpu.memref_slice %arg9[%dma_wait3A_143, %dma_wait3A_148] : memref<2x3200xi32, #tpu.memory_space<vmem>> -> memref<1x3200xi32, #tpu.memory_space<vmem>>
      %dma_wait3A_150 = tpu.memref_squeeze %dma_wait3A_149 : memref<1x3200xi32, #tpu.memory_space<vmem>> -> memref<3200xi32, #tpu.memory_space<vmem>>
      %dma_wait3A_151 = tpu.memref_slice %arg4[%multiple_of3A_37] : memref<640000xi32, #tpu.memory_space<hbm>> -> memref<3200xi32, #tpu.memory_space<hbm>>
      tpu.wait_dma2 semaphore(%arg14 : memref<!tpu.dma_semaphore, #tpu.memory_space<semaphore_mem>>) src(%dma_wait3A_151 : memref<3200xi32, #tpu.memory_space<hbm>>) dst(%dma_wait3A_150 : memref<3200xi32, #tpu.memory_space<vmem>>)
      %dma_wait3A_152 = arith.constant 1 : i32
      %dma_wait3A_153 = arith.constant 0 : i32
      %dma_wait3A_154 = tpu.memref_slice %arg10[%dma_wait3A_152, %dma_wait3A_153] : memref<2x3200xi32, #tpu.memory_space<vmem>> -> memref<1x3200xi32, #tpu.memory_space<vmem>>
      %dma_wait3A_155 = tpu.memref_squeeze %dma_wait3A_154 : memref<1x3200xi32, #tpu.memory_space<vmem>> -> memref<3200xi32, #tpu.memory_space<vmem>>
      %dma_wait3A_156 = tpu.memref_slice %arg4[%add3A_48] : memref<640000xi32, #tpu.memory_space<hbm>> -> memref<3200xi32, #tpu.memory_space<hbm>>
      %dma_wait3A_157 = arith.constant 0 : i32
      %dma_wait3A_158 = tpu.memref_slice %arg10[%dma_wait3A_152, %dma_wait3A_157] : memref<2x3200xi32, #tpu.memory_space<vmem>> -> memref<1x3200xi32, #tpu.memory_space<vmem>>
      %dma_wait3A_159 = tpu.memref_squeeze %dma_wait3A_158 : memref<1x3200xi32, #tpu.memory_space<vmem>> -> memref<3200xi32, #tpu.memory_space<vmem>>
      %dma_wait3A_160 = tpu.memref_slice %arg4[%add3A_48] : memref<640000xi32, #tpu.memory_space<hbm>> -> memref<3200xi32, #tpu.memory_space<hbm>>
      tpu.wait_dma2 semaphore(%arg14 : memref<!tpu.dma_semaphore, #tpu.memory_space<semaphore_mem>>) src(%dma_wait3A_160 : memref<3200xi32, #tpu.memory_space<hbm>>) dst(%dma_wait3A_159 : memref<3200xi32, #tpu.memory_space<vmem>>)
      %dma_wait3A_161 = arith.constant 1 : i32
      %dma_wait3A_162 = arith.constant 0 : i32
      %dma_wait3A_163 = tpu.memref_slice %arg11[%dma_wait3A_161, %dma_wait3A_162] : memref<2x3200xf32, #tpu.memory_space<vmem>> -> memref<1x3200xf32, #tpu.memory_space<vmem>>
      %dma_wait3A_164 = tpu.memref_squeeze %dma_wait3A_163 : memref<1x3200xf32, #tpu.memory_space<vmem>> -> memref<3200xf32, #tpu.memory_space<vmem>>
      %dma_wait3A_165 = tpu.memref_slice %arg5[%multiple_of3A_37] : memref<320000xf32, #tpu.memory_space<hbm>> -> memref<3200xf32, #tpu.memory_space<hbm>>
      %dma_wait3A_166 = arith.constant 0 : i32
      %dma_wait3A_167 = tpu.memref_slice %arg11[%dma_wait3A_161, %dma_wait3A_166] : memref<2x3200xf32, #tpu.memory_space<vmem>> -> memref<1x3200xf32, #tpu.memory_space<vmem>>
      %dma_wait3A_168 = tpu.memref_squeeze %dma_wait3A_167 : memref<1x3200xf32, #tpu.memory_space<vmem>> -> memref<3200xf32, #tpu.memory_space<vmem>>
      %dma_wait3A_169 = tpu.memref_slice %arg5[%multiple_of3A_37] : memref<320000xf32, #tpu.memory_space<hbm>> -> memref<3200xf32, #tpu.memory_space<hbm>>
      tpu.wait_dma2 semaphore(%arg14 : memref<!tpu.dma_semaphore, #tpu.memory_space<semaphore_mem>>) src(%dma_wait3A_169 : memref<3200xf32, #tpu.memory_space<hbm>>) dst(%dma_wait3A_168 : memref<3200xf32, #tpu.memory_space<vmem>>)
      %scan3A_170 = arith.constant 0 : i32
      %scan3A_171 = arith.constant 0 : i32
      %scan3A_172 = arith.constant 25 : i32
      %scan3A_173 = arith.addi %scan3A_171, %scan3A_172 : i32
      %scan3A_174 = arith.constant 1 : i32
      %scan3A_175 = scf.for %scan3A_349 = %scan3A_171 to %scan3A_173 step %scan3A_174 iter_args(%scan3A_350 = %scan3A_170) -> (i32)  : i32 {
        %mul3A_351 = arith.constant 8 : i32
        %mul3A_352 = arith.muli %scan3A_349, %mul3A_351 : i32
        %add3A_353 = arith.constant 0 : i32
        %add3A_354 = arith.addi %mul3A_352, %add3A_353 : i32
        %mul3A_355 = arith.constant 16 : i32
        %mul3A_356 = arith.muli %add3A_354, %mul3A_355 : i32
        %get3A = arith.constant 1 : i32
        %get3A_357 = arith.index_cast %get3A : i32 to index
        %get3A_358 = arith.index_cast %mul3A_356 : i32 to index
        %get3A_359 = tpu.vector_load %arg9[%get3A_357, %get3A_358] {strides = array<i32>} : memref<2x3200xi32, #tpu.memory_space<vmem>>, vector<16xi32>,
        %gather3A = tpu.vector_load_idx %arg7[%get3A_359] : memref<10240xf32, #tpu.memory_space<vmem>>[vector<16xi32>], vector<16xf32>,
        %get3A_360 = arith.constant 1 : i32
        %get3A_361 = arith.index_cast %get3A_360 : i32 to index
        %get3A_362 = arith.index_cast %mul3A_356 : i32 to index
        %get3A_363 = tpu.vector_load %arg10[%get3A_361, %get3A_362] {strides = array<i32>} : memref<2x3200xi32, #tpu.memory_space<vmem>>, vector<16xi32>,
        %gather3A_364 = tpu.vector_load_idx %arg8[%get3A_363] : memref<10240xf32, #tpu.memory_space<vmem>>[vector<16xi32>], vector<16xf32>,
        %get3A_365 = arith.constant 1 : i32
        %get3A_366 = arith.index_cast %get3A_365 : i32 to index
        %get3A_367 = arith.index_cast %mul3A_356 : i32 to index
        %get3A_368 = tpu.vector_load %arg11[%get3A_366, %get3A_367] {strides = array<i32>} : memref<2x3200xf32, #tpu.memory_space<vmem>>, vector<16xf32>,
        %add3A_369 = arith.addf %get3A_368, %gather3A : vector<16xf32>
        %add3A_370 = arith.addf %add3A_369, %gather3A_364 : vector<16xf32>
        %swap3A = arith.constant 1 : i32
        %swap3A_371 = arith.index_cast %swap3A : i32 to index
        %swap3A_372 = arith.index_cast %mul3A_356 : i32 to index
        %swap3A_373 = tpu.vector_load %arg12[%swap3A_371, %swap3A_372] {strides = array<i32>} : memref<2x3200xf32, #tpu.memory_space<vmem>>, vector<16xf32>,
        tpu.vector_store %arg12[%swap3A_371, %swap3A_372], %add3A_370 {strides = array<i32>} : memref<2x3200xf32, #tpu.memory_space<vmem>>, vector<16xf32>,
        %mul3A_374 = arith.constant 8 : i32
        %mul3A_375 = arith.muli %scan3A_349, %mul3A_374 : i32
        %add3A_376 = arith.constant 1 : i32
        %add3A_377 = arith.addi %mul3A_375, %add3A_376 : i32
        %mul3A_378 = arith.constant 16 : i32
        %mul3A_379 = arith.muli %add3A_377, %mul3A_378 : i32
        %get3A_380 = arith.constant 1 : i32
        %get3A_381 = arith.index_cast %get3A_380 : i32 to index
        %get3A_382 = arith.index_cast %mul3A_379 : i32 to index
        %get3A_383 = tpu.vector_load %arg9[%get3A_381, %get3A_382] {strides = array<i32>} : memref<2x3200xi32, #tpu.memory_space<vmem>>, vector<16xi32>,
        %gather3A_384 = tpu.vector_load_idx %arg7[%get3A_383] : memref<10240xf32, #tpu.memory_space<vmem>>[vector<16xi32>], vector<16xf32>,
        %get3A_385 = arith.constant 1 : i32
        %get3A_386 = arith.index_cast %get3A_385 : i32 to index
        %get3A_387 = arith.index_cast %mul3A_379 : i32 to index
        %get3A_388 = tpu.vector_load %arg10[%get3A_386, %get3A_387] {strides = array<i32>} : memref<2x3200xi32, #tpu.memory_space<vmem>>, vector<16xi32>,
        %gather3A_389 = tpu.vector_load_idx %arg8[%get3A_388] : memref<10240xf32, #tpu.memory_space<vmem>>[vector<16xi32>], vector<16xf32>,
        %get3A_390 = arith.constant 1 : i32
        %get3A_391 = arith.index_cast %get3A_390 : i32 to index
        %get3A_392 = arith.index_cast %mul3A_379 : i32 to index
        %get3A_393 = tpu.vector_load %arg11[%get3A_391, %get3A_392] {strides = array<i32>} : memref<2x3200xf32, #tpu.memory_space<vmem>>, vector<16xf32>,
        %add3A_394 = arith.addf %get3A_393, %gather3A_384 : vector<16xf32>
        %add3A_395 = arith.addf %add3A_394, %gather3A_389 : vector<16xf32>
        %swap3A_396 = arith.constant 1 : i32
        %swap3A_397 = arith.index_cast %swap3A_396 : i32 to index
        %swap3A_398 = arith.index_cast %mul3A_379 : i32 to index
        %swap3A_399 = tpu.vector_load %arg12[%swap3A_397, %swap3A_398] {strides = array<i32>} : memref<2x3200xf32, #tpu.memory_space<vmem>>, vector<16xf32>,
        tpu.vector_store %arg12[%swap3A_397, %swap3A_398], %add3A_395 {strides = array<i32>} : memref<2x3200xf32, #tpu.memory_space<vmem>>, vector<16xf32>,
        %mul3A_400 = arith.constant 8 : i32
        %mul3A_401 = arith.muli %scan3A_349, %mul3A_400 : i32
        %add3A_402 = arith.constant 2 : i32
        %add3A_403 = arith.addi %mul3A_401, %add3A_402 : i32
        %mul3A_404 = arith.constant 16 : i32
        %mul3A_405 = arith.muli %add3A_403, %mul3A_404 : i32
        %get3A_406 = arith.constant 1 : i32
        %get3A_407 = arith.index_cast %get3A_406 : i32 to index
        %get3A_408 = arith.index_cast %mul3A_405 : i32 to index
        %get3A_409 = tpu.vector_load %arg9[%get3A_407, %get3A_408] {strides = array<i32>} : memref<2x3200xi32, #tpu.memory_space<vmem>>, vector<16xi32>,
        %gather3A_410 = tpu.vector_load_idx %arg7[%get3A_409] : memref<10240xf32, #tpu.memory_space<vmem>>[vector<16xi32>], vector<16xf32>,
        %get3A_411 = arith.constant 1 : i32
        %get3A_412 = arith.index_cast %get3A_411 : i32 to index
        %get3A_413 = arith.index_cast %mul3A_405 : i32 to index
        %get3A_414 = tpu.vector_load %arg10[%get3A_412, %get3A_413] {strides = array<i32>} : memref<2x3200xi32, #tpu.memory_space<vmem>>, vector<16xi32>,
        %gather3A_415 = tpu.vector_load_idx %arg8[%get3A_414] : memref<10240xf32, #tpu.memory_space<vmem>>[vector<16xi32>], vector<16xf32>,
        %get3A_416 = arith.constant 1 : i32
        %get3A_417 = arith.index_cast %get3A_416 : i32 to index
        %get3A_418 = arith.index_cast %mul3A_405 : i32 to index
        %get3A_419 = tpu.vector_load %arg11[%get3A_417, %get3A_418] {strides = array<i32>} : memref<2x3200xf32, #tpu.memory_space<vmem>>, vector<16xf32>,
        %add3A_420 = arith.addf %get3A_419, %gather3A_410 : vector<16xf32>
        %add3A_421 = arith.addf %add3A_420, %gather3A_415 : vector<16xf32>
        %swap3A_422 = arith.constant 1 : i32
        %swap3A_423 = arith.index_cast %swap3A_422 : i32 to index
        %swap3A_424 = arith.index_cast %mul3A_405 : i32 to index
        %swap3A_425 = tpu.vector_load %arg12[%swap3A_423, %swap3A_424] {strides = array<i32>} : memref<2x3200xf32, #tpu.memory_space<vmem>>, vector<16xf32>,
        tpu.vector_store %arg12[%swap3A_423, %swap3A_424], %add3A_421 {strides = array<i32>} : memref<2x3200xf32, #tpu.memory_space<vmem>>, vector<16xf32>,
        %mul3A_426 = arith.constant 8 : i32
        %mul3A_427 = arith.muli %scan3A_349, %mul3A_426 : i32
        %add3A_428 = arith.constant 3 : i32
        %add3A_429 = arith.addi %mul3A_427, %add3A_428 : i32
        %mul3A_430 = arith.constant 16 : i32
        %mul3A_431 = arith.muli %add3A_429, %mul3A_430 : i32
        %get3A_432 = arith.constant 1 : i32
        %get3A_433 = arith.index_cast %get3A_432 : i32 to index
        %get3A_434 = arith.index_cast %mul3A_431 : i32 to index
        %get3A_435 = tpu.vector_load %arg9[%get3A_433, %get3A_434] {strides = array<i32>} : memref<2x3200xi32, #tpu.memory_space<vmem>>, vector<16xi32>,
        %gather3A_436 = tpu.vector_load_idx %arg7[%get3A_435] : memref<10240xf32, #tpu.memory_space<vmem>>[vector<16xi32>], vector<16xf32>,
        %get3A_437 = arith.constant 1 : i32
        %get3A_438 = arith.index_cast %get3A_437 : i32 to index
        %get3A_439 = arith.index_cast %mul3A_431 : i32 to index
        %get3A_440 = tpu.vector_load %arg10[%get3A_438, %get3A_439] {strides = array<i32>} : memref<2x3200xi32, #tpu.memory_space<vmem>>, vector<16xi32>,
        %gather3A_441 = tpu.vector_load_idx %arg8[%get3A_440] : memref<10240xf32, #tpu.memory_space<vmem>>[vector<16xi32>], vector<16xf32>,
        %get3A_442 = arith.constant 1 : i32
        %get3A_443 = arith.index_cast %get3A_442 : i32 to index
        %get3A_444 = arith.index_cast %mul3A_431 : i32 to index
        %get3A_445 = tpu.vector_load %arg11[%get3A_443, %get3A_444] {strides = array<i32>} : memref<2x3200xf32, #tpu.memory_space<vmem>>, vector<16xf32>,
        %add3A_446 = arith.addf %get3A_445, %gather3A_436 : vector<16xf32>
        %add3A_447 = arith.addf %add3A_446, %gather3A_441 : vector<16xf32>
        %swap3A_448 = arith.constant 1 : i32
        %swap3A_449 = arith.index_cast %swap3A_448 : i32 to index
        %swap3A_450 = arith.index_cast %mul3A_431 : i32 to index
        %swap3A_451 = tpu.vector_load %arg12[%swap3A_449, %swap3A_450] {strides = array<i32>} : memref<2x3200xf32, #tpu.memory_space<vmem>>, vector<16xf32>,
        tpu.vector_store %arg12[%swap3A_449, %swap3A_450], %add3A_447 {strides = array<i32>} : memref<2x3200xf32, #tpu.memory_space<vmem>>, vector<16xf32>,
        %mul3A_452 = arith.constant 8 : i32
        %mul3A_453 = arith.muli %scan3A_349, %mul3A_452 : i32
        %add3A_454 = arith.constant 4 : i32
        %add3A_455 = arith.addi %mul3A_453, %add3A_454 : i32
        %mul3A_456 = arith.constant 16 : i32
        %mul3A_457 = arith.muli %add3A_455, %mul3A_456 : i32
        %get3A_458 = arith.constant 1 : i32
        %get3A_459 = arith.index_cast %get3A_458 : i32 to index
        %get3A_460 = arith.index_cast %mul3A_457 : i32 to index
        %get3A_461 = tpu.vector_load %arg9[%get3A_459, %get3A_460] {strides = array<i32>} : memref<2x3200xi32, #tpu.memory_space<vmem>>, vector<16xi32>,
        %gather3A_462 = tpu.vector_load_idx %arg7[%get3A_461] : memref<10240xf32, #tpu.memory_space<vmem>>[vector<16xi32>], vector<16xf32>,
        %get3A_463 = arith.constant 1 : i32
        %get3A_464 = arith.index_cast %get3A_463 : i32 to index
        %get3A_465 = arith.index_cast %mul3A_457 : i32 to index
        %get3A_466 = tpu.vector_load %arg10[%get3A_464, %get3A_465] {strides = array<i32>} : memref<2x3200xi32, #tpu.memory_space<vmem>>, vector<16xi32>,
        %gather3A_467 = tpu.vector_load_idx %arg8[%get3A_466] : memref<10240xf32, #tpu.memory_space<vmem>>[vector<16xi32>], vector<16xf32>,
        %get3A_468 = arith.constant 1 : i32
        %get3A_469 = arith.index_cast %get3A_468 : i32 to index
        %get3A_470 = arith.index_cast %mul3A_457 : i32 to index
        %get3A_471 = tpu.vector_load %arg11[%get3A_469, %get3A_470] {strides = array<i32>} : memref<2x3200xf32, #tpu.memory_space<vmem>>, vector<16xf32>,
        %add3A_472 = arith.addf %get3A_471, %gather3A_462 : vector<16xf32>
        %add3A_473 = arith.addf %add3A_472, %gather3A_467 : vector<16xf32>
        %swap3A_474 = arith.constant 1 : i32
        %swap3A_475 = arith.index_cast %swap3A_474 : i32 to index
        %swap3A_476 = arith.index_cast %mul3A_457 : i32 to index
        %swap3A_477 = tpu.vector_load %arg12[%swap3A_475, %swap3A_476] {strides = array<i32>} : memref<2x3200xf32, #tpu.memory_space<vmem>>, vector<16xf32>,
        tpu.vector_store %arg12[%swap3A_475, %swap3A_476], %add3A_473 {strides = array<i32>} : memref<2x3200xf32, #tpu.memory_space<vmem>>, vector<16xf32>,
        %mul3A_478 = arith.constant 8 : i32
        %mul3A_479 = arith.muli %scan3A_349, %mul3A_478 : i32
        %add3A_480 = arith.constant 5 : i32
        %add3A_481 = arith.addi %mul3A_479, %add3A_480 : i32
        %mul3A_482 = arith.constant 16 : i32
        %mul3A_483 = arith.muli %add3A_481, %mul3A_482 : i32
        %get3A_484 = arith.constant 1 : i32
        %get3A_485 = arith.index_cast %get3A_484 : i32 to index
        %get3A_486 = arith.index_cast %mul3A_483 : i32 to index
        %get3A_487 = tpu.vector_load %arg9[%get3A_485, %get3A_486] {strides = array<i32>} : memref<2x3200xi32, #tpu.memory_space<vmem>>, vector<16xi32>,
        %gather3A_488 = tpu.vector_load_idx %arg7[%get3A_487] : memref<10240xf32, #tpu.memory_space<vmem>>[vector<16xi32>], vector<16xf32>,
        %get3A_489 = arith.constant 1 : i32
        %get3A_490 = arith.index_cast %get3A_489 : i32 to index
        %get3A_491 = arith.index_cast %mul3A_483 : i32 to index
        %get3A_492 = tpu.vector_load %arg10[%get3A_490, %get3A_491] {strides = array<i32>} : memref<2x3200xi32, #tpu.memory_space<vmem>>, vector<16xi32>,
        %gather3A_493 = tpu.vector_load_idx %arg8[%get3A_492] : memref<10240xf32, #tpu.memory_space<vmem>>[vector<16xi32>], vector<16xf32>,
        %get3A_494 = arith.constant 1 : i32
        %get3A_495 = arith.index_cast %get3A_494 : i32 to index
        %get3A_496 = arith.index_cast %mul3A_483 : i32 to index
        %get3A_497 = tpu.vector_load %arg11[%get3A_495, %get3A_496] {strides = array<i32>} : memref<2x3200xf32, #tpu.memory_space<vmem>>, vector<16xf32>,
        %add3A_498 = arith.addf %get3A_497, %gather3A_488 : vector<16xf32>
        %add3A_499 = arith.addf %add3A_498, %gather3A_493 : vector<16xf32>
        %swap3A_500 = arith.constant 1 : i32
        %swap3A_501 = arith.index_cast %swap3A_500 : i32 to index
        %swap3A_502 = arith.index_cast %mul3A_483 : i32 to index
        %swap3A_503 = tpu.vector_load %arg12[%swap3A_501, %swap3A_502] {strides = array<i32>} : memref<2x3200xf32, #tpu.memory_space<vmem>>, vector<16xf32>,
        tpu.vector_store %arg12[%swap3A_501, %swap3A_502], %add3A_499 {strides = array<i32>} : memref<2x3200xf32, #tpu.memory_space<vmem>>, vector<16xf32>,
        %mul3A_504 = arith.constant 8 : i32
        %mul3A_505 = arith.muli %scan3A_349, %mul3A_504 : i32
        %add3A_506 = arith.constant 6 : i32
        %add3A_507 = arith.addi %mul3A_505, %add3A_506 : i32
        %mul3A_508 = arith.constant 16 : i32
        %mul3A_509 = arith.muli %add3A_507, %mul3A_508 : i32
        %get3A_510 = arith.constant 1 : i32
        %get3A_511 = arith.index_cast %get3A_510 : i32 to index
        %get3A_512 = arith.index_cast %mul3A_509 : i32 to index
        %get3A_513 = tpu.vector_load %arg9[%get3A_511, %get3A_512] {strides = array<i32>} : memref<2x3200xi32, #tpu.memory_space<vmem>>, vector<16xi32>,
        %gather3A_514 = tpu.vector_load_idx %arg7[%get3A_513] : memref<10240xf32, #tpu.memory_space<vmem>>[vector<16xi32>], vector<16xf32>,
        %get3A_515 = arith.constant 1 : i32
        %get3A_516 = arith.index_cast %get3A_515 : i32 to index
        %get3A_517 = arith.index_cast %mul3A_509 : i32 to index
        %get3A_518 = tpu.vector_load %arg10[%get3A_516, %get3A_517] {strides = array<i32>} : memref<2x3200xi32, #tpu.memory_space<vmem>>, vector<16xi32>,
        %gather3A_519 = tpu.vector_load_idx %arg8[%get3A_518] : memref<10240xf32, #tpu.memory_space<vmem>>[vector<16xi32>], vector<16xf32>,
        %get3A_520 = arith.constant 1 : i32
        %get3A_521 = arith.index_cast %get3A_520 : i32 to index
        %get3A_522 = arith.index_cast %mul3A_509 : i32 to index
        %get3A_523 = tpu.vector_load %arg11[%get3A_521, %get3A_522] {strides = array<i32>} : memref<2x3200xf32, #tpu.memory_space<vmem>>, vector<16xf32>,
        %add3A_524 = arith.addf %get3A_523, %gather3A_514 : vector<16xf32>
        %add3A_525 = arith.addf %add3A_524, %gather3A_519 : vector<16xf32>
        %swap3A_526 = arith.constant 1 : i32
        %swap3A_527 = arith.index_cast %swap3A_526 : i32 to index
        %swap3A_528 = arith.index_cast %mul3A_509 : i32 to index
        %swap3A_529 = tpu.vector_load %arg12[%swap3A_527, %swap3A_528] {strides = array<i32>} : memref<2x3200xf32, #tpu.memory_space<vmem>>, vector<16xf32>,
        tpu.vector_store %arg12[%swap3A_527, %swap3A_528], %add3A_525 {strides = array<i32>} : memref<2x3200xf32, #tpu.memory_space<vmem>>, vector<16xf32>,
        %mul3A_530 = arith.constant 8 : i32
        %mul3A_531 = arith.muli %scan3A_349, %mul3A_530 : i32
        %add3A_532 = arith.constant 7 : i32
        %add3A_533 = arith.addi %mul3A_531, %add3A_532 : i32
        %mul3A_534 = arith.constant 16 : i32
        %mul3A_535 = arith.muli %add3A_533, %mul3A_534 : i32
        %get3A_536 = arith.constant 1 : i32
        %get3A_537 = arith.index_cast %get3A_536 : i32 to index
        %get3A_538 = arith.index_cast %mul3A_535 : i32 to index
        %get3A_539 = tpu.vector_load %arg9[%get3A_537, %get3A_538] {strides = array<i32>} : memref<2x3200xi32, #tpu.memory_space<vmem>>, vector<16xi32>,
        %gather3A_540 = tpu.vector_load_idx %arg7[%get3A_539] : memref<10240xf32, #tpu.memory_space<vmem>>[vector<16xi32>], vector<16xf32>,
        %get3A_541 = arith.constant 1 : i32
        %get3A_542 = arith.index_cast %get3A_541 : i32 to index
        %get3A_543 = arith.index_cast %mul3A_535 : i32 to index
        %get3A_544 = tpu.vector_load %arg10[%get3A_542, %get3A_543] {strides = array<i32>} : memref<2x3200xi32, #tpu.memory_space<vmem>>, vector<16xi32>,
        %gather3A_545 = tpu.vector_load_idx %arg8[%get3A_544] : memref<10240xf32, #tpu.memory_space<vmem>>[vector<16xi32>], vector<16xf32>,
        %get3A_546 = arith.constant 1 : i32
        %get3A_547 = arith.index_cast %get3A_546 : i32 to index
        %get3A_548 = arith.index_cast %mul3A_535 : i32 to index
        %get3A_549 = tpu.vector_load %arg11[%get3A_547, %get3A_548] {strides = array<i32>} : memref<2x3200xf32, #tpu.memory_space<vmem>>, vector<16xf32>,
        %add3A_550 = arith.addf %get3A_549, %gather3A_540 : vector<16xf32>
        %add3A_551 = arith.addf %add3A_550, %gather3A_545 : vector<16xf32>
        %swap3A_552 = arith.constant 1 : i32
        %swap3A_553 = arith.index_cast %swap3A_552 : i32 to index
        %swap3A_554 = arith.index_cast %mul3A_535 : i32 to index
        %swap3A_555 = tpu.vector_load %arg12[%swap3A_553, %swap3A_554] {strides = array<i32>} : memref<2x3200xf32, #tpu.memory_space<vmem>>, vector<16xf32>,
        tpu.vector_store %arg12[%swap3A_553, %swap3A_554], %add3A_551 {strides = array<i32>} : memref<2x3200xf32, #tpu.memory_space<vmem>>, vector<16xf32>,
        %scan3A_556 = arith.constant 0 : i32
        scf.yield %scan3A_556 : i32
      }
      %scan3A_176 = arith.constant 25 : i32
      %add3A_177 = arith.constant 3200 : i32
      %add3A_178 = arith.addi %mul3A_4, %add3A_177 : i32
      %multiple_of3A_179 = tpu.assume_multiple %add3A_178, 128 : i32
      %dma_start3A_180 = arith.constant 1 : i32
      %dma_start3A_181 = arith.constant 0 : i32
      %dma_start3A_182 = tpu.memref_slice %arg12[%dma_start3A_180, %dma_start3A_181] : memref<2x3200xf32, #tpu.memory_space<vmem>> -> memref<1x3200xf32, #tpu.memory_space<vmem>>
      %dma_start3A_183 = tpu.memref_squeeze %dma_start3A_182 : memref<1x3200xf32, #tpu.memory_space<vmem>> -> memref<3200xf32, #tpu.memory_space<vmem>>
      %dma_start3A_184 = tpu.memref_slice %arg6[%multiple_of3A_179] : memref<320000xf32, #tpu.memory_space<hbm>> -> memref<3200xf32, #tpu.memory_space<hbm>>
      %dma_start3A_185 = tpu.memref_slice %arg6[%multiple_of3A_179] : memref<320000xf32, #tpu.memory_space<hbm>> -> memref<3200xf32, #tpu.memory_space<hbm>>
      %dma_start3A_186 = arith.constant 0 : i32
      %dma_start3A_187 = tpu.memref_slice %arg12[%dma_start3A_180, %dma_start3A_186] : memref<2x3200xf32, #tpu.memory_space<vmem>> -> memref<1x3200xf32, #tpu.memory_space<vmem>>
      %dma_start3A_188 = tpu.memref_squeeze %dma_start3A_187 : memref<1x3200xf32, #tpu.memory_space<vmem>> -> memref<3200xf32, #tpu.memory_space<vmem>>
      tpu.enqueue_dma source(%dma_start3A_188 : memref<3200xf32, #tpu.memory_space<vmem>>) target(%dma_start3A_185 : memref<3200xf32, #tpu.memory_space<hbm>>) target_semaphore(%arg16 : memref<!tpu.dma_semaphore, #tpu.memory_space<semaphore_mem>>)
      %add3A_189 = arith.constant 9600 : i32
      %add3A_190 = arith.addi %mul3A_4, %add3A_189 : i32
      %multiple_of3A_191 = tpu.assume_multiple %add3A_190, 128 : i32
      %dma_start3A_192 = arith.constant 1 : i32
      %dma_start3A_193 = arith.constant 0 : i32
      %dma_start3A_194 = tpu.memref_slice %arg9[%dma_start3A_192, %dma_start3A_193] : memref<2x3200xi32, #tpu.memory_space<vmem>> -> memref<1x3200xi32, #tpu.memory_space<vmem>>
      %dma_start3A_195 = tpu.memref_squeeze %dma_start3A_194 : memref<1x3200xi32, #tpu.memory_space<vmem>> -> memref<3200xi32, #tpu.memory_space<vmem>>
      %dma_start3A_196 = tpu.memref_slice %arg4[%multiple_of3A_191] : memref<640000xi32, #tpu.memory_space<hbm>> -> memref<3200xi32, #tpu.memory_space<hbm>>
      %dma_start3A_197 = arith.constant 0 : i32
      %dma_start3A_198 = tpu.memref_slice %arg9[%dma_start3A_192, %dma_start3A_197] : memref<2x3200xi32, #tpu.memory_space<vmem>> -> memref<1x3200xi32, #tpu.memory_space<vmem>>
      %dma_start3A_199 = tpu.memref_squeeze %dma_start3A_198 : memref<1x3200xi32, #tpu.memory_space<vmem>> -> memref<3200xi32, #tpu.memory_space<vmem>>
      %dma_start3A_200 = tpu.memref_slice %arg4[%multiple_of3A_191] : memref<640000xi32, #tpu.memory_space<hbm>> -> memref<3200xi32, #tpu.memory_space<hbm>>
      tpu.enqueue_dma source(%dma_start3A_200 : memref<3200xi32, #tpu.memory_space<hbm>>) target(%dma_start3A_199 : memref<3200xi32, #tpu.memory_space<vmem>>) target_semaphore(%arg14 : memref<!tpu.dma_semaphore, #tpu.memory_space<semaphore_mem>>)
      %add3A_201 = arith.constant 320000 : i32
      %add3A_202 = arith.addi %add3A_201, %multiple_of3A_191 : i32
      %dma_start3A_203 = arith.constant 1 : i32
      %dma_start3A_204 = arith.constant 0 : i32
      %dma_start3A_205 = tpu.memref_slice %arg10[%dma_start3A_203, %dma_start3A_204] : memref<2x3200xi32, #tpu.memory_space<vmem>> -> memref<1x3200xi32, #tpu.memory_space<vmem>>
      %dma_start3A_206 = tpu.memref_squeeze %dma_start3A_205 : memref<1x3200xi32, #tpu.memory_space<vmem>> -> memref<3200xi32, #tpu.memory_space<vmem>>
      %dma_start3A_207 = tpu.memref_slice %arg4[%add3A_202] : memref<640000xi32, #tpu.memory_space<hbm>> -> memref<3200xi32, #tpu.memory_space<hbm>>
      %dma_start3A_208 = arith.constant 0 : i32
      %dma_start3A_209 = tpu.memref_slice %arg10[%dma_start3A_203, %dma_start3A_208] : memref<2x3200xi32, #tpu.memory_space<vmem>> -> memref<1x3200xi32, #tpu.memory_space<vmem>>
      %dma_start3A_210 = tpu.memref_squeeze %dma_start3A_209 : memref<1x3200xi32, #tpu.memory_space<vmem>> -> memref<3200xi32, #tpu.memory_space<vmem>>
      %dma_start3A_211 = tpu.memref_slice %arg4[%add3A_202] : memref<640000xi32, #tpu.memory_space<hbm>> -> memref<3200xi32, #tpu.memory_space<hbm>>
      tpu.enqueue_dma source(%dma_start3A_211 : memref<3200xi32, #tpu.memory_space<hbm>>) target(%dma_start3A_210 : memref<3200xi32, #tpu.memory_space<vmem>>) target_semaphore(%arg14 : memref<!tpu.dma_semaphore, #tpu.memory_space<semaphore_mem>>)
      %dma_start3A_212 = arith.constant 1 : i32
      %dma_start3A_213 = arith.constant 0 : i32
      %dma_start3A_214 = tpu.memref_slice %arg11[%dma_start3A_212, %dma_start3A_213] : memref<2x3200xf32, #tpu.memory_space<vmem>> -> memref<1x3200xf32, #tpu.memory_space<vmem>>
      %dma_start3A_215 = tpu.memref_squeeze %dma_start3A_214 : memref<1x3200xf32, #tpu.memory_space<vmem>> -> memref<3200xf32, #tpu.memory_space<vmem>>
      %dma_start3A_216 = tpu.memref_slice %arg5[%multiple_of3A_191] : memref<320000xf32, #tpu.memory_space<hbm>> -> memref<3200xf32, #tpu.memory_space<hbm>>
      %dma_start3A_217 = arith.constant 0 : i32
      %dma_start3A_218 = tpu.memref_slice %arg11[%dma_start3A_212, %dma_start3A_217] : memref<2x3200xf32, #tpu.memory_space<vmem>> -> memref<1x3200xf32, #tpu.memory_space<vmem>>
      %dma_start3A_219 = tpu.memref_squeeze %dma_start3A_218 : memref<1x3200xf32, #tpu.memory_space<vmem>> -> memref<3200xf32, #tpu.memory_space<vmem>>
      %dma_start3A_220 = tpu.memref_slice %arg5[%multiple_of3A_191] : memref<320000xf32, #tpu.memory_space<hbm>> -> memref<3200xf32, #tpu.memory_space<hbm>>
      tpu.enqueue_dma source(%dma_start3A_220 : memref<3200xf32, #tpu.memory_space<hbm>>) target(%dma_start3A_219 : memref<3200xf32, #tpu.memory_space<vmem>>) target_semaphore(%arg14 : memref<!tpu.dma_semaphore, #tpu.memory_space<semaphore_mem>>)
      %dma_wait3A_221 = arith.constant 0 : i32
      %dma_wait3A_222 = arith.constant 0 : i32
      %dma_wait3A_223 = tpu.memref_slice %arg9[%dma_wait3A_221, %dma_wait3A_222] : memref<2x3200xi32, #tpu.memory_space<vmem>> -> memref<1x3200xi32, #tpu.memory_space<vmem>>
      %dma_wait3A_224 = tpu.memref_squeeze %dma_wait3A_223 : memref<1x3200xi32, #tpu.memory_space<vmem>> -> memref<3200xi32, #tpu.memory_space<vmem>>
      %dma_wait3A_225 = tpu.memref_slice %arg4[%multiple_of3A_113] : memref<640000xi32, #tpu.memory_space<hbm>> -> memref<3200xi32, #tpu.memory_space<hbm>>
      %dma_wait3A_226 = arith.constant 0 : i32
      %dma_wait3A_227 = tpu.memref_slice %arg9[%dma_wait3A_221, %dma_wait3A_226] : memref<2x3200xi32, #tpu.memory_space<vmem>> -> memref<1x3200xi32, #tpu.memory_space<vmem>>
      %dma_wait3A_228 = tpu.memref_squeeze %dma_wait3A_227 : memref<1x3200xi32, #tpu.memory_space<vmem>> -> memref<3200xi32, #tpu.memory_space<vmem>>
      %dma_wait3A_229 = tpu.memref_slice %arg4[%multiple_of3A_113] : memref<640000xi32, #tpu.memory_space<hbm>> -> memref<3200xi32, #tpu.memory_space<hbm>>
      tpu.wait_dma2 semaphore(%arg13 : memref<!tpu.dma_semaphore, #tpu.memory_space<semaphore_mem>>) src(%dma_wait3A_229 : memref<3200xi32, #tpu.memory_space<hbm>>) dst(%dma_wait3A_228 : memref<3200xi32, #tpu.memory_space<vmem>>)
      %dma_wait3A_230 = arith.constant 0 : i32
      %dma_wait3A_231 = arith.constant 0 : i32
      %dma_wait3A_232 = tpu.memref_slice %arg10[%dma_wait3A_230, %dma_wait3A_231] : memref<2x3200xi32, #tpu.memory_space<vmem>> -> memref<1x3200xi32, #tpu.memory_space<vmem>>
      %dma_wait3A_233 = tpu.memref_squeeze %dma_wait3A_232 : memref<1x3200xi32, #tpu.memory_space<vmem>> -> memref<3200xi32, #tpu.memory_space<vmem>>
      %dma_wait3A_234 = tpu.memref_slice %arg4[%add3A_124] : memref<640000xi32, #tpu.memory_space<hbm>> -> memref<3200xi32, #tpu.memory_space<hbm>>
      %dma_wait3A_235 = arith.constant 0 : i32
      %dma_wait3A_236 = tpu.memref_slice %arg10[%dma_wait3A_230, %dma_wait3A_235] : memref<2x3200xi32, #tpu.memory_space<vmem>> -> memref<1x3200xi32, #tpu.memory_space<vmem>>
      %dma_wait3A_237 = tpu.memref_squeeze %dma_wait3A_236 : memref<1x3200xi32, #tpu.memory_space<vmem>> -> memref<3200xi32, #tpu.memory_space<vmem>>
      %dma_wait3A_238 = tpu.memref_slice %arg4[%add3A_124] : memref<640000xi32, #tpu.memory_space<hbm>> -> memref<3200xi32, #tpu.memory_space<hbm>>
      tpu.wait_dma2 semaphore(%arg13 : memref<!tpu.dma_semaphore, #tpu.memory_space<semaphore_mem>>) src(%dma_wait3A_238 : memref<3200xi32, #tpu.memory_space<hbm>>) dst(%dma_wait3A_237 : memref<3200xi32, #tpu.memory_space<vmem>>)
      %dma_wait3A_239 = arith.constant 0 : i32
      %dma_wait3A_240 = arith.constant 0 : i32
      %dma_wait3A_241 = tpu.memref_slice %arg11[%dma_wait3A_239, %dma_wait3A_240] : memref<2x3200xf32, #tpu.memory_space<vmem>> -> memref<1x3200xf32, #tpu.memory_space<vmem>>
      %dma_wait3A_242 = tpu.memref_squeeze %dma_wait3A_241 : memref<1x3200xf32, #tpu.memory_space<vmem>> -> memref<3200xf32, #tpu.memory_space<vmem>>
      %dma_wait3A_243 = tpu.memref_slice %arg5[%multiple_of3A_113] : memref<320000xf32, #tpu.memory_space<hbm>> -> memref<3200xf32, #tpu.memory_space<hbm>>
      %dma_wait3A_244 = arith.constant 0 : i32
      %dma_wait3A_245 = tpu.memref_slice %arg11[%dma_wait3A_239, %dma_wait3A_244] : memref<2x3200xf32, #tpu.memory_space<vmem>> -> memref<1x3200xf32, #tpu.memory_space<vmem>>
      %dma_wait3A_246 = tpu.memref_squeeze %dma_wait3A_245 : memref<1x3200xf32, #tpu.memory_space<vmem>> -> memref<3200xf32, #tpu.memory_space<vmem>>
      %dma_wait3A_247 = tpu.memref_slice %arg5[%multiple_of3A_113] : memref<320000xf32, #tpu.memory_space<hbm>> -> memref<3200xf32, #tpu.memory_space<hbm>>
      tpu.wait_dma2 semaphore(%arg13 : memref<!tpu.dma_semaphore, #tpu.memory_space<semaphore_mem>>) src(%dma_wait3A_247 : memref<3200xf32, #tpu.memory_space<hbm>>) dst(%dma_wait3A_246 : memref<3200xf32, #tpu.memory_space<vmem>>)
      %dma_wait3A_248 = arith.constant 0 : i32
      %dma_wait3A_249 = arith.constant 0 : i32
      %dma_wait3A_250 = tpu.memref_slice %arg12[%dma_wait3A_248, %dma_wait3A_249] : memref<2x3200xf32, #tpu.memory_space<vmem>> -> memref<1x3200xf32, #tpu.memory_space<vmem>>
      %dma_wait3A_251 = tpu.memref_squeeze %dma_wait3A_250 : memref<1x3200xf32, #tpu.memory_space<vmem>> -> memref<3200xf32, #tpu.memory_space<vmem>>
      %dma_wait3A_252 = tpu.memref_slice %arg6[%multiple_of3A_101] : memref<320000xf32, #tpu.memory_space<hbm>> -> memref<3200xf32, #tpu.memory_space<hbm>>
      %dma_wait3A_253 = tpu.memref_slice %arg6[%multiple_of3A_101] : memref<320000xf32, #tpu.memory_space<hbm>> -> memref<3200xf32, #tpu.memory_space<hbm>>
      %dma_wait3A_254 = arith.constant 0 : i32
      %dma_wait3A_255 = tpu.memref_slice %arg12[%dma_wait3A_248, %dma_wait3A_254] : memref<2x3200xf32, #tpu.memory_space<vmem>> -> memref<1x3200xf32, #tpu.memory_space<vmem>>
      %dma_wait3A_256 = tpu.memref_squeeze %dma_wait3A_255 : memref<1x3200xf32, #tpu.memory_space<vmem>> -> memref<3200xf32, #tpu.memory_space<vmem>>
      tpu.wait_dma2 semaphore(%arg15 : memref<!tpu.dma_semaphore, #tpu.memory_space<semaphore_mem>>) src(%dma_wait3A_256 : memref<3200xf32, #tpu.memory_space<vmem>>) dst(%dma_wait3A_253 : memref<3200xf32, #tpu.memory_space<hbm>>)
      %scan3A_257 = arith.constant 0 : i32
      %scan3A_258 = arith.constant 0 : i32
      %scan3A_259 = arith.constant 25 : i32
      %scan3A_260 = arith.addi %scan3A_258, %scan3A_259 : i32
      %scan3A_261 = arith.constant 1 : i32
      %scan3A_262 = scf.for %scan3A_349 = %scan3A_258 to %scan3A_260 step %scan3A_261 iter_args(%scan3A_350 = %scan3A_257) -> (i32)  : i32 {
        %mul3A_351 = arith.constant 8 : i32
        %mul3A_352 = arith.muli %scan3A_349, %mul3A_351 : i32
        %add3A_353 = arith.constant 0 : i32
        %add3A_354 = arith.addi %mul3A_352, %add3A_353 : i32
        %mul3A_355 = arith.constant 16 : i32
        %mul3A_356 = arith.muli %add3A_354, %mul3A_355 : i32
        %get3A = arith.constant 0 : i32
        %get3A_357 = arith.index_cast %get3A : i32 to index
        %get3A_358 = arith.index_cast %mul3A_356 : i32 to index
        %get3A_359 = tpu.vector_load %arg9[%get3A_357, %get3A_358] {strides = array<i32>} : memref<2x3200xi32, #tpu.memory_space<vmem>>, vector<16xi32>,
        %gather3A = tpu.vector_load_idx %arg7[%get3A_359] : memref<10240xf32, #tpu.memory_space<vmem>>[vector<16xi32>], vector<16xf32>,
        %get3A_360 = arith.constant 0 : i32
        %get3A_361 = arith.index_cast %get3A_360 : i32 to index
        %get3A_362 = arith.index_cast %mul3A_356 : i32 to index
        %get3A_363 = tpu.vector_load %arg10[%get3A_361, %get3A_362] {strides = array<i32>} : memref<2x3200xi32, #tpu.memory_space<vmem>>, vector<16xi32>,
        %gather3A_364 = tpu.vector_load_idx %arg8[%get3A_363] : memref<10240xf32, #tpu.memory_space<vmem>>[vector<16xi32>], vector<16xf32>,
        %get3A_365 = arith.constant 0 : i32
        %get3A_366 = arith.index_cast %get3A_365 : i32 to index
        %get3A_367 = arith.index_cast %mul3A_356 : i32 to index
        %get3A_368 = tpu.vector_load %arg11[%get3A_366, %get3A_367] {strides = array<i32>} : memref<2x3200xf32, #tpu.memory_space<vmem>>, vector<16xf32>,
        %add3A_369 = arith.addf %get3A_368, %gather3A : vector<16xf32>
        %add3A_370 = arith.addf %add3A_369, %gather3A_364 : vector<16xf32>
        %swap3A = arith.constant 0 : i32
        %swap3A_371 = arith.index_cast %swap3A : i32 to index
        %swap3A_372 = arith.index_cast %mul3A_356 : i32 to index
        %swap3A_373 = tpu.vector_load %arg12[%swap3A_371, %swap3A_372] {strides = array<i32>} : memref<2x3200xf32, #tpu.memory_space<vmem>>, vector<16xf32>,
        tpu.vector_store %arg12[%swap3A_371, %swap3A_372], %add3A_370 {strides = array<i32>} : memref<2x3200xf32, #tpu.memory_space<vmem>>, vector<16xf32>,
        %mul3A_374 = arith.constant 8 : i32
        %mul3A_375 = arith.muli %scan3A_349, %mul3A_374 : i32
        %add3A_376 = arith.constant 1 : i32
        %add3A_377 = arith.addi %mul3A_375, %add3A_376 : i32
        %mul3A_378 = arith.constant 16 : i32
        %mul3A_379 = arith.muli %add3A_377, %mul3A_378 : i32
        %get3A_380 = arith.constant 0 : i32
        %get3A_381 = arith.index_cast %get3A_380 : i32 to index
        %get3A_382 = arith.index_cast %mul3A_379 : i32 to index
        %get3A_383 = tpu.vector_load %arg9[%get3A_381, %get3A_382] {strides = array<i32>} : memref<2x3200xi32, #tpu.memory_space<vmem>>, vector<16xi32>,
        %gather3A_384 = tpu.vector_load_idx %arg7[%get3A_383] : memref<10240xf32, #tpu.memory_space<vmem>>[vector<16xi32>], vector<16xf32>,
        %get3A_385 = arith.constant 0 : i32
        %get3A_386 = arith.index_cast %get3A_385 : i32 to index
        %get3A_387 = arith.index_cast %mul3A_379 : i32 to index
        %get3A_388 = tpu.vector_load %arg10[%get3A_386, %get3A_387] {strides = array<i32>} : memref<2x3200xi32, #tpu.memory_space<vmem>>, vector<16xi32>,
        %gather3A_389 = tpu.vector_load_idx %arg8[%get3A_388] : memref<10240xf32, #tpu.memory_space<vmem>>[vector<16xi32>], vector<16xf32>,
        %get3A_390 = arith.constant 0 : i32
        %get3A_391 = arith.index_cast %get3A_390 : i32 to index
        %get3A_392 = arith.index_cast %mul3A_379 : i32 to index
        %get3A_393 = tpu.vector_load %arg11[%get3A_391, %get3A_392] {strides = array<i32>} : memref<2x3200xf32, #tpu.memory_space<vmem>>, vector<16xf32>,
        %add3A_394 = arith.addf %get3A_393, %gather3A_384 : vector<16xf32>
        %add3A_395 = arith.addf %add3A_394, %gather3A_389 : vector<16xf32>
        %swap3A_396 = arith.constant 0 : i32
        %swap3A_397 = arith.index_cast %swap3A_396 : i32 to index
        %swap3A_398 = arith.index_cast %mul3A_379 : i32 to index
        %swap3A_399 = tpu.vector_load %arg12[%swap3A_397, %swap3A_398] {strides = array<i32>} : memref<2x3200xf32, #tpu.memory_space<vmem>>, vector<16xf32>,
        tpu.vector_store %arg12[%swap3A_397, %swap3A_398], %add3A_395 {strides = array<i32>} : memref<2x3200xf32, #tpu.memory_space<vmem>>, vector<16xf32>,
        %mul3A_400 = arith.constant 8 : i32
        %mul3A_401 = arith.muli %scan3A_349, %mul3A_400 : i32
        %add3A_402 = arith.constant 2 : i32
        %add3A_403 = arith.addi %mul3A_401, %add3A_402 : i32
        %mul3A_404 = arith.constant 16 : i32
        %mul3A_405 = arith.muli %add3A_403, %mul3A_404 : i32
        %get3A_406 = arith.constant 0 : i32
        %get3A_407 = arith.index_cast %get3A_406 : i32 to index
        %get3A_408 = arith.index_cast %mul3A_405 : i32 to index
        %get3A_409 = tpu.vector_load %arg9[%get3A_407, %get3A_408] {strides = array<i32>} : memref<2x3200xi32, #tpu.memory_space<vmem>>, vector<16xi32>,
        %gather3A_410 = tpu.vector_load_idx %arg7[%get3A_409] : memref<10240xf32, #tpu.memory_space<vmem>>[vector<16xi32>], vector<16xf32>,
        %get3A_411 = arith.constant 0 : i32
        %get3A_412 = arith.index_cast %get3A_411 : i32 to index
        %get3A_413 = arith.index_cast %mul3A_405 : i32 to index
        %get3A_414 = tpu.vector_load %arg10[%get3A_412, %get3A_413] {strides = array<i32>} : memref<2x3200xi32, #tpu.memory_space<vmem>>, vector<16xi32>,
        %gather3A_415 = tpu.vector_load_idx %arg8[%get3A_414] : memref<10240xf32, #tpu.memory_space<vmem>>[vector<16xi32>], vector<16xf32>,
        %get3A_416 = arith.constant 0 : i32
        %get3A_417 = arith.index_cast %get3A_416 : i32 to index
        %get3A_418 = arith.index_cast %mul3A_405 : i32 to index
        %get3A_419 = tpu.vector_load %arg11[%get3A_417, %get3A_418] {strides = array<i32>} : memref<2x3200xf32, #tpu.memory_space<vmem>>, vector<16xf32>,
        %add3A_420 = arith.addf %get3A_419, %gather3A_410 : vector<16xf32>
        %add3A_421 = arith.addf %add3A_420, %gather3A_415 : vector<16xf32>
        %swap3A_422 = arith.constant 0 : i32
        %swap3A_423 = arith.index_cast %swap3A_422 : i32 to index
        %swap3A_424 = arith.index_cast %mul3A_405 : i32 to index
        %swap3A_425 = tpu.vector_load %arg12[%swap3A_423, %swap3A_424] {strides = array<i32>} : memref<2x3200xf32, #tpu.memory_space<vmem>>, vector<16xf32>,
        tpu.vector_store %arg12[%swap3A_423, %swap3A_424], %add3A_421 {strides = array<i32>} : memref<2x3200xf32, #tpu.memory_space<vmem>>, vector<16xf32>,
        %mul3A_426 = arith.constant 8 : i32
        %mul3A_427 = arith.muli %scan3A_349, %mul3A_426 : i32
        %add3A_428 = arith.constant 3 : i32
        %add3A_429 = arith.addi %mul3A_427, %add3A_428 : i32
        %mul3A_430 = arith.constant 16 : i32
        %mul3A_431 = arith.muli %add3A_429, %mul3A_430 : i32
        %get3A_432 = arith.constant 0 : i32
        %get3A_433 = arith.index_cast %get3A_432 : i32 to index
        %get3A_434 = arith.index_cast %mul3A_431 : i32 to index
        %get3A_435 = tpu.vector_load %arg9[%get3A_433, %get3A_434] {strides = array<i32>} : memref<2x3200xi32, #tpu.memory_space<vmem>>, vector<16xi32>,
        %gather3A_436 = tpu.vector_load_idx %arg7[%get3A_435] : memref<10240xf32, #tpu.memory_space<vmem>>[vector<16xi32>], vector<16xf32>,
        %get3A_437 = arith.constant 0 : i32
        %get3A_438 = arith.index_cast %get3A_437 : i32 to index
        %get3A_439 = arith.index_cast %mul3A_431 : i32 to index
        %get3A_440 = tpu.vector_load %arg10[%get3A_438, %get3A_439] {strides = array<i32>} : memref<2x3200xi32, #tpu.memory_space<vmem>>, vector<16xi32>,
        %gather3A_441 = tpu.vector_load_idx %arg8[%get3A_440] : memref<10240xf32, #tpu.memory_space<vmem>>[vector<16xi32>], vector<16xf32>,
        %get3A_442 = arith.constant 0 : i32
        %get3A_443 = arith.index_cast %get3A_442 : i32 to index
        %get3A_444 = arith.index_cast %mul3A_431 : i32 to index
        %get3A_445 = tpu.vector_load %arg11[%get3A_443, %get3A_444] {strides = array<i32>} : memref<2x3200xf32, #tpu.memory_space<vmem>>, vector<16xf32>,
        %add3A_446 = arith.addf %get3A_445, %gather3A_436 : vector<16xf32>
        %add3A_447 = arith.addf %add3A_446, %gather3A_441 : vector<16xf32>
        %swap3A_448 = arith.constant 0 : i32
        %swap3A_449 = arith.index_cast %swap3A_448 : i32 to index
        %swap3A_450 = arith.index_cast %mul3A_431 : i32 to index
        %swap3A_451 = tpu.vector_load %arg12[%swap3A_449, %swap3A_450] {strides = array<i32>} : memref<2x3200xf32, #tpu.memory_space<vmem>>, vector<16xf32>,
        tpu.vector_store %arg12[%swap3A_449, %swap3A_450], %add3A_447 {strides = array<i32>} : memref<2x3200xf32, #tpu.memory_space<vmem>>, vector<16xf32>,
        %mul3A_452 = arith.constant 8 : i32
        %mul3A_453 = arith.muli %scan3A_349, %mul3A_452 : i32
        %add3A_454 = arith.constant 4 : i32
        %add3A_455 = arith.addi %mul3A_453, %add3A_454 : i32
        %mul3A_456 = arith.constant 16 : i32
        %mul3A_457 = arith.muli %add3A_455, %mul3A_456 : i32
        %get3A_458 = arith.constant 0 : i32
        %get3A_459 = arith.index_cast %get3A_458 : i32 to index
        %get3A_460 = arith.index_cast %mul3A_457 : i32 to index
        %get3A_461 = tpu.vector_load %arg9[%get3A_459, %get3A_460] {strides = array<i32>} : memref<2x3200xi32, #tpu.memory_space<vmem>>, vector<16xi32>,
        %gather3A_462 = tpu.vector_load_idx %arg7[%get3A_461] : memref<10240xf32, #tpu.memory_space<vmem>>[vector<16xi32>], vector<16xf32>,
        %get3A_463 = arith.constant 0 : i32
        %get3A_464 = arith.index_cast %get3A_463 : i32 to index
        %get3A_465 = arith.index_cast %mul3A_457 : i32 to index
        %get3A_466 = tpu.vector_load %arg10[%get3A_464, %get3A_465] {strides = array<i32>} : memref<2x3200xi32, #tpu.memory_space<vmem>>, vector<16xi32>,
        %gather3A_467 = tpu.vector_load_idx %arg8[%get3A_466] : memref<10240xf32, #tpu.memory_space<vmem>>[vector<16xi32>], vector<16xf32>,
        %get3A_468 = arith.constant 0 : i32
        %get3A_469 = arith.index_cast %get3A_468 : i32 to index
        %get3A_470 = arith.index_cast %mul3A_457 : i32 to index
        %get3A_471 = tpu.vector_load %arg11[%get3A_469, %get3A_470] {strides = array<i32>} : memref<2x3200xf32, #tpu.memory_space<vmem>>, vector<16xf32>,
        %add3A_472 = arith.addf %get3A_471, %gather3A_462 : vector<16xf32>
        %add3A_473 = arith.addf %add3A_472, %gather3A_467 : vector<16xf32>
        %swap3A_474 = arith.constant 0 : i32
        %swap3A_475 = arith.index_cast %swap3A_474 : i32 to index
        %swap3A_476 = arith.index_cast %mul3A_457 : i32 to index
        %swap3A_477 = tpu.vector_load %arg12[%swap3A_475, %swap3A_476] {strides = array<i32>} : memref<2x3200xf32, #tpu.memory_space<vmem>>, vector<16xf32>,
        tpu.vector_store %arg12[%swap3A_475, %swap3A_476], %add3A_473 {strides = array<i32>} : memref<2x3200xf32, #tpu.memory_space<vmem>>, vector<16xf32>,
        %mul3A_478 = arith.constant 8 : i32
        %mul3A_479 = arith.muli %scan3A_349, %mul3A_478 : i32
        %add3A_480 = arith.constant 5 : i32
        %add3A_481 = arith.addi %mul3A_479, %add3A_480 : i32
        %mul3A_482 = arith.constant 16 : i32
        %mul3A_483 = arith.muli %add3A_481, %mul3A_482 : i32
        %get3A_484 = arith.constant 0 : i32
        %get3A_485 = arith.index_cast %get3A_484 : i32 to index
        %get3A_486 = arith.index_cast %mul3A_483 : i32 to index
        %get3A_487 = tpu.vector_load %arg9[%get3A_485, %get3A_486] {strides = array<i32>} : memref<2x3200xi32, #tpu.memory_space<vmem>>, vector<16xi32>,
        %gather3A_488 = tpu.vector_load_idx %arg7[%get3A_487] : memref<10240xf32, #tpu.memory_space<vmem>>[vector<16xi32>], vector<16xf32>,
        %get3A_489 = arith.constant 0 : i32
        %get3A_490 = arith.index_cast %get3A_489 : i32 to index
        %get3A_491 = arith.index_cast %mul3A_483 : i32 to index
        %get3A_492 = tpu.vector_load %arg10[%get3A_490, %get3A_491] {strides = array<i32>} : memref<2x3200xi32, #tpu.memory_space<vmem>>, vector<16xi32>,
        %gather3A_493 = tpu.vector_load_idx %arg8[%get3A_492] : memref<10240xf32, #tpu.memory_space<vmem>>[vector<16xi32>], vector<16xf32>,
        %get3A_494 = arith.constant 0 : i32
        %get3A_495 = arith.index_cast %get3A_494 : i32 to index
        %get3A_496 = arith.index_cast %mul3A_483 : i32 to index
        %get3A_497 = tpu.vector_load %arg11[%get3A_495, %get3A_496] {strides = array<i32>} : memref<2x3200xf32, #tpu.memory_space<vmem>>, vector<16xf32>,
        %add3A_498 = arith.addf %get3A_497, %gather3A_488 : vector<16xf32>
        %add3A_499 = arith.addf %add3A_498, %gather3A_493 : vector<16xf32>
        %swap3A_500 = arith.constant 0 : i32
        %swap3A_501 = arith.index_cast %swap3A_500 : i32 to index
        %swap3A_502 = arith.index_cast %mul3A_483 : i32 to index
        %swap3A_503 = tpu.vector_load %arg12[%swap3A_501, %swap3A_502] {strides = array<i32>} : memref<2x3200xf32, #tpu.memory_space<vmem>>, vector<16xf32>,
        tpu.vector_store %arg12[%swap3A_501, %swap3A_502], %add3A_499 {strides = array<i32>} : memref<2x3200xf32, #tpu.memory_space<vmem>>, vector<16xf32>,
        %mul3A_504 = arith.constant 8 : i32
        %mul3A_505 = arith.muli %scan3A_349, %mul3A_504 : i32
        %add3A_506 = arith.constant 6 : i32
        %add3A_507 = arith.addi %mul3A_505, %add3A_506 : i32
        %mul3A_508 = arith.constant 16 : i32
        %mul3A_509 = arith.muli %add3A_507, %mul3A_508 : i32
        %get3A_510 = arith.constant 0 : i32
        %get3A_511 = arith.index_cast %get3A_510 : i32 to index
        %get3A_512 = arith.index_cast %mul3A_509 : i32 to index
        %get3A_513 = tpu.vector_load %arg9[%get3A_511, %get3A_512] {strides = array<i32>} : memref<2x3200xi32, #tpu.memory_space<vmem>>, vector<16xi32>,
        %gather3A_514 = tpu.vector_load_idx %arg7[%get3A_513] : memref<10240xf32, #tpu.memory_space<vmem>>[vector<16xi32>], vector<16xf32>,
        %get3A_515 = arith.constant 0 : i32
        %get3A_516 = arith.index_cast %get3A_515 : i32 to index
        %get3A_517 = arith.index_cast %mul3A_509 : i32 to index
        %get3A_518 = tpu.vector_load %arg10[%get3A_516, %get3A_517] {strides = array<i32>} : memref<2x3200xi32, #tpu.memory_space<vmem>>, vector<16xi32>,
        %gather3A_519 = tpu.vector_load_idx %arg8[%get3A_518] : memref<10240xf32, #tpu.memory_space<vmem>>[vector<16xi32>], vector<16xf32>,
        %get3A_520 = arith.constant 0 : i32
        %get3A_521 = arith.index_cast %get3A_520 : i32 to index
        %get3A_522 = arith.index_cast %mul3A_509 : i32 to index
        %get3A_523 = tpu.vector_load %arg11[%get3A_521, %get3A_522] {strides = array<i32>} : memref<2x3200xf32, #tpu.memory_space<vmem>>, vector<16xf32>,
        %add3A_524 = arith.addf %get3A_523, %gather3A_514 : vector<16xf32>
        %add3A_525 = arith.addf %add3A_524, %gather3A_519 : vector<16xf32>
        %swap3A_526 = arith.constant 0 : i32
        %swap3A_527 = arith.index_cast %swap3A_526 : i32 to index
        %swap3A_528 = arith.index_cast %mul3A_509 : i32 to index
        %swap3A_529 = tpu.vector_load %arg12[%swap3A_527, %swap3A_528] {strides = array<i32>} : memref<2x3200xf32, #tpu.memory_space<vmem>>, vector<16xf32>,
        tpu.vector_store %arg12[%swap3A_527, %swap3A_528], %add3A_525 {strides = array<i32>} : memref<2x3200xf32, #tpu.memory_space<vmem>>, vector<16xf32>,
        %mul3A_530 = arith.constant 8 : i32
        %mul3A_531 = arith.muli %scan3A_349, %mul3A_530 : i32
        %add3A_532 = arith.constant 7 : i32
        %add3A_533 = arith.addi %mul3A_531, %add3A_532 : i32
        %mul3A_534 = arith.constant 16 : i32
        %mul3A_535 = arith.muli %add3A_533, %mul3A_534 : i32
        %get3A_536 = arith.constant 0 : i32
        %get3A_537 = arith.index_cast %get3A_536 : i32 to index
        %get3A_538 = arith.index_cast %mul3A_535 : i32 to index
        %get3A_539 = tpu.vector_load %arg9[%get3A_537, %get3A_538] {strides = array<i32>} : memref<2x3200xi32, #tpu.memory_space<vmem>>, vector<16xi32>,
        %gather3A_540 = tpu.vector_load_idx %arg7[%get3A_539] : memref<10240xf32, #tpu.memory_space<vmem>>[vector<16xi32>], vector<16xf32>,
        %get3A_541 = arith.constant 0 : i32
        %get3A_542 = arith.index_cast %get3A_541 : i32 to index
        %get3A_543 = arith.index_cast %mul3A_535 : i32 to index
        %get3A_544 = tpu.vector_load %arg10[%get3A_542, %get3A_543] {strides = array<i32>} : memref<2x3200xi32, #tpu.memory_space<vmem>>, vector<16xi32>,
        %gather3A_545 = tpu.vector_load_idx %arg8[%get3A_544] : memref<10240xf32, #tpu.memory_space<vmem>>[vector<16xi32>], vector<16xf32>,
        %get3A_546 = arith.constant 0 : i32
        %get3A_547 = arith.index_cast %get3A_546 : i32 to index
        %get3A_548 = arith.index_cast %mul3A_535 : i32 to index
        %get3A_549 = tpu.vector_load %arg11[%get3A_547, %get3A_548] {strides = array<i32>} : memref<2x3200xf32, #tpu.memory_space<vmem>>, vector<16xf32>,
        %add3A_550 = arith.addf %get3A_549, %gather3A_540 : vector<16xf32>
        %add3A_551 = arith.addf %add3A_550, %gather3A_545 : vector<16xf32>
        %swap3A_552 = arith.constant 0 : i32
        %swap3A_553 = arith.index_cast %swap3A_552 : i32 to index
        %swap3A_554 = arith.index_cast %mul3A_535 : i32 to index
        %swap3A_555 = tpu.vector_load %arg12[%swap3A_553, %swap3A_554] {strides = array<i32>} : memref<2x3200xf32, #tpu.memory_space<vmem>>, vector<16xf32>,
        tpu.vector_store %arg12[%swap3A_553, %swap3A_554], %add3A_551 {strides = array<i32>} : memref<2x3200xf32, #tpu.memory_space<vmem>>, vector<16xf32>,
        %scan3A_556 = arith.constant 0 : i32
        scf.yield %scan3A_556 : i32
      }
      %scan3A_263 = arith.constant 25 : i32
      %add3A_264 = arith.constant 6400 : i32
      %add3A_265 = arith.addi %mul3A_4, %add3A_264 : i32
      %multiple_of3A_266 = tpu.assume_multiple %add3A_265, 128 : i32
      %dma_start3A_267 = arith.constant 0 : i32
      %dma_start3A_268 = arith.constant 0 : i32
      %dma_start3A_269 = tpu.memref_slice %arg12[%dma_start3A_267, %dma_start3A_268] : memref<2x3200xf32, #tpu.memory_space<vmem>> -> memref<1x3200xf32, #tpu.memory_space<vmem>>
      %dma_start3A_270 = tpu.memref_squeeze %dma_start3A_269 : memref<1x3200xf32, #tpu.memory_space<vmem>> -> memref<3200xf32, #tpu.memory_space<vmem>>
      %dma_start3A_271 = tpu.memref_slice %arg6[%multiple_of3A_266] : memref<320000xf32, #tpu.memory_space<hbm>> -> memref<3200xf32, #tpu.memory_space<hbm>>
      %dma_start3A_272 = tpu.memref_slice %arg6[%multiple_of3A_266] : memref<320000xf32, #tpu.memory_space<hbm>> -> memref<3200xf32, #tpu.memory_space<hbm>>
      %dma_start3A_273 = arith.constant 0 : i32
      %dma_start3A_274 = tpu.memref_slice %arg12[%dma_start3A_267, %dma_start3A_273] : memref<2x3200xf32, #tpu.memory_space<vmem>> -> memref<1x3200xf32, #tpu.memory_space<vmem>>
      %dma_start3A_275 = tpu.memref_squeeze %dma_start3A_274 : memref<1x3200xf32, #tpu.memory_space<vmem>> -> memref<3200xf32, #tpu.memory_space<vmem>>
      tpu.enqueue_dma source(%dma_start3A_275 : memref<3200xf32, #tpu.memory_space<vmem>>) target(%dma_start3A_272 : memref<3200xf32, #tpu.memory_space<hbm>>) target_semaphore(%arg15 : memref<!tpu.dma_semaphore, #tpu.memory_space<semaphore_mem>>)
      %dma_wait3A_276 = arith.constant 1 : i32
      %dma_wait3A_277 = arith.constant 0 : i32
      %dma_wait3A_278 = tpu.memref_slice %arg9[%dma_wait3A_276, %dma_wait3A_277] : memref<2x3200xi32, #tpu.memory_space<vmem>> -> memref<1x3200xi32, #tpu.memory_space<vmem>>
      %dma_wait3A_279 = tpu.memref_squeeze %dma_wait3A_278 : memref<1x3200xi32, #tpu.memory_space<vmem>> -> memref<3200xi32, #tpu.memory_space<vmem>>
      %dma_wait3A_280 = tpu.memref_slice %arg4[%multiple_of3A_191] : memref<640000xi32, #tpu.memory_space<hbm>> -> memref<3200xi32, #tpu.memory_space<hbm>>
      %dma_wait3A_281 = arith.constant 0 : i32
      %dma_wait3A_282 = tpu.memref_slice %arg9[%dma_wait3A_276, %dma_wait3A_281] : memref<2x3200xi32, #tpu.memory_space<vmem>> -> memref<1x3200xi32, #tpu.memory_space<vmem>>
      %dma_wait3A_283 = tpu.memref_squeeze %dma_wait3A_282 : memref<1x3200xi32, #tpu.memory_space<vmem>> -> memref<3200xi32, #tpu.memory_space<vmem>>
      %dma_wait3A_284 = tpu.memref_slice %arg4[%multiple_of3A_191] : memref<640000xi32, #tpu.memory_space<hbm>> -> memref<3200xi32, #tpu.memory_space<hbm>>
      tpu.wait_dma2 semaphore(%arg14 : memref<!tpu.dma_semaphore, #tpu.memory_space<semaphore_mem>>) src(%dma_wait3A_284 : memref<3200xi32, #tpu.memory_space<hbm>>) dst(%dma_wait3A_283 : memref<3200xi32, #tpu.memory_space<vmem>>)
      %dma_wait3A_285 = arith.constant 1 : i32
      %dma_wait3A_286 = arith.constant 0 : i32
      %dma_wait3A_287 = tpu.memref_slice %arg10[%dma_wait3A_285, %dma_wait3A_286] : memref<2x3200xi32, #tpu.memory_space<vmem>> -> memref<1x3200xi32, #tpu.memory_space<vmem>>
      %dma_wait3A_288 = tpu.memref_squeeze %dma_wait3A_287 : memref<1x3200xi32, #tpu.memory_space<vmem>> -> memref<3200xi32, #tpu.memory_space<vmem>>
      %dma_wait3A_289 = tpu.memref_slice %arg4[%add3A_202] : memref<640000xi32, #tpu.memory_space<hbm>> -> memref<3200xi32, #tpu.memory_space<hbm>>
      %dma_wait3A_290 = arith.constant 0 : i32
      %dma_wait3A_291 = tpu.memref_slice %arg10[%dma_wait3A_285, %dma_wait3A_290] : memref<2x3200xi32, #tpu.memory_space<vmem>> -> memref<1x3200xi32, #tpu.memory_space<vmem>>
      %dma_wait3A_292 = tpu.memref_squeeze %dma_wait3A_291 : memref<1x3200xi32, #tpu.memory_space<vmem>> -> memref<3200xi32, #tpu.memory_space<vmem>>
      %dma_wait3A_293 = tpu.memref_slice %arg4[%add3A_202] : memref<640000xi32, #tpu.memory_space<hbm>> -> memref<3200xi32, #tpu.memory_space<hbm>>
      tpu.wait_dma2 semaphore(%arg14 : memref<!tpu.dma_semaphore, #tpu.memory_space<semaphore_mem>>) src(%dma_wait3A_293 : memref<3200xi32, #tpu.memory_space<hbm>>) dst(%dma_wait3A_292 : memref<3200xi32, #tpu.memory_space<vmem>>)
      %dma_wait3A_294 = arith.constant 1 : i32
      %dma_wait3A_295 = arith.constant 0 : i32
      %dma_wait3A_296 = tpu.memref_slice %arg11[%dma_wait3A_294, %dma_wait3A_295] : memref<2x3200xf32, #tpu.memory_space<vmem>> -> memref<1x3200xf32, #tpu.memory_space<vmem>>
      %dma_wait3A_297 = tpu.memref_squeeze %dma_wait3A_296 : memref<1x3200xf32, #tpu.memory_space<vmem>> -> memref<3200xf32, #tpu.memory_space<vmem>>
      %dma_wait3A_298 = tpu.memref_slice %arg5[%multiple_of3A_191] : memref<320000xf32, #tpu.memory_space<hbm>> -> memref<3200xf32, #tpu.memory_space<hbm>>
      %dma_wait3A_299 = arith.constant 0 : i32
      %dma_wait3A_300 = tpu.memref_slice %arg11[%dma_wait3A_294, %dma_wait3A_299] : memref<2x3200xf32, #tpu.memory_space<vmem>> -> memref<1x3200xf32, #tpu.memory_space<vmem>>
      %dma_wait3A_301 = tpu.memref_squeeze %dma_wait3A_300 : memref<1x3200xf32, #tpu.memory_space<vmem>> -> memref<3200xf32, #tpu.memory_space<vmem>>
      %dma_wait3A_302 = tpu.memref_slice %arg5[%multiple_of3A_191] : memref<320000xf32, #tpu.memory_space<hbm>> -> memref<3200xf32, #tpu.memory_space<hbm>>
      tpu.wait_dma2 semaphore(%arg14 : memref<!tpu.dma_semaphore, #tpu.memory_space<semaphore_mem>>) src(%dma_wait3A_302 : memref<3200xf32, #tpu.memory_space<hbm>>) dst(%dma_wait3A_301 : memref<3200xf32, #tpu.memory_space<vmem>>)
      %dma_wait3A_303 = arith.constant 1 : i32
      %dma_wait3A_304 = arith.constant 0 : i32
      %dma_wait3A_305 = tpu.memref_slice %arg12[%dma_wait3A_303, %dma_wait3A_304] : memref<2x3200xf32, #tpu.memory_space<vmem>> -> memref<1x3200xf32, #tpu.memory_space<vmem>>
      %dma_wait3A_306 = tpu.memref_squeeze %dma_wait3A_305 : memref<1x3200xf32, #tpu.memory_space<vmem>> -> memref<3200xf32, #tpu.memory_space<vmem>>
      %dma_wait3A_307 = tpu.memref_slice %arg6[%multiple_of3A_179] : memref<320000xf32, #tpu.memory_space<hbm>> -> memref<3200xf32, #tpu.memory_space<hbm>>
      %dma_wait3A_308 = tpu.memref_slice %arg6[%multiple_of3A_179] : memref<320000xf32, #tpu.memory_space<hbm>> -> memref<3200xf32, #tpu.memory_space<hbm>>
      %dma_wait3A_309 = arith.constant 0 : i32
      %dma_wait3A_310 = tpu.memref_slice %arg12[%dma_wait3A_303, %dma_wait3A_309] : memref<2x3200xf32, #tpu.memory_space<vmem>> -> memref<1x3200xf32, #tpu.memory_space<vmem>>
      %dma_wait3A_311 = tpu.memref_squeeze %dma_wait3A_310 : memref<1x3200xf32, #tpu.memory_space<vmem>> -> memref<3200xf32, #tpu.memory_space<vmem>>
      tpu.wait_dma2 semaphore(%arg16 : memref<!tpu.dma_semaphore, #tpu.memory_space<semaphore_mem>>) src(%dma_wait3A_311 : memref<3200xf32, #tpu.memory_space<vmem>>) dst(%dma_wait3A_308 : memref<3200xf32, #tpu.memory_space<hbm>>)
      %scan3A_312 = arith.constant 0 : i32
      %scan3A_313 = arith.constant 0 : i32
      %scan3A_314 = arith.constant 25 : i32
      %scan3A_315 = arith.addi %scan3A_313, %scan3A_314 : i32
      %scan3A_316 = arith.constant 1 : i32
      %scan3A_317 = scf.for %scan3A_349 = %scan3A_313 to %scan3A_315 step %scan3A_316 iter_args(%scan3A_350 = %scan3A_312) -> (i32)  : i32 {
        %mul3A_351 = arith.constant 8 : i32
        %mul3A_352 = arith.muli %scan3A_349, %mul3A_351 : i32
        %add3A_353 = arith.constant 0 : i32
        %add3A_354 = arith.addi %mul3A_352, %add3A_353 : i32
        %mul3A_355 = arith.constant 16 : i32
        %mul3A_356 = arith.muli %add3A_354, %mul3A_355 : i32
        %get3A = arith.constant 1 : i32
        %get3A_357 = arith.index_cast %get3A : i32 to index
        %get3A_358 = arith.index_cast %mul3A_356 : i32 to index
        %get3A_359 = tpu.vector_load %arg9[%get3A_357, %get3A_358] {strides = array<i32>} : memref<2x3200xi32, #tpu.memory_space<vmem>>, vector<16xi32>,
        %gather3A = tpu.vector_load_idx %arg7[%get3A_359] : memref<10240xf32, #tpu.memory_space<vmem>>[vector<16xi32>], vector<16xf32>,
        %get3A_360 = arith.constant 1 : i32
        %get3A_361 = arith.index_cast %get3A_360 : i32 to index
        %get3A_362 = arith.index_cast %mul3A_356 : i32 to index
        %get3A_363 = tpu.vector_load %arg10[%get3A_361, %get3A_362] {strides = array<i32>} : memref<2x3200xi32, #tpu.memory_space<vmem>>, vector<16xi32>,
        %gather3A_364 = tpu.vector_load_idx %arg8[%get3A_363] : memref<10240xf32, #tpu.memory_space<vmem>>[vector<16xi32>], vector<16xf32>,
        %get3A_365 = arith.constant 1 : i32
        %get3A_366 = arith.index_cast %get3A_365 : i32 to index
        %get3A_367 = arith.index_cast %mul3A_356 : i32 to index
        %get3A_368 = tpu.vector_load %arg11[%get3A_366, %get3A_367] {strides = array<i32>} : memref<2x3200xf32, #tpu.memory_space<vmem>>, vector<16xf32>,
        %add3A_369 = arith.addf %get3A_368, %gather3A : vector<16xf32>
        %add3A_370 = arith.addf %add3A_369, %gather3A_364 : vector<16xf32>
        %swap3A = arith.constant 1 : i32
        %swap3A_371 = arith.index_cast %swap3A : i32 to index
        %swap3A_372 = arith.index_cast %mul3A_356 : i32 to index
        %swap3A_373 = tpu.vector_load %arg12[%swap3A_371, %swap3A_372] {strides = array<i32>} : memref<2x3200xf32, #tpu.memory_space<vmem>>, vector<16xf32>,
        tpu.vector_store %arg12[%swap3A_371, %swap3A_372], %add3A_370 {strides = array<i32>} : memref<2x3200xf32, #tpu.memory_space<vmem>>, vector<16xf32>,
        %mul3A_374 = arith.constant 8 : i32
        %mul3A_375 = arith.muli %scan3A_349, %mul3A_374 : i32
        %add3A_376 = arith.constant 1 : i32
        %add3A_377 = arith.addi %mul3A_375, %add3A_376 : i32
        %mul3A_378 = arith.constant 16 : i32
        %mul3A_379 = arith.muli %add3A_377, %mul3A_378 : i32
        %get3A_380 = arith.constant 1 : i32
        %get3A_381 = arith.index_cast %get3A_380 : i32 to index
        %get3A_382 = arith.index_cast %mul3A_379 : i32 to index
        %get3A_383 = tpu.vector_load %arg9[%get3A_381, %get3A_382] {strides = array<i32>} : memref<2x3200xi32, #tpu.memory_space<vmem>>, vector<16xi32>,
        %gather3A_384 = tpu.vector_load_idx %arg7[%get3A_383] : memref<10240xf32, #tpu.memory_space<vmem>>[vector<16xi32>], vector<16xf32>,
        %get3A_385 = arith.constant 1 : i32
        %get3A_386 = arith.index_cast %get3A_385 : i32 to index
        %get3A_387 = arith.index_cast %mul3A_379 : i32 to index
        %get3A_388 = tpu.vector_load %arg10[%get3A_386, %get3A_387] {strides = array<i32>} : memref<2x3200xi32, #tpu.memory_space<vmem>>, vector<16xi32>,
        %gather3A_389 = tpu.vector_load_idx %arg8[%get3A_388] : memref<10240xf32, #tpu.memory_space<vmem>>[vector<16xi32>], vector<16xf32>,
        %get3A_390 = arith.constant 1 : i32
        %get3A_391 = arith.index_cast %get3A_390 : i32 to index
        %get3A_392 = arith.index_cast %mul3A_379 : i32 to index
        %get3A_393 = tpu.vector_load %arg11[%get3A_391, %get3A_392] {strides = array<i32>} : memref<2x3200xf32, #tpu.memory_space<vmem>>, vector<16xf32>,
        %add3A_394 = arith.addf %get3A_393, %gather3A_384 : vector<16xf32>
        %add3A_395 = arith.addf %add3A_394, %gather3A_389 : vector<16xf32>
        %swap3A_396 = arith.constant 1 : i32
        %swap3A_397 = arith.index_cast %swap3A_396 : i32 to index
        %swap3A_398 = arith.index_cast %mul3A_379 : i32 to index
        %swap3A_399 = tpu.vector_load %arg12[%swap3A_397, %swap3A_398] {strides = array<i32>} : memref<2x3200xf32, #tpu.memory_space<vmem>>, vector<16xf32>,
        tpu.vector_store %arg12[%swap3A_397, %swap3A_398], %add3A_395 {strides = array<i32>} : memref<2x3200xf32, #tpu.memory_space<vmem>>, vector<16xf32>,
        %mul3A_400 = arith.constant 8 : i32
        %mul3A_401 = arith.muli %scan3A_349, %mul3A_400 : i32
        %add3A_402 = arith.constant 2 : i32
        %add3A_403 = arith.addi %mul3A_401, %add3A_402 : i32
        %mul3A_404 = arith.constant 16 : i32
        %mul3A_405 = arith.muli %add3A_403, %mul3A_404 : i32
        %get3A_406 = arith.constant 1 : i32
        %get3A_407 = arith.index_cast %get3A_406 : i32 to index
        %get3A_408 = arith.index_cast %mul3A_405 : i32 to index
        %get3A_409 = tpu.vector_load %arg9[%get3A_407, %get3A_408] {strides = array<i32>} : memref<2x3200xi32, #tpu.memory_space<vmem>>, vector<16xi32>,
        %gather3A_410 = tpu.vector_load_idx %arg7[%get3A_409] : memref<10240xf32, #tpu.memory_space<vmem>>[vector<16xi32>], vector<16xf32>,
        %get3A_411 = arith.constant 1 : i32
        %get3A_412 = arith.index_cast %get3A_411 : i32 to index
        %get3A_413 = arith.index_cast %mul3A_405 : i32 to index
        %get3A_414 = tpu.vector_load %arg10[%get3A_412, %get3A_413] {strides = array<i32>} : memref<2x3200xi32, #tpu.memory_space<vmem>>, vector<16xi32>,
        %gather3A_415 = tpu.vector_load_idx %arg8[%get3A_414] : memref<10240xf32, #tpu.memory_space<vmem>>[vector<16xi32>], vector<16xf32>,
        %get3A_416 = arith.constant 1 : i32
        %get3A_417 = arith.index_cast %get3A_416 : i32 to index
        %get3A_418 = arith.index_cast %mul3A_405 : i32 to index
        %get3A_419 = tpu.vector_load %arg11[%get3A_417, %get3A_418] {strides = array<i32>} : memref<2x3200xf32, #tpu.memory_space<vmem>>, vector<16xf32>,
        %add3A_420 = arith.addf %get3A_419, %gather3A_410 : vector<16xf32>
        %add3A_421 = arith.addf %add3A_420, %gather3A_415 : vector<16xf32>
        %swap3A_422 = arith.constant 1 : i32
        %swap3A_423 = arith.index_cast %swap3A_422 : i32 to index
        %swap3A_424 = arith.index_cast %mul3A_405 : i32 to index
        %swap3A_425 = tpu.vector_load %arg12[%swap3A_423, %swap3A_424] {strides = array<i32>} : memref<2x3200xf32, #tpu.memory_space<vmem>>, vector<16xf32>,
        tpu.vector_store %arg12[%swap3A_423, %swap3A_424], %add3A_421 {strides = array<i32>} : memref<2x3200xf32, #tpu.memory_space<vmem>>, vector<16xf32>,
        %mul3A_426 = arith.constant 8 : i32
        %mul3A_427 = arith.muli %scan3A_349, %mul3A_426 : i32
        %add3A_428 = arith.constant 3 : i32
        %add3A_429 = arith.addi %mul3A_427, %add3A_428 : i32
        %mul3A_430 = arith.constant 16 : i32
        %mul3A_431 = arith.muli %add3A_429, %mul3A_430 : i32
        %get3A_432 = arith.constant 1 : i32
        %get3A_433 = arith.index_cast %get3A_432 : i32 to index
        %get3A_434 = arith.index_cast %mul3A_431 : i32 to index
        %get3A_435 = tpu.vector_load %arg9[%get3A_433, %get3A_434] {strides = array<i32>} : memref<2x3200xi32, #tpu.memory_space<vmem>>, vector<16xi32>,
        %gather3A_436 = tpu.vector_load_idx %arg7[%get3A_435] : memref<10240xf32, #tpu.memory_space<vmem>>[vector<16xi32>], vector<16xf32>,
        %get3A_437 = arith.constant 1 : i32
        %get3A_438 = arith.index_cast %get3A_437 : i32 to index
        %get3A_439 = arith.index_cast %mul3A_431 : i32 to index
        %get3A_440 = tpu.vector_load %arg10[%get3A_438, %get3A_439] {strides = array<i32>} : memref<2x3200xi32, #tpu.memory_space<vmem>>, vector<16xi32>,
        %gather3A_441 = tpu.vector_load_idx %arg8[%get3A_440] : memref<10240xf32, #tpu.memory_space<vmem>>[vector<16xi32>], vector<16xf32>,
        %get3A_442 = arith.constant 1 : i32
        %get3A_443 = arith.index_cast %get3A_442 : i32 to index
        %get3A_444 = arith.index_cast %mul3A_431 : i32 to index
        %get3A_445 = tpu.vector_load %arg11[%get3A_443, %get3A_444] {strides = array<i32>} : memref<2x3200xf32, #tpu.memory_space<vmem>>, vector<16xf32>,
        %add3A_446 = arith.addf %get3A_445, %gather3A_436 : vector<16xf32>
        %add3A_447 = arith.addf %add3A_446, %gather3A_441 : vector<16xf32>
        %swap3A_448 = arith.constant 1 : i32
        %swap3A_449 = arith.index_cast %swap3A_448 : i32 to index
        %swap3A_450 = arith.index_cast %mul3A_431 : i32 to index
        %swap3A_451 = tpu.vector_load %arg12[%swap3A_449, %swap3A_450] {strides = array<i32>} : memref<2x3200xf32, #tpu.memory_space<vmem>>, vector<16xf32>,
        tpu.vector_store %arg12[%swap3A_449, %swap3A_450], %add3A_447 {strides = array<i32>} : memref<2x3200xf32, #tpu.memory_space<vmem>>, vector<16xf32>,
        %mul3A_452 = arith.constant 8 : i32
        %mul3A_453 = arith.muli %scan3A_349, %mul3A_452 : i32
        %add3A_454 = arith.constant 4 : i32
        %add3A_455 = arith.addi %mul3A_453, %add3A_454 : i32
        %mul3A_456 = arith.constant 16 : i32
        %mul3A_457 = arith.muli %add3A_455, %mul3A_456 : i32
        %get3A_458 = arith.constant 1 : i32
        %get3A_459 = arith.index_cast %get3A_458 : i32 to index
        %get3A_460 = arith.index_cast %mul3A_457 : i32 to index
        %get3A_461 = tpu.vector_load %arg9[%get3A_459, %get3A_460] {strides = array<i32>} : memref<2x3200xi32, #tpu.memory_space<vmem>>, vector<16xi32>,
        %gather3A_462 = tpu.vector_load_idx %arg7[%get3A_461] : memref<10240xf32, #tpu.memory_space<vmem>>[vector<16xi32>], vector<16xf32>,
        %get3A_463 = arith.constant 1 : i32
        %get3A_464 = arith.index_cast %get3A_463 : i32 to index
        %get3A_465 = arith.index_cast %mul3A_457 : i32 to index
        %get3A_466 = tpu.vector_load %arg10[%get3A_464, %get3A_465] {strides = array<i32>} : memref<2x3200xi32, #tpu.memory_space<vmem>>, vector<16xi32>,
        %gather3A_467 = tpu.vector_load_idx %arg8[%get3A_466] : memref<10240xf32, #tpu.memory_space<vmem>>[vector<16xi32>], vector<16xf32>,
        %get3A_468 = arith.constant 1 : i32
        %get3A_469 = arith.index_cast %get3A_468 : i32 to index
        %get3A_470 = arith.index_cast %mul3A_457 : i32 to index
        %get3A_471 = tpu.vector_load %arg11[%get3A_469, %get3A_470] {strides = array<i32>} : memref<2x3200xf32, #tpu.memory_space<vmem>>, vector<16xf32>,
        %add3A_472 = arith.addf %get3A_471, %gather3A_462 : vector<16xf32>
        %add3A_473 = arith.addf %add3A_472, %gather3A_467 : vector<16xf32>
        %swap3A_474 = arith.constant 1 : i32
        %swap3A_475 = arith.index_cast %swap3A_474 : i32 to index
        %swap3A_476 = arith.index_cast %mul3A_457 : i32 to index
        %swap3A_477 = tpu.vector_load %arg12[%swap3A_475, %swap3A_476] {strides = array<i32>} : memref<2x3200xf32, #tpu.memory_space<vmem>>, vector<16xf32>,
        tpu.vector_store %arg12[%swap3A_475, %swap3A_476], %add3A_473 {strides = array<i32>} : memref<2x3200xf32, #tpu.memory_space<vmem>>, vector<16xf32>,
        %mul3A_478 = arith.constant 8 : i32
        %mul3A_479 = arith.muli %scan3A_349, %mul3A_478 : i32
        %add3A_480 = arith.constant 5 : i32
        %add3A_481 = arith.addi %mul3A_479, %add3A_480 : i32
        %mul3A_482 = arith.constant 16 : i32
        %mul3A_483 = arith.muli %add3A_481, %mul3A_482 : i32
        %get3A_484 = arith.constant 1 : i32
        %get3A_485 = arith.index_cast %get3A_484 : i32 to index
        %get3A_486 = arith.index_cast %mul3A_483 : i32 to index
        %get3A_487 = tpu.vector_load %arg9[%get3A_485, %get3A_486] {strides = array<i32>} : memref<2x3200xi32, #tpu.memory_space<vmem>>, vector<16xi32>,
        %gather3A_488 = tpu.vector_load_idx %arg7[%get3A_487] : memref<10240xf32, #tpu.memory_space<vmem>>[vector<16xi32>], vector<16xf32>,
        %get3A_489 = arith.constant 1 : i32
        %get3A_490 = arith.index_cast %get3A_489 : i32 to index
        %get3A_491 = arith.index_cast %mul3A_483 : i32 to index
        %get3A_492 = tpu.vector_load %arg10[%get3A_490, %get3A_491] {strides = array<i32>} : memref<2x3200xi32, #tpu.memory_space<vmem>>, vector<16xi32>,
        %gather3A_493 = tpu.vector_load_idx %arg8[%get3A_492] : memref<10240xf32, #tpu.memory_space<vmem>>[vector<16xi32>], vector<16xf32>,
        %get3A_494 = arith.constant 1 : i32
        %get3A_495 = arith.index_cast %get3A_494 : i32 to index
        %get3A_496 = arith.index_cast %mul3A_483 : i32 to index
        %get3A_497 = tpu.vector_load %arg11[%get3A_495, %get3A_496] {strides = array<i32>} : memref<2x3200xf32, #tpu.memory_space<vmem>>, vector<16xf32>,
        %add3A_498 = arith.addf %get3A_497, %gather3A_488 : vector<16xf32>
        %add3A_499 = arith.addf %add3A_498, %gather3A_493 : vector<16xf32>
        %swap3A_500 = arith.constant 1 : i32
        %swap3A_501 = arith.index_cast %swap3A_500 : i32 to index
        %swap3A_502 = arith.index_cast %mul3A_483 : i32 to index
        %swap3A_503 = tpu.vector_load %arg12[%swap3A_501, %swap3A_502] {strides = array<i32>} : memref<2x3200xf32, #tpu.memory_space<vmem>>, vector<16xf32>,
        tpu.vector_store %arg12[%swap3A_501, %swap3A_502], %add3A_499 {strides = array<i32>} : memref<2x3200xf32, #tpu.memory_space<vmem>>, vector<16xf32>,
        %mul3A_504 = arith.constant 8 : i32
        %mul3A_505 = arith.muli %scan3A_349, %mul3A_504 : i32
        %add3A_506 = arith.constant 6 : i32
        %add3A_507 = arith.addi %mul3A_505, %add3A_506 : i32
        %mul3A_508 = arith.constant 16 : i32
        %mul3A_509 = arith.muli %add3A_507, %mul3A_508 : i32
        %get3A_510 = arith.constant 1 : i32
        %get3A_511 = arith.index_cast %get3A_510 : i32 to index
        %get3A_512 = arith.index_cast %mul3A_509 : i32 to index
        %get3A_513 = tpu.vector_load %arg9[%get3A_511, %get3A_512] {strides = array<i32>} : memref<2x3200xi32, #tpu.memory_space<vmem>>, vector<16xi32>,
        %gather3A_514 = tpu.vector_load_idx %arg7[%get3A_513] : memref<10240xf32, #tpu.memory_space<vmem>>[vector<16xi32>], vector<16xf32>,
        %get3A_515 = arith.constant 1 : i32
        %get3A_516 = arith.index_cast %get3A_515 : i32 to index
        %get3A_517 = arith.index_cast %mul3A_509 : i32 to index
        %get3A_518 = tpu.vector_load %arg10[%get3A_516, %get3A_517] {strides = array<i32>} : memref<2x3200xi32, #tpu.memory_space<vmem>>, vector<16xi32>,
        %gather3A_519 = tpu.vector_load_idx %arg8[%get3A_518] : memref<10240xf32, #tpu.memory_space<vmem>>[vector<16xi32>], vector<16xf32>,
        %get3A_520 = arith.constant 1 : i32
        %get3A_521 = arith.index_cast %get3A_520 : i32 to index
        %get3A_522 = arith.index_cast %mul3A_509 : i32 to index
        %get3A_523 = tpu.vector_load %arg11[%get3A_521, %get3A_522] {strides = array<i32>} : memref<2x3200xf32, #tpu.memory_space<vmem>>, vector<16xf32>,
        %add3A_524 = arith.addf %get3A_523, %gather3A_514 : vector<16xf32>
        %add3A_525 = arith.addf %add3A_524, %gather3A_519 : vector<16xf32>
        %swap3A_526 = arith.constant 1 : i32
        %swap3A_527 = arith.index_cast %swap3A_526 : i32 to index
        %swap3A_528 = arith.index_cast %mul3A_509 : i32 to index
        %swap3A_529 = tpu.vector_load %arg12[%swap3A_527, %swap3A_528] {strides = array<i32>} : memref<2x3200xf32, #tpu.memory_space<vmem>>, vector<16xf32>,
        tpu.vector_store %arg12[%swap3A_527, %swap3A_528], %add3A_525 {strides = array<i32>} : memref<2x3200xf32, #tpu.memory_space<vmem>>, vector<16xf32>,
        %mul3A_530 = arith.constant 8 : i32
        %mul3A_531 = arith.muli %scan3A_349, %mul3A_530 : i32
        %add3A_532 = arith.constant 7 : i32
        %add3A_533 = arith.addi %mul3A_531, %add3A_532 : i32
        %mul3A_534 = arith.constant 16 : i32
        %mul3A_535 = arith.muli %add3A_533, %mul3A_534 : i32
        %get3A_536 = arith.constant 1 : i32
        %get3A_537 = arith.index_cast %get3A_536 : i32 to index
        %get3A_538 = arith.index_cast %mul3A_535 : i32 to index
        %get3A_539 = tpu.vector_load %arg9[%get3A_537, %get3A_538] {strides = array<i32>} : memref<2x3200xi32, #tpu.memory_space<vmem>>, vector<16xi32>,
        %gather3A_540 = tpu.vector_load_idx %arg7[%get3A_539] : memref<10240xf32, #tpu.memory_space<vmem>>[vector<16xi32>], vector<16xf32>,
        %get3A_541 = arith.constant 1 : i32
        %get3A_542 = arith.index_cast %get3A_541 : i32 to index
        %get3A_543 = arith.index_cast %mul3A_535 : i32 to index
        %get3A_544 = tpu.vector_load %arg10[%get3A_542, %get3A_543] {strides = array<i32>} : memref<2x3200xi32, #tpu.memory_space<vmem>>, vector<16xi32>,
        %gather3A_545 = tpu.vector_load_idx %arg8[%get3A_544] : memref<10240xf32, #tpu.memory_space<vmem>>[vector<16xi32>], vector<16xf32>,
        %get3A_546 = arith.constant 1 : i32
        %get3A_547 = arith.index_cast %get3A_546 : i32 to index
        %get3A_548 = arith.index_cast %mul3A_535 : i32 to index
        %get3A_549 = tpu.vector_load %arg11[%get3A_547, %get3A_548] {strides = array<i32>} : memref<2x3200xf32, #tpu.memory_space<vmem>>, vector<16xf32>,
        %add3A_550 = arith.addf %get3A_549, %gather3A_540 : vector<16xf32>
        %add3A_551 = arith.addf %add3A_550, %gather3A_545 : vector<16xf32>
        %swap3A_552 = arith.constant 1 : i32
        %swap3A_553 = arith.index_cast %swap3A_552 : i32 to index
        %swap3A_554 = arith.index_cast %mul3A_535 : i32 to index
        %swap3A_555 = tpu.vector_load %arg12[%swap3A_553, %swap3A_554] {strides = array<i32>} : memref<2x3200xf32, #tpu.memory_space<vmem>>, vector<16xf32>,
        tpu.vector_store %arg12[%swap3A_553, %swap3A_554], %add3A_551 {strides = array<i32>} : memref<2x3200xf32, #tpu.memory_space<vmem>>, vector<16xf32>,
        %scan3A_556 = arith.constant 0 : i32
        scf.yield %scan3A_556 : i32
      }
      %scan3A_318 = arith.constant 25 : i32
      %add3A_319 = arith.constant 9600 : i32
      %add3A_320 = arith.addi %mul3A_4, %add3A_319 : i32
      %multiple_of3A_321 = tpu.assume_multiple %add3A_320, 128 : i32
      %dma_start3A_322 = arith.constant 1 : i32
      %dma_start3A_323 = arith.constant 0 : i32
      %dma_start3A_324 = tpu.memref_slice %arg12[%dma_start3A_322, %dma_start3A_323] : memref<2x3200xf32, #tpu.memory_space<vmem>> -> memref<1x3200xf32, #tpu.memory_space<vmem>>
      %dma_start3A_325 = tpu.memref_squeeze %dma_start3A_324 : memref<1x3200xf32, #tpu.memory_space<vmem>> -> memref<3200xf32, #tpu.memory_space<vmem>>
      %dma_start3A_326 = tpu.memref_slice %arg6[%multiple_of3A_321] : memref<320000xf32, #tpu.memory_space<hbm>> -> memref<3200xf32, #tpu.memory_space<hbm>>
      %dma_start3A_327 = tpu.memref_slice %arg6[%multiple_of3A_321] : memref<320000xf32, #tpu.memory_space<hbm>> -> memref<3200xf32, #tpu.memory_space<hbm>>
      %dma_start3A_328 = arith.constant 0 : i32
      %dma_start3A_329 = tpu.memref_slice %arg12[%dma_start3A_322, %dma_start3A_328] : memref<2x3200xf32, #tpu.memory_space<vmem>> -> memref<1x3200xf32, #tpu.memory_space<vmem>>
      %dma_start3A_330 = tpu.memref_squeeze %dma_start3A_329 : memref<1x3200xf32, #tpu.memory_space<vmem>> -> memref<3200xf32, #tpu.memory_space<vmem>>
      tpu.enqueue_dma source(%dma_start3A_330 : memref<3200xf32, #tpu.memory_space<vmem>>) target(%dma_start3A_327 : memref<3200xf32, #tpu.memory_space<hbm>>) target_semaphore(%arg16 : memref<!tpu.dma_semaphore, #tpu.memory_space<semaphore_mem>>)
      %dma_wait3A_331 = arith.constant 0 : i32
      %dma_wait3A_332 = arith.constant 0 : i32
      %dma_wait3A_333 = tpu.memref_slice %arg12[%dma_wait3A_331, %dma_wait3A_332] : memref<2x3200xf32, #tpu.memory_space<vmem>> -> memref<1x3200xf32, #tpu.memory_space<vmem>>
      %dma_wait3A_334 = tpu.memref_squeeze %dma_wait3A_333 : memref<1x3200xf32, #tpu.memory_space<vmem>> -> memref<3200xf32, #tpu.memory_space<vmem>>
      %dma_wait3A_335 = tpu.memref_slice %arg6[%multiple_of3A_266] : memref<320000xf32, #tpu.memory_space<hbm>> -> memref<3200xf32, #tpu.memory_space<hbm>>
      %dma_wait3A_336 = tpu.memref_slice %arg6[%multiple_of3A_266] : memref<320000xf32, #tpu.memory_space<hbm>> -> memref<3200xf32, #tpu.memory_space<hbm>>
      %dma_wait3A_337 = arith.constant 0 : i32
      %dma_wait3A_338 = tpu.memref_slice %arg12[%dma_wait3A_331, %dma_wait3A_337] : memref<2x3200xf32, #tpu.memory_space<vmem>> -> memref<1x3200xf32, #tpu.memory_space<vmem>>
      %dma_wait3A_339 = tpu.memref_squeeze %dma_wait3A_338 : memref<1x3200xf32, #tpu.memory_space<vmem>> -> memref<3200xf32, #tpu.memory_space<vmem>>
      tpu.wait_dma2 semaphore(%arg15 : memref<!tpu.dma_semaphore, #tpu.memory_space<semaphore_mem>>) src(%dma_wait3A_339 : memref<3200xf32, #tpu.memory_space<vmem>>) dst(%dma_wait3A_336 : memref<3200xf32, #tpu.memory_space<hbm>>)
      %dma_wait3A_340 = arith.constant 1 : i32
      %dma_wait3A_341 = arith.constant 0 : i32
      %dma_wait3A_342 = tpu.memref_slice %arg12[%dma_wait3A_340, %dma_wait3A_341] : memref<2x3200xf32, #tpu.memory_space<vmem>> -> memref<1x3200xf32, #tpu.memory_space<vmem>>
      %dma_wait3A_343 = tpu.memref_squeeze %dma_wait3A_342 : memref<1x3200xf32, #tpu.memory_space<vmem>> -> memref<3200xf32, #tpu.memory_space<vmem>>
      %dma_wait3A_344 = tpu.memref_slice %arg6[%multiple_of3A_321] : memref<320000xf32, #tpu.memory_space<hbm>> -> memref<3200xf32, #tpu.memory_space<hbm>>
      %dma_wait3A_345 = tpu.memref_slice %arg6[%multiple_of3A_321] : memref<320000xf32, #tpu.memory_space<hbm>> -> memref<3200xf32, #tpu.memory_space<hbm>>
      %dma_wait3A_346 = arith.constant 0 : i32
      %dma_wait3A_347 = tpu.memref_slice %arg12[%dma_wait3A_340, %dma_wait3A_346] : memref<2x3200xf32, #tpu.memory_space<vmem>> -> memref<1x3200xf32, #tpu.memory_space<vmem>>
      %dma_wait3A_348 = tpu.memref_squeeze %dma_wait3A_347 : memref<1x3200xf32, #tpu.memory_space<vmem>> -> memref<3200xf32, #tpu.memory_space<vmem>>
      tpu.wait_dma2 semaphore(%arg16 : memref<!tpu.dma_semaphore, #tpu.memory_space<semaphore_mem>>) src(%dma_wait3A_348 : memref<3200xf32, #tpu.memory_space<vmem>>) dst(%dma_wait3A_345 : memref<3200xf32, #tpu.memory_space<hbm>>)
    } else {
    }
    return
  }
}

#map = affine_map<(d0, d1) -> (0)>
#map1 = affine_map<(d0, d1) -> (0, 0)>
module attributes {stable_mosaic.version = 14 : i64} {
  func.func @_sc_gate(%arg0: i32, %arg1: i32, %arg2: memref<320000xf32, #tpu.memory_space<hbm>>, %arg3: memref<8x320000xf32, #tpu.memory_space<hbm>>, %arg4: memref<320000xf32, #tpu.memory_space<hbm>>, %arg5: memref<25x16xf32, #tpu.memory_space<hbm>>, %arg6: memref<2x3200xf32, #tpu.memory_space<vmem>>, %arg7: memref<2x8x3200xf32, #tpu.memory_space<vmem>>, %arg8: memref<2x3200xf32, #tpu.memory_space<vmem>>, %arg9: memref<16xf32, #tpu.memory_space<vmem>>, %arg10: memref<!tpu.dma_semaphore, #tpu.memory_space<semaphore_mem>>, %arg11: memref<!tpu.dma_semaphore, #tpu.memory_space<semaphore_mem>>, %arg12: memref<!tpu.dma_semaphore, #tpu.memory_space<semaphore_mem>>, %arg13: memref<!tpu.dma_semaphore, #tpu.memory_space<semaphore_mem>>) attributes {dimension_semantics = [#tpu.dimension_semantics<core_parallel>, #tpu.dimension_semantics<subcore_parallel>], iteration_bounds = array<i64: 2, 16>, scalar_prefetch = 0 : i64, scratch_operands = 8 : i64, tpu.core_type = #tpu.core_type<sc_vector_subcore>, window_params = [{transform_indices = #map}, {transform_indices = #map1}, {transform_indices = #map}, {transform_indices = #map1}]} {
    %mul3A = arith.constant 2 : i32
    %mul3A_0 = arith.muli %arg1, %mul3A : i32
    %add3A = arith.addi %mul3A_0, %arg0 : i32
    %lt3A = arith.constant 25 : i32
    %lt3A_1 = arith.cmpi slt, %add3A, %lt3A : i32
    %convert_element_type3A = arith.extui %lt3A_1 : i1 to i32
    %cond3A = arith.constant 0 : i32
    %cond3A_2 = arith.cmpi ne, %convert_element_type3A, %cond3A : i32
    scf.if %cond3A_2 {
      %mul3A_3 = arith.constant 12800 : i32
      %mul3A_4 = arith.muli %add3A, %mul3A_3 : i32
      %add3A_5 = arith.constant 0 : i32
      %add3A_6 = arith.addi %mul3A_4, %add3A_5 : i32
      %multiple_of3A = tpu.assume_multiple %add3A_6, 128 : i32
      %dma_start3A = arith.constant 0 : i32
      %dma_start3A_7 = arith.constant 0 : i32
      %dma_start3A_8 = arith.constant 0 : i32
      %dma_start3A_9 = tpu.memref_slice %arg7[%dma_start3A, %dma_start3A_7, %dma_start3A_8] : memref<2x8x3200xf32, #tpu.memory_space<vmem>> -> memref<1x8x3200xf32, #tpu.memory_space<vmem>>
      %dma_start3A_10 = tpu.memref_squeeze %dma_start3A_9 : memref<1x8x3200xf32, #tpu.memory_space<vmem>> -> memref<8x3200xf32, #tpu.memory_space<vmem>>
      %dma_start3A_11 = arith.constant 0 : i32
      %dma_start3A_12 = tpu.memref_slice %arg3[%dma_start3A_11, %multiple_of3A] : memref<8x320000xf32, #tpu.memory_space<hbm>> -> memref<8x3200xf32, #tpu.memory_space<hbm>>
      %dma_start3A_13 = arith.constant 0 : i32
      %dma_start3A_14 = arith.constant 0 : i32
      %dma_start3A_15 = tpu.memref_slice %arg7[%dma_start3A, %dma_start3A_13, %dma_start3A_14] : memref<2x8x3200xf32, #tpu.memory_space<vmem>> -> memref<1x8x3200xf32, #tpu.memory_space<vmem>>
      %dma_start3A_16 = tpu.memref_squeeze %dma_start3A_15 : memref<1x8x3200xf32, #tpu.memory_space<vmem>> -> memref<8x3200xf32, #tpu.memory_space<vmem>>
      %dma_start3A_17 = arith.constant 0 : i32
      %dma_start3A_18 = tpu.memref_slice %arg3[%dma_start3A_17, %multiple_of3A] : memref<8x320000xf32, #tpu.memory_space<hbm>> -> memref<8x3200xf32, #tpu.memory_space<hbm>>
      tpu.enqueue_dma source(%dma_start3A_18 : memref<8x3200xf32, #tpu.memory_space<hbm>>) target(%dma_start3A_16 : memref<8x3200xf32, #tpu.memory_space<vmem>>) target_semaphore(%arg10 : memref<!tpu.dma_semaphore, #tpu.memory_space<semaphore_mem>>)
      %dma_start3A_19 = arith.constant 0 : i32
      %dma_start3A_20 = arith.constant 0 : i32
      %dma_start3A_21 = tpu.memref_slice %arg6[%dma_start3A_19, %dma_start3A_20] : memref<2x3200xf32, #tpu.memory_space<vmem>> -> memref<1x3200xf32, #tpu.memory_space<vmem>>
      %dma_start3A_22 = tpu.memref_squeeze %dma_start3A_21 : memref<1x3200xf32, #tpu.memory_space<vmem>> -> memref<3200xf32, #tpu.memory_space<vmem>>
      %dma_start3A_23 = tpu.memref_slice %arg2[%multiple_of3A] : memref<320000xf32, #tpu.memory_space<hbm>> -> memref<3200xf32, #tpu.memory_space<hbm>>
      %dma_start3A_24 = arith.constant 0 : i32
      %dma_start3A_25 = tpu.memref_slice %arg6[%dma_start3A_19, %dma_start3A_24] : memref<2x3200xf32, #tpu.memory_space<vmem>> -> memref<1x3200xf32, #tpu.memory_space<vmem>>
      %dma_start3A_26 = tpu.memref_squeeze %dma_start3A_25 : memref<1x3200xf32, #tpu.memory_space<vmem>> -> memref<3200xf32, #tpu.memory_space<vmem>>
      %dma_start3A_27 = tpu.memref_slice %arg2[%multiple_of3A] : memref<320000xf32, #tpu.memory_space<hbm>> -> memref<3200xf32, #tpu.memory_space<hbm>>
      tpu.enqueue_dma source(%dma_start3A_27 : memref<3200xf32, #tpu.memory_space<hbm>>) target(%dma_start3A_26 : memref<3200xf32, #tpu.memory_space<vmem>>) target_semaphore(%arg10 : memref<!tpu.dma_semaphore, #tpu.memory_space<semaphore_mem>>)
      %broadcast_in_dim3A = arith.constant 0.000000e+00 : f32
      %broadcast_in_dim3A_28 = vector.broadcast %broadcast_in_dim3A : f32 to vector<16xf32>
      %add3A_29 = arith.constant 3200 : i32
      %add3A_30 = arith.addi %mul3A_4, %add3A_29 : i32
      %multiple_of3A_31 = tpu.assume_multiple %add3A_30, 128 : i32
      %dma_start3A_32 = arith.constant 1 : i32
      %dma_start3A_33 = arith.constant 0 : i32
      %dma_start3A_34 = arith.constant 0 : i32
      %dma_start3A_35 = tpu.memref_slice %arg7[%dma_start3A_32, %dma_start3A_33, %dma_start3A_34] : memref<2x8x3200xf32, #tpu.memory_space<vmem>> -> memref<1x8x3200xf32, #tpu.memory_space<vmem>>
      %dma_start3A_36 = tpu.memref_squeeze %dma_start3A_35 : memref<1x8x3200xf32, #tpu.memory_space<vmem>> -> memref<8x3200xf32, #tpu.memory_space<vmem>>
      %dma_start3A_37 = arith.constant 0 : i32
      %dma_start3A_38 = tpu.memref_slice %arg3[%dma_start3A_37, %multiple_of3A_31] : memref<8x320000xf32, #tpu.memory_space<hbm>> -> memref<8x3200xf32, #tpu.memory_space<hbm>>
      %dma_start3A_39 = arith.constant 0 : i32
      %dma_start3A_40 = arith.constant 0 : i32
      %dma_start3A_41 = tpu.memref_slice %arg7[%dma_start3A_32, %dma_start3A_39, %dma_start3A_40] : memref<2x8x3200xf32, #tpu.memory_space<vmem>> -> memref<1x8x3200xf32, #tpu.memory_space<vmem>>
      %dma_start3A_42 = tpu.memref_squeeze %dma_start3A_41 : memref<1x8x3200xf32, #tpu.memory_space<vmem>> -> memref<8x3200xf32, #tpu.memory_space<vmem>>
      %dma_start3A_43 = arith.constant 0 : i32
      %dma_start3A_44 = tpu.memref_slice %arg3[%dma_start3A_43, %multiple_of3A_31] : memref<8x320000xf32, #tpu.memory_space<hbm>> -> memref<8x3200xf32, #tpu.memory_space<hbm>>
      tpu.enqueue_dma source(%dma_start3A_44 : memref<8x3200xf32, #tpu.memory_space<hbm>>) target(%dma_start3A_42 : memref<8x3200xf32, #tpu.memory_space<vmem>>) target_semaphore(%arg11 : memref<!tpu.dma_semaphore, #tpu.memory_space<semaphore_mem>>)
      %dma_start3A_45 = arith.constant 1 : i32
      %dma_start3A_46 = arith.constant 0 : i32
      %dma_start3A_47 = tpu.memref_slice %arg6[%dma_start3A_45, %dma_start3A_46] : memref<2x3200xf32, #tpu.memory_space<vmem>> -> memref<1x3200xf32, #tpu.memory_space<vmem>>
      %dma_start3A_48 = tpu.memref_squeeze %dma_start3A_47 : memref<1x3200xf32, #tpu.memory_space<vmem>> -> memref<3200xf32, #tpu.memory_space<vmem>>
      %dma_start3A_49 = tpu.memref_slice %arg2[%multiple_of3A_31] : memref<320000xf32, #tpu.memory_space<hbm>> -> memref<3200xf32, #tpu.memory_space<hbm>>
      %dma_start3A_50 = arith.constant 0 : i32
      %dma_start3A_51 = tpu.memref_slice %arg6[%dma_start3A_45, %dma_start3A_50] : memref<2x3200xf32, #tpu.memory_space<vmem>> -> memref<1x3200xf32, #tpu.memory_space<vmem>>
      %dma_start3A_52 = tpu.memref_squeeze %dma_start3A_51 : memref<1x3200xf32, #tpu.memory_space<vmem>> -> memref<3200xf32, #tpu.memory_space<vmem>>
      %dma_start3A_53 = tpu.memref_slice %arg2[%multiple_of3A_31] : memref<320000xf32, #tpu.memory_space<hbm>> -> memref<3200xf32, #tpu.memory_space<hbm>>
      tpu.enqueue_dma source(%dma_start3A_53 : memref<3200xf32, #tpu.memory_space<hbm>>) target(%dma_start3A_52 : memref<3200xf32, #tpu.memory_space<vmem>>) target_semaphore(%arg11 : memref<!tpu.dma_semaphore, #tpu.memory_space<semaphore_mem>>)
      %dma_wait3A = arith.constant 0 : i32
      %dma_wait3A_54 = arith.constant 0 : i32
      %dma_wait3A_55 = arith.constant 0 : i32
      %dma_wait3A_56 = tpu.memref_slice %arg7[%dma_wait3A, %dma_wait3A_54, %dma_wait3A_55] : memref<2x8x3200xf32, #tpu.memory_space<vmem>> -> memref<1x8x3200xf32, #tpu.memory_space<vmem>>
      %dma_wait3A_57 = tpu.memref_squeeze %dma_wait3A_56 : memref<1x8x3200xf32, #tpu.memory_space<vmem>> -> memref<8x3200xf32, #tpu.memory_space<vmem>>
      %dma_wait3A_58 = arith.constant 0 : i32
      %dma_wait3A_59 = tpu.memref_slice %arg3[%dma_wait3A_58, %multiple_of3A] : memref<8x320000xf32, #tpu.memory_space<hbm>> -> memref<8x3200xf32, #tpu.memory_space<hbm>>
      %dma_wait3A_60 = arith.constant 0 : i32
      %dma_wait3A_61 = arith.constant 0 : i32
      %dma_wait3A_62 = tpu.memref_slice %arg7[%dma_wait3A, %dma_wait3A_60, %dma_wait3A_61] : memref<2x8x3200xf32, #tpu.memory_space<vmem>> -> memref<1x8x3200xf32, #tpu.memory_space<vmem>>
      %dma_wait3A_63 = tpu.memref_squeeze %dma_wait3A_62 : memref<1x8x3200xf32, #tpu.memory_space<vmem>> -> memref<8x3200xf32, #tpu.memory_space<vmem>>
      %dma_wait3A_64 = arith.constant 0 : i32
      %dma_wait3A_65 = tpu.memref_slice %arg3[%dma_wait3A_64, %multiple_of3A] : memref<8x320000xf32, #tpu.memory_space<hbm>> -> memref<8x3200xf32, #tpu.memory_space<hbm>>
      tpu.wait_dma2 semaphore(%arg10 : memref<!tpu.dma_semaphore, #tpu.memory_space<semaphore_mem>>) src(%dma_wait3A_65 : memref<8x3200xf32, #tpu.memory_space<hbm>>) dst(%dma_wait3A_63 : memref<8x3200xf32, #tpu.memory_space<vmem>>)
      %dma_wait3A_66 = arith.constant 0 : i32
      %dma_wait3A_67 = arith.constant 0 : i32
      %dma_wait3A_68 = tpu.memref_slice %arg6[%dma_wait3A_66, %dma_wait3A_67] : memref<2x3200xf32, #tpu.memory_space<vmem>> -> memref<1x3200xf32, #tpu.memory_space<vmem>>
      %dma_wait3A_69 = tpu.memref_squeeze %dma_wait3A_68 : memref<1x3200xf32, #tpu.memory_space<vmem>> -> memref<3200xf32, #tpu.memory_space<vmem>>
      %dma_wait3A_70 = tpu.memref_slice %arg2[%multiple_of3A] : memref<320000xf32, #tpu.memory_space<hbm>> -> memref<3200xf32, #tpu.memory_space<hbm>>
      %dma_wait3A_71 = arith.constant 0 : i32
      %dma_wait3A_72 = tpu.memref_slice %arg6[%dma_wait3A_66, %dma_wait3A_71] : memref<2x3200xf32, #tpu.memory_space<vmem>> -> memref<1x3200xf32, #tpu.memory_space<vmem>>
      %dma_wait3A_73 = tpu.memref_squeeze %dma_wait3A_72 : memref<1x3200xf32, #tpu.memory_space<vmem>> -> memref<3200xf32, #tpu.memory_space<vmem>>
      %dma_wait3A_74 = tpu.memref_slice %arg2[%multiple_of3A] : memref<320000xf32, #tpu.memory_space<hbm>> -> memref<3200xf32, #tpu.memory_space<hbm>>
      tpu.wait_dma2 semaphore(%arg10 : memref<!tpu.dma_semaphore, #tpu.memory_space<semaphore_mem>>) src(%dma_wait3A_74 : memref<3200xf32, #tpu.memory_space<hbm>>) dst(%dma_wait3A_73 : memref<3200xf32, #tpu.memory_space<vmem>>)
      %scan3A = arith.constant 0 : i32
      %scan3A_75 = arith.constant 25 : i32
      %scan3A_76 = arith.addi %scan3A, %scan3A_75 : i32
      %scan3A_77 = arith.constant 1 : i32
      %scan3A_78 = scf.for %scan3A_299 = %scan3A to %scan3A_76 step %scan3A_77 iter_args(%scan3A_300 = %broadcast_in_dim3A_28) -> (vector<16xf32>)  : i32 {
        %mul3A_301 = arith.constant 8 : i32
        %mul3A_302 = arith.muli %scan3A_299, %mul3A_301 : i32
        %add3A_303 = arith.constant 0 : i32
        %add3A_304 = arith.addi %mul3A_302, %add3A_303 : i32
        %mul3A_305 = arith.constant 16 : i32
        %mul3A_306 = arith.muli %add3A_304, %mul3A_305 : i32
        %get3A = arith.constant 0 : i32
        %get3A_307 = arith.constant 0 : i32
        %get3A_308 = arith.index_cast %get3A : i32 to index
        %get3A_309 = arith.index_cast %get3A_307 : i32 to index
        %get3A_310 = arith.index_cast %mul3A_306 : i32 to index
        %get3A_311 = tpu.vector_load %arg7[%get3A_308, %get3A_309, %get3A_310] {strides = array<i32>} : memref<2x8x3200xf32, #tpu.memory_space<vmem>>, vector<16xf32>,
        %get3A_312 = arith.constant 0 : i32
        %get3A_313 = arith.index_cast %get3A_312 : i32 to index
        %get3A_314 = arith.index_cast %mul3A_306 : i32 to index
        %get3A_315 = tpu.vector_load %arg6[%get3A_313, %get3A_314] {strides = array<i32>} : memref<2x3200xf32, #tpu.memory_space<vmem>>, vector<16xf32>,
        %add3A_316 = arith.addf %get3A_311, %get3A_315 : vector<16xf32>
        %mul3A_317 = arith.constant 2.000000e+00 : f32
        %mul3A_318 = vector.broadcast %mul3A_317 : f32 to vector<16xf32>
        %mul3A_319 = arith.mulf %add3A_316, %mul3A_318 : vector<16xf32>
        %neg3A = arith.constant 0.000000e+00 : f32
        %neg3A_320 = vector.broadcast %neg3A : f32 to vector<16xf32>
        %neg3A_321 = arith.subf %neg3A_320, %mul3A_319 : vector<16xf32>
        %exp3A = math.exp %neg3A_321 : vector<16xf32>
        %add3A_322 = arith.constant 1.000000e+00 : f32
        %add3A_323 = vector.broadcast %add3A_322 : f32 to vector<16xf32>
        %add3A_324 = arith.addf %add3A_323, %exp3A : vector<16xf32>
        %div3A = arith.constant 1.000000e+00 : f32
        %div3A_325 = vector.broadcast %div3A : f32 to vector<16xf32>
        %div3A_326 = arith.divf %div3A_325, %add3A_324 : vector<16xf32>
        %swap3A_327 = arith.constant 0 : i32
        %swap3A_328 = arith.index_cast %swap3A_327 : i32 to index
        %swap3A_329 = arith.index_cast %mul3A_306 : i32 to index
        %swap3A_330 = tpu.vector_load %arg8[%swap3A_328, %swap3A_329] {strides = array<i32>} : memref<2x3200xf32, #tpu.memory_space<vmem>>, vector<16xf32>,
        tpu.vector_store %arg8[%swap3A_328, %swap3A_329], %div3A_326 {strides = array<i32>} : memref<2x3200xf32, #tpu.memory_space<vmem>>, vector<16xf32>,
        %add3A_331 = arith.addf %scan3A_300, %div3A_326 : vector<16xf32>
        %mul3A_332 = arith.constant 8 : i32
        %mul3A_333 = arith.muli %scan3A_299, %mul3A_332 : i32
        %add3A_334 = arith.constant 1 : i32
        %add3A_335 = arith.addi %mul3A_333, %add3A_334 : i32
        %mul3A_336 = arith.constant 16 : i32
        %mul3A_337 = arith.muli %add3A_335, %mul3A_336 : i32
        %get3A_338 = arith.constant 0 : i32
        %get3A_339 = arith.constant 0 : i32
        %get3A_340 = arith.index_cast %get3A_338 : i32 to index
        %get3A_341 = arith.index_cast %get3A_339 : i32 to index
        %get3A_342 = arith.index_cast %mul3A_337 : i32 to index
        %get3A_343 = tpu.vector_load %arg7[%get3A_340, %get3A_341, %get3A_342] {strides = array<i32>} : memref<2x8x3200xf32, #tpu.memory_space<vmem>>, vector<16xf32>,
        %get3A_344 = arith.constant 0 : i32
        %get3A_345 = arith.index_cast %get3A_344 : i32 to index
        %get3A_346 = arith.index_cast %mul3A_337 : i32 to index
        %get3A_347 = tpu.vector_load %arg6[%get3A_345, %get3A_346] {strides = array<i32>} : memref<2x3200xf32, #tpu.memory_space<vmem>>, vector<16xf32>,
        %add3A_348 = arith.addf %get3A_343, %get3A_347 : vector<16xf32>
        %mul3A_349 = arith.constant 2.000000e+00 : f32
        %mul3A_350 = vector.broadcast %mul3A_349 : f32 to vector<16xf32>
        %mul3A_351 = arith.mulf %add3A_348, %mul3A_350 : vector<16xf32>
        %neg3A_352 = arith.constant 0.000000e+00 : f32
        %neg3A_353 = vector.broadcast %neg3A_352 : f32 to vector<16xf32>
        %neg3A_354 = arith.subf %neg3A_353, %mul3A_351 : vector<16xf32>
        %exp3A_355 = math.exp %neg3A_354 : vector<16xf32>
        %add3A_356 = arith.constant 1.000000e+00 : f32
        %add3A_357 = vector.broadcast %add3A_356 : f32 to vector<16xf32>
        %add3A_358 = arith.addf %add3A_357, %exp3A_355 : vector<16xf32>
        %div3A_359 = arith.constant 1.000000e+00 : f32
        %div3A_360 = vector.broadcast %div3A_359 : f32 to vector<16xf32>
        %div3A_361 = arith.divf %div3A_360, %add3A_358 : vector<16xf32>
        %swap3A_362 = arith.constant 0 : i32
        %swap3A_363 = arith.index_cast %swap3A_362 : i32 to index
        %swap3A_364 = arith.index_cast %mul3A_337 : i32 to index
        %swap3A_365 = tpu.vector_load %arg8[%swap3A_363, %swap3A_364] {strides = array<i32>} : memref<2x3200xf32, #tpu.memory_space<vmem>>, vector<16xf32>,
        tpu.vector_store %arg8[%swap3A_363, %swap3A_364], %div3A_361 {strides = array<i32>} : memref<2x3200xf32, #tpu.memory_space<vmem>>, vector<16xf32>,
        %add3A_366 = arith.addf %add3A_331, %div3A_361 : vector<16xf32>
        %mul3A_367 = arith.constant 8 : i32
        %mul3A_368 = arith.muli %scan3A_299, %mul3A_367 : i32
        %add3A_369 = arith.constant 2 : i32
        %add3A_370 = arith.addi %mul3A_368, %add3A_369 : i32
        %mul3A_371 = arith.constant 16 : i32
        %mul3A_372 = arith.muli %add3A_370, %mul3A_371 : i32
        %get3A_373 = arith.constant 0 : i32
        %get3A_374 = arith.constant 0 : i32
        %get3A_375 = arith.index_cast %get3A_373 : i32 to index
        %get3A_376 = arith.index_cast %get3A_374 : i32 to index
        %get3A_377 = arith.index_cast %mul3A_372 : i32 to index
        %get3A_378 = tpu.vector_load %arg7[%get3A_375, %get3A_376, %get3A_377] {strides = array<i32>} : memref<2x8x3200xf32, #tpu.memory_space<vmem>>, vector<16xf32>,
        %get3A_379 = arith.constant 0 : i32
        %get3A_380 = arith.index_cast %get3A_379 : i32 to index
        %get3A_381 = arith.index_cast %mul3A_372 : i32 to index
        %get3A_382 = tpu.vector_load %arg6[%get3A_380, %get3A_381] {strides = array<i32>} : memref<2x3200xf32, #tpu.memory_space<vmem>>, vector<16xf32>,
        %add3A_383 = arith.addf %get3A_378, %get3A_382 : vector<16xf32>
        %mul3A_384 = arith.constant 2.000000e+00 : f32
        %mul3A_385 = vector.broadcast %mul3A_384 : f32 to vector<16xf32>
        %mul3A_386 = arith.mulf %add3A_383, %mul3A_385 : vector<16xf32>
        %neg3A_387 = arith.constant 0.000000e+00 : f32
        %neg3A_388 = vector.broadcast %neg3A_387 : f32 to vector<16xf32>
        %neg3A_389 = arith.subf %neg3A_388, %mul3A_386 : vector<16xf32>
        %exp3A_390 = math.exp %neg3A_389 : vector<16xf32>
        %add3A_391 = arith.constant 1.000000e+00 : f32
        %add3A_392 = vector.broadcast %add3A_391 : f32 to vector<16xf32>
        %add3A_393 = arith.addf %add3A_392, %exp3A_390 : vector<16xf32>
        %div3A_394 = arith.constant 1.000000e+00 : f32
        %div3A_395 = vector.broadcast %div3A_394 : f32 to vector<16xf32>
        %div3A_396 = arith.divf %div3A_395, %add3A_393 : vector<16xf32>
        %swap3A_397 = arith.constant 0 : i32
        %swap3A_398 = arith.index_cast %swap3A_397 : i32 to index
        %swap3A_399 = arith.index_cast %mul3A_372 : i32 to index
        %swap3A_400 = tpu.vector_load %arg8[%swap3A_398, %swap3A_399] {strides = array<i32>} : memref<2x3200xf32, #tpu.memory_space<vmem>>, vector<16xf32>,
        tpu.vector_store %arg8[%swap3A_398, %swap3A_399], %div3A_396 {strides = array<i32>} : memref<2x3200xf32, #tpu.memory_space<vmem>>, vector<16xf32>,
        %add3A_401 = arith.addf %add3A_366, %div3A_396 : vector<16xf32>
        %mul3A_402 = arith.constant 8 : i32
        %mul3A_403 = arith.muli %scan3A_299, %mul3A_402 : i32
        %add3A_404 = arith.constant 3 : i32
        %add3A_405 = arith.addi %mul3A_403, %add3A_404 : i32
        %mul3A_406 = arith.constant 16 : i32
        %mul3A_407 = arith.muli %add3A_405, %mul3A_406 : i32
        %get3A_408 = arith.constant 0 : i32
        %get3A_409 = arith.constant 0 : i32
        %get3A_410 = arith.index_cast %get3A_408 : i32 to index
        %get3A_411 = arith.index_cast %get3A_409 : i32 to index
        %get3A_412 = arith.index_cast %mul3A_407 : i32 to index
        %get3A_413 = tpu.vector_load %arg7[%get3A_410, %get3A_411, %get3A_412] {strides = array<i32>} : memref<2x8x3200xf32, #tpu.memory_space<vmem>>, vector<16xf32>,
        %get3A_414 = arith.constant 0 : i32
        %get3A_415 = arith.index_cast %get3A_414 : i32 to index
        %get3A_416 = arith.index_cast %mul3A_407 : i32 to index
        %get3A_417 = tpu.vector_load %arg6[%get3A_415, %get3A_416] {strides = array<i32>} : memref<2x3200xf32, #tpu.memory_space<vmem>>, vector<16xf32>,
        %add3A_418 = arith.addf %get3A_413, %get3A_417 : vector<16xf32>
        %mul3A_419 = arith.constant 2.000000e+00 : f32
        %mul3A_420 = vector.broadcast %mul3A_419 : f32 to vector<16xf32>
        %mul3A_421 = arith.mulf %add3A_418, %mul3A_420 : vector<16xf32>
        %neg3A_422 = arith.constant 0.000000e+00 : f32
        %neg3A_423 = vector.broadcast %neg3A_422 : f32 to vector<16xf32>
        %neg3A_424 = arith.subf %neg3A_423, %mul3A_421 : vector<16xf32>
        %exp3A_425 = math.exp %neg3A_424 : vector<16xf32>
        %add3A_426 = arith.constant 1.000000e+00 : f32
        %add3A_427 = vector.broadcast %add3A_426 : f32 to vector<16xf32>
        %add3A_428 = arith.addf %add3A_427, %exp3A_425 : vector<16xf32>
        %div3A_429 = arith.constant 1.000000e+00 : f32
        %div3A_430 = vector.broadcast %div3A_429 : f32 to vector<16xf32>
        %div3A_431 = arith.divf %div3A_430, %add3A_428 : vector<16xf32>
        %swap3A_432 = arith.constant 0 : i32
        %swap3A_433 = arith.index_cast %swap3A_432 : i32 to index
        %swap3A_434 = arith.index_cast %mul3A_407 : i32 to index
        %swap3A_435 = tpu.vector_load %arg8[%swap3A_433, %swap3A_434] {strides = array<i32>} : memref<2x3200xf32, #tpu.memory_space<vmem>>, vector<16xf32>,
        tpu.vector_store %arg8[%swap3A_433, %swap3A_434], %div3A_431 {strides = array<i32>} : memref<2x3200xf32, #tpu.memory_space<vmem>>, vector<16xf32>,
        %add3A_436 = arith.addf %add3A_401, %div3A_431 : vector<16xf32>
        %mul3A_437 = arith.constant 8 : i32
        %mul3A_438 = arith.muli %scan3A_299, %mul3A_437 : i32
        %add3A_439 = arith.constant 4 : i32
        %add3A_440 = arith.addi %mul3A_438, %add3A_439 : i32
        %mul3A_441 = arith.constant 16 : i32
        %mul3A_442 = arith.muli %add3A_440, %mul3A_441 : i32
        %get3A_443 = arith.constant 0 : i32
        %get3A_444 = arith.constant 0 : i32
        %get3A_445 = arith.index_cast %get3A_443 : i32 to index
        %get3A_446 = arith.index_cast %get3A_444 : i32 to index
        %get3A_447 = arith.index_cast %mul3A_442 : i32 to index
        %get3A_448 = tpu.vector_load %arg7[%get3A_445, %get3A_446, %get3A_447] {strides = array<i32>} : memref<2x8x3200xf32, #tpu.memory_space<vmem>>, vector<16xf32>,
        %get3A_449 = arith.constant 0 : i32
        %get3A_450 = arith.index_cast %get3A_449 : i32 to index
        %get3A_451 = arith.index_cast %mul3A_442 : i32 to index
        %get3A_452 = tpu.vector_load %arg6[%get3A_450, %get3A_451] {strides = array<i32>} : memref<2x3200xf32, #tpu.memory_space<vmem>>, vector<16xf32>,
        %add3A_453 = arith.addf %get3A_448, %get3A_452 : vector<16xf32>
        %mul3A_454 = arith.constant 2.000000e+00 : f32
        %mul3A_455 = vector.broadcast %mul3A_454 : f32 to vector<16xf32>
        %mul3A_456 = arith.mulf %add3A_453, %mul3A_455 : vector<16xf32>
        %neg3A_457 = arith.constant 0.000000e+00 : f32
        %neg3A_458 = vector.broadcast %neg3A_457 : f32 to vector<16xf32>
        %neg3A_459 = arith.subf %neg3A_458, %mul3A_456 : vector<16xf32>
        %exp3A_460 = math.exp %neg3A_459 : vector<16xf32>
        %add3A_461 = arith.constant 1.000000e+00 : f32
        %add3A_462 = vector.broadcast %add3A_461 : f32 to vector<16xf32>
        %add3A_463 = arith.addf %add3A_462, %exp3A_460 : vector<16xf32>
        %div3A_464 = arith.constant 1.000000e+00 : f32
        %div3A_465 = vector.broadcast %div3A_464 : f32 to vector<16xf32>
        %div3A_466 = arith.divf %div3A_465, %add3A_463 : vector<16xf32>
        %swap3A_467 = arith.constant 0 : i32
        %swap3A_468 = arith.index_cast %swap3A_467 : i32 to index
        %swap3A_469 = arith.index_cast %mul3A_442 : i32 to index
        %swap3A_470 = tpu.vector_load %arg8[%swap3A_468, %swap3A_469] {strides = array<i32>} : memref<2x3200xf32, #tpu.memory_space<vmem>>, vector<16xf32>,
        tpu.vector_store %arg8[%swap3A_468, %swap3A_469], %div3A_466 {strides = array<i32>} : memref<2x3200xf32, #tpu.memory_space<vmem>>, vector<16xf32>,
        %add3A_471 = arith.addf %add3A_436, %div3A_466 : vector<16xf32>
        %mul3A_472 = arith.constant 8 : i32
        %mul3A_473 = arith.muli %scan3A_299, %mul3A_472 : i32
        %add3A_474 = arith.constant 5 : i32
        %add3A_475 = arith.addi %mul3A_473, %add3A_474 : i32
        %mul3A_476 = arith.constant 16 : i32
        %mul3A_477 = arith.muli %add3A_475, %mul3A_476 : i32
        %get3A_478 = arith.constant 0 : i32
        %get3A_479 = arith.constant 0 : i32
        %get3A_480 = arith.index_cast %get3A_478 : i32 to index
        %get3A_481 = arith.index_cast %get3A_479 : i32 to index
        %get3A_482 = arith.index_cast %mul3A_477 : i32 to index
        %get3A_483 = tpu.vector_load %arg7[%get3A_480, %get3A_481, %get3A_482] {strides = array<i32>} : memref<2x8x3200xf32, #tpu.memory_space<vmem>>, vector<16xf32>,
        %get3A_484 = arith.constant 0 : i32
        %get3A_485 = arith.index_cast %get3A_484 : i32 to index
        %get3A_486 = arith.index_cast %mul3A_477 : i32 to index
        %get3A_487 = tpu.vector_load %arg6[%get3A_485, %get3A_486] {strides = array<i32>} : memref<2x3200xf32, #tpu.memory_space<vmem>>, vector<16xf32>,
        %add3A_488 = arith.addf %get3A_483, %get3A_487 : vector<16xf32>
        %mul3A_489 = arith.constant 2.000000e+00 : f32
        %mul3A_490 = vector.broadcast %mul3A_489 : f32 to vector<16xf32>
        %mul3A_491 = arith.mulf %add3A_488, %mul3A_490 : vector<16xf32>
        %neg3A_492 = arith.constant 0.000000e+00 : f32
        %neg3A_493 = vector.broadcast %neg3A_492 : f32 to vector<16xf32>
        %neg3A_494 = arith.subf %neg3A_493, %mul3A_491 : vector<16xf32>
        %exp3A_495 = math.exp %neg3A_494 : vector<16xf32>
        %add3A_496 = arith.constant 1.000000e+00 : f32
        %add3A_497 = vector.broadcast %add3A_496 : f32 to vector<16xf32>
        %add3A_498 = arith.addf %add3A_497, %exp3A_495 : vector<16xf32>
        %div3A_499 = arith.constant 1.000000e+00 : f32
        %div3A_500 = vector.broadcast %div3A_499 : f32 to vector<16xf32>
        %div3A_501 = arith.divf %div3A_500, %add3A_498 : vector<16xf32>
        %swap3A_502 = arith.constant 0 : i32
        %swap3A_503 = arith.index_cast %swap3A_502 : i32 to index
        %swap3A_504 = arith.index_cast %mul3A_477 : i32 to index
        %swap3A_505 = tpu.vector_load %arg8[%swap3A_503, %swap3A_504] {strides = array<i32>} : memref<2x3200xf32, #tpu.memory_space<vmem>>, vector<16xf32>,
        tpu.vector_store %arg8[%swap3A_503, %swap3A_504], %div3A_501 {strides = array<i32>} : memref<2x3200xf32, #tpu.memory_space<vmem>>, vector<16xf32>,
        %add3A_506 = arith.addf %add3A_471, %div3A_501 : vector<16xf32>
        %mul3A_507 = arith.constant 8 : i32
        %mul3A_508 = arith.muli %scan3A_299, %mul3A_507 : i32
        %add3A_509 = arith.constant 6 : i32
        %add3A_510 = arith.addi %mul3A_508, %add3A_509 : i32
        %mul3A_511 = arith.constant 16 : i32
        %mul3A_512 = arith.muli %add3A_510, %mul3A_511 : i32
        %get3A_513 = arith.constant 0 : i32
        %get3A_514 = arith.constant 0 : i32
        %get3A_515 = arith.index_cast %get3A_513 : i32 to index
        %get3A_516 = arith.index_cast %get3A_514 : i32 to index
        %get3A_517 = arith.index_cast %mul3A_512 : i32 to index
        %get3A_518 = tpu.vector_load %arg7[%get3A_515, %get3A_516, %get3A_517] {strides = array<i32>} : memref<2x8x3200xf32, #tpu.memory_space<vmem>>, vector<16xf32>,
        %get3A_519 = arith.constant 0 : i32
        %get3A_520 = arith.index_cast %get3A_519 : i32 to index
        %get3A_521 = arith.index_cast %mul3A_512 : i32 to index
        %get3A_522 = tpu.vector_load %arg6[%get3A_520, %get3A_521] {strides = array<i32>} : memref<2x3200xf32, #tpu.memory_space<vmem>>, vector<16xf32>,
        %add3A_523 = arith.addf %get3A_518, %get3A_522 : vector<16xf32>
        %mul3A_524 = arith.constant 2.000000e+00 : f32
        %mul3A_525 = vector.broadcast %mul3A_524 : f32 to vector<16xf32>
        %mul3A_526 = arith.mulf %add3A_523, %mul3A_525 : vector<16xf32>
        %neg3A_527 = arith.constant 0.000000e+00 : f32
        %neg3A_528 = vector.broadcast %neg3A_527 : f32 to vector<16xf32>
        %neg3A_529 = arith.subf %neg3A_528, %mul3A_526 : vector<16xf32>
        %exp3A_530 = math.exp %neg3A_529 : vector<16xf32>
        %add3A_531 = arith.constant 1.000000e+00 : f32
        %add3A_532 = vector.broadcast %add3A_531 : f32 to vector<16xf32>
        %add3A_533 = arith.addf %add3A_532, %exp3A_530 : vector<16xf32>
        %div3A_534 = arith.constant 1.000000e+00 : f32
        %div3A_535 = vector.broadcast %div3A_534 : f32 to vector<16xf32>
        %div3A_536 = arith.divf %div3A_535, %add3A_533 : vector<16xf32>
        %swap3A_537 = arith.constant 0 : i32
        %swap3A_538 = arith.index_cast %swap3A_537 : i32 to index
        %swap3A_539 = arith.index_cast %mul3A_512 : i32 to index
        %swap3A_540 = tpu.vector_load %arg8[%swap3A_538, %swap3A_539] {strides = array<i32>} : memref<2x3200xf32, #tpu.memory_space<vmem>>, vector<16xf32>,
        tpu.vector_store %arg8[%swap3A_538, %swap3A_539], %div3A_536 {strides = array<i32>} : memref<2x3200xf32, #tpu.memory_space<vmem>>, vector<16xf32>,
        %add3A_541 = arith.addf %add3A_506, %div3A_536 : vector<16xf32>
        %mul3A_542 = arith.constant 8 : i32
        %mul3A_543 = arith.muli %scan3A_299, %mul3A_542 : i32
        %add3A_544 = arith.constant 7 : i32
        %add3A_545 = arith.addi %mul3A_543, %add3A_544 : i32
        %mul3A_546 = arith.constant 16 : i32
        %mul3A_547 = arith.muli %add3A_545, %mul3A_546 : i32
        %get3A_548 = arith.constant 0 : i32
        %get3A_549 = arith.constant 0 : i32
        %get3A_550 = arith.index_cast %get3A_548 : i32 to index
        %get3A_551 = arith.index_cast %get3A_549 : i32 to index
        %get3A_552 = arith.index_cast %mul3A_547 : i32 to index
        %get3A_553 = tpu.vector_load %arg7[%get3A_550, %get3A_551, %get3A_552] {strides = array<i32>} : memref<2x8x3200xf32, #tpu.memory_space<vmem>>, vector<16xf32>,
        %get3A_554 = arith.constant 0 : i32
        %get3A_555 = arith.index_cast %get3A_554 : i32 to index
        %get3A_556 = arith.index_cast %mul3A_547 : i32 to index
        %get3A_557 = tpu.vector_load %arg6[%get3A_555, %get3A_556] {strides = array<i32>} : memref<2x3200xf32, #tpu.memory_space<vmem>>, vector<16xf32>,
        %add3A_558 = arith.addf %get3A_553, %get3A_557 : vector<16xf32>
        %mul3A_559 = arith.constant 2.000000e+00 : f32
        %mul3A_560 = vector.broadcast %mul3A_559 : f32 to vector<16xf32>
        %mul3A_561 = arith.mulf %add3A_558, %mul3A_560 : vector<16xf32>
        %neg3A_562 = arith.constant 0.000000e+00 : f32
        %neg3A_563 = vector.broadcast %neg3A_562 : f32 to vector<16xf32>
        %neg3A_564 = arith.subf %neg3A_563, %mul3A_561 : vector<16xf32>
        %exp3A_565 = math.exp %neg3A_564 : vector<16xf32>
        %add3A_566 = arith.constant 1.000000e+00 : f32
        %add3A_567 = vector.broadcast %add3A_566 : f32 to vector<16xf32>
        %add3A_568 = arith.addf %add3A_567, %exp3A_565 : vector<16xf32>
        %div3A_569 = arith.constant 1.000000e+00 : f32
        %div3A_570 = vector.broadcast %div3A_569 : f32 to vector<16xf32>
        %div3A_571 = arith.divf %div3A_570, %add3A_568 : vector<16xf32>
        %swap3A_572 = arith.constant 0 : i32
        %swap3A_573 = arith.index_cast %swap3A_572 : i32 to index
        %swap3A_574 = arith.index_cast %mul3A_547 : i32 to index
        %swap3A_575 = tpu.vector_load %arg8[%swap3A_573, %swap3A_574] {strides = array<i32>} : memref<2x3200xf32, #tpu.memory_space<vmem>>, vector<16xf32>,
        tpu.vector_store %arg8[%swap3A_573, %swap3A_574], %div3A_571 {strides = array<i32>} : memref<2x3200xf32, #tpu.memory_space<vmem>>, vector<16xf32>,
        %add3A_576 = arith.addf %add3A_541, %div3A_571 : vector<16xf32>
        scf.yield %add3A_576 : vector<16xf32>
      }
      %scan3A_79 = arith.constant 25 : i32
      %add3A_80 = arith.constant 0 : i32
      %add3A_81 = arith.addi %mul3A_4, %add3A_80 : i32
      %multiple_of3A_82 = tpu.assume_multiple %add3A_81, 128 : i32
      %dma_start3A_83 = arith.constant 0 : i32
      %dma_start3A_84 = arith.constant 0 : i32
      %dma_start3A_85 = tpu.memref_slice %arg8[%dma_start3A_83, %dma_start3A_84] : memref<2x3200xf32, #tpu.memory_space<vmem>> -> memref<1x3200xf32, #tpu.memory_space<vmem>>
      %dma_start3A_86 = tpu.memref_squeeze %dma_start3A_85 : memref<1x3200xf32, #tpu.memory_space<vmem>> -> memref<3200xf32, #tpu.memory_space<vmem>>
      %dma_start3A_87 = tpu.memref_slice %arg4[%multiple_of3A_82] : memref<320000xf32, #tpu.memory_space<hbm>> -> memref<3200xf32, #tpu.memory_space<hbm>>
      %dma_start3A_88 = tpu.memref_slice %arg4[%multiple_of3A_82] : memref<320000xf32, #tpu.memory_space<hbm>> -> memref<3200xf32, #tpu.memory_space<hbm>>
      %dma_start3A_89 = arith.constant 0 : i32
      %dma_start3A_90 = tpu.memref_slice %arg8[%dma_start3A_83, %dma_start3A_89] : memref<2x3200xf32, #tpu.memory_space<vmem>> -> memref<1x3200xf32, #tpu.memory_space<vmem>>
      %dma_start3A_91 = tpu.memref_squeeze %dma_start3A_90 : memref<1x3200xf32, #tpu.memory_space<vmem>> -> memref<3200xf32, #tpu.memory_space<vmem>>
      tpu.enqueue_dma source(%dma_start3A_91 : memref<3200xf32, #tpu.memory_space<vmem>>) target(%dma_start3A_88 : memref<3200xf32, #tpu.memory_space<hbm>>) target_semaphore(%arg12 : memref<!tpu.dma_semaphore, #tpu.memory_space<semaphore_mem>>)
      %add3A_92 = arith.constant 6400 : i32
      %add3A_93 = arith.addi %mul3A_4, %add3A_92 : i32
      %multiple_of3A_94 = tpu.assume_multiple %add3A_93, 128 : i32
      %dma_start3A_95 = arith.constant 0 : i32
      %dma_start3A_96 = arith.constant 0 : i32
      %dma_start3A_97 = arith.constant 0 : i32
      %dma_start3A_98 = tpu.memref_slice %arg7[%dma_start3A_95, %dma_start3A_96, %dma_start3A_97] : memref<2x8x3200xf32, #tpu.memory_space<vmem>> -> memref<1x8x3200xf32, #tpu.memory_space<vmem>>
      %dma_start3A_99 = tpu.memref_squeeze %dma_start3A_98 : memref<1x8x3200xf32, #tpu.memory_space<vmem>> -> memref<8x3200xf32, #tpu.memory_space<vmem>>
      %dma_start3A_100 = arith.constant 0 : i32
      %dma_start3A_101 = tpu.memref_slice %arg3[%dma_start3A_100, %multiple_of3A_94] : memref<8x320000xf32, #tpu.memory_space<hbm>> -> memref<8x3200xf32, #tpu.memory_space<hbm>>
      %dma_start3A_102 = arith.constant 0 : i32
      %dma_start3A_103 = arith.constant 0 : i32
      %dma_start3A_104 = tpu.memref_slice %arg7[%dma_start3A_95, %dma_start3A_102, %dma_start3A_103] : memref<2x8x3200xf32, #tpu.memory_space<vmem>> -> memref<1x8x3200xf32, #tpu.memory_space<vmem>>
      %dma_start3A_105 = tpu.memref_squeeze %dma_start3A_104 : memref<1x8x3200xf32, #tpu.memory_space<vmem>> -> memref<8x3200xf32, #tpu.memory_space<vmem>>
      %dma_start3A_106 = arith.constant 0 : i32
      %dma_start3A_107 = tpu.memref_slice %arg3[%dma_start3A_106, %multiple_of3A_94] : memref<8x320000xf32, #tpu.memory_space<hbm>> -> memref<8x3200xf32, #tpu.memory_space<hbm>>
      tpu.enqueue_dma source(%dma_start3A_107 : memref<8x3200xf32, #tpu.memory_space<hbm>>) target(%dma_start3A_105 : memref<8x3200xf32, #tpu.memory_space<vmem>>) target_semaphore(%arg10 : memref<!tpu.dma_semaphore, #tpu.memory_space<semaphore_mem>>)
      %dma_start3A_108 = arith.constant 0 : i32
      %dma_start3A_109 = arith.constant 0 : i32
      %dma_start3A_110 = tpu.memref_slice %arg6[%dma_start3A_108, %dma_start3A_109] : memref<2x3200xf32, #tpu.memory_space<vmem>> -> memref<1x3200xf32, #tpu.memory_space<vmem>>
      %dma_start3A_111 = tpu.memref_squeeze %dma_start3A_110 : memref<1x3200xf32, #tpu.memory_space<vmem>> -> memref<3200xf32, #tpu.memory_space<vmem>>
      %dma_start3A_112 = tpu.memref_slice %arg2[%multiple_of3A_94] : memref<320000xf32, #tpu.memory_space<hbm>> -> memref<3200xf32, #tpu.memory_space<hbm>>
      %dma_start3A_113 = arith.constant 0 : i32
      %dma_start3A_114 = tpu.memref_slice %arg6[%dma_start3A_108, %dma_start3A_113] : memref<2x3200xf32, #tpu.memory_space<vmem>> -> memref<1x3200xf32, #tpu.memory_space<vmem>>
      %dma_start3A_115 = tpu.memref_squeeze %dma_start3A_114 : memref<1x3200xf32, #tpu.memory_space<vmem>> -> memref<3200xf32, #tpu.memory_space<vmem>>
      %dma_start3A_116 = tpu.memref_slice %arg2[%multiple_of3A_94] : memref<320000xf32, #tpu.memory_space<hbm>> -> memref<3200xf32, #tpu.memory_space<hbm>>
      tpu.enqueue_dma source(%dma_start3A_116 : memref<3200xf32, #tpu.memory_space<hbm>>) target(%dma_start3A_115 : memref<3200xf32, #tpu.memory_space<vmem>>) target_semaphore(%arg10 : memref<!tpu.dma_semaphore, #tpu.memory_space<semaphore_mem>>)
      %dma_wait3A_117 = arith.constant 1 : i32
      %dma_wait3A_118 = arith.constant 0 : i32
      %dma_wait3A_119 = arith.constant 0 : i32
      %dma_wait3A_120 = tpu.memref_slice %arg7[%dma_wait3A_117, %dma_wait3A_118, %dma_wait3A_119] : memref<2x8x3200xf32, #tpu.memory_space<vmem>> -> memref<1x8x3200xf32, #tpu.memory_space<vmem>>
      %dma_wait3A_121 = tpu.memref_squeeze %dma_wait3A_120 : memref<1x8x3200xf32, #tpu.memory_space<vmem>> -> memref<8x3200xf32, #tpu.memory_space<vmem>>
      %dma_wait3A_122 = arith.constant 0 : i32
      %dma_wait3A_123 = tpu.memref_slice %arg3[%dma_wait3A_122, %multiple_of3A_31] : memref<8x320000xf32, #tpu.memory_space<hbm>> -> memref<8x3200xf32, #tpu.memory_space<hbm>>
      %dma_wait3A_124 = arith.constant 0 : i32
      %dma_wait3A_125 = arith.constant 0 : i32
      %dma_wait3A_126 = tpu.memref_slice %arg7[%dma_wait3A_117, %dma_wait3A_124, %dma_wait3A_125] : memref<2x8x3200xf32, #tpu.memory_space<vmem>> -> memref<1x8x3200xf32, #tpu.memory_space<vmem>>
      %dma_wait3A_127 = tpu.memref_squeeze %dma_wait3A_126 : memref<1x8x3200xf32, #tpu.memory_space<vmem>> -> memref<8x3200xf32, #tpu.memory_space<vmem>>
      %dma_wait3A_128 = arith.constant 0 : i32
      %dma_wait3A_129 = tpu.memref_slice %arg3[%dma_wait3A_128, %multiple_of3A_31] : memref<8x320000xf32, #tpu.memory_space<hbm>> -> memref<8x3200xf32, #tpu.memory_space<hbm>>
      tpu.wait_dma2 semaphore(%arg11 : memref<!tpu.dma_semaphore, #tpu.memory_space<semaphore_mem>>) src(%dma_wait3A_129 : memref<8x3200xf32, #tpu.memory_space<hbm>>) dst(%dma_wait3A_127 : memref<8x3200xf32, #tpu.memory_space<vmem>>)
      %dma_wait3A_130 = arith.constant 1 : i32
      %dma_wait3A_131 = arith.constant 0 : i32
      %dma_wait3A_132 = tpu.memref_slice %arg6[%dma_wait3A_130, %dma_wait3A_131] : memref<2x3200xf32, #tpu.memory_space<vmem>> -> memref<1x3200xf32, #tpu.memory_space<vmem>>
      %dma_wait3A_133 = tpu.memref_squeeze %dma_wait3A_132 : memref<1x3200xf32, #tpu.memory_space<vmem>> -> memref<3200xf32, #tpu.memory_space<vmem>>
      %dma_wait3A_134 = tpu.memref_slice %arg2[%multiple_of3A_31] : memref<320000xf32, #tpu.memory_space<hbm>> -> memref<3200xf32, #tpu.memory_space<hbm>>
      %dma_wait3A_135 = arith.constant 0 : i32
      %dma_wait3A_136 = tpu.memref_slice %arg6[%dma_wait3A_130, %dma_wait3A_135] : memref<2x3200xf32, #tpu.memory_space<vmem>> -> memref<1x3200xf32, #tpu.memory_space<vmem>>
      %dma_wait3A_137 = tpu.memref_squeeze %dma_wait3A_136 : memref<1x3200xf32, #tpu.memory_space<vmem>> -> memref<3200xf32, #tpu.memory_space<vmem>>
      %dma_wait3A_138 = tpu.memref_slice %arg2[%multiple_of3A_31] : memref<320000xf32, #tpu.memory_space<hbm>> -> memref<3200xf32, #tpu.memory_space<hbm>>
      tpu.wait_dma2 semaphore(%arg11 : memref<!tpu.dma_semaphore, #tpu.memory_space<semaphore_mem>>) src(%dma_wait3A_138 : memref<3200xf32, #tpu.memory_space<hbm>>) dst(%dma_wait3A_137 : memref<3200xf32, #tpu.memory_space<vmem>>)
      %scan3A_139 = arith.constant 0 : i32
      %scan3A_140 = arith.constant 25 : i32
      %scan3A_141 = arith.addi %scan3A_139, %scan3A_140 : i32
      %scan3A_142 = arith.constant 1 : i32
      %scan3A_143 = scf.for %scan3A_299 = %scan3A_139 to %scan3A_141 step %scan3A_142 iter_args(%scan3A_300 = %scan3A_78) -> (vector<16xf32>)  : i32 {
        %mul3A_301 = arith.constant 8 : i32
        %mul3A_302 = arith.muli %scan3A_299, %mul3A_301 : i32
        %add3A_303 = arith.constant 0 : i32
        %add3A_304 = arith.addi %mul3A_302, %add3A_303 : i32
        %mul3A_305 = arith.constant 16 : i32
        %mul3A_306 = arith.muli %add3A_304, %mul3A_305 : i32
        %get3A = arith.constant 1 : i32
        %get3A_307 = arith.constant 0 : i32
        %get3A_308 = arith.index_cast %get3A : i32 to index
        %get3A_309 = arith.index_cast %get3A_307 : i32 to index
        %get3A_310 = arith.index_cast %mul3A_306 : i32 to index
        %get3A_311 = tpu.vector_load %arg7[%get3A_308, %get3A_309, %get3A_310] {strides = array<i32>} : memref<2x8x3200xf32, #tpu.memory_space<vmem>>, vector<16xf32>,
        %get3A_312 = arith.constant 1 : i32
        %get3A_313 = arith.index_cast %get3A_312 : i32 to index
        %get3A_314 = arith.index_cast %mul3A_306 : i32 to index
        %get3A_315 = tpu.vector_load %arg6[%get3A_313, %get3A_314] {strides = array<i32>} : memref<2x3200xf32, #tpu.memory_space<vmem>>, vector<16xf32>,
        %add3A_316 = arith.addf %get3A_311, %get3A_315 : vector<16xf32>
        %mul3A_317 = arith.constant 2.000000e+00 : f32
        %mul3A_318 = vector.broadcast %mul3A_317 : f32 to vector<16xf32>
        %mul3A_319 = arith.mulf %add3A_316, %mul3A_318 : vector<16xf32>
        %neg3A = arith.constant 0.000000e+00 : f32
        %neg3A_320 = vector.broadcast %neg3A : f32 to vector<16xf32>
        %neg3A_321 = arith.subf %neg3A_320, %mul3A_319 : vector<16xf32>
        %exp3A = math.exp %neg3A_321 : vector<16xf32>
        %add3A_322 = arith.constant 1.000000e+00 : f32
        %add3A_323 = vector.broadcast %add3A_322 : f32 to vector<16xf32>
        %add3A_324 = arith.addf %add3A_323, %exp3A : vector<16xf32>
        %div3A = arith.constant 1.000000e+00 : f32
        %div3A_325 = vector.broadcast %div3A : f32 to vector<16xf32>
        %div3A_326 = arith.divf %div3A_325, %add3A_324 : vector<16xf32>
        %swap3A_327 = arith.constant 1 : i32
        %swap3A_328 = arith.index_cast %swap3A_327 : i32 to index
        %swap3A_329 = arith.index_cast %mul3A_306 : i32 to index
        %swap3A_330 = tpu.vector_load %arg8[%swap3A_328, %swap3A_329] {strides = array<i32>} : memref<2x3200xf32, #tpu.memory_space<vmem>>, vector<16xf32>,
        tpu.vector_store %arg8[%swap3A_328, %swap3A_329], %div3A_326 {strides = array<i32>} : memref<2x3200xf32, #tpu.memory_space<vmem>>, vector<16xf32>,
        %add3A_331 = arith.addf %scan3A_300, %div3A_326 : vector<16xf32>
        %mul3A_332 = arith.constant 8 : i32
        %mul3A_333 = arith.muli %scan3A_299, %mul3A_332 : i32
        %add3A_334 = arith.constant 1 : i32
        %add3A_335 = arith.addi %mul3A_333, %add3A_334 : i32
        %mul3A_336 = arith.constant 16 : i32
        %mul3A_337 = arith.muli %add3A_335, %mul3A_336 : i32
        %get3A_338 = arith.constant 1 : i32
        %get3A_339 = arith.constant 0 : i32
        %get3A_340 = arith.index_cast %get3A_338 : i32 to index
        %get3A_341 = arith.index_cast %get3A_339 : i32 to index
        %get3A_342 = arith.index_cast %mul3A_337 : i32 to index
        %get3A_343 = tpu.vector_load %arg7[%get3A_340, %get3A_341, %get3A_342] {strides = array<i32>} : memref<2x8x3200xf32, #tpu.memory_space<vmem>>, vector<16xf32>,
        %get3A_344 = arith.constant 1 : i32
        %get3A_345 = arith.index_cast %get3A_344 : i32 to index
        %get3A_346 = arith.index_cast %mul3A_337 : i32 to index
        %get3A_347 = tpu.vector_load %arg6[%get3A_345, %get3A_346] {strides = array<i32>} : memref<2x3200xf32, #tpu.memory_space<vmem>>, vector<16xf32>,
        %add3A_348 = arith.addf %get3A_343, %get3A_347 : vector<16xf32>
        %mul3A_349 = arith.constant 2.000000e+00 : f32
        %mul3A_350 = vector.broadcast %mul3A_349 : f32 to vector<16xf32>
        %mul3A_351 = arith.mulf %add3A_348, %mul3A_350 : vector<16xf32>
        %neg3A_352 = arith.constant 0.000000e+00 : f32
        %neg3A_353 = vector.broadcast %neg3A_352 : f32 to vector<16xf32>
        %neg3A_354 = arith.subf %neg3A_353, %mul3A_351 : vector<16xf32>
        %exp3A_355 = math.exp %neg3A_354 : vector<16xf32>
        %add3A_356 = arith.constant 1.000000e+00 : f32
        %add3A_357 = vector.broadcast %add3A_356 : f32 to vector<16xf32>
        %add3A_358 = arith.addf %add3A_357, %exp3A_355 : vector<16xf32>
        %div3A_359 = arith.constant 1.000000e+00 : f32
        %div3A_360 = vector.broadcast %div3A_359 : f32 to vector<16xf32>
        %div3A_361 = arith.divf %div3A_360, %add3A_358 : vector<16xf32>
        %swap3A_362 = arith.constant 1 : i32
        %swap3A_363 = arith.index_cast %swap3A_362 : i32 to index
        %swap3A_364 = arith.index_cast %mul3A_337 : i32 to index
        %swap3A_365 = tpu.vector_load %arg8[%swap3A_363, %swap3A_364] {strides = array<i32>} : memref<2x3200xf32, #tpu.memory_space<vmem>>, vector<16xf32>,
        tpu.vector_store %arg8[%swap3A_363, %swap3A_364], %div3A_361 {strides = array<i32>} : memref<2x3200xf32, #tpu.memory_space<vmem>>, vector<16xf32>,
        %add3A_366 = arith.addf %add3A_331, %div3A_361 : vector<16xf32>
        %mul3A_367 = arith.constant 8 : i32
        %mul3A_368 = arith.muli %scan3A_299, %mul3A_367 : i32
        %add3A_369 = arith.constant 2 : i32
        %add3A_370 = arith.addi %mul3A_368, %add3A_369 : i32
        %mul3A_371 = arith.constant 16 : i32
        %mul3A_372 = arith.muli %add3A_370, %mul3A_371 : i32
        %get3A_373 = arith.constant 1 : i32
        %get3A_374 = arith.constant 0 : i32
        %get3A_375 = arith.index_cast %get3A_373 : i32 to index
        %get3A_376 = arith.index_cast %get3A_374 : i32 to index
        %get3A_377 = arith.index_cast %mul3A_372 : i32 to index
        %get3A_378 = tpu.vector_load %arg7[%get3A_375, %get3A_376, %get3A_377] {strides = array<i32>} : memref<2x8x3200xf32, #tpu.memory_space<vmem>>, vector<16xf32>,
        %get3A_379 = arith.constant 1 : i32
        %get3A_380 = arith.index_cast %get3A_379 : i32 to index
        %get3A_381 = arith.index_cast %mul3A_372 : i32 to index
        %get3A_382 = tpu.vector_load %arg6[%get3A_380, %get3A_381] {strides = array<i32>} : memref<2x3200xf32, #tpu.memory_space<vmem>>, vector<16xf32>,
        %add3A_383 = arith.addf %get3A_378, %get3A_382 : vector<16xf32>
        %mul3A_384 = arith.constant 2.000000e+00 : f32
        %mul3A_385 = vector.broadcast %mul3A_384 : f32 to vector<16xf32>
        %mul3A_386 = arith.mulf %add3A_383, %mul3A_385 : vector<16xf32>
        %neg3A_387 = arith.constant 0.000000e+00 : f32
        %neg3A_388 = vector.broadcast %neg3A_387 : f32 to vector<16xf32>
        %neg3A_389 = arith.subf %neg3A_388, %mul3A_386 : vector<16xf32>
        %exp3A_390 = math.exp %neg3A_389 : vector<16xf32>
        %add3A_391 = arith.constant 1.000000e+00 : f32
        %add3A_392 = vector.broadcast %add3A_391 : f32 to vector<16xf32>
        %add3A_393 = arith.addf %add3A_392, %exp3A_390 : vector<16xf32>
        %div3A_394 = arith.constant 1.000000e+00 : f32
        %div3A_395 = vector.broadcast %div3A_394 : f32 to vector<16xf32>
        %div3A_396 = arith.divf %div3A_395, %add3A_393 : vector<16xf32>
        %swap3A_397 = arith.constant 1 : i32
        %swap3A_398 = arith.index_cast %swap3A_397 : i32 to index
        %swap3A_399 = arith.index_cast %mul3A_372 : i32 to index
        %swap3A_400 = tpu.vector_load %arg8[%swap3A_398, %swap3A_399] {strides = array<i32>} : memref<2x3200xf32, #tpu.memory_space<vmem>>, vector<16xf32>,
        tpu.vector_store %arg8[%swap3A_398, %swap3A_399], %div3A_396 {strides = array<i32>} : memref<2x3200xf32, #tpu.memory_space<vmem>>, vector<16xf32>,
        %add3A_401 = arith.addf %add3A_366, %div3A_396 : vector<16xf32>
        %mul3A_402 = arith.constant 8 : i32
        %mul3A_403 = arith.muli %scan3A_299, %mul3A_402 : i32
        %add3A_404 = arith.constant 3 : i32
        %add3A_405 = arith.addi %mul3A_403, %add3A_404 : i32
        %mul3A_406 = arith.constant 16 : i32
        %mul3A_407 = arith.muli %add3A_405, %mul3A_406 : i32
        %get3A_408 = arith.constant 1 : i32
        %get3A_409 = arith.constant 0 : i32
        %get3A_410 = arith.index_cast %get3A_408 : i32 to index
        %get3A_411 = arith.index_cast %get3A_409 : i32 to index
        %get3A_412 = arith.index_cast %mul3A_407 : i32 to index
        %get3A_413 = tpu.vector_load %arg7[%get3A_410, %get3A_411, %get3A_412] {strides = array<i32>} : memref<2x8x3200xf32, #tpu.memory_space<vmem>>, vector<16xf32>,
        %get3A_414 = arith.constant 1 : i32
        %get3A_415 = arith.index_cast %get3A_414 : i32 to index
        %get3A_416 = arith.index_cast %mul3A_407 : i32 to index
        %get3A_417 = tpu.vector_load %arg6[%get3A_415, %get3A_416] {strides = array<i32>} : memref<2x3200xf32, #tpu.memory_space<vmem>>, vector<16xf32>,
        %add3A_418 = arith.addf %get3A_413, %get3A_417 : vector<16xf32>
        %mul3A_419 = arith.constant 2.000000e+00 : f32
        %mul3A_420 = vector.broadcast %mul3A_419 : f32 to vector<16xf32>
        %mul3A_421 = arith.mulf %add3A_418, %mul3A_420 : vector<16xf32>
        %neg3A_422 = arith.constant 0.000000e+00 : f32
        %neg3A_423 = vector.broadcast %neg3A_422 : f32 to vector<16xf32>
        %neg3A_424 = arith.subf %neg3A_423, %mul3A_421 : vector<16xf32>
        %exp3A_425 = math.exp %neg3A_424 : vector<16xf32>
        %add3A_426 = arith.constant 1.000000e+00 : f32
        %add3A_427 = vector.broadcast %add3A_426 : f32 to vector<16xf32>
        %add3A_428 = arith.addf %add3A_427, %exp3A_425 : vector<16xf32>
        %div3A_429 = arith.constant 1.000000e+00 : f32
        %div3A_430 = vector.broadcast %div3A_429 : f32 to vector<16xf32>
        %div3A_431 = arith.divf %div3A_430, %add3A_428 : vector<16xf32>
        %swap3A_432 = arith.constant 1 : i32
        %swap3A_433 = arith.index_cast %swap3A_432 : i32 to index
        %swap3A_434 = arith.index_cast %mul3A_407 : i32 to index
        %swap3A_435 = tpu.vector_load %arg8[%swap3A_433, %swap3A_434] {strides = array<i32>} : memref<2x3200xf32, #tpu.memory_space<vmem>>, vector<16xf32>,
        tpu.vector_store %arg8[%swap3A_433, %swap3A_434], %div3A_431 {strides = array<i32>} : memref<2x3200xf32, #tpu.memory_space<vmem>>, vector<16xf32>,
        %add3A_436 = arith.addf %add3A_401, %div3A_431 : vector<16xf32>
        %mul3A_437 = arith.constant 8 : i32
        %mul3A_438 = arith.muli %scan3A_299, %mul3A_437 : i32
        %add3A_439 = arith.constant 4 : i32
        %add3A_440 = arith.addi %mul3A_438, %add3A_439 : i32
        %mul3A_441 = arith.constant 16 : i32
        %mul3A_442 = arith.muli %add3A_440, %mul3A_441 : i32
        %get3A_443 = arith.constant 1 : i32
        %get3A_444 = arith.constant 0 : i32
        %get3A_445 = arith.index_cast %get3A_443 : i32 to index
        %get3A_446 = arith.index_cast %get3A_444 : i32 to index
        %get3A_447 = arith.index_cast %mul3A_442 : i32 to index
        %get3A_448 = tpu.vector_load %arg7[%get3A_445, %get3A_446, %get3A_447] {strides = array<i32>} : memref<2x8x3200xf32, #tpu.memory_space<vmem>>, vector<16xf32>,
        %get3A_449 = arith.constant 1 : i32
        %get3A_450 = arith.index_cast %get3A_449 : i32 to index
        %get3A_451 = arith.index_cast %mul3A_442 : i32 to index
        %get3A_452 = tpu.vector_load %arg6[%get3A_450, %get3A_451] {strides = array<i32>} : memref<2x3200xf32, #tpu.memory_space<vmem>>, vector<16xf32>,
        %add3A_453 = arith.addf %get3A_448, %get3A_452 : vector<16xf32>
        %mul3A_454 = arith.constant 2.000000e+00 : f32
        %mul3A_455 = vector.broadcast %mul3A_454 : f32 to vector<16xf32>
        %mul3A_456 = arith.mulf %add3A_453, %mul3A_455 : vector<16xf32>
        %neg3A_457 = arith.constant 0.000000e+00 : f32
        %neg3A_458 = vector.broadcast %neg3A_457 : f32 to vector<16xf32>
        %neg3A_459 = arith.subf %neg3A_458, %mul3A_456 : vector<16xf32>
        %exp3A_460 = math.exp %neg3A_459 : vector<16xf32>
        %add3A_461 = arith.constant 1.000000e+00 : f32
        %add3A_462 = vector.broadcast %add3A_461 : f32 to vector<16xf32>
        %add3A_463 = arith.addf %add3A_462, %exp3A_460 : vector<16xf32>
        %div3A_464 = arith.constant 1.000000e+00 : f32
        %div3A_465 = vector.broadcast %div3A_464 : f32 to vector<16xf32>
        %div3A_466 = arith.divf %div3A_465, %add3A_463 : vector<16xf32>
        %swap3A_467 = arith.constant 1 : i32
        %swap3A_468 = arith.index_cast %swap3A_467 : i32 to index
        %swap3A_469 = arith.index_cast %mul3A_442 : i32 to index
        %swap3A_470 = tpu.vector_load %arg8[%swap3A_468, %swap3A_469] {strides = array<i32>} : memref<2x3200xf32, #tpu.memory_space<vmem>>, vector<16xf32>,
        tpu.vector_store %arg8[%swap3A_468, %swap3A_469], %div3A_466 {strides = array<i32>} : memref<2x3200xf32, #tpu.memory_space<vmem>>, vector<16xf32>,
        %add3A_471 = arith.addf %add3A_436, %div3A_466 : vector<16xf32>
        %mul3A_472 = arith.constant 8 : i32
        %mul3A_473 = arith.muli %scan3A_299, %mul3A_472 : i32
        %add3A_474 = arith.constant 5 : i32
        %add3A_475 = arith.addi %mul3A_473, %add3A_474 : i32
        %mul3A_476 = arith.constant 16 : i32
        %mul3A_477 = arith.muli %add3A_475, %mul3A_476 : i32
        %get3A_478 = arith.constant 1 : i32
        %get3A_479 = arith.constant 0 : i32
        %get3A_480 = arith.index_cast %get3A_478 : i32 to index
        %get3A_481 = arith.index_cast %get3A_479 : i32 to index
        %get3A_482 = arith.index_cast %mul3A_477 : i32 to index
        %get3A_483 = tpu.vector_load %arg7[%get3A_480, %get3A_481, %get3A_482] {strides = array<i32>} : memref<2x8x3200xf32, #tpu.memory_space<vmem>>, vector<16xf32>,
        %get3A_484 = arith.constant 1 : i32
        %get3A_485 = arith.index_cast %get3A_484 : i32 to index
        %get3A_486 = arith.index_cast %mul3A_477 : i32 to index
        %get3A_487 = tpu.vector_load %arg6[%get3A_485, %get3A_486] {strides = array<i32>} : memref<2x3200xf32, #tpu.memory_space<vmem>>, vector<16xf32>,
        %add3A_488 = arith.addf %get3A_483, %get3A_487 : vector<16xf32>
        %mul3A_489 = arith.constant 2.000000e+00 : f32
        %mul3A_490 = vector.broadcast %mul3A_489 : f32 to vector<16xf32>
        %mul3A_491 = arith.mulf %add3A_488, %mul3A_490 : vector<16xf32>
        %neg3A_492 = arith.constant 0.000000e+00 : f32
        %neg3A_493 = vector.broadcast %neg3A_492 : f32 to vector<16xf32>
        %neg3A_494 = arith.subf %neg3A_493, %mul3A_491 : vector<16xf32>
        %exp3A_495 = math.exp %neg3A_494 : vector<16xf32>
        %add3A_496 = arith.constant 1.000000e+00 : f32
        %add3A_497 = vector.broadcast %add3A_496 : f32 to vector<16xf32>
        %add3A_498 = arith.addf %add3A_497, %exp3A_495 : vector<16xf32>
        %div3A_499 = arith.constant 1.000000e+00 : f32
        %div3A_500 = vector.broadcast %div3A_499 : f32 to vector<16xf32>
        %div3A_501 = arith.divf %div3A_500, %add3A_498 : vector<16xf32>
        %swap3A_502 = arith.constant 1 : i32
        %swap3A_503 = arith.index_cast %swap3A_502 : i32 to index
        %swap3A_504 = arith.index_cast %mul3A_477 : i32 to index
        %swap3A_505 = tpu.vector_load %arg8[%swap3A_503, %swap3A_504] {strides = array<i32>} : memref<2x3200xf32, #tpu.memory_space<vmem>>, vector<16xf32>,
        tpu.vector_store %arg8[%swap3A_503, %swap3A_504], %div3A_501 {strides = array<i32>} : memref<2x3200xf32, #tpu.memory_space<vmem>>, vector<16xf32>,
        %add3A_506 = arith.addf %add3A_471, %div3A_501 : vector<16xf32>
        %mul3A_507 = arith.constant 8 : i32
        %mul3A_508 = arith.muli %scan3A_299, %mul3A_507 : i32
        %add3A_509 = arith.constant 6 : i32
        %add3A_510 = arith.addi %mul3A_508, %add3A_509 : i32
        %mul3A_511 = arith.constant 16 : i32
        %mul3A_512 = arith.muli %add3A_510, %mul3A_511 : i32
        %get3A_513 = arith.constant 1 : i32
        %get3A_514 = arith.constant 0 : i32
        %get3A_515 = arith.index_cast %get3A_513 : i32 to index
        %get3A_516 = arith.index_cast %get3A_514 : i32 to index
        %get3A_517 = arith.index_cast %mul3A_512 : i32 to index
        %get3A_518 = tpu.vector_load %arg7[%get3A_515, %get3A_516, %get3A_517] {strides = array<i32>} : memref<2x8x3200xf32, #tpu.memory_space<vmem>>, vector<16xf32>,
        %get3A_519 = arith.constant 1 : i32
        %get3A_520 = arith.index_cast %get3A_519 : i32 to index
        %get3A_521 = arith.index_cast %mul3A_512 : i32 to index
        %get3A_522 = tpu.vector_load %arg6[%get3A_520, %get3A_521] {strides = array<i32>} : memref<2x3200xf32, #tpu.memory_space<vmem>>, vector<16xf32>,
        %add3A_523 = arith.addf %get3A_518, %get3A_522 : vector<16xf32>
        %mul3A_524 = arith.constant 2.000000e+00 : f32
        %mul3A_525 = vector.broadcast %mul3A_524 : f32 to vector<16xf32>
        %mul3A_526 = arith.mulf %add3A_523, %mul3A_525 : vector<16xf32>
        %neg3A_527 = arith.constant 0.000000e+00 : f32
        %neg3A_528 = vector.broadcast %neg3A_527 : f32 to vector<16xf32>
        %neg3A_529 = arith.subf %neg3A_528, %mul3A_526 : vector<16xf32>
        %exp3A_530 = math.exp %neg3A_529 : vector<16xf32>
        %add3A_531 = arith.constant 1.000000e+00 : f32
        %add3A_532 = vector.broadcast %add3A_531 : f32 to vector<16xf32>
        %add3A_533 = arith.addf %add3A_532, %exp3A_530 : vector<16xf32>
        %div3A_534 = arith.constant 1.000000e+00 : f32
        %div3A_535 = vector.broadcast %div3A_534 : f32 to vector<16xf32>
        %div3A_536 = arith.divf %div3A_535, %add3A_533 : vector<16xf32>
        %swap3A_537 = arith.constant 1 : i32
        %swap3A_538 = arith.index_cast %swap3A_537 : i32 to index
        %swap3A_539 = arith.index_cast %mul3A_512 : i32 to index
        %swap3A_540 = tpu.vector_load %arg8[%swap3A_538, %swap3A_539] {strides = array<i32>} : memref<2x3200xf32, #tpu.memory_space<vmem>>, vector<16xf32>,
        tpu.vector_store %arg8[%swap3A_538, %swap3A_539], %div3A_536 {strides = array<i32>} : memref<2x3200xf32, #tpu.memory_space<vmem>>, vector<16xf32>,
        %add3A_541 = arith.addf %add3A_506, %div3A_536 : vector<16xf32>
        %mul3A_542 = arith.constant 8 : i32
        %mul3A_543 = arith.muli %scan3A_299, %mul3A_542 : i32
        %add3A_544 = arith.constant 7 : i32
        %add3A_545 = arith.addi %mul3A_543, %add3A_544 : i32
        %mul3A_546 = arith.constant 16 : i32
        %mul3A_547 = arith.muli %add3A_545, %mul3A_546 : i32
        %get3A_548 = arith.constant 1 : i32
        %get3A_549 = arith.constant 0 : i32
        %get3A_550 = arith.index_cast %get3A_548 : i32 to index
        %get3A_551 = arith.index_cast %get3A_549 : i32 to index
        %get3A_552 = arith.index_cast %mul3A_547 : i32 to index
        %get3A_553 = tpu.vector_load %arg7[%get3A_550, %get3A_551, %get3A_552] {strides = array<i32>} : memref<2x8x3200xf32, #tpu.memory_space<vmem>>, vector<16xf32>,
        %get3A_554 = arith.constant 1 : i32
        %get3A_555 = arith.index_cast %get3A_554 : i32 to index
        %get3A_556 = arith.index_cast %mul3A_547 : i32 to index
        %get3A_557 = tpu.vector_load %arg6[%get3A_555, %get3A_556] {strides = array<i32>} : memref<2x3200xf32, #tpu.memory_space<vmem>>, vector<16xf32>,
        %add3A_558 = arith.addf %get3A_553, %get3A_557 : vector<16xf32>
        %mul3A_559 = arith.constant 2.000000e+00 : f32
        %mul3A_560 = vector.broadcast %mul3A_559 : f32 to vector<16xf32>
        %mul3A_561 = arith.mulf %add3A_558, %mul3A_560 : vector<16xf32>
        %neg3A_562 = arith.constant 0.000000e+00 : f32
        %neg3A_563 = vector.broadcast %neg3A_562 : f32 to vector<16xf32>
        %neg3A_564 = arith.subf %neg3A_563, %mul3A_561 : vector<16xf32>
        %exp3A_565 = math.exp %neg3A_564 : vector<16xf32>
        %add3A_566 = arith.constant 1.000000e+00 : f32
        %add3A_567 = vector.broadcast %add3A_566 : f32 to vector<16xf32>
        %add3A_568 = arith.addf %add3A_567, %exp3A_565 : vector<16xf32>
        %div3A_569 = arith.constant 1.000000e+00 : f32
        %div3A_570 = vector.broadcast %div3A_569 : f32 to vector<16xf32>
        %div3A_571 = arith.divf %div3A_570, %add3A_568 : vector<16xf32>
        %swap3A_572 = arith.constant 1 : i32
        %swap3A_573 = arith.index_cast %swap3A_572 : i32 to index
        %swap3A_574 = arith.index_cast %mul3A_547 : i32 to index
        %swap3A_575 = tpu.vector_load %arg8[%swap3A_573, %swap3A_574] {strides = array<i32>} : memref<2x3200xf32, #tpu.memory_space<vmem>>, vector<16xf32>,
        tpu.vector_store %arg8[%swap3A_573, %swap3A_574], %div3A_571 {strides = array<i32>} : memref<2x3200xf32, #tpu.memory_space<vmem>>, vector<16xf32>,
        %add3A_576 = arith.addf %add3A_541, %div3A_571 : vector<16xf32>
        scf.yield %add3A_576 : vector<16xf32>
      }
      %scan3A_144 = arith.constant 25 : i32
      %add3A_145 = arith.constant 3200 : i32
      %add3A_146 = arith.addi %mul3A_4, %add3A_145 : i32
      %multiple_of3A_147 = tpu.assume_multiple %add3A_146, 128 : i32
      %dma_start3A_148 = arith.constant 1 : i32
      %dma_start3A_149 = arith.constant 0 : i32
      %dma_start3A_150 = tpu.memref_slice %arg8[%dma_start3A_148, %dma_start3A_149] : memref<2x3200xf32, #tpu.memory_space<vmem>> -> memref<1x3200xf32, #tpu.memory_space<vmem>>
      %dma_start3A_151 = tpu.memref_squeeze %dma_start3A_150 : memref<1x3200xf32, #tpu.memory_space<vmem>> -> memref<3200xf32, #tpu.memory_space<vmem>>
      %dma_start3A_152 = tpu.memref_slice %arg4[%multiple_of3A_147] : memref<320000xf32, #tpu.memory_space<hbm>> -> memref<3200xf32, #tpu.memory_space<hbm>>
      %dma_start3A_153 = tpu.memref_slice %arg4[%multiple_of3A_147] : memref<320000xf32, #tpu.memory_space<hbm>> -> memref<3200xf32, #tpu.memory_space<hbm>>
      %dma_start3A_154 = arith.constant 0 : i32
      %dma_start3A_155 = tpu.memref_slice %arg8[%dma_start3A_148, %dma_start3A_154] : memref<2x3200xf32, #tpu.memory_space<vmem>> -> memref<1x3200xf32, #tpu.memory_space<vmem>>
      %dma_start3A_156 = tpu.memref_squeeze %dma_start3A_155 : memref<1x3200xf32, #tpu.memory_space<vmem>> -> memref<3200xf32, #tpu.memory_space<vmem>>
      tpu.enqueue_dma source(%dma_start3A_156 : memref<3200xf32, #tpu.memory_space<vmem>>) target(%dma_start3A_153 : memref<3200xf32, #tpu.memory_space<hbm>>) target_semaphore(%arg13 : memref<!tpu.dma_semaphore, #tpu.memory_space<semaphore_mem>>)
      %add3A_157 = arith.constant 9600 : i32
      %add3A_158 = arith.addi %mul3A_4, %add3A_157 : i32
      %multiple_of3A_159 = tpu.assume_multiple %add3A_158, 128 : i32
      %dma_start3A_160 = arith.constant 1 : i32
      %dma_start3A_161 = arith.constant 0 : i32
      %dma_start3A_162 = arith.constant 0 : i32
      %dma_start3A_163 = tpu.memref_slice %arg7[%dma_start3A_160, %dma_start3A_161, %dma_start3A_162] : memref<2x8x3200xf32, #tpu.memory_space<vmem>> -> memref<1x8x3200xf32, #tpu.memory_space<vmem>>
      %dma_start3A_164 = tpu.memref_squeeze %dma_start3A_163 : memref<1x8x3200xf32, #tpu.memory_space<vmem>> -> memref<8x3200xf32, #tpu.memory_space<vmem>>
      %dma_start3A_165 = arith.constant 0 : i32
      %dma_start3A_166 = tpu.memref_slice %arg3[%dma_start3A_165, %multiple_of3A_159] : memref<8x320000xf32, #tpu.memory_space<hbm>> -> memref<8x3200xf32, #tpu.memory_space<hbm>>
      %dma_start3A_167 = arith.constant 0 : i32
      %dma_start3A_168 = arith.constant 0 : i32
      %dma_start3A_169 = tpu.memref_slice %arg7[%dma_start3A_160, %dma_start3A_167, %dma_start3A_168] : memref<2x8x3200xf32, #tpu.memory_space<vmem>> -> memref<1x8x3200xf32, #tpu.memory_space<vmem>>
      %dma_start3A_170 = tpu.memref_squeeze %dma_start3A_169 : memref<1x8x3200xf32, #tpu.memory_space<vmem>> -> memref<8x3200xf32, #tpu.memory_space<vmem>>
      %dma_start3A_171 = arith.constant 0 : i32
      %dma_start3A_172 = tpu.memref_slice %arg3[%dma_start3A_171, %multiple_of3A_159] : memref<8x320000xf32, #tpu.memory_space<hbm>> -> memref<8x3200xf32, #tpu.memory_space<hbm>>
      tpu.enqueue_dma source(%dma_start3A_172 : memref<8x3200xf32, #tpu.memory_space<hbm>>) target(%dma_start3A_170 : memref<8x3200xf32, #tpu.memory_space<vmem>>) target_semaphore(%arg11 : memref<!tpu.dma_semaphore, #tpu.memory_space<semaphore_mem>>)
      %dma_start3A_173 = arith.constant 1 : i32
      %dma_start3A_174 = arith.constant 0 : i32
      %dma_start3A_175 = tpu.memref_slice %arg6[%dma_start3A_173, %dma_start3A_174] : memref<2x3200xf32, #tpu.memory_space<vmem>> -> memref<1x3200xf32, #tpu.memory_space<vmem>>
      %dma_start3A_176 = tpu.memref_squeeze %dma_start3A_175 : memref<1x3200xf32, #tpu.memory_space<vmem>> -> memref<3200xf32, #tpu.memory_space<vmem>>
      %dma_start3A_177 = tpu.memref_slice %arg2[%multiple_of3A_159] : memref<320000xf32, #tpu.memory_space<hbm>> -> memref<3200xf32, #tpu.memory_space<hbm>>
      %dma_start3A_178 = arith.constant 0 : i32
      %dma_start3A_179 = tpu.memref_slice %arg6[%dma_start3A_173, %dma_start3A_178] : memref<2x3200xf32, #tpu.memory_space<vmem>> -> memref<1x3200xf32, #tpu.memory_space<vmem>>
      %dma_start3A_180 = tpu.memref_squeeze %dma_start3A_179 : memref<1x3200xf32, #tpu.memory_space<vmem>> -> memref<3200xf32, #tpu.memory_space<vmem>>
      %dma_start3A_181 = tpu.memref_slice %arg2[%multiple_of3A_159] : memref<320000xf32, #tpu.memory_space<hbm>> -> memref<3200xf32, #tpu.memory_space<hbm>>
      tpu.enqueue_dma source(%dma_start3A_181 : memref<3200xf32, #tpu.memory_space<hbm>>) target(%dma_start3A_180 : memref<3200xf32, #tpu.memory_space<vmem>>) target_semaphore(%arg11 : memref<!tpu.dma_semaphore, #tpu.memory_space<semaphore_mem>>)
      %dma_wait3A_182 = arith.constant 0 : i32
      %dma_wait3A_183 = arith.constant 0 : i32
      %dma_wait3A_184 = arith.constant 0 : i32
      %dma_wait3A_185 = tpu.memref_slice %arg7[%dma_wait3A_182, %dma_wait3A_183, %dma_wait3A_184] : memref<2x8x3200xf32, #tpu.memory_space<vmem>> -> memref<1x8x3200xf32, #tpu.memory_space<vmem>>
      %dma_wait3A_186 = tpu.memref_squeeze %dma_wait3A_185 : memref<1x8x3200xf32, #tpu.memory_space<vmem>> -> memref<8x3200xf32, #tpu.memory_space<vmem>>
      %dma_wait3A_187 = arith.constant 0 : i32
      %dma_wait3A_188 = tpu.memref_slice %arg3[%dma_wait3A_187, %multiple_of3A_94] : memref<8x320000xf32, #tpu.memory_space<hbm>> -> memref<8x3200xf32, #tpu.memory_space<hbm>>
      %dma_wait3A_189 = arith.constant 0 : i32
      %dma_wait3A_190 = arith.constant 0 : i32
      %dma_wait3A_191 = tpu.memref_slice %arg7[%dma_wait3A_182, %dma_wait3A_189, %dma_wait3A_190] : memref<2x8x3200xf32, #tpu.memory_space<vmem>> -> memref<1x8x3200xf32, #tpu.memory_space<vmem>>
      %dma_wait3A_192 = tpu.memref_squeeze %dma_wait3A_191 : memref<1x8x3200xf32, #tpu.memory_space<vmem>> -> memref<8x3200xf32, #tpu.memory_space<vmem>>
      %dma_wait3A_193 = arith.constant 0 : i32
      %dma_wait3A_194 = tpu.memref_slice %arg3[%dma_wait3A_193, %multiple_of3A_94] : memref<8x320000xf32, #tpu.memory_space<hbm>> -> memref<8x3200xf32, #tpu.memory_space<hbm>>
      tpu.wait_dma2 semaphore(%arg10 : memref<!tpu.dma_semaphore, #tpu.memory_space<semaphore_mem>>) src(%dma_wait3A_194 : memref<8x3200xf32, #tpu.memory_space<hbm>>) dst(%dma_wait3A_192 : memref<8x3200xf32, #tpu.memory_space<vmem>>)
      %dma_wait3A_195 = arith.constant 0 : i32
      %dma_wait3A_196 = arith.constant 0 : i32
      %dma_wait3A_197 = tpu.memref_slice %arg6[%dma_wait3A_195, %dma_wait3A_196] : memref<2x3200xf32, #tpu.memory_space<vmem>> -> memref<1x3200xf32, #tpu.memory_space<vmem>>
      %dma_wait3A_198 = tpu.memref_squeeze %dma_wait3A_197 : memref<1x3200xf32, #tpu.memory_space<vmem>> -> memref<3200xf32, #tpu.memory_space<vmem>>
      %dma_wait3A_199 = tpu.memref_slice %arg2[%multiple_of3A_94] : memref<320000xf32, #tpu.memory_space<hbm>> -> memref<3200xf32, #tpu.memory_space<hbm>>
      %dma_wait3A_200 = arith.constant 0 : i32
      %dma_wait3A_201 = tpu.memref_slice %arg6[%dma_wait3A_195, %dma_wait3A_200] : memref<2x3200xf32, #tpu.memory_space<vmem>> -> memref<1x3200xf32, #tpu.memory_space<vmem>>
      %dma_wait3A_202 = tpu.memref_squeeze %dma_wait3A_201 : memref<1x3200xf32, #tpu.memory_space<vmem>> -> memref<3200xf32, #tpu.memory_space<vmem>>
      %dma_wait3A_203 = tpu.memref_slice %arg2[%multiple_of3A_94] : memref<320000xf32, #tpu.memory_space<hbm>> -> memref<3200xf32, #tpu.memory_space<hbm>>
      tpu.wait_dma2 semaphore(%arg10 : memref<!tpu.dma_semaphore, #tpu.memory_space<semaphore_mem>>) src(%dma_wait3A_203 : memref<3200xf32, #tpu.memory_space<hbm>>) dst(%dma_wait3A_202 : memref<3200xf32, #tpu.memory_space<vmem>>)
      %dma_wait3A_204 = arith.constant 0 : i32
      %dma_wait3A_205 = arith.constant 0 : i32
      %dma_wait3A_206 = tpu.memref_slice %arg8[%dma_wait3A_204, %dma_wait3A_205] : memref<2x3200xf32, #tpu.memory_space<vmem>> -> memref<1x3200xf32, #tpu.memory_space<vmem>>
      %dma_wait3A_207 = tpu.memref_squeeze %dma_wait3A_206 : memref<1x3200xf32, #tpu.memory_space<vmem>> -> memref<3200xf32, #tpu.memory_space<vmem>>
      %dma_wait3A_208 = tpu.memref_slice %arg4[%multiple_of3A_82] : memref<320000xf32, #tpu.memory_space<hbm>> -> memref<3200xf32, #tpu.memory_space<hbm>>
      %dma_wait3A_209 = tpu.memref_slice %arg4[%multiple_of3A_82] : memref<320000xf32, #tpu.memory_space<hbm>> -> memref<3200xf32, #tpu.memory_space<hbm>>
      %dma_wait3A_210 = arith.constant 0 : i32
      %dma_wait3A_211 = tpu.memref_slice %arg8[%dma_wait3A_204, %dma_wait3A_210] : memref<2x3200xf32, #tpu.memory_space<vmem>> -> memref<1x3200xf32, #tpu.memory_space<vmem>>
      %dma_wait3A_212 = tpu.memref_squeeze %dma_wait3A_211 : memref<1x3200xf32, #tpu.memory_space<vmem>> -> memref<3200xf32, #tpu.memory_space<vmem>>
      tpu.wait_dma2 semaphore(%arg12 : memref<!tpu.dma_semaphore, #tpu.memory_space<semaphore_mem>>) src(%dma_wait3A_212 : memref<3200xf32, #tpu.memory_space<vmem>>) dst(%dma_wait3A_209 : memref<3200xf32, #tpu.memory_space<hbm>>)
      %scan3A_213 = arith.constant 0 : i32
      %scan3A_214 = arith.constant 25 : i32
      %scan3A_215 = arith.addi %scan3A_213, %scan3A_214 : i32
      %scan3A_216 = arith.constant 1 : i32
      %scan3A_217 = scf.for %scan3A_299 = %scan3A_213 to %scan3A_215 step %scan3A_216 iter_args(%scan3A_300 = %scan3A_143) -> (vector<16xf32>)  : i32 {
        %mul3A_301 = arith.constant 8 : i32
        %mul3A_302 = arith.muli %scan3A_299, %mul3A_301 : i32
        %add3A_303 = arith.constant 0 : i32
        %add3A_304 = arith.addi %mul3A_302, %add3A_303 : i32
        %mul3A_305 = arith.constant 16 : i32
        %mul3A_306 = arith.muli %add3A_304, %mul3A_305 : i32
        %get3A = arith.constant 0 : i32
        %get3A_307 = arith.constant 0 : i32
        %get3A_308 = arith.index_cast %get3A : i32 to index
        %get3A_309 = arith.index_cast %get3A_307 : i32 to index
        %get3A_310 = arith.index_cast %mul3A_306 : i32 to index
        %get3A_311 = tpu.vector_load %arg7[%get3A_308, %get3A_309, %get3A_310] {strides = array<i32>} : memref<2x8x3200xf32, #tpu.memory_space<vmem>>, vector<16xf32>,
        %get3A_312 = arith.constant 0 : i32
        %get3A_313 = arith.index_cast %get3A_312 : i32 to index
        %get3A_314 = arith.index_cast %mul3A_306 : i32 to index
        %get3A_315 = tpu.vector_load %arg6[%get3A_313, %get3A_314] {strides = array<i32>} : memref<2x3200xf32, #tpu.memory_space<vmem>>, vector<16xf32>,
        %add3A_316 = arith.addf %get3A_311, %get3A_315 : vector<16xf32>
        %mul3A_317 = arith.constant 2.000000e+00 : f32
        %mul3A_318 = vector.broadcast %mul3A_317 : f32 to vector<16xf32>
        %mul3A_319 = arith.mulf %add3A_316, %mul3A_318 : vector<16xf32>
        %neg3A = arith.constant 0.000000e+00 : f32
        %neg3A_320 = vector.broadcast %neg3A : f32 to vector<16xf32>
        %neg3A_321 = arith.subf %neg3A_320, %mul3A_319 : vector<16xf32>
        %exp3A = math.exp %neg3A_321 : vector<16xf32>
        %add3A_322 = arith.constant 1.000000e+00 : f32
        %add3A_323 = vector.broadcast %add3A_322 : f32 to vector<16xf32>
        %add3A_324 = arith.addf %add3A_323, %exp3A : vector<16xf32>
        %div3A = arith.constant 1.000000e+00 : f32
        %div3A_325 = vector.broadcast %div3A : f32 to vector<16xf32>
        %div3A_326 = arith.divf %div3A_325, %add3A_324 : vector<16xf32>
        %swap3A_327 = arith.constant 0 : i32
        %swap3A_328 = arith.index_cast %swap3A_327 : i32 to index
        %swap3A_329 = arith.index_cast %mul3A_306 : i32 to index
        %swap3A_330 = tpu.vector_load %arg8[%swap3A_328, %swap3A_329] {strides = array<i32>} : memref<2x3200xf32, #tpu.memory_space<vmem>>, vector<16xf32>,
        tpu.vector_store %arg8[%swap3A_328, %swap3A_329], %div3A_326 {strides = array<i32>} : memref<2x3200xf32, #tpu.memory_space<vmem>>, vector<16xf32>,
        %add3A_331 = arith.addf %scan3A_300, %div3A_326 : vector<16xf32>
        %mul3A_332 = arith.constant 8 : i32
        %mul3A_333 = arith.muli %scan3A_299, %mul3A_332 : i32
        %add3A_334 = arith.constant 1 : i32
        %add3A_335 = arith.addi %mul3A_333, %add3A_334 : i32
        %mul3A_336 = arith.constant 16 : i32
        %mul3A_337 = arith.muli %add3A_335, %mul3A_336 : i32
        %get3A_338 = arith.constant 0 : i32
        %get3A_339 = arith.constant 0 : i32
        %get3A_340 = arith.index_cast %get3A_338 : i32 to index
        %get3A_341 = arith.index_cast %get3A_339 : i32 to index
        %get3A_342 = arith.index_cast %mul3A_337 : i32 to index
        %get3A_343 = tpu.vector_load %arg7[%get3A_340, %get3A_341, %get3A_342] {strides = array<i32>} : memref<2x8x3200xf32, #tpu.memory_space<vmem>>, vector<16xf32>,
        %get3A_344 = arith.constant 0 : i32
        %get3A_345 = arith.index_cast %get3A_344 : i32 to index
        %get3A_346 = arith.index_cast %mul3A_337 : i32 to index
        %get3A_347 = tpu.vector_load %arg6[%get3A_345, %get3A_346] {strides = array<i32>} : memref<2x3200xf32, #tpu.memory_space<vmem>>, vector<16xf32>,
        %add3A_348 = arith.addf %get3A_343, %get3A_347 : vector<16xf32>
        %mul3A_349 = arith.constant 2.000000e+00 : f32
        %mul3A_350 = vector.broadcast %mul3A_349 : f32 to vector<16xf32>
        %mul3A_351 = arith.mulf %add3A_348, %mul3A_350 : vector<16xf32>
        %neg3A_352 = arith.constant 0.000000e+00 : f32
        %neg3A_353 = vector.broadcast %neg3A_352 : f32 to vector<16xf32>
        %neg3A_354 = arith.subf %neg3A_353, %mul3A_351 : vector<16xf32>
        %exp3A_355 = math.exp %neg3A_354 : vector<16xf32>
        %add3A_356 = arith.constant 1.000000e+00 : f32
        %add3A_357 = vector.broadcast %add3A_356 : f32 to vector<16xf32>
        %add3A_358 = arith.addf %add3A_357, %exp3A_355 : vector<16xf32>
        %div3A_359 = arith.constant 1.000000e+00 : f32
        %div3A_360 = vector.broadcast %div3A_359 : f32 to vector<16xf32>
        %div3A_361 = arith.divf %div3A_360, %add3A_358 : vector<16xf32>
        %swap3A_362 = arith.constant 0 : i32
        %swap3A_363 = arith.index_cast %swap3A_362 : i32 to index
        %swap3A_364 = arith.index_cast %mul3A_337 : i32 to index
        %swap3A_365 = tpu.vector_load %arg8[%swap3A_363, %swap3A_364] {strides = array<i32>} : memref<2x3200xf32, #tpu.memory_space<vmem>>, vector<16xf32>,
        tpu.vector_store %arg8[%swap3A_363, %swap3A_364], %div3A_361 {strides = array<i32>} : memref<2x3200xf32, #tpu.memory_space<vmem>>, vector<16xf32>,
        %add3A_366 = arith.addf %add3A_331, %div3A_361 : vector<16xf32>
        %mul3A_367 = arith.constant 8 : i32
        %mul3A_368 = arith.muli %scan3A_299, %mul3A_367 : i32
        %add3A_369 = arith.constant 2 : i32
        %add3A_370 = arith.addi %mul3A_368, %add3A_369 : i32
        %mul3A_371 = arith.constant 16 : i32
        %mul3A_372 = arith.muli %add3A_370, %mul3A_371 : i32
        %get3A_373 = arith.constant 0 : i32
        %get3A_374 = arith.constant 0 : i32
        %get3A_375 = arith.index_cast %get3A_373 : i32 to index
        %get3A_376 = arith.index_cast %get3A_374 : i32 to index
        %get3A_377 = arith.index_cast %mul3A_372 : i32 to index
        %get3A_378 = tpu.vector_load %arg7[%get3A_375, %get3A_376, %get3A_377] {strides = array<i32>} : memref<2x8x3200xf32, #tpu.memory_space<vmem>>, vector<16xf32>,
        %get3A_379 = arith.constant 0 : i32
        %get3A_380 = arith.index_cast %get3A_379 : i32 to index
        %get3A_381 = arith.index_cast %mul3A_372 : i32 to index
        %get3A_382 = tpu.vector_load %arg6[%get3A_380, %get3A_381] {strides = array<i32>} : memref<2x3200xf32, #tpu.memory_space<vmem>>, vector<16xf32>,
        %add3A_383 = arith.addf %get3A_378, %get3A_382 : vector<16xf32>
        %mul3A_384 = arith.constant 2.000000e+00 : f32
        %mul3A_385 = vector.broadcast %mul3A_384 : f32 to vector<16xf32>
        %mul3A_386 = arith.mulf %add3A_383, %mul3A_385 : vector<16xf32>
        %neg3A_387 = arith.constant 0.000000e+00 : f32
        %neg3A_388 = vector.broadcast %neg3A_387 : f32 to vector<16xf32>
        %neg3A_389 = arith.subf %neg3A_388, %mul3A_386 : vector<16xf32>
        %exp3A_390 = math.exp %neg3A_389 : vector<16xf32>
        %add3A_391 = arith.constant 1.000000e+00 : f32
        %add3A_392 = vector.broadcast %add3A_391 : f32 to vector<16xf32>
        %add3A_393 = arith.addf %add3A_392, %exp3A_390 : vector<16xf32>
        %div3A_394 = arith.constant 1.000000e+00 : f32
        %div3A_395 = vector.broadcast %div3A_394 : f32 to vector<16xf32>
        %div3A_396 = arith.divf %div3A_395, %add3A_393 : vector<16xf32>
        %swap3A_397 = arith.constant 0 : i32
        %swap3A_398 = arith.index_cast %swap3A_397 : i32 to index
        %swap3A_399 = arith.index_cast %mul3A_372 : i32 to index
        %swap3A_400 = tpu.vector_load %arg8[%swap3A_398, %swap3A_399] {strides = array<i32>} : memref<2x3200xf32, #tpu.memory_space<vmem>>, vector<16xf32>,
        tpu.vector_store %arg8[%swap3A_398, %swap3A_399], %div3A_396 {strides = array<i32>} : memref<2x3200xf32, #tpu.memory_space<vmem>>, vector<16xf32>,
        %add3A_401 = arith.addf %add3A_366, %div3A_396 : vector<16xf32>
        %mul3A_402 = arith.constant 8 : i32
        %mul3A_403 = arith.muli %scan3A_299, %mul3A_402 : i32
        %add3A_404 = arith.constant 3 : i32
        %add3A_405 = arith.addi %mul3A_403, %add3A_404 : i32
        %mul3A_406 = arith.constant 16 : i32
        %mul3A_407 = arith.muli %add3A_405, %mul3A_406 : i32
        %get3A_408 = arith.constant 0 : i32
        %get3A_409 = arith.constant 0 : i32
        %get3A_410 = arith.index_cast %get3A_408 : i32 to index
        %get3A_411 = arith.index_cast %get3A_409 : i32 to index
        %get3A_412 = arith.index_cast %mul3A_407 : i32 to index
        %get3A_413 = tpu.vector_load %arg7[%get3A_410, %get3A_411, %get3A_412] {strides = array<i32>} : memref<2x8x3200xf32, #tpu.memory_space<vmem>>, vector<16xf32>,
        %get3A_414 = arith.constant 0 : i32
        %get3A_415 = arith.index_cast %get3A_414 : i32 to index
        %get3A_416 = arith.index_cast %mul3A_407 : i32 to index
        %get3A_417 = tpu.vector_load %arg6[%get3A_415, %get3A_416] {strides = array<i32>} : memref<2x3200xf32, #tpu.memory_space<vmem>>, vector<16xf32>,
        %add3A_418 = arith.addf %get3A_413, %get3A_417 : vector<16xf32>
        %mul3A_419 = arith.constant 2.000000e+00 : f32
        %mul3A_420 = vector.broadcast %mul3A_419 : f32 to vector<16xf32>
        %mul3A_421 = arith.mulf %add3A_418, %mul3A_420 : vector<16xf32>
        %neg3A_422 = arith.constant 0.000000e+00 : f32
        %neg3A_423 = vector.broadcast %neg3A_422 : f32 to vector<16xf32>
        %neg3A_424 = arith.subf %neg3A_423, %mul3A_421 : vector<16xf32>
        %exp3A_425 = math.exp %neg3A_424 : vector<16xf32>
        %add3A_426 = arith.constant 1.000000e+00 : f32
        %add3A_427 = vector.broadcast %add3A_426 : f32 to vector<16xf32>
        %add3A_428 = arith.addf %add3A_427, %exp3A_425 : vector<16xf32>
        %div3A_429 = arith.constant 1.000000e+00 : f32
        %div3A_430 = vector.broadcast %div3A_429 : f32 to vector<16xf32>
        %div3A_431 = arith.divf %div3A_430, %add3A_428 : vector<16xf32>
        %swap3A_432 = arith.constant 0 : i32
        %swap3A_433 = arith.index_cast %swap3A_432 : i32 to index
        %swap3A_434 = arith.index_cast %mul3A_407 : i32 to index
        %swap3A_435 = tpu.vector_load %arg8[%swap3A_433, %swap3A_434] {strides = array<i32>} : memref<2x3200xf32, #tpu.memory_space<vmem>>, vector<16xf32>,
        tpu.vector_store %arg8[%swap3A_433, %swap3A_434], %div3A_431 {strides = array<i32>} : memref<2x3200xf32, #tpu.memory_space<vmem>>, vector<16xf32>,
        %add3A_436 = arith.addf %add3A_401, %div3A_431 : vector<16xf32>
        %mul3A_437 = arith.constant 8 : i32
        %mul3A_438 = arith.muli %scan3A_299, %mul3A_437 : i32
        %add3A_439 = arith.constant 4 : i32
        %add3A_440 = arith.addi %mul3A_438, %add3A_439 : i32
        %mul3A_441 = arith.constant 16 : i32
        %mul3A_442 = arith.muli %add3A_440, %mul3A_441 : i32
        %get3A_443 = arith.constant 0 : i32
        %get3A_444 = arith.constant 0 : i32
        %get3A_445 = arith.index_cast %get3A_443 : i32 to index
        %get3A_446 = arith.index_cast %get3A_444 : i32 to index
        %get3A_447 = arith.index_cast %mul3A_442 : i32 to index
        %get3A_448 = tpu.vector_load %arg7[%get3A_445, %get3A_446, %get3A_447] {strides = array<i32>} : memref<2x8x3200xf32, #tpu.memory_space<vmem>>, vector<16xf32>,
        %get3A_449 = arith.constant 0 : i32
        %get3A_450 = arith.index_cast %get3A_449 : i32 to index
        %get3A_451 = arith.index_cast %mul3A_442 : i32 to index
        %get3A_452 = tpu.vector_load %arg6[%get3A_450, %get3A_451] {strides = array<i32>} : memref<2x3200xf32, #tpu.memory_space<vmem>>, vector<16xf32>,
        %add3A_453 = arith.addf %get3A_448, %get3A_452 : vector<16xf32>
        %mul3A_454 = arith.constant 2.000000e+00 : f32
        %mul3A_455 = vector.broadcast %mul3A_454 : f32 to vector<16xf32>
        %mul3A_456 = arith.mulf %add3A_453, %mul3A_455 : vector<16xf32>
        %neg3A_457 = arith.constant 0.000000e+00 : f32
        %neg3A_458 = vector.broadcast %neg3A_457 : f32 to vector<16xf32>
        %neg3A_459 = arith.subf %neg3A_458, %mul3A_456 : vector<16xf32>
        %exp3A_460 = math.exp %neg3A_459 : vector<16xf32>
        %add3A_461 = arith.constant 1.000000e+00 : f32
        %add3A_462 = vector.broadcast %add3A_461 : f32 to vector<16xf32>
        %add3A_463 = arith.addf %add3A_462, %exp3A_460 : vector<16xf32>
        %div3A_464 = arith.constant 1.000000e+00 : f32
        %div3A_465 = vector.broadcast %div3A_464 : f32 to vector<16xf32>
        %div3A_466 = arith.divf %div3A_465, %add3A_463 : vector<16xf32>
        %swap3A_467 = arith.constant 0 : i32
        %swap3A_468 = arith.index_cast %swap3A_467 : i32 to index
        %swap3A_469 = arith.index_cast %mul3A_442 : i32 to index
        %swap3A_470 = tpu.vector_load %arg8[%swap3A_468, %swap3A_469] {strides = array<i32>} : memref<2x3200xf32, #tpu.memory_space<vmem>>, vector<16xf32>,
        tpu.vector_store %arg8[%swap3A_468, %swap3A_469], %div3A_466 {strides = array<i32>} : memref<2x3200xf32, #tpu.memory_space<vmem>>, vector<16xf32>,
        %add3A_471 = arith.addf %add3A_436, %div3A_466 : vector<16xf32>
        %mul3A_472 = arith.constant 8 : i32
        %mul3A_473 = arith.muli %scan3A_299, %mul3A_472 : i32
        %add3A_474 = arith.constant 5 : i32
        %add3A_475 = arith.addi %mul3A_473, %add3A_474 : i32
        %mul3A_476 = arith.constant 16 : i32
        %mul3A_477 = arith.muli %add3A_475, %mul3A_476 : i32
        %get3A_478 = arith.constant 0 : i32
        %get3A_479 = arith.constant 0 : i32
        %get3A_480 = arith.index_cast %get3A_478 : i32 to index
        %get3A_481 = arith.index_cast %get3A_479 : i32 to index
        %get3A_482 = arith.index_cast %mul3A_477 : i32 to index
        %get3A_483 = tpu.vector_load %arg7[%get3A_480, %get3A_481, %get3A_482] {strides = array<i32>} : memref<2x8x3200xf32, #tpu.memory_space<vmem>>, vector<16xf32>,
        %get3A_484 = arith.constant 0 : i32
        %get3A_485 = arith.index_cast %get3A_484 : i32 to index
        %get3A_486 = arith.index_cast %mul3A_477 : i32 to index
        %get3A_487 = tpu.vector_load %arg6[%get3A_485, %get3A_486] {strides = array<i32>} : memref<2x3200xf32, #tpu.memory_space<vmem>>, vector<16xf32>,
        %add3A_488 = arith.addf %get3A_483, %get3A_487 : vector<16xf32>
        %mul3A_489 = arith.constant 2.000000e+00 : f32
        %mul3A_490 = vector.broadcast %mul3A_489 : f32 to vector<16xf32>
        %mul3A_491 = arith.mulf %add3A_488, %mul3A_490 : vector<16xf32>
        %neg3A_492 = arith.constant 0.000000e+00 : f32
        %neg3A_493 = vector.broadcast %neg3A_492 : f32 to vector<16xf32>
        %neg3A_494 = arith.subf %neg3A_493, %mul3A_491 : vector<16xf32>
        %exp3A_495 = math.exp %neg3A_494 : vector<16xf32>
        %add3A_496 = arith.constant 1.000000e+00 : f32
        %add3A_497 = vector.broadcast %add3A_496 : f32 to vector<16xf32>
        %add3A_498 = arith.addf %add3A_497, %exp3A_495 : vector<16xf32>
        %div3A_499 = arith.constant 1.000000e+00 : f32
        %div3A_500 = vector.broadcast %div3A_499 : f32 to vector<16xf32>
        %div3A_501 = arith.divf %div3A_500, %add3A_498 : vector<16xf32>
        %swap3A_502 = arith.constant 0 : i32
        %swap3A_503 = arith.index_cast %swap3A_502 : i32 to index
        %swap3A_504 = arith.index_cast %mul3A_477 : i32 to index
        %swap3A_505 = tpu.vector_load %arg8[%swap3A_503, %swap3A_504] {strides = array<i32>} : memref<2x3200xf32, #tpu.memory_space<vmem>>, vector<16xf32>,
        tpu.vector_store %arg8[%swap3A_503, %swap3A_504], %div3A_501 {strides = array<i32>} : memref<2x3200xf32, #tpu.memory_space<vmem>>, vector<16xf32>,
        %add3A_506 = arith.addf %add3A_471, %div3A_501 : vector<16xf32>
        %mul3A_507 = arith.constant 8 : i32
        %mul3A_508 = arith.muli %scan3A_299, %mul3A_507 : i32
        %add3A_509 = arith.constant 6 : i32
        %add3A_510 = arith.addi %mul3A_508, %add3A_509 : i32
        %mul3A_511 = arith.constant 16 : i32
        %mul3A_512 = arith.muli %add3A_510, %mul3A_511 : i32
        %get3A_513 = arith.constant 0 : i32
        %get3A_514 = arith.constant 0 : i32
        %get3A_515 = arith.index_cast %get3A_513 : i32 to index
        %get3A_516 = arith.index_cast %get3A_514 : i32 to index
        %get3A_517 = arith.index_cast %mul3A_512 : i32 to index
        %get3A_518 = tpu.vector_load %arg7[%get3A_515, %get3A_516, %get3A_517] {strides = array<i32>} : memref<2x8x3200xf32, #tpu.memory_space<vmem>>, vector<16xf32>,
        %get3A_519 = arith.constant 0 : i32
        %get3A_520 = arith.index_cast %get3A_519 : i32 to index
        %get3A_521 = arith.index_cast %mul3A_512 : i32 to index
        %get3A_522 = tpu.vector_load %arg6[%get3A_520, %get3A_521] {strides = array<i32>} : memref<2x3200xf32, #tpu.memory_space<vmem>>, vector<16xf32>,
        %add3A_523 = arith.addf %get3A_518, %get3A_522 : vector<16xf32>
        %mul3A_524 = arith.constant 2.000000e+00 : f32
        %mul3A_525 = vector.broadcast %mul3A_524 : f32 to vector<16xf32>
        %mul3A_526 = arith.mulf %add3A_523, %mul3A_525 : vector<16xf32>
        %neg3A_527 = arith.constant 0.000000e+00 : f32
        %neg3A_528 = vector.broadcast %neg3A_527 : f32 to vector<16xf32>
        %neg3A_529 = arith.subf %neg3A_528, %mul3A_526 : vector<16xf32>
        %exp3A_530 = math.exp %neg3A_529 : vector<16xf32>
        %add3A_531 = arith.constant 1.000000e+00 : f32
        %add3A_532 = vector.broadcast %add3A_531 : f32 to vector<16xf32>
        %add3A_533 = arith.addf %add3A_532, %exp3A_530 : vector<16xf32>
        %div3A_534 = arith.constant 1.000000e+00 : f32
        %div3A_535 = vector.broadcast %div3A_534 : f32 to vector<16xf32>
        %div3A_536 = arith.divf %div3A_535, %add3A_533 : vector<16xf32>
        %swap3A_537 = arith.constant 0 : i32
        %swap3A_538 = arith.index_cast %swap3A_537 : i32 to index
        %swap3A_539 = arith.index_cast %mul3A_512 : i32 to index
        %swap3A_540 = tpu.vector_load %arg8[%swap3A_538, %swap3A_539] {strides = array<i32>} : memref<2x3200xf32, #tpu.memory_space<vmem>>, vector<16xf32>,
        tpu.vector_store %arg8[%swap3A_538, %swap3A_539], %div3A_536 {strides = array<i32>} : memref<2x3200xf32, #tpu.memory_space<vmem>>, vector<16xf32>,
        %add3A_541 = arith.addf %add3A_506, %div3A_536 : vector<16xf32>
        %mul3A_542 = arith.constant 8 : i32
        %mul3A_543 = arith.muli %scan3A_299, %mul3A_542 : i32
        %add3A_544 = arith.constant 7 : i32
        %add3A_545 = arith.addi %mul3A_543, %add3A_544 : i32
        %mul3A_546 = arith.constant 16 : i32
        %mul3A_547 = arith.muli %add3A_545, %mul3A_546 : i32
        %get3A_548 = arith.constant 0 : i32
        %get3A_549 = arith.constant 0 : i32
        %get3A_550 = arith.index_cast %get3A_548 : i32 to index
        %get3A_551 = arith.index_cast %get3A_549 : i32 to index
        %get3A_552 = arith.index_cast %mul3A_547 : i32 to index
        %get3A_553 = tpu.vector_load %arg7[%get3A_550, %get3A_551, %get3A_552] {strides = array<i32>} : memref<2x8x3200xf32, #tpu.memory_space<vmem>>, vector<16xf32>,
        %get3A_554 = arith.constant 0 : i32
        %get3A_555 = arith.index_cast %get3A_554 : i32 to index
        %get3A_556 = arith.index_cast %mul3A_547 : i32 to index
        %get3A_557 = tpu.vector_load %arg6[%get3A_555, %get3A_556] {strides = array<i32>} : memref<2x3200xf32, #tpu.memory_space<vmem>>, vector<16xf32>,
        %add3A_558 = arith.addf %get3A_553, %get3A_557 : vector<16xf32>
        %mul3A_559 = arith.constant 2.000000e+00 : f32
        %mul3A_560 = vector.broadcast %mul3A_559 : f32 to vector<16xf32>
        %mul3A_561 = arith.mulf %add3A_558, %mul3A_560 : vector<16xf32>
        %neg3A_562 = arith.constant 0.000000e+00 : f32
        %neg3A_563 = vector.broadcast %neg3A_562 : f32 to vector<16xf32>
        %neg3A_564 = arith.subf %neg3A_563, %mul3A_561 : vector<16xf32>
        %exp3A_565 = math.exp %neg3A_564 : vector<16xf32>
        %add3A_566 = arith.constant 1.000000e+00 : f32
        %add3A_567 = vector.broadcast %add3A_566 : f32 to vector<16xf32>
        %add3A_568 = arith.addf %add3A_567, %exp3A_565 : vector<16xf32>
        %div3A_569 = arith.constant 1.000000e+00 : f32
        %div3A_570 = vector.broadcast %div3A_569 : f32 to vector<16xf32>
        %div3A_571 = arith.divf %div3A_570, %add3A_568 : vector<16xf32>
        %swap3A_572 = arith.constant 0 : i32
        %swap3A_573 = arith.index_cast %swap3A_572 : i32 to index
        %swap3A_574 = arith.index_cast %mul3A_547 : i32 to index
        %swap3A_575 = tpu.vector_load %arg8[%swap3A_573, %swap3A_574] {strides = array<i32>} : memref<2x3200xf32, #tpu.memory_space<vmem>>, vector<16xf32>,
        tpu.vector_store %arg8[%swap3A_573, %swap3A_574], %div3A_571 {strides = array<i32>} : memref<2x3200xf32, #tpu.memory_space<vmem>>, vector<16xf32>,
        %add3A_576 = arith.addf %add3A_541, %div3A_571 : vector<16xf32>
        scf.yield %add3A_576 : vector<16xf32>
      }
      %scan3A_218 = arith.constant 25 : i32
      %add3A_219 = arith.constant 6400 : i32
      %add3A_220 = arith.addi %mul3A_4, %add3A_219 : i32
      %multiple_of3A_221 = tpu.assume_multiple %add3A_220, 128 : i32
      %dma_start3A_222 = arith.constant 0 : i32
      %dma_start3A_223 = arith.constant 0 : i32
      %dma_start3A_224 = tpu.memref_slice %arg8[%dma_start3A_222, %dma_start3A_223] : memref<2x3200xf32, #tpu.memory_space<vmem>> -> memref<1x3200xf32, #tpu.memory_space<vmem>>
      %dma_start3A_225 = tpu.memref_squeeze %dma_start3A_224 : memref<1x3200xf32, #tpu.memory_space<vmem>> -> memref<3200xf32, #tpu.memory_space<vmem>>
      %dma_start3A_226 = tpu.memref_slice %arg4[%multiple_of3A_221] : memref<320000xf32, #tpu.memory_space<hbm>> -> memref<3200xf32, #tpu.memory_space<hbm>>
      %dma_start3A_227 = tpu.memref_slice %arg4[%multiple_of3A_221] : memref<320000xf32, #tpu.memory_space<hbm>> -> memref<3200xf32, #tpu.memory_space<hbm>>
      %dma_start3A_228 = arith.constant 0 : i32
      %dma_start3A_229 = tpu.memref_slice %arg8[%dma_start3A_222, %dma_start3A_228] : memref<2x3200xf32, #tpu.memory_space<vmem>> -> memref<1x3200xf32, #tpu.memory_space<vmem>>
      %dma_start3A_230 = tpu.memref_squeeze %dma_start3A_229 : memref<1x3200xf32, #tpu.memory_space<vmem>> -> memref<3200xf32, #tpu.memory_space<vmem>>
      tpu.enqueue_dma source(%dma_start3A_230 : memref<3200xf32, #tpu.memory_space<vmem>>) target(%dma_start3A_227 : memref<3200xf32, #tpu.memory_space<hbm>>) target_semaphore(%arg12 : memref<!tpu.dma_semaphore, #tpu.memory_space<semaphore_mem>>)
      %dma_wait3A_231 = arith.constant 1 : i32
      %dma_wait3A_232 = arith.constant 0 : i32
      %dma_wait3A_233 = arith.constant 0 : i32
      %dma_wait3A_234 = tpu.memref_slice %arg7[%dma_wait3A_231, %dma_wait3A_232, %dma_wait3A_233] : memref<2x8x3200xf32, #tpu.memory_space<vmem>> -> memref<1x8x3200xf32, #tpu.memory_space<vmem>>
      %dma_wait3A_235 = tpu.memref_squeeze %dma_wait3A_234 : memref<1x8x3200xf32, #tpu.memory_space<vmem>> -> memref<8x3200xf32, #tpu.memory_space<vmem>>
      %dma_wait3A_236 = arith.constant 0 : i32
      %dma_wait3A_237 = tpu.memref_slice %arg3[%dma_wait3A_236, %multiple_of3A_159] : memref<8x320000xf32, #tpu.memory_space<hbm>> -> memref<8x3200xf32, #tpu.memory_space<hbm>>
      %dma_wait3A_238 = arith.constant 0 : i32
      %dma_wait3A_239 = arith.constant 0 : i32
      %dma_wait3A_240 = tpu.memref_slice %arg7[%dma_wait3A_231, %dma_wait3A_238, %dma_wait3A_239] : memref<2x8x3200xf32, #tpu.memory_space<vmem>> -> memref<1x8x3200xf32, #tpu.memory_space<vmem>>
      %dma_wait3A_241 = tpu.memref_squeeze %dma_wait3A_240 : memref<1x8x3200xf32, #tpu.memory_space<vmem>> -> memref<8x3200xf32, #tpu.memory_space<vmem>>
      %dma_wait3A_242 = arith.constant 0 : i32
      %dma_wait3A_243 = tpu.memref_slice %arg3[%dma_wait3A_242, %multiple_of3A_159] : memref<8x320000xf32, #tpu.memory_space<hbm>> -> memref<8x3200xf32, #tpu.memory_space<hbm>>
      tpu.wait_dma2 semaphore(%arg11 : memref<!tpu.dma_semaphore, #tpu.memory_space<semaphore_mem>>) src(%dma_wait3A_243 : memref<8x3200xf32, #tpu.memory_space<hbm>>) dst(%dma_wait3A_241 : memref<8x3200xf32, #tpu.memory_space<vmem>>)
      %dma_wait3A_244 = arith.constant 1 : i32
      %dma_wait3A_245 = arith.constant 0 : i32
      %dma_wait3A_246 = tpu.memref_slice %arg6[%dma_wait3A_244, %dma_wait3A_245] : memref<2x3200xf32, #tpu.memory_space<vmem>> -> memref<1x3200xf32, #tpu.memory_space<vmem>>
      %dma_wait3A_247 = tpu.memref_squeeze %dma_wait3A_246 : memref<1x3200xf32, #tpu.memory_space<vmem>> -> memref<3200xf32, #tpu.memory_space<vmem>>
      %dma_wait3A_248 = tpu.memref_slice %arg2[%multiple_of3A_159] : memref<320000xf32, #tpu.memory_space<hbm>> -> memref<3200xf32, #tpu.memory_space<hbm>>
      %dma_wait3A_249 = arith.constant 0 : i32
      %dma_wait3A_250 = tpu.memref_slice %arg6[%dma_wait3A_244, %dma_wait3A_249] : memref<2x3200xf32, #tpu.memory_space<vmem>> -> memref<1x3200xf32, #tpu.memory_space<vmem>>
      %dma_wait3A_251 = tpu.memref_squeeze %dma_wait3A_250 : memref<1x3200xf32, #tpu.memory_space<vmem>> -> memref<3200xf32, #tpu.memory_space<vmem>>
      %dma_wait3A_252 = tpu.memref_slice %arg2[%multiple_of3A_159] : memref<320000xf32, #tpu.memory_space<hbm>> -> memref<3200xf32, #tpu.memory_space<hbm>>
      tpu.wait_dma2 semaphore(%arg11 : memref<!tpu.dma_semaphore, #tpu.memory_space<semaphore_mem>>) src(%dma_wait3A_252 : memref<3200xf32, #tpu.memory_space<hbm>>) dst(%dma_wait3A_251 : memref<3200xf32, #tpu.memory_space<vmem>>)
      %dma_wait3A_253 = arith.constant 1 : i32
      %dma_wait3A_254 = arith.constant 0 : i32
      %dma_wait3A_255 = tpu.memref_slice %arg8[%dma_wait3A_253, %dma_wait3A_254] : memref<2x3200xf32, #tpu.memory_space<vmem>> -> memref<1x3200xf32, #tpu.memory_space<vmem>>
      %dma_wait3A_256 = tpu.memref_squeeze %dma_wait3A_255 : memref<1x3200xf32, #tpu.memory_space<vmem>> -> memref<3200xf32, #tpu.memory_space<vmem>>
      %dma_wait3A_257 = tpu.memref_slice %arg4[%multiple_of3A_147] : memref<320000xf32, #tpu.memory_space<hbm>> -> memref<3200xf32, #tpu.memory_space<hbm>>
      %dma_wait3A_258 = tpu.memref_slice %arg4[%multiple_of3A_147] : memref<320000xf32, #tpu.memory_space<hbm>> -> memref<3200xf32, #tpu.memory_space<hbm>>
      %dma_wait3A_259 = arith.constant 0 : i32
      %dma_wait3A_260 = tpu.memref_slice %arg8[%dma_wait3A_253, %dma_wait3A_259] : memref<2x3200xf32, #tpu.memory_space<vmem>> -> memref<1x3200xf32, #tpu.memory_space<vmem>>
      %dma_wait3A_261 = tpu.memref_squeeze %dma_wait3A_260 : memref<1x3200xf32, #tpu.memory_space<vmem>> -> memref<3200xf32, #tpu.memory_space<vmem>>
      tpu.wait_dma2 semaphore(%arg13 : memref<!tpu.dma_semaphore, #tpu.memory_space<semaphore_mem>>) src(%dma_wait3A_261 : memref<3200xf32, #tpu.memory_space<vmem>>) dst(%dma_wait3A_258 : memref<3200xf32, #tpu.memory_space<hbm>>)
      %scan3A_262 = arith.constant 0 : i32
      %scan3A_263 = arith.constant 25 : i32
      %scan3A_264 = arith.addi %scan3A_262, %scan3A_263 : i32
      %scan3A_265 = arith.constant 1 : i32
      %scan3A_266 = scf.for %scan3A_299 = %scan3A_262 to %scan3A_264 step %scan3A_265 iter_args(%scan3A_300 = %scan3A_217) -> (vector<16xf32>)  : i32 {
        %mul3A_301 = arith.constant 8 : i32
        %mul3A_302 = arith.muli %scan3A_299, %mul3A_301 : i32
        %add3A_303 = arith.constant 0 : i32
        %add3A_304 = arith.addi %mul3A_302, %add3A_303 : i32
        %mul3A_305 = arith.constant 16 : i32
        %mul3A_306 = arith.muli %add3A_304, %mul3A_305 : i32
        %get3A = arith.constant 1 : i32
        %get3A_307 = arith.constant 0 : i32
        %get3A_308 = arith.index_cast %get3A : i32 to index
        %get3A_309 = arith.index_cast %get3A_307 : i32 to index
        %get3A_310 = arith.index_cast %mul3A_306 : i32 to index
        %get3A_311 = tpu.vector_load %arg7[%get3A_308, %get3A_309, %get3A_310] {strides = array<i32>} : memref<2x8x3200xf32, #tpu.memory_space<vmem>>, vector<16xf32>,
        %get3A_312 = arith.constant 1 : i32
        %get3A_313 = arith.index_cast %get3A_312 : i32 to index
        %get3A_314 = arith.index_cast %mul3A_306 : i32 to index
        %get3A_315 = tpu.vector_load %arg6[%get3A_313, %get3A_314] {strides = array<i32>} : memref<2x3200xf32, #tpu.memory_space<vmem>>, vector<16xf32>,
        %add3A_316 = arith.addf %get3A_311, %get3A_315 : vector<16xf32>
        %mul3A_317 = arith.constant 2.000000e+00 : f32
        %mul3A_318 = vector.broadcast %mul3A_317 : f32 to vector<16xf32>
        %mul3A_319 = arith.mulf %add3A_316, %mul3A_318 : vector<16xf32>
        %neg3A = arith.constant 0.000000e+00 : f32
        %neg3A_320 = vector.broadcast %neg3A : f32 to vector<16xf32>
        %neg3A_321 = arith.subf %neg3A_320, %mul3A_319 : vector<16xf32>
        %exp3A = math.exp %neg3A_321 : vector<16xf32>
        %add3A_322 = arith.constant 1.000000e+00 : f32
        %add3A_323 = vector.broadcast %add3A_322 : f32 to vector<16xf32>
        %add3A_324 = arith.addf %add3A_323, %exp3A : vector<16xf32>
        %div3A = arith.constant 1.000000e+00 : f32
        %div3A_325 = vector.broadcast %div3A : f32 to vector<16xf32>
        %div3A_326 = arith.divf %div3A_325, %add3A_324 : vector<16xf32>
        %swap3A_327 = arith.constant 1 : i32
        %swap3A_328 = arith.index_cast %swap3A_327 : i32 to index
        %swap3A_329 = arith.index_cast %mul3A_306 : i32 to index
        %swap3A_330 = tpu.vector_load %arg8[%swap3A_328, %swap3A_329] {strides = array<i32>} : memref<2x3200xf32, #tpu.memory_space<vmem>>, vector<16xf32>,
        tpu.vector_store %arg8[%swap3A_328, %swap3A_329], %div3A_326 {strides = array<i32>} : memref<2x3200xf32, #tpu.memory_space<vmem>>, vector<16xf32>,
        %add3A_331 = arith.addf %scan3A_300, %div3A_326 : vector<16xf32>
        %mul3A_332 = arith.constant 8 : i32
        %mul3A_333 = arith.muli %scan3A_299, %mul3A_332 : i32
        %add3A_334 = arith.constant 1 : i32
        %add3A_335 = arith.addi %mul3A_333, %add3A_334 : i32
        %mul3A_336 = arith.constant 16 : i32
        %mul3A_337 = arith.muli %add3A_335, %mul3A_336 : i32
        %get3A_338 = arith.constant 1 : i32
        %get3A_339 = arith.constant 0 : i32
        %get3A_340 = arith.index_cast %get3A_338 : i32 to index
        %get3A_341 = arith.index_cast %get3A_339 : i32 to index
        %get3A_342 = arith.index_cast %mul3A_337 : i32 to index
        %get3A_343 = tpu.vector_load %arg7[%get3A_340, %get3A_341, %get3A_342] {strides = array<i32>} : memref<2x8x3200xf32, #tpu.memory_space<vmem>>, vector<16xf32>,
        %get3A_344 = arith.constant 1 : i32
        %get3A_345 = arith.index_cast %get3A_344 : i32 to index
        %get3A_346 = arith.index_cast %mul3A_337 : i32 to index
        %get3A_347 = tpu.vector_load %arg6[%get3A_345, %get3A_346] {strides = array<i32>} : memref<2x3200xf32, #tpu.memory_space<vmem>>, vector<16xf32>,
        %add3A_348 = arith.addf %get3A_343, %get3A_347 : vector<16xf32>
        %mul3A_349 = arith.constant 2.000000e+00 : f32
        %mul3A_350 = vector.broadcast %mul3A_349 : f32 to vector<16xf32>
        %mul3A_351 = arith.mulf %add3A_348, %mul3A_350 : vector<16xf32>
        %neg3A_352 = arith.constant 0.000000e+00 : f32
        %neg3A_353 = vector.broadcast %neg3A_352 : f32 to vector<16xf32>
        %neg3A_354 = arith.subf %neg3A_353, %mul3A_351 : vector<16xf32>
        %exp3A_355 = math.exp %neg3A_354 : vector<16xf32>
        %add3A_356 = arith.constant 1.000000e+00 : f32
        %add3A_357 = vector.broadcast %add3A_356 : f32 to vector<16xf32>
        %add3A_358 = arith.addf %add3A_357, %exp3A_355 : vector<16xf32>
        %div3A_359 = arith.constant 1.000000e+00 : f32
        %div3A_360 = vector.broadcast %div3A_359 : f32 to vector<16xf32>
        %div3A_361 = arith.divf %div3A_360, %add3A_358 : vector<16xf32>
        %swap3A_362 = arith.constant 1 : i32
        %swap3A_363 = arith.index_cast %swap3A_362 : i32 to index
        %swap3A_364 = arith.index_cast %mul3A_337 : i32 to index
        %swap3A_365 = tpu.vector_load %arg8[%swap3A_363, %swap3A_364] {strides = array<i32>} : memref<2x3200xf32, #tpu.memory_space<vmem>>, vector<16xf32>,
        tpu.vector_store %arg8[%swap3A_363, %swap3A_364], %div3A_361 {strides = array<i32>} : memref<2x3200xf32, #tpu.memory_space<vmem>>, vector<16xf32>,
        %add3A_366 = arith.addf %add3A_331, %div3A_361 : vector<16xf32>
        %mul3A_367 = arith.constant 8 : i32
        %mul3A_368 = arith.muli %scan3A_299, %mul3A_367 : i32
        %add3A_369 = arith.constant 2 : i32
        %add3A_370 = arith.addi %mul3A_368, %add3A_369 : i32
        %mul3A_371 = arith.constant 16 : i32
        %mul3A_372 = arith.muli %add3A_370, %mul3A_371 : i32
        %get3A_373 = arith.constant 1 : i32
        %get3A_374 = arith.constant 0 : i32
        %get3A_375 = arith.index_cast %get3A_373 : i32 to index
        %get3A_376 = arith.index_cast %get3A_374 : i32 to index
        %get3A_377 = arith.index_cast %mul3A_372 : i32 to index
        %get3A_378 = tpu.vector_load %arg7[%get3A_375, %get3A_376, %get3A_377] {strides = array<i32>} : memref<2x8x3200xf32, #tpu.memory_space<vmem>>, vector<16xf32>,
        %get3A_379 = arith.constant 1 : i32
        %get3A_380 = arith.index_cast %get3A_379 : i32 to index
        %get3A_381 = arith.index_cast %mul3A_372 : i32 to index
        %get3A_382 = tpu.vector_load %arg6[%get3A_380, %get3A_381] {strides = array<i32>} : memref<2x3200xf32, #tpu.memory_space<vmem>>, vector<16xf32>,
        %add3A_383 = arith.addf %get3A_378, %get3A_382 : vector<16xf32>
        %mul3A_384 = arith.constant 2.000000e+00 : f32
        %mul3A_385 = vector.broadcast %mul3A_384 : f32 to vector<16xf32>
        %mul3A_386 = arith.mulf %add3A_383, %mul3A_385 : vector<16xf32>
        %neg3A_387 = arith.constant 0.000000e+00 : f32
        %neg3A_388 = vector.broadcast %neg3A_387 : f32 to vector<16xf32>
        %neg3A_389 = arith.subf %neg3A_388, %mul3A_386 : vector<16xf32>
        %exp3A_390 = math.exp %neg3A_389 : vector<16xf32>
        %add3A_391 = arith.constant 1.000000e+00 : f32
        %add3A_392 = vector.broadcast %add3A_391 : f32 to vector<16xf32>
        %add3A_393 = arith.addf %add3A_392, %exp3A_390 : vector<16xf32>
        %div3A_394 = arith.constant 1.000000e+00 : f32
        %div3A_395 = vector.broadcast %div3A_394 : f32 to vector<16xf32>
        %div3A_396 = arith.divf %div3A_395, %add3A_393 : vector<16xf32>
        %swap3A_397 = arith.constant 1 : i32
        %swap3A_398 = arith.index_cast %swap3A_397 : i32 to index
        %swap3A_399 = arith.index_cast %mul3A_372 : i32 to index
        %swap3A_400 = tpu.vector_load %arg8[%swap3A_398, %swap3A_399] {strides = array<i32>} : memref<2x3200xf32, #tpu.memory_space<vmem>>, vector<16xf32>,
        tpu.vector_store %arg8[%swap3A_398, %swap3A_399], %div3A_396 {strides = array<i32>} : memref<2x3200xf32, #tpu.memory_space<vmem>>, vector<16xf32>,
        %add3A_401 = arith.addf %add3A_366, %div3A_396 : vector<16xf32>
        %mul3A_402 = arith.constant 8 : i32
        %mul3A_403 = arith.muli %scan3A_299, %mul3A_402 : i32
        %add3A_404 = arith.constant 3 : i32
        %add3A_405 = arith.addi %mul3A_403, %add3A_404 : i32
        %mul3A_406 = arith.constant 16 : i32
        %mul3A_407 = arith.muli %add3A_405, %mul3A_406 : i32
        %get3A_408 = arith.constant 1 : i32
        %get3A_409 = arith.constant 0 : i32
        %get3A_410 = arith.index_cast %get3A_408 : i32 to index
        %get3A_411 = arith.index_cast %get3A_409 : i32 to index
        %get3A_412 = arith.index_cast %mul3A_407 : i32 to index
        %get3A_413 = tpu.vector_load %arg7[%get3A_410, %get3A_411, %get3A_412] {strides = array<i32>} : memref<2x8x3200xf32, #tpu.memory_space<vmem>>, vector<16xf32>,
        %get3A_414 = arith.constant 1 : i32
        %get3A_415 = arith.index_cast %get3A_414 : i32 to index
        %get3A_416 = arith.index_cast %mul3A_407 : i32 to index
        %get3A_417 = tpu.vector_load %arg6[%get3A_415, %get3A_416] {strides = array<i32>} : memref<2x3200xf32, #tpu.memory_space<vmem>>, vector<16xf32>,
        %add3A_418 = arith.addf %get3A_413, %get3A_417 : vector<16xf32>
        %mul3A_419 = arith.constant 2.000000e+00 : f32
        %mul3A_420 = vector.broadcast %mul3A_419 : f32 to vector<16xf32>
        %mul3A_421 = arith.mulf %add3A_418, %mul3A_420 : vector<16xf32>
        %neg3A_422 = arith.constant 0.000000e+00 : f32
        %neg3A_423 = vector.broadcast %neg3A_422 : f32 to vector<16xf32>
        %neg3A_424 = arith.subf %neg3A_423, %mul3A_421 : vector<16xf32>
        %exp3A_425 = math.exp %neg3A_424 : vector<16xf32>
        %add3A_426 = arith.constant 1.000000e+00 : f32
        %add3A_427 = vector.broadcast %add3A_426 : f32 to vector<16xf32>
        %add3A_428 = arith.addf %add3A_427, %exp3A_425 : vector<16xf32>
        %div3A_429 = arith.constant 1.000000e+00 : f32
        %div3A_430 = vector.broadcast %div3A_429 : f32 to vector<16xf32>
        %div3A_431 = arith.divf %div3A_430, %add3A_428 : vector<16xf32>
        %swap3A_432 = arith.constant 1 : i32
        %swap3A_433 = arith.index_cast %swap3A_432 : i32 to index
        %swap3A_434 = arith.index_cast %mul3A_407 : i32 to index
        %swap3A_435 = tpu.vector_load %arg8[%swap3A_433, %swap3A_434] {strides = array<i32>} : memref<2x3200xf32, #tpu.memory_space<vmem>>, vector<16xf32>,
        tpu.vector_store %arg8[%swap3A_433, %swap3A_434], %div3A_431 {strides = array<i32>} : memref<2x3200xf32, #tpu.memory_space<vmem>>, vector<16xf32>,
        %add3A_436 = arith.addf %add3A_401, %div3A_431 : vector<16xf32>
        %mul3A_437 = arith.constant 8 : i32
        %mul3A_438 = arith.muli %scan3A_299, %mul3A_437 : i32
        %add3A_439 = arith.constant 4 : i32
        %add3A_440 = arith.addi %mul3A_438, %add3A_439 : i32
        %mul3A_441 = arith.constant 16 : i32
        %mul3A_442 = arith.muli %add3A_440, %mul3A_441 : i32
        %get3A_443 = arith.constant 1 : i32
        %get3A_444 = arith.constant 0 : i32
        %get3A_445 = arith.index_cast %get3A_443 : i32 to index
        %get3A_446 = arith.index_cast %get3A_444 : i32 to index
        %get3A_447 = arith.index_cast %mul3A_442 : i32 to index
        %get3A_448 = tpu.vector_load %arg7[%get3A_445, %get3A_446, %get3A_447] {strides = array<i32>} : memref<2x8x3200xf32, #tpu.memory_space<vmem>>, vector<16xf32>,
        %get3A_449 = arith.constant 1 : i32
        %get3A_450 = arith.index_cast %get3A_449 : i32 to index
        %get3A_451 = arith.index_cast %mul3A_442 : i32 to index
        %get3A_452 = tpu.vector_load %arg6[%get3A_450, %get3A_451] {strides = array<i32>} : memref<2x3200xf32, #tpu.memory_space<vmem>>, vector<16xf32>,
        %add3A_453 = arith.addf %get3A_448, %get3A_452 : vector<16xf32>
        %mul3A_454 = arith.constant 2.000000e+00 : f32
        %mul3A_455 = vector.broadcast %mul3A_454 : f32 to vector<16xf32>
        %mul3A_456 = arith.mulf %add3A_453, %mul3A_455 : vector<16xf32>
        %neg3A_457 = arith.constant 0.000000e+00 : f32
        %neg3A_458 = vector.broadcast %neg3A_457 : f32 to vector<16xf32>
        %neg3A_459 = arith.subf %neg3A_458, %mul3A_456 : vector<16xf32>
        %exp3A_460 = math.exp %neg3A_459 : vector<16xf32>
        %add3A_461 = arith.constant 1.000000e+00 : f32
        %add3A_462 = vector.broadcast %add3A_461 : f32 to vector<16xf32>
        %add3A_463 = arith.addf %add3A_462, %exp3A_460 : vector<16xf32>
        %div3A_464 = arith.constant 1.000000e+00 : f32
        %div3A_465 = vector.broadcast %div3A_464 : f32 to vector<16xf32>
        %div3A_466 = arith.divf %div3A_465, %add3A_463 : vector<16xf32>
        %swap3A_467 = arith.constant 1 : i32
        %swap3A_468 = arith.index_cast %swap3A_467 : i32 to index
        %swap3A_469 = arith.index_cast %mul3A_442 : i32 to index
        %swap3A_470 = tpu.vector_load %arg8[%swap3A_468, %swap3A_469] {strides = array<i32>} : memref<2x3200xf32, #tpu.memory_space<vmem>>, vector<16xf32>,
        tpu.vector_store %arg8[%swap3A_468, %swap3A_469], %div3A_466 {strides = array<i32>} : memref<2x3200xf32, #tpu.memory_space<vmem>>, vector<16xf32>,
        %add3A_471 = arith.addf %add3A_436, %div3A_466 : vector<16xf32>
        %mul3A_472 = arith.constant 8 : i32
        %mul3A_473 = arith.muli %scan3A_299, %mul3A_472 : i32
        %add3A_474 = arith.constant 5 : i32
        %add3A_475 = arith.addi %mul3A_473, %add3A_474 : i32
        %mul3A_476 = arith.constant 16 : i32
        %mul3A_477 = arith.muli %add3A_475, %mul3A_476 : i32
        %get3A_478 = arith.constant 1 : i32
        %get3A_479 = arith.constant 0 : i32
        %get3A_480 = arith.index_cast %get3A_478 : i32 to index
        %get3A_481 = arith.index_cast %get3A_479 : i32 to index
        %get3A_482 = arith.index_cast %mul3A_477 : i32 to index
        %get3A_483 = tpu.vector_load %arg7[%get3A_480, %get3A_481, %get3A_482] {strides = array<i32>} : memref<2x8x3200xf32, #tpu.memory_space<vmem>>, vector<16xf32>,
        %get3A_484 = arith.constant 1 : i32
        %get3A_485 = arith.index_cast %get3A_484 : i32 to index
        %get3A_486 = arith.index_cast %mul3A_477 : i32 to index
        %get3A_487 = tpu.vector_load %arg6[%get3A_485, %get3A_486] {strides = array<i32>} : memref<2x3200xf32, #tpu.memory_space<vmem>>, vector<16xf32>,
        %add3A_488 = arith.addf %get3A_483, %get3A_487 : vector<16xf32>
        %mul3A_489 = arith.constant 2.000000e+00 : f32
        %mul3A_490 = vector.broadcast %mul3A_489 : f32 to vector<16xf32>
        %mul3A_491 = arith.mulf %add3A_488, %mul3A_490 : vector<16xf32>
        %neg3A_492 = arith.constant 0.000000e+00 : f32
        %neg3A_493 = vector.broadcast %neg3A_492 : f32 to vector<16xf32>
        %neg3A_494 = arith.subf %neg3A_493, %mul3A_491 : vector<16xf32>
        %exp3A_495 = math.exp %neg3A_494 : vector<16xf32>
        %add3A_496 = arith.constant 1.000000e+00 : f32
        %add3A_497 = vector.broadcast %add3A_496 : f32 to vector<16xf32>
        %add3A_498 = arith.addf %add3A_497, %exp3A_495 : vector<16xf32>
        %div3A_499 = arith.constant 1.000000e+00 : f32
        %div3A_500 = vector.broadcast %div3A_499 : f32 to vector<16xf32>
        %div3A_501 = arith.divf %div3A_500, %add3A_498 : vector<16xf32>
        %swap3A_502 = arith.constant 1 : i32
        %swap3A_503 = arith.index_cast %swap3A_502 : i32 to index
        %swap3A_504 = arith.index_cast %mul3A_477 : i32 to index
        %swap3A_505 = tpu.vector_load %arg8[%swap3A_503, %swap3A_504] {strides = array<i32>} : memref<2x3200xf32, #tpu.memory_space<vmem>>, vector<16xf32>,
        tpu.vector_store %arg8[%swap3A_503, %swap3A_504], %div3A_501 {strides = array<i32>} : memref<2x3200xf32, #tpu.memory_space<vmem>>, vector<16xf32>,
        %add3A_506 = arith.addf %add3A_471, %div3A_501 : vector<16xf32>
        %mul3A_507 = arith.constant 8 : i32
        %mul3A_508 = arith.muli %scan3A_299, %mul3A_507 : i32
        %add3A_509 = arith.constant 6 : i32
        %add3A_510 = arith.addi %mul3A_508, %add3A_509 : i32
        %mul3A_511 = arith.constant 16 : i32
        %mul3A_512 = arith.muli %add3A_510, %mul3A_511 : i32
        %get3A_513 = arith.constant 1 : i32
        %get3A_514 = arith.constant 0 : i32
        %get3A_515 = arith.index_cast %get3A_513 : i32 to index
        %get3A_516 = arith.index_cast %get3A_514 : i32 to index
        %get3A_517 = arith.index_cast %mul3A_512 : i32 to index
        %get3A_518 = tpu.vector_load %arg7[%get3A_515, %get3A_516, %get3A_517] {strides = array<i32>} : memref<2x8x3200xf32, #tpu.memory_space<vmem>>, vector<16xf32>,
        %get3A_519 = arith.constant 1 : i32
        %get3A_520 = arith.index_cast %get3A_519 : i32 to index
        %get3A_521 = arith.index_cast %mul3A_512 : i32 to index
        %get3A_522 = tpu.vector_load %arg6[%get3A_520, %get3A_521] {strides = array<i32>} : memref<2x3200xf32, #tpu.memory_space<vmem>>, vector<16xf32>,
        %add3A_523 = arith.addf %get3A_518, %get3A_522 : vector<16xf32>
        %mul3A_524 = arith.constant 2.000000e+00 : f32
        %mul3A_525 = vector.broadcast %mul3A_524 : f32 to vector<16xf32>
        %mul3A_526 = arith.mulf %add3A_523, %mul3A_525 : vector<16xf32>
        %neg3A_527 = arith.constant 0.000000e+00 : f32
        %neg3A_528 = vector.broadcast %neg3A_527 : f32 to vector<16xf32>
        %neg3A_529 = arith.subf %neg3A_528, %mul3A_526 : vector<16xf32>
        %exp3A_530 = math.exp %neg3A_529 : vector<16xf32>
        %add3A_531 = arith.constant 1.000000e+00 : f32
        %add3A_532 = vector.broadcast %add3A_531 : f32 to vector<16xf32>
        %add3A_533 = arith.addf %add3A_532, %exp3A_530 : vector<16xf32>
        %div3A_534 = arith.constant 1.000000e+00 : f32
        %div3A_535 = vector.broadcast %div3A_534 : f32 to vector<16xf32>
        %div3A_536 = arith.divf %div3A_535, %add3A_533 : vector<16xf32>
        %swap3A_537 = arith.constant 1 : i32
        %swap3A_538 = arith.index_cast %swap3A_537 : i32 to index
        %swap3A_539 = arith.index_cast %mul3A_512 : i32 to index
        %swap3A_540 = tpu.vector_load %arg8[%swap3A_538, %swap3A_539] {strides = array<i32>} : memref<2x3200xf32, #tpu.memory_space<vmem>>, vector<16xf32>,
        tpu.vector_store %arg8[%swap3A_538, %swap3A_539], %div3A_536 {strides = array<i32>} : memref<2x3200xf32, #tpu.memory_space<vmem>>, vector<16xf32>,
        %add3A_541 = arith.addf %add3A_506, %div3A_536 : vector<16xf32>
        %mul3A_542 = arith.constant 8 : i32
        %mul3A_543 = arith.muli %scan3A_299, %mul3A_542 : i32
        %add3A_544 = arith.constant 7 : i32
        %add3A_545 = arith.addi %mul3A_543, %add3A_544 : i32
        %mul3A_546 = arith.constant 16 : i32
        %mul3A_547 = arith.muli %add3A_545, %mul3A_546 : i32
        %get3A_548 = arith.constant 1 : i32
        %get3A_549 = arith.constant 0 : i32
        %get3A_550 = arith.index_cast %get3A_548 : i32 to index
        %get3A_551 = arith.index_cast %get3A_549 : i32 to index
        %get3A_552 = arith.index_cast %mul3A_547 : i32 to index
        %get3A_553 = tpu.vector_load %arg7[%get3A_550, %get3A_551, %get3A_552] {strides = array<i32>} : memref<2x8x3200xf32, #tpu.memory_space<vmem>>, vector<16xf32>,
        %get3A_554 = arith.constant 1 : i32
        %get3A_555 = arith.index_cast %get3A_554 : i32 to index
        %get3A_556 = arith.index_cast %mul3A_547 : i32 to index
        %get3A_557 = tpu.vector_load %arg6[%get3A_555, %get3A_556] {strides = array<i32>} : memref<2x3200xf32, #tpu.memory_space<vmem>>, vector<16xf32>,
        %add3A_558 = arith.addf %get3A_553, %get3A_557 : vector<16xf32>
        %mul3A_559 = arith.constant 2.000000e+00 : f32
        %mul3A_560 = vector.broadcast %mul3A_559 : f32 to vector<16xf32>
        %mul3A_561 = arith.mulf %add3A_558, %mul3A_560 : vector<16xf32>
        %neg3A_562 = arith.constant 0.000000e+00 : f32
        %neg3A_563 = vector.broadcast %neg3A_562 : f32 to vector<16xf32>
        %neg3A_564 = arith.subf %neg3A_563, %mul3A_561 : vector<16xf32>
        %exp3A_565 = math.exp %neg3A_564 : vector<16xf32>
        %add3A_566 = arith.constant 1.000000e+00 : f32
        %add3A_567 = vector.broadcast %add3A_566 : f32 to vector<16xf32>
        %add3A_568 = arith.addf %add3A_567, %exp3A_565 : vector<16xf32>
        %div3A_569 = arith.constant 1.000000e+00 : f32
        %div3A_570 = vector.broadcast %div3A_569 : f32 to vector<16xf32>
        %div3A_571 = arith.divf %div3A_570, %add3A_568 : vector<16xf32>
        %swap3A_572 = arith.constant 1 : i32
        %swap3A_573 = arith.index_cast %swap3A_572 : i32 to index
        %swap3A_574 = arith.index_cast %mul3A_547 : i32 to index
        %swap3A_575 = tpu.vector_load %arg8[%swap3A_573, %swap3A_574] {strides = array<i32>} : memref<2x3200xf32, #tpu.memory_space<vmem>>, vector<16xf32>,
        tpu.vector_store %arg8[%swap3A_573, %swap3A_574], %div3A_571 {strides = array<i32>} : memref<2x3200xf32, #tpu.memory_space<vmem>>, vector<16xf32>,
        %add3A_576 = arith.addf %add3A_541, %div3A_571 : vector<16xf32>
        scf.yield %add3A_576 : vector<16xf32>
      }
      %scan3A_267 = arith.constant 25 : i32
      %add3A_268 = arith.constant 9600 : i32
      %add3A_269 = arith.addi %mul3A_4, %add3A_268 : i32
      %multiple_of3A_270 = tpu.assume_multiple %add3A_269, 128 : i32
      %dma_start3A_271 = arith.constant 1 : i32
      %dma_start3A_272 = arith.constant 0 : i32
      %dma_start3A_273 = tpu.memref_slice %arg8[%dma_start3A_271, %dma_start3A_272] : memref<2x3200xf32, #tpu.memory_space<vmem>> -> memref<1x3200xf32, #tpu.memory_space<vmem>>
      %dma_start3A_274 = tpu.memref_squeeze %dma_start3A_273 : memref<1x3200xf32, #tpu.memory_space<vmem>> -> memref<3200xf32, #tpu.memory_space<vmem>>
      %dma_start3A_275 = tpu.memref_slice %arg4[%multiple_of3A_270] : memref<320000xf32, #tpu.memory_space<hbm>> -> memref<3200xf32, #tpu.memory_space<hbm>>
      %dma_start3A_276 = tpu.memref_slice %arg4[%multiple_of3A_270] : memref<320000xf32, #tpu.memory_space<hbm>> -> memref<3200xf32, #tpu.memory_space<hbm>>
      %dma_start3A_277 = arith.constant 0 : i32
      %dma_start3A_278 = tpu.memref_slice %arg8[%dma_start3A_271, %dma_start3A_277] : memref<2x3200xf32, #tpu.memory_space<vmem>> -> memref<1x3200xf32, #tpu.memory_space<vmem>>
      %dma_start3A_279 = tpu.memref_squeeze %dma_start3A_278 : memref<1x3200xf32, #tpu.memory_space<vmem>> -> memref<3200xf32, #tpu.memory_space<vmem>>
      tpu.enqueue_dma source(%dma_start3A_279 : memref<3200xf32, #tpu.memory_space<vmem>>) target(%dma_start3A_276 : memref<3200xf32, #tpu.memory_space<hbm>>) target_semaphore(%arg13 : memref<!tpu.dma_semaphore, #tpu.memory_space<semaphore_mem>>)
      %dma_wait3A_280 = arith.constant 0 : i32
      %dma_wait3A_281 = arith.constant 0 : i32
      %dma_wait3A_282 = tpu.memref_slice %arg8[%dma_wait3A_280, %dma_wait3A_281] : memref<2x3200xf32, #tpu.memory_space<vmem>> -> memref<1x3200xf32, #tpu.memory_space<vmem>>
      %dma_wait3A_283 = tpu.memref_squeeze %dma_wait3A_282 : memref<1x3200xf32, #tpu.memory_space<vmem>> -> memref<3200xf32, #tpu.memory_space<vmem>>
      %dma_wait3A_284 = tpu.memref_slice %arg4[%multiple_of3A_221] : memref<320000xf32, #tpu.memory_space<hbm>> -> memref<3200xf32, #tpu.memory_space<hbm>>
      %dma_wait3A_285 = tpu.memref_slice %arg4[%multiple_of3A_221] : memref<320000xf32, #tpu.memory_space<hbm>> -> memref<3200xf32, #tpu.memory_space<hbm>>
      %dma_wait3A_286 = arith.constant 0 : i32
      %dma_wait3A_287 = tpu.memref_slice %arg8[%dma_wait3A_280, %dma_wait3A_286] : memref<2x3200xf32, #tpu.memory_space<vmem>> -> memref<1x3200xf32, #tpu.memory_space<vmem>>
      %dma_wait3A_288 = tpu.memref_squeeze %dma_wait3A_287 : memref<1x3200xf32, #tpu.memory_space<vmem>> -> memref<3200xf32, #tpu.memory_space<vmem>>
      tpu.wait_dma2 semaphore(%arg12 : memref<!tpu.dma_semaphore, #tpu.memory_space<semaphore_mem>>) src(%dma_wait3A_288 : memref<3200xf32, #tpu.memory_space<vmem>>) dst(%dma_wait3A_285 : memref<3200xf32, #tpu.memory_space<hbm>>)
      %dma_wait3A_289 = arith.constant 1 : i32
      %dma_wait3A_290 = arith.constant 0 : i32
      %dma_wait3A_291 = tpu.memref_slice %arg8[%dma_wait3A_289, %dma_wait3A_290] : memref<2x3200xf32, #tpu.memory_space<vmem>> -> memref<1x3200xf32, #tpu.memory_space<vmem>>
      %dma_wait3A_292 = tpu.memref_squeeze %dma_wait3A_291 : memref<1x3200xf32, #tpu.memory_space<vmem>> -> memref<3200xf32, #tpu.memory_space<vmem>>
      %dma_wait3A_293 = tpu.memref_slice %arg4[%multiple_of3A_270] : memref<320000xf32, #tpu.memory_space<hbm>> -> memref<3200xf32, #tpu.memory_space<hbm>>
      %dma_wait3A_294 = tpu.memref_slice %arg4[%multiple_of3A_270] : memref<320000xf32, #tpu.memory_space<hbm>> -> memref<3200xf32, #tpu.memory_space<hbm>>
      %dma_wait3A_295 = arith.constant 0 : i32
      %dma_wait3A_296 = tpu.memref_slice %arg8[%dma_wait3A_289, %dma_wait3A_295] : memref<2x3200xf32, #tpu.memory_space<vmem>> -> memref<1x3200xf32, #tpu.memory_space<vmem>>
      %dma_wait3A_297 = tpu.memref_squeeze %dma_wait3A_296 : memref<1x3200xf32, #tpu.memory_space<vmem>> -> memref<3200xf32, #tpu.memory_space<vmem>>
      tpu.wait_dma2 semaphore(%arg13 : memref<!tpu.dma_semaphore, #tpu.memory_space<semaphore_mem>>) src(%dma_wait3A_297 : memref<3200xf32, #tpu.memory_space<vmem>>) dst(%dma_wait3A_294 : memref<3200xf32, #tpu.memory_space<hbm>>)
      %swap3A = arith.constant 0 : index
      %swap3A_298 = tpu.vector_load %arg9[%swap3A] {strides = array<i32>} : memref<16xf32, #tpu.memory_space<vmem>>, vector<16xf32>,
      tpu.vector_store %arg9[%swap3A], %scan3A_266 {strides = array<i32>} : memref<16xf32, #tpu.memory_space<vmem>>, vector<16xf32>,
      "tpu.region"() ({
        %run_scoped3A = tpu.sem_alloc : memref<!tpu.dma_semaphore, #tpu.memory_space<semaphore_mem>>
        %dma_start3A_299 = arith.constant 0 : i32
        %dma_start3A_300 = tpu.memref_slice %arg5[%add3A, %dma_start3A_299] : memref<25x16xf32, #tpu.memory_space<hbm>> -> memref<1x16xf32, #tpu.memory_space<hbm>>
        %dma_start3A_301 = tpu.memref_squeeze %dma_start3A_300 : memref<1x16xf32, #tpu.memory_space<hbm>> -> memref<16xf32, #tpu.memory_space<hbm>>
        %dma_start3A_302 = arith.constant 0 : i32
        %dma_start3A_303 = tpu.memref_slice %arg5[%add3A, %dma_start3A_302] : memref<25x16xf32, #tpu.memory_space<hbm>> -> memref<1x16xf32, #tpu.memory_space<hbm>>
        %dma_start3A_304 = tpu.memref_squeeze %dma_start3A_303 : memref<1x16xf32, #tpu.memory_space<hbm>> -> memref<16xf32, #tpu.memory_space<hbm>>
        tpu.enqueue_dma source(%arg9 : memref<16xf32, #tpu.memory_space<vmem>>) target(%dma_start3A_304 : memref<16xf32, #tpu.memory_space<hbm>>) target_semaphore(%run_scoped3A : memref<!tpu.dma_semaphore, #tpu.memory_space<semaphore_mem>>)
        %dma_wait3A_305 = arith.constant 0 : i32
        %dma_wait3A_306 = tpu.memref_slice %arg5[%add3A, %dma_wait3A_305] : memref<25x16xf32, #tpu.memory_space<hbm>> -> memref<1x16xf32, #tpu.memory_space<hbm>>
        %dma_wait3A_307 = tpu.memref_squeeze %dma_wait3A_306 : memref<1x16xf32, #tpu.memory_space<hbm>> -> memref<16xf32, #tpu.memory_space<hbm>>
        %dma_wait3A_308 = arith.constant 0 : i32
        %dma_wait3A_309 = tpu.memref_slice %arg5[%add3A, %dma_wait3A_308] : memref<25x16xf32, #tpu.memory_space<hbm>> -> memref<1x16xf32, #tpu.memory_space<hbm>>
        %dma_wait3A_310 = tpu.memref_squeeze %dma_wait3A_309 : memref<1x16xf32, #tpu.memory_space<hbm>> -> memref<16xf32, #tpu.memory_space<hbm>>
        tpu.wait_dma2 semaphore(%run_scoped3A : memref<!tpu.dma_semaphore, #tpu.memory_space<semaphore_mem>>) src(%arg9 : memref<16xf32, #tpu.memory_space<vmem>>) dst(%dma_wait3A_310 : memref<16xf32, #tpu.memory_space<hbm>>)
        tpu.yield
      }) : () -> ()
    } else {
    }
    return
  }
}

module attributes {stable_mosaic.version = 14 : i64} {
  func.func @_node_body(%arg0: i32, %arg1: memref<2048x128xf32, #tpu.memory_space<vmem>>, %arg2: memref<128x256xbf16, #tpu.memory_space<vmem>>, %arg3: memref<256x8xbf16, #tpu.memory_space<vmem>>, %arg4: memref<10240xf32, #tpu.memory_space<vmem>>, %arg5: memref<10240xf32, #tpu.memory_space<vmem>>) attributes {dimension_semantics = [#tpu.dimension_semantics<arbitrary>], iteration_bounds = array<i64: 5>, scalar_prefetch = 0 : i64, scratch_operands = 0 : i64, tpu.core_type = #tpu.core_type<tc>, window_params = [{transform_indices = @transform_0, window_bounds = array<i64: 2048, 128>}, {pipeline_mode = #tpu.pipeline_mode<synchronous>, transform_indices = @transform_1, window_bounds = array<i64: 128, 256>}, {pipeline_mode = #tpu.pipeline_mode<synchronous>, transform_indices = @transform_2, window_bounds = array<i64: 256, 8>}, {pipeline_mode = #tpu.pipeline_mode<synchronous>, transform_indices = @transform_3, window_bounds = array<i64: 10240>}, {pipeline_mode = #tpu.pipeline_mode<synchronous>, transform_indices = @transform_4, window_bounds = array<i64: 10240>}]} {
    %get3A = arith.constant 0 : index
    %get3A_0 = arith.constant 0 : index
    %get3A_1 = vector.load %arg1[%get3A, %get3A_0] : memref<2048x128xf32, #tpu.memory_space<vmem>>, vector<2048x128xf32>
    %convert_element_type3A = arith.truncf %get3A_1 : vector<2048x128xf32> to vector<2048x128xbf16>
    %get3A_2 = arith.constant 0 : index
    %get3A_3 = arith.constant 0 : index
    %get3A_4 = vector.load %arg2[%get3A_2, %get3A_3] : memref<128x256xbf16, #tpu.memory_space<vmem>>, vector<128x256xbf16>
    %dot_general3A = arith.constant dense<0.000000e+00> : vector<2048x256xf32>
    %dot_general3A_5 = tpu.matmul %convert_element_type3A, %get3A_4, %dot_general3A {dimension_numbers = #tpu.dot_dimension_numbers<[1], [0], [0], [1], [0, 0, 1, 1], [], []>, transpose_lhs_hint = false} : vector<2048x128xbf16>, vector<128x256xbf16>, vector<2048x256xf32> -> vector<2048x256xf32>
    %mul3A = arith.constant 0.00999999977 : f32
    %mul3A_6 = vector.broadcast %mul3A : f32 to vector<2048x256xf32>
    %mul3A_7 = arith.mulf %mul3A_6, %dot_general3A_5 : vector<2048x256xf32>
    %max3A = arith.maximumf %dot_general3A_5, %mul3A_7 : vector<2048x256xf32>
    %convert_element_type3A_8 = arith.truncf %max3A : vector<2048x256xf32> to vector<2048x256xbf16>
    %get3A_9 = arith.constant 0 : index
    %get3A_10 = arith.constant 0 : index
    %get3A_11 = vector.load %arg3[%get3A_9, %get3A_10] : memref<256x8xbf16, #tpu.memory_space<vmem>>, vector<256x8xbf16>
    %dot_general3A_12 = arith.constant dense<0.000000e+00> : vector<2048x8xf32>
    %dot_general3A_13 = tpu.matmul %convert_element_type3A_8, %get3A_11, %dot_general3A_12 {dimension_numbers = #tpu.dot_dimension_numbers<[1], [0], [0], [1], [0, 0, 1, 1], [], []>, transpose_lhs_hint = false} : vector<2048x256xbf16>, vector<256x8xbf16>, vector<2048x8xf32> -> vector<2048x8xf32>
    %slice3A = vector.extract_strided_slice %dot_general3A_13 {offsets = [0, 0], sizes = [2048, 1], strides = [1, 1]} : vector<2048x8xf32> to vector<2048x1xf32>
    %squeeze3A = vector.shape_cast %slice3A : vector<2048x1xf32> to vector<2048xf32>
    %mul3A_14 = arith.constant 2048 : i32
    %mul3A_15 = arith.muli %arg0, %mul3A_14 : i32
    %swap3A = arith.index_cast %mul3A_15 : i32 to index
    %swap3A_16 = vector.load %arg4[%swap3A] : memref<10240xf32, #tpu.memory_space<vmem>>, vector<2048xf32>
    tpu.vector_store %arg4[%swap3A], %squeeze3A {strides = array<i32>} : memref<10240xf32, #tpu.memory_space<vmem>>, vector<2048xf32>,
    %slice3A_17 = vector.extract_strided_slice %dot_general3A_13 {offsets = [0, 1], sizes = [2048, 1], strides = [1, 1]} : vector<2048x8xf32> to vector<2048x1xf32>
    %squeeze3A_18 = vector.shape_cast %slice3A_17 : vector<2048x1xf32> to vector<2048xf32>
    %mul3A_19 = arith.constant 2048 : i32
    %mul3A_20 = arith.muli %arg0, %mul3A_19 : i32
    %swap3A_21 = arith.index_cast %mul3A_20 : i32 to index
    %swap3A_22 = vector.load %arg5[%swap3A_21] : memref<10240xf32, #tpu.memory_space<vmem>>, vector<2048xf32>
    tpu.vector_store %arg5[%swap3A_21], %squeeze3A_18 {strides = array<i32>} : memref<10240xf32, #tpu.memory_space<vmem>>, vector<2048xf32>,
    return
  }
  func.func @transform_0(%arg0: i32) -> (i32, i32) {
    %c0_i32 = arith.constant 0 : i32
    %c0_i32_0 = arith.constant 0 : i32
    return %arg0, %c0_i32 : i32, i32
  }
  func.func @transform_1(%arg0: i32) -> (i32, i32) {
    %c0_i32 = arith.constant 0 : i32
    %c0_i32_0 = arith.constant 0 : i32
    %c0_i32_1 = arith.constant 0 : i32
    return %c0_i32, %c0_i32_0 : i32, i32
  }
  func.func @transform_2(%arg0: i32) -> (i32, i32) {
    %c0_i32 = arith.constant 0 : i32
    %c0_i32_0 = arith.constant 0 : i32
    %c0_i32_1 = arith.constant 0 : i32
    return %c0_i32, %c0_i32_0 : i32, i32
  }
  func.func @transform_3(%arg0: i32) -> i32 {
    %c0_i32 = arith.constant 0 : i32
    %c0_i32_0 = arith.constant 0 : i32
    return %c0_i32 : i32
  }
  func.func @transform_4(%arg0: i32) -> i32 {
    %c0_i32 = arith.constant 0 : i32
    %c0_i32_0 = arith.constant 0 : i32
    return %c0_i32 : i32
  }
}

module attributes {stable_mosaic.version = 14 : i64} {
  func.func @_edge_body(%arg0: i32, %arg1: memref<16x64000xf32, #tpu.memory_space<vmem>>, %arg2: memref<128x16xbf16, #tpu.memory_space<vmem>>, %arg3: memref<8x128xbf16, #tpu.memory_space<vmem>>, %arg4: memref<8x128xf32, #tpu.memory_space<vmem>>, %arg5: memref<8x64000xf32, #tpu.memory_space<vmem>>) attributes {dimension_semantics = [#tpu.dimension_semantics<arbitrary>], iteration_bounds = array<i64: 5>, scalar_prefetch = 0 : i64, scratch_operands = 0 : i64, tpu.core_type = #tpu.core_type<tc>, window_params = [{transform_indices = @transform_0, window_bounds = array<i64: 16, 64000>}, {pipeline_mode = #tpu.pipeline_mode<synchronous>, transform_indices = @transform_1, window_bounds = array<i64: 128, 16>}, {pipeline_mode = #tpu.pipeline_mode<synchronous>, transform_indices = @transform_2, window_bounds = array<i64: 8, 128>}, {pipeline_mode = #tpu.pipeline_mode<synchronous>, transform_indices = @transform_3, window_bounds = array<i64: 8, 128>}, {transform_indices = @transform_4, window_bounds = array<i64: 8, 64000>}]} {
    %get3A = arith.constant 0 : index
    %get3A_0 = arith.constant 0 : index
    %get3A_1 = vector.load %arg2[%get3A, %get3A_0] : memref<128x16xbf16, #tpu.memory_space<vmem>>, vector<128x16xbf16>
    %get3A_2 = arith.constant 0 : index
    %get3A_3 = arith.constant 0 : index
    %get3A_4 = vector.load %arg1[%get3A_2, %get3A_3] : memref<16x64000xf32, #tpu.memory_space<vmem>>, vector<16x64000xf32>
    %convert_element_type3A = arith.truncf %get3A_4 : vector<16x64000xf32> to vector<16x64000xbf16>
    %dot_general3A = arith.constant dense<0.000000e+00> : vector<128x64000xf32>
    %dot_general3A_5 = tpu.matmul %get3A_1, %convert_element_type3A, %dot_general3A {dimension_numbers = #tpu.dot_dimension_numbers<[1], [0], [0], [1], [0, 0, 1, 1], [], []>, transpose_lhs_hint = false} : vector<128x16xbf16>, vector<16x64000xbf16>, vector<128x64000xf32> -> vector<128x64000xf32>
    %convert_element_type3A_6 = arith.truncf %dot_general3A_5 : vector<128x64000xf32> to vector<128x64000xbf16>
    %mul3A = arith.constant 1.000980e-02 : bf16
    %mul3A_7 = vector.broadcast %mul3A : bf16 to vector<128x64000xbf16>
    %mul3A_8 = arith.mulf %mul3A_7, %convert_element_type3A_6 : vector<128x64000xbf16>
    %max3A = arith.maximumf %convert_element_type3A_6, %mul3A_8 : vector<128x64000xbf16>
    %get3A_9 = arith.constant 0 : index
    %get3A_10 = arith.constant 0 : index
    %get3A_11 = vector.load %arg3[%get3A_9, %get3A_10] : memref<8x128xbf16, #tpu.memory_space<vmem>>, vector<8x128xbf16>
    %dot_general3A_12 = arith.constant dense<0.000000e+00> : vector<8x64000xf32>
    %dot_general3A_13 = tpu.matmul %get3A_11, %max3A, %dot_general3A_12 {dimension_numbers = #tpu.dot_dimension_numbers<[1], [0], [0], [1], [0, 0, 1, 1], [], []>, transpose_lhs_hint = false} : vector<8x128xbf16>, vector<128x64000xbf16>, vector<8x64000xf32> -> vector<8x64000xf32>
    %get3A_14 = arith.constant 0 : index
    %get3A_15 = arith.constant 0 : index
    %get3A_16 = vector.load %arg4[%get3A_14, %get3A_15] : memref<8x128xf32, #tpu.memory_space<vmem>>, vector<8x1xf32>
    %add3A = vector.broadcast %get3A_16 : vector<8x1xf32> to vector<8x64000xf32>
    %add3A_17 = arith.addf %dot_general3A_13, %add3A : vector<8x64000xf32>
    %swap3A = arith.constant 0 : index
    %swap3A_18 = arith.constant 0 : index
    %swap3A_19 = vector.load %arg5[%swap3A, %swap3A_18] : memref<8x64000xf32, #tpu.memory_space<vmem>>, vector<8x64000xf32>
    tpu.vector_store %arg5[%swap3A, %swap3A_18], %add3A_17 {strides = array<i32>} : memref<8x64000xf32, #tpu.memory_space<vmem>>, vector<8x64000xf32>,
    return
  }
  func.func @transform_0(%arg0: i32) -> (i32, i32) {
    %c0_i32 = arith.constant 0 : i32
    %c0_i32_0 = arith.constant 0 : i32
    return %c0_i32, %arg0 : i32, i32
  }
  func.func @transform_1(%arg0: i32) -> (i32, i32) {
    %c0_i32 = arith.constant 0 : i32
    %c0_i32_0 = arith.constant 0 : i32
    %c0_i32_1 = arith.constant 0 : i32
    return %c0_i32, %c0_i32_0 : i32, i32
  }
  func.func @transform_2(%arg0: i32) -> (i32, i32) {
    %c0_i32 = arith.constant 0 : i32
    %c0_i32_0 = arith.constant 0 : i32
    %c0_i32_1 = arith.constant 0 : i32
    return %c0_i32, %c0_i32_0 : i32, i32
  }
  func.func @transform_3(%arg0: i32) -> (i32, i32) {
    %c0_i32 = arith.constant 0 : i32
    %c0_i32_0 = arith.constant 0 : i32
    %c0_i32_1 = arith.constant 0 : i32
    return %c0_i32, %c0_i32_0 : i32, i32
  }
  func.func @transform_4(%arg0: i32) -> (i32, i32) {
    %c0_i32 = arith.constant 0 : i32
    %c0_i32_0 = arith.constant 0 : i32
    return %c0_i32, %arg0 : i32, i32
  }
}

</mosaic_0001>

<sc_bundles>
// kernel: kernel.6.cloned.1.call-start
scs
__scs_entry_jumppad:
0x0: {  	(pc) =	sbr.rel $0x88, $3  }
0x1: {  	(tag) =	ssettag $0x0;
	lr =	simm.s32 $0x1  }
0x2: {  	[smem:$0x3F95] =	sst lr;
	_ =	strace $0xD0000000  }
0x3: {  	_ = 	snop  }
0x4: {  	_ = 	snop  }
0x5: {  	_ = 	snop  }
0x6: {  	_ = 	snop  }
0x7: {  	_ = 	snop  }
__scs_overlays_trampoline_lowered:
0x8: {  	[smem:$0x3FA4] =	sst s0  }
0x9: {  	[smem:$0x3FA5] =	sst s1  }
0xa: {  	[smem:$0x3FA6] =	sst s2  }
0xb: {  	[smem:$0x3FA7] =	sst s3  }
0xc: {  	[smem:$0x3FA8] =	sst s4  }
0xd: {  	[smem:$0x3FA9] =	sst s5  }
0xe: {  	[smem:$0x3FAA] =	sst s6  }
0xf: {  	[smem:$0x3FAB] =	sst s7  }
0x10: {  	[smem:$0x3FAC] =	sst s8  }
0x11: {  	[smem:$0x3FAD] =	sst s9;
	s0 =	simm.s32 @!p0 $0x0  }
0x12: {  	s1 =	sld [smem:$0x3F93];
	s0 =	simm.s32 @p0 $0x1  }
0x13: {  	[smem:$0x3FAE] =	sst s0;
	s0 =	simm.s32 @!p1 $0x0  }
0x14: {  	s2 =	sld [smem:$0x3F92];
	s0 =	simm.s32 @p1 $0x1  }
0x15: {  	[smem:$0x3FAF] =	sst s0;
	s0 =	simm.s32 @!p2 $0x0  }
0x16: {  	s3 =	sld [smem:$0x3FDB];
	s0 =	simm.s32 @p2 $0x1  }
0x17: {  	s4 =	simm.s32 $0x1BF5;
	[smem:$0x3FB1] =	sst s0  }
0x18: {  	s0 =	sld [smem:$0x3F94];
	_ =	swait.ge [sflag:s4], $0x0  }
0x19: {  	s7 =	sld [smem:$0x3F95]  }
0x1a: {  	s8 =	sadd.s32 $0xFFFFE003, lr  }
0x1b: {  	s9 =	sadd.s32 $0xFFFFFEF7, lr;
	s5 =	simm.s32 $0xFFFFFFFF;
	p2 =	slt.u32 s8, $0xFFFFF086  }
0x1c: {  	p1 =	slt.u32 s9, $0xF7A;
	s5 =	simm.s32 @!p2 $0x0  }
0x1d: {  	s5 =	simm.s32 @p1 $0x1;
	p0 =	seq.s32 s7, s2  }
0x1e: {  	s7 =	smul.u32 @!p0 $0xF7A, s2;
	p2 =	seq.s32 @!p0 s5, $0x0  }
0x1f: {  	s9 =	smul.u32 $0xF7A, s1;
	s8 =	simm.s32 @!p0 $0x1BF5;
	p2 =	por !p2, p0  }
0x20: {  	[sflag:s8] =	ssyncset.s32 @!p0 $0xFFFFF086;
	s6 =	sadd.s32 @!p0 s3, s7;
	s7 =	simm.s32 @!p0 $0x108  }
0x21: {  	s3 =	sadd.s32 s3, s9;
	s6 =	sadd.s32 @!p0 $0x88, s6;
	s7 =	simm.s32 @p2 $0x1082  }
0x22: {  	[simem:s7], [sflag:s8] =	dma.local @!p0 [hbm:s6], $0xF7A  }
0x23: {  	s9 =	sor.u32 $0xD0000000, s2;
	s6 =	simm.s32 $0x108;
	_ =	swait.ge @!p0 [sflag:s8], $0x0  }
0x24: {  	s3 =	sadd.s32 $0x88, s3;
	s6 =	simm.s32 @!p1 $0x1082;
	[sflag:s4] =	ssyncset.s32 $0xFFFFF086  }
0x25: {  	[simem:s6], [sflag:s4] =	dma.local [hbm:s3], $0xF7A  }
0x26: {  	[smem:$0x3F95] =	sst s1;
	(tag) =	ssettag s2;
	_ =	strace s9  }
0x27: {  	s1 =	sld [smem:$0x3FA5]  }
0x28: {  	s2 =	sld [smem:$0x3FA6]  }
0x29: {  	s4 =	sld [smem:$0x3FA8]  }
0x2a: {  	p0 =	seq.s32 s5, $0x0;
	s5 =	sld [smem:$0x3FA9]  }
0x2b: {  	s6 =	sld [smem:$0x3FAA]  }
0x2c: {  	s7 =	sld [smem:$0x3FAB]  }
0x2d: {  	s3 =	simm.s32 $0x108;
	s8 =	sld [smem:$0x3FAC]  }
0x2e: {  	s3 =	simm.s32 @!p0 $0x1082;
	s9 =	sld [smem:$0x3FAD]  }
0x2f: {  	lr =	sadd.s32 s0, s3;
	s0 =	sld [smem:$0x3FA4]  }
0x30: {  	s3 =	sld [smem:$0x3FA7]  }
0x31: {  	[smem:$0x3FB0] =	sst s10  }
0x32: {  	s10 =	sld [smem:$0x3FAE];
	_ =	sdelay $0x3  }
0x33: {  	p0 =	seq.s32 s10, $0x1;
	s10 =	sld [smem:$0x3FB0];
	_ =	sdelay $0x3  }
0x34: {  	[smem:$0x3FB0] =	sst s10  }
0x35: {  	s10 =	sld [smem:$0x3FAF];
	_ =	sdelay $0x3  }
0x36: {  	p1 =	seq.s32 s10, $0x1;
	s10 =	sld [smem:$0x3FB0];
	_ =	sdelay $0x3  }
0x37: {  	[smem:$0x3FB0] =	sst s10  }
0x38: {  	s10 =	sld [smem:$0x3FB1]  }
0x39: {  	_ = 	snop;
	(pc) =	sbr.ind lr, $3  }
0x3a: {  	_ = 	snop  }
0x3b: {  	_ = 	snop  }
0x3c: {  	p2 =	seq.s32 s10, $0x1;
	s10 =	sld [smem:$0x3FB0]  }
0x3d: {  	_ =	shalt  }
0x3e: {  	_ =	shalt  }
0x3f: {  	_ =	shalt  }
0x40: {  	_ =	shalt  }
0x41: {  	_ =	shalt  }
0x42: {  	_ =	shalt  }
0x43: {  	_ =	shalt  }
0x44: {  	_ =	shalt  }
0x45: {  	_ =	shalt  }
0x46: {  	_ =	shalt  }
0x47: {  	_ =	shalt  }
0x48: {  	_ =	shalt  }
0x49: {  	_ =	shalt  }
0x4a: {  	_ =	shalt  }
0x4b: {  	_ =	shalt  }
0x4c: {  	_ =	shalt  }
0x4d: {  	_ =	shalt  }
0x4e: {  	_ =	shalt  }
0x4f: {  	_ =	shalt  }
0x50: {  	_ =	shalt  }
0x51: {  	_ =	shalt  }
0x52: {  	_ =	shalt  }
0x53: {  	_ =	shalt  }
0x54: {  	_ =	shalt  }
0x55: {  	_ =	shalt  }
0x56: {  	_ =	shalt  }
0x57: {  	_ =	shalt  }
0x58: {  	_ =	shalt  }
0x59: {  	_ =	shalt  }
0x5a: {  	_ =	shalt  }
0x5b: {  	_ =	shalt  }
0x5c: {  	_ =	shalt  }
0x5d: {  	_ =	shalt  }
0x5e: {  	_ =	shalt  }
0x5f: {  	_ =	shalt  }
0x60: {  	_ =	shalt  }
0x61: {  	_ =	shalt  }
0x62: {  	_ =	shalt  }
0x63: {  	_ =	shalt  }
0x64: {  	_ =	shalt  }
0x65: {  	_ =	shalt  }
0x66: {  	_ =	shalt  }
0x67: {  	_ =	shalt  }
0x68: {  	_ =	shalt  }
0x69: {  	_ =	shalt  }
0x6a: {  	_ =	shalt  }
0x6b: {  	_ =	shalt  }
0x6c: {  	_ =	shalt  }
0x6d: {  	_ =	shalt  }
0x6e: {  	_ =	shalt  }
0x6f: {  	_ =	shalt  }
0x70: {  	_ =	shalt  }
0x71: {  	_ =	shalt  }
0x72: {  	_ =	shalt  }
0x73: {  	_ =	shalt  }
0x74: {  	_ =	shalt  }
0x75: {  	_ =	shalt  }
0x76: {  	_ =	shalt  }
0x77: {  	_ =	shalt  }
0x78: {  	_ =	shalt  }
0x79: {  	_ =	shalt  }
0x7a: {  	_ =	shalt  }
0x7b: {  	_ =	shalt  }
0x7c: {  	_ =	shalt  }
0x7d: {  	_ =	shalt  }
0x7e: {  	_ =	shalt  }
0x7f: {  	_ =	shalt  }
0x80: {  	_ =	shalt  }
0x81: {  	_ =	shalt  }
0x82: {  	_ =	shalt  }
0x83: {  	_ =	shalt  }
0x84: {  	_ =	shalt  }
0x85: {  	_ =	shalt  }
0x86: {  	_ =	shalt  }
0x87: {  	_ =	shalt  }
.Lfunc_end0:
.L_simem_size_0:
called_computation_lowered:
.L_overlay_start_0:
0x88: {  	s2 =	sld [smem:$0x3FD9]  }
0x89: {  	s3 =	sld [smem:$0x3FFE];
	_ =	sdelay $0x1  }
0x8a: {  	s1 =	srdreg.scid  }
0x8b: {  	s0 =	sand.u32 $0x1, s1  }
0x8c: {  	s14 =	sshll.u32 s0, $0xA;
	s2 =	sadd.s32 s3, s2  }
0x8d: {  	s2 =	sadd.s32 s2, s14  }
0x8e: {  	[smem:$0x3FBC] =	sst s2  }
0x8f: {  	_ = 	snop  }
0x90: {  	s2 =	sld [smem:$0x3FD0];
	_ =	sdelay $0x2  }
0x91: {  	s15 =	simm.s32 $0xA;
	s4 =	simm.s32 $0x10  }
0x92: {  	[smem:s4], [sflag:s15] =	dma.local [hbm:s2], $0x1  }
0x93: {  	_ =	swait.eq [sflag:s15], $0x1  }
0x94: {  	[sflag:s15] =	ssyncset.done $0x0  }
0x95: {  	[sflag:s15] =	ssyncadd.s32 $0xFFFFFFFF  }
0x96: {  	s16 =	sld [smem:$0x11];
	(tm) =	ssettm $0x1  }
0x97: {  	s17 =	sld [smem:$0x3FFB];
	_ =	sdelay $0x3  }
0x98: {  	_ =	strace s17  }
0x99: {  	s3 =	sld [smem:$0x3FFC];
	_ =	sdelay $0x3  }
0x9a: {  	_ =	strace s3  }
0x9b: {  	s3 =	sld [smem:$0x3FFD];
	_ =	sdelay $0x3  }
0x9c: {  	_ =	strace s3  }
0x9d: {  	_ =	strace $0x8FFFFFFF  }
0x9e: {  	s18 =	sld [smem:$0x3FDB];
	_ =	sdelay $0x1  }
0x9f: {  	s19 =	simm.s32 $_scs_section_size  }
0xa0: {  	s5 =	simm.s32 $_size__tile_overlayer_lowered;
	s6 =	simm.s32 $_tile_overlayer_lowered  }
0xa1: {  	s22 =	simm.s32 $0x1BFF;
	s21 =	sshll.u32 s6, $0x1;
	s3 =	sadd.s32 s19, s18  }
0xa2: {  	s7 =	simm.s32 $0x0;
	s20 =	sshll.u32 s5, $0x1;
	s5 =	sadd.s32 s21, s3  }
0xa3: {  	[timem:s7], [sflag:s22] =	dma.local [hbm:s5], s20  }
0xa4: {  	_ =	swait.ge [sflag:s22], s20  }
0xa5: {  	s4 =	ssub.s32 $0x0, s20;
	[sflag:s22] =	ssyncset.done $0x0  }
0xa6: {  	[sflag:s22] =	ssyncadd.s32 s4;
	_ =	sdelay $0x1  }
0xa7: {  	s23 =	simm.s32 $0x1B8B  }
0xa8: {  	_ =	swait.ge [sflag:s23], $0x1  }
0xa9: {  	[sflag:s23] =	ssyncset.done $0x0  }
0xaa: {  	s25 =	simm.s32 $0x1B8E;
	s24 =	sld [smem:$0x3FFE];
	[sflag:s23] =	ssyncadd.s32 $0xFFFFFFFF  }
0xab: {  	s26 =	simm.s32 $execute0_lowered;
	[smem:$0x3FD2] =	sst s25  }
0xac: {  	s5 =	sshll.u32 s26, $0x1;
	_ =	strace $0x80000046;
	[dreg:$0x1] =	wrdreg $0xFFFFFFFF  }
0xad: {  	s28 =	simm.s32 $_size_execute0_lowered;
	s3 =	sadd.s32 s3, s5;
	[dreg:$0x0] =	wrdreg $0x0  }
0xae: {  	s5 =	sshll.u32 s28, $0x1;
	[dreg:$0x2] =	wrdreg s3  }
0xaf: {  	[dreg:$0x3] =	wrdreg s5  }
0xb0: {  	[dreg:$0x4] =	wrdreg $0xC0  }
0xb1: {  	_ =	task [dreg:s7], $0x5FFFF  }
0xb2: {  	[dreg:$0x1] =	wrdreg $0xFFFFFFFF  }
0xb3: {  	[dreg:$0x0] =	wrdreg $0x60  }
0xb4: {  	[dreg:$0x2] =	wrdreg s24  }
0xb5: {  	[dreg:$0x3] =	wrdreg s16  }
0xb6: {  	[dreg:$0x4] =	wrdreg $0x9  }
0xb7: {  	_ =	task.clear_ibuf [dreg:s7], $0x5FFFF;
	_ =	strace $0x90000046  }
0xb8: {  	s29 =	simm.s32 $0x9;
	_ =	strace $0x80000048  }
0xb9: {  	_ =	swait.ge [sflag:s29], $0x1  }
0xba: {  	[sflag:s29] =	ssyncadd.s32 $0xFFFFFFFF  }
0xbb: {  	_ =	strace $0x90000048  }
0xbc: {  	_ =	sfence  }
0xbd: {  	s30 =	sld [smem:$0x0];
	_ =	sdelay $0x2  }
0xbe: {  	s31 =	sshll.u32 s1, $0xD;
	s1 =	sshrl.u32 s1, $0x2  }
0xbf: {  	s3 =	sand.u32 $0x4000, s31;
	s1 =	sadd.s32 s1, s30  }
0xc0: {  	s0 =	sor.u32 s3, s0;
	s1 =	sshll.u32 s1, $0x11  }
0xc1: {  	s0 =	sor.u32 s1, s0  }
0xc2: {  	s0 =	sadd.s32 $0x8F2B, s0  }
0xc3: {  	[sflag:s0] =	ssyncadd.remote.s32 $0x1  }
0xc4: {  	_ =	sfence.sel $0xFFFF  }
0xc5: {  	[dreg:$0x0] =	wrdreg $0xFFFFFFFF;
	(pc) =	sbr.abs _section_cstart, $3  }
0xc6: {  	[dreg:$0x1] =	wrdreg $0xFFFFFFFF  }
0xc7: {  	_ =	task.clear_ibuf [dreg:s7], $0x2FFFF;
	_ =	strace $0x9FFFFFFF  }
0xc8: {  	(tm) =	ssettm $0x7FFFFFFF  }
0xc9: {  	_ =	shalt  }
tec
execute0_lowered:
.L_overlay_start_1:
0x0: {  	(tag) =	ssettag $0x1  }
0x1: {  	s1 =	srdreg.scid;
	s2 =	stileid.u32  }
0x2: {  	s1 =	sand.u32 $0x1, s1;
	s3 =	sshll.u32 s2, $0x1  }
0x3: {  	s3 =	sor.u32 s1, s3  }
0x4: {  	p0 =	sgt.u32 s3, $0x18  }
.Ltmp0:
0x5: {  	_ = 	snop;
	(pc) =	sbr.rel @p0 .LBB2_43-.Ltmp0, $4  }
0x6: {  	_ = 	snop  }
0x7: {  	s6 =	rddreg [dreg:$0x0];
	s2 =	simm.s32 $0x0  }
0x8: {  	[smem:$0x7FF] =	sst s2  }
0x9: {  	s0 =	rddreg [dreg:$0x1];
	_ =	strace $0x80000047  }
0xa: {  	s3 =	smul.u32 $0x3200, s3;
	s16 =	sadd.s32 $0x1800, s6;
	s4 =	sadd.s32 $0x15800, s6  }
0xb: {  	s20 =	sadd.s32 $0x15E00, s6;
	s1 =	ssub.s32 $0x2, s1;
	s23 =	simm.s32 $0x2800  }
0xc: {  	s24 =	simm.s32 $0x1;
	s25 =	simm.s32 $0x2;
	s26 =	simm.s32 $0x3  }
0xd: {  	s28 =	simm.s32 $0x4;
	s29 =	simm.s32 $0x0;
	s22 =	sshrl.u32 s1, $0x1  }
0xe: {  	s17 =	sshrl.u32 s3, $0x3;
	s3 =	sadd.s32 $0x15200, s6;
	s31 =	ssub.s32 s1, s22  }
0xf: {  	s22 =	simm.s32 $0x5;
	s5 =	sadd.s32 s16, s17;
	s15 =	sadd.s32 $0x190, s17  }
0x10: {  	s7 =	sadd.s32 s0, s17;
	s11 =	sadd.s32 s20, s17;
	s19 =	sadd.s32 $0x320, s17  }
0x11: {  	s21 =	sadd.s32 $0x4B0, s17;
	s6 =	sadd.s32 $0x9C40, s5;
	s8 =	sadd.s32 s16, s15  }
0x12: {  	s9 =	sadd.s32 $0x9DD0, s5;
	s10 =	sadd.s32 s0, s15;
	s12 =	sadd.s32 s16, s19  }
0x13: {  	s13 =	sadd.s32 $0x9F60, s5;
	s14 =	sadd.s32 s0, s19;
	s15 =	sadd.s32 s20, s15  }
0x14: {  	s16 =	sadd.s32 s16, s21;
	s17 =	sadd.s32 $0xA0F0, s5;
	s18 =	sadd.s32 s0, s21  }
0x15: {  	s19 =	sadd.s32 s20, s19;
	s20 =	sadd.s32 s20, s21;
	s21 =	smax.u32 s31, $0x1  }
.LBB2_2:
0x16: {  	s0 =	simm.s32 $0x5000  }
0x17: {  	s1 =	simm.s32 $0x10;
	s31 =	sadd.s32 $0x0, s5;
	s30 =	simm.s32 $0x5100  }
.LBB2_3:
0x18: {  	[tilespmem:s0], [sflag:$0x1] =	stream.linear.gather [hbm4b:s31+s2], $0x80, $0x38;
	[tilespmem:$0xB400] =	vst v63  }
0x19: {  	s31 =	smov.u32 s1;
	s0 =	smov.u32 s30;
	p0 =	sne.s32 s1, $0x180  }
.Ltmp1:
0x1a: {  	s1 =	sadd.s32 $0x10, s1;
	(pc) =	sbr.rel @p0 .LBB2_3-.Ltmp1, $2  }
0x1b: {  	_ =	sdelay $0x2  }
0x1c: {  	s30 =	sadd.s32 $0x100, s30;
	s31 =	sadd.s32 s31, s5  }
0x1d: {  	[tilespmem:s0], [sflag:$0x1] =	stream.linear.gather [hbm4b:s31+s2], $0x80, $0x38;
	[tilespmem:$0xB400] =	vst v63  }
0x1e: {  	s0 =	simm.s32 $0x6900  }
0x1f: {  	s1 =	simm.s32 $0x10;
	s31 =	sadd.s32 $0x0, s6;
	s30 =	simm.s32 $0x6A00  }
.LBB2_5:
0x20: {  	[tilespmem:s0], [sflag:$0x1] =	stream.linear.gather [hbm4b:s31+s2], $0x80, $0x38;
	[tilespmem:$0xB400] =	vst v63  }
0x21: {  	s31 =	smov.u32 s1;
	s0 =	smov.u32 s30;
	p0 =	sne.s32 s1, $0x180  }
.Ltmp2:
0x22: {  	s1 =	sadd.s32 $0x10, s1;
	(pc) =	sbr.rel @p0 .LBB2_5-.Ltmp2, $2  }
0x23: {  	_ =	sdelay $0x2  }
0x24: {  	s30 =	sadd.s32 $0x100, s30;
	s31 =	sadd.s32 s31, s6  }
0x25: {  	[tilespmem:s0], [sflag:$0x1] =	stream.linear.gather [hbm4b:s31+s2], $0x80, $0x38;
	[tilespmem:$0xB400] =	vst v63  }
0x26: {  	s0 =	simm.s32 $0x8200  }
0x27: {  	s1 =	simm.s32 $0x10;
	s31 =	sadd.s32 $0x0, s7;
	s30 =	simm.s32 $0x8300  }
.LBB2_7:
0x28: {  	[tilespmem:s0], [sflag:$0x1] =	stream.linear.gather [hbm4b:s31+s2], $0x80, $0x38;
	[tilespmem:$0xB400] =	vst v63  }
0x29: {  	s31 =	smov.u32 s1;
	s0 =	smov.u32 s30;
	p0 =	sne.s32 s1, $0x180  }
.Ltmp3:
0x2a: {  	s1 =	sadd.s32 $0x10, s1;
	(pc) =	sbr.rel @p0 .LBB2_7-.Ltmp3, $2  }
0x2b: {  	_ =	sdelay $0x2  }
0x2c: {  	s30 =	sadd.s32 $0x100, s30;
	s31 =	sadd.s32 s31, s7  }
0x2d: {  	[tilespmem:s0], [sflag:$0x1] =	stream.linear.gather [hbm4b:s31+s2], $0x80, $0x38;
	[tilespmem:$0xB400] =	vst v63  }
0x2e: {  	s1 =	simm.s32 $0x0  }
0x2f: {  	[tilespmem:s1], [sflag:$0x5] =	stream.linear.gather [hbm4b:s3+s1], $0x2800, $0x38;
	[tilespmem:$0xB400] =	vst v63  }
0x30: {  	_ =	swait.ge [sflag:s22], $0x2800  }
0x31: {  	[sflag:s22] =	ssyncset.done $0x0  }
0x32: {  	[sflag:s22] =	ssyncadd.s32 $0xFFFFD800  }
0x33: {  	[tilespmem:s23], [sflag:$0x5] =	stream.linear.gather [hbm4b:s4+s1], $0x2800, $0x38;
	[tilespmem:$0xB400] =	vst v63  }
0x34: {  	_ =	swait.ge [sflag:s22], $0x2800  }
0x35: {  	s0 =	simm.s32 $0x5080;
	s31 =	sadd.s32 $0x0, s8;
	[sflag:s22] =	ssyncset.done $0x0  }
0x36: {  	s30 =	simm.s32 $0x5180;
	s1 =	simm.s32 $0x10;
	[sflag:s22] =	ssyncadd.s32 $0xFFFFD800  }
.LBB2_9:
0x37: {  	[tilespmem:s0], [sflag:$0x2] =	stream.linear.gather [hbm4b:s31+s2], $0x80, $0x38;
	[tilespmem:$0xB400] =	vst v63  }
0x38: {  	s31 =	smov.u32 s1;
	s0 =	smov.u32 s30;
	p0 =	sne.s32 s1, $0x180  }
.Ltmp4:
0x39: {  	s1 =	sadd.s32 $0x10, s1;
	(pc) =	sbr.rel @p0 .LBB2_9-.Ltmp4, $2  }
0x3a: {  	_ =	sdelay $0x2  }
0x3b: {  	s30 =	sadd.s32 $0x100, s30;
	s31 =	sadd.s32 s31, s8  }
0x3c: {  	[tilespmem:s0], [sflag:$0x2] =	stream.linear.gather [hbm4b:s31+s2], $0x80, $0x38;
	[tilespmem:$0xB400] =	vst v63  }
0x3d: {  	s0 =	simm.s32 $0x6980  }
0x3e: {  	s1 =	simm.s32 $0x10;
	s31 =	sadd.s32 $0x0, s9;
	s30 =	simm.s32 $0x6A80  }
.LBB2_11:
0x3f: {  	[tilespmem:s0], [sflag:$0x2] =	stream.linear.gather [hbm4b:s31+s2], $0x80, $0x38;
	[tilespmem:$0xB400] =	vst v63  }
0x40: {  	s31 =	smov.u32 s1;
	s0 =	smov.u32 s30;
	p0 =	sne.s32 s1, $0x180  }
.Ltmp5:
0x41: {  	s1 =	sadd.s32 $0x10, s1;
	(pc) =	sbr.rel @p0 .LBB2_11-.Ltmp5, $2  }
0x42: {  	_ =	sdelay $0x2  }
0x43: {  	s30 =	sadd.s32 $0x100, s30;
	s31 =	sadd.s32 s31, s9  }
0x44: {  	[tilespmem:s0], [sflag:$0x2] =	stream.linear.gather [hbm4b:s31+s2], $0x80, $0x38;
	[tilespmem:$0xB400] =	vst v63  }
0x45: {  	s0 =	simm.s32 $0x8280  }
0x46: {  	s1 =	simm.s32 $0x10;
	s31 =	sadd.s32 $0x0, s10;
	s30 =	simm.s32 $0x8380  }
.LBB2_13:
0x47: {  	[tilespmem:s0], [sflag:$0x2] =	stream.linear.gather [hbm4b:s31+s2], $0x80, $0x38;
	[tilespmem:$0xB400] =	vst v63  }
0x48: {  	s31 =	smov.u32 s1;
	s0 =	smov.u32 s30;
	p0 =	sne.s32 s1, $0x180  }
.Ltmp6:
0x49: {  	s1 =	sadd.s32 $0x10, s1;
	(pc) =	sbr.rel @p0 .LBB2_13-.Ltmp6, $2  }
0x4a: {  	_ =	sdelay $0x2  }
0x4b: {  	s30 =	sadd.s32 $0x100, s30;
	s31 =	sadd.s32 s31, s10  }
0x4c: {  	[tilespmem:s0], [sflag:$0x2] =	stream.linear.gather [hbm4b:s31+s2], $0x80, $0x38;
	[tilespmem:$0xB400] =	vst v63  }
0x4d: {  	_ =	swait.ge [sflag:s24], $0xC80  }
0x4e: {  	[sflag:s24] =	ssyncset.done $0x0  }
0x4f: {  	[sflag:s24] =	ssyncadd.s32 $0xFFFFF380  }
0x50: {  	_ =	swait.ge [sflag:s24], $0xC80  }
0x51: {  	[sflag:s24] =	ssyncset.done $0x0  }
0x52: {  	[sflag:s24] =	ssyncadd.s32 $0xFFFFF380  }
0x53: {  	_ =	swait.ge [sflag:s24], $0xC80  }
0x54: {  	[sflag:s24] =	ssyncset.done $0x0  }
0x55: {  	s30 =	simm.s32 $0x0;
	[sflag:s24] =	ssyncadd.s32 $0xFFFFF380  }
0x56: {  	v0 =	vld [tilespmem:s30+$0x5000];
	_ =	sdelay $0x1  }
0x57: {  	v1 =	vld [tilespmem:s30+$0x6900];
	_ =	sdelay $0x4  }
0x58: {  	v2 =	vld [tilespmem:s30+$0x8200]  }
0x59: {  	v0 =	vld.idx.msk [tilespmem:v0+s2+$0x0], $0xffff  }
0x5a: {  	v3 =	vld [tilespmem:s30+$0x5010]  }
0x5b: {  	v1 =	vld.idx.msk [tilespmem:v1+s23+$0x0], $0xffff  }
0x5c: {  	v4 =	vld [tilespmem:s30+$0x6910];
	_ =	sdelay $0x1  }
0x5d: {  	v0 =	vadd.f32 v2, v0;
	_ =	sdelay $0x1  }
0x5e: {  	v0 =	vadd.f32 v0, v1;
	_ =	sdelay $0x1  }
0x5f: {  	v1 =	vld [tilespmem:s30+$0x8210];
	[tilespmem:s30+$0x9B00] =	vst v0  }
0x60: {  	v0 =	vld.idx.msk [tilespmem:v3+s2+$0x0], $0xffff  }
0x61: {  	v2 =	vld.idx.msk [tilespmem:v4+s23+$0x0], $0xffff  }
0x62: {  	v3 =	vld [tilespmem:s30+$0x5020]  }
0x63: {  	v58 =	vld [tilespmem:s30+$0x6920];
	_ =	sdelay $0x1  }
0x64: {  	v0 =	vadd.f32 v1, v0;
	_ =	sdelay $0x1  }
0x65: {  	v0 =	vadd.f32 v0, v2;
	_ =	sdelay $0x1  }
0x66: {  	v1 =	vld [tilespmem:s30+$0x8220];
	[tilespmem:s30+$0x9B10] =	vst v0  }
0x67: {  	v0 =	vld.idx.msk [tilespmem:v3+s2+$0x0], $0xffff  }
0x68: {  	v2 =	vld.idx.msk [tilespmem:v58+s23+$0x0], $0xffff  }
0x69: {  	v3 =	vld [tilespmem:s30+$0x5030]  }
0x6a: {  	v59 =	vld [tilespmem:s30+$0x6930];
	_ =	sdelay $0x1  }
0x6b: {  	v0 =	vadd.f32 v1, v0;
	_ =	sdelay $0x1  }
0x6c: {  	v0 =	vadd.f32 v0, v2;
	_ =	sdelay $0x1  }
0x6d: {  	v1 =	vld [tilespmem:s30+$0x8230];
	[tilespmem:s30+$0x9B20] =	vst v0  }
0x6e: {  	v0 =	vld.idx.msk [tilespmem:v3+s2+$0x0], $0xffff  }
0x6f: {  	v2 =	vld.idx.msk [tilespmem:v59+s23+$0x0], $0xffff  }
0x70: {  	v3 =	vld [tilespmem:s30+$0x5040]  }
0x71: {  	v60 =	vld [tilespmem:s30+$0x6940];
	_ =	sdelay $0x1  }
0x72: {  	v0 =	vadd.f32 v1, v0;
	_ =	sdelay $0x1  }
0x73: {  	v0 =	vadd.f32 v0, v2;
	_ =	sdelay $0x1  }
0x74: {  	v1 =	vld [tilespmem:s30+$0x8240];
	[tilespmem:s30+$0x9B30] =	vst v0  }
0x75: {  	v0 =	vld.idx.msk [tilespmem:v3+s2+$0x0], $0xffff  }
0x76: {  	v2 =	vld.idx.msk [tilespmem:v60+s23+$0x0], $0xffff  }
0x77: {  	v3 =	vld [tilespmem:s30+$0x5050]  }
0x78: {  	v61 =	vld [tilespmem:s30+$0x6950];
	_ =	sdelay $0x1  }
0x79: {  	v0 =	vadd.f32 v1, v0;
	_ =	sdelay $0x1  }
0x7a: {  	v0 =	vadd.f32 v0, v2;
	_ =	sdelay $0x1  }
0x7b: {  	[tilespmem:s30+$0x9B40] =	vst v0;
	v0 =	vld [tilespmem:s30+$0x8250]  }
0x7c: {  	v1 =	vld.idx.msk [tilespmem:v3+s2+$0x0], $0xffff  }
0x7d: {  	v2 =	vld.idx.msk [tilespmem:v61+s23+$0x0], $0xffff  }
0x7e: {  	v3 =	vld [tilespmem:s30+$0x5060]  }
0x7f: {  	v62 =	vld [tilespmem:s30+$0x6960];
	_ =	sdelay $0x1  }
0x80: {  	v0 =	vadd.f32 v0, v1;
	_ =	sdelay $0x1  }
0x81: {  	v0 =	vadd.f32 v0, v2;
	_ =	sdelay $0x1  }
0x82: {  	[tilespmem:s30+$0x9B50] =	vst v0;
	v0 =	vld [tilespmem:s30+$0x8260]  }
0x83: {  	v1 =	vld.idx.msk [tilespmem:v3+s2+$0x0], $0xffff  }
0x84: {  	v2 =	vld.idx.msk [tilespmem:v62+s23+$0x0], $0xffff  }
0x85: {  	v3 =	vld [tilespmem:s30+$0x5070];
	_ =	sdelay $0x2  }
0x86: {  	v0 =	vadd.f32 v0, v1  }
0x87: {  	v63 =	vld [tilespmem:s30+$0x6970]  }
0x88: {  	v0 =	vadd.f32 v0, v2;
	_ =	sdelay $0x1  }
0x89: {  	[tilespmem:s30+$0x9B60] =	vst v0;
	v0 =	vld [tilespmem:s30+$0x8270]  }
0x8a: {  	v1 =	vld.idx.msk [tilespmem:v3+s2+$0x0], $0xffff;
	_ =	sdelay $0x3  }
0x8b: {  	s0 =	simm.s32 $0x100;
	v2 =	vld.idx.msk [tilespmem:v63+s23+$0x0], $0xffff  }
0x8c: {  	v3 =	vadd.f32 v0, v1;
	v1 =	vld [tilespmem:s0+$0x5000];
	_ =	sdelay $0x1  }
0x8d: {  	v0 =	vld [tilespmem:s0+$0x6900];
	_ =	sdelay $0x2  }
0x8e: {  	s31 =	simm.s32 $0x800;
	v2 =	vadd.f32 v3, v2  }
.LBB2_15:
0x8f: {  	_ = 	snop  }
0x90: {  	p0 =	sne.s32 s31, $0x6000;
	s1 =	smov.u32 s31;
	s31 =	sadd.s32 $0x400, s31;
	[tilespmem:s30+$0x9B70] =	vst v2  }
0x91: {  	s30 =	smov.u32 s0;
	v1 =	vld.idx.msk [tilespmem:v1+s2+$0x0], $0xffff  }
0x92: {  	v2 =	vld [tilespmem:s30+$0x8200]  }
0x93: {  	v0 =	vld.idx.msk [tilespmem:v0+s23+$0x0], $0xffff  }
0x94: {  	v3 =	vld [tilespmem:s30+$0x5010];
	_ =	sdelay $0x1  }
0x95: {  	v4 =	vld [tilespmem:s30+$0x6910]  }
0x96: {  	v1 =	vadd.f32 v2, v1;
	_ =	sdelay $0x1  }
0x97: {  	v0 =	vadd.f32 v1, v0;
	_ =	sdelay $0x1  }
0x98: {  	[tilespmem:s30+$0x9B00] =	vst v0  }
0x99: {  	v0 =	vld.idx.msk [tilespmem:v3+s2+$0x0], $0xffff  }
0x9a: {  	v1 =	vld [tilespmem:s30+$0x8210]  }
0x9b: {  	v2 =	vld.idx.msk [tilespmem:v4+s23+$0x0], $0xffff  }
0x9c: {  	v3 =	vld [tilespmem:s30+$0x5020];
	_ =	sdelay $0x1  }
0x9d: {  	v4 =	vld [tilespmem:s30+$0x6920]  }
0x9e: {  	v0 =	vadd.f32 v1, v0;
	_ =	sdelay $0x1  }
0x9f: {  	v0 =	vadd.f32 v0, v2;
	_ =	sdelay $0x1  }
0xa0: {  	[tilespmem:s30+$0x9B10] =	vst v0  }
0xa1: {  	v0 =	vld.idx.msk [tilespmem:v3+s2+$0x0], $0xffff  }
0xa2: {  	v1 =	vld [tilespmem:s30+$0x8220]  }
0xa3: {  	v2 =	vld.idx.msk [tilespmem:v4+s23+$0x0], $0xffff  }
0xa4: {  	v3 =	vld [tilespmem:s30+$0x5030];
	_ =	sdelay $0x1  }
0xa5: {  	v4 =	vld [tilespmem:s30+$0x6930]  }
0xa6: {  	v0 =	vadd.f32 v1, v0;
	_ =	sdelay $0x1  }
0xa7: {  	v0 =	vadd.f32 v0, v2;
	_ =	sdelay $0x1  }
0xa8: {  	[tilespmem:s30+$0x9B20] =	vst v0  }
0xa9: {  	v0 =	vld.idx.msk [tilespmem:v3+s2+$0x0], $0xffff  }
0xaa: {  	v1 =	vld [tilespmem:s30+$0x8230]  }
0xab: {  	v2 =	vld.idx.msk [tilespmem:v4+s23+$0x0], $0xffff  }
0xac: {  	v3 =	vld [tilespmem:s30+$0x5040];
	_ =	sdelay $0x1  }
0xad: {  	v4 =	vld [tilespmem:s30+$0x6940]  }
0xae: {  	v0 =	vadd.f32 v1, v0;
	_ =	sdelay $0x1  }
0xaf: {  	v0 =	vadd.f32 v0, v2;
	_ =	sdelay $0x1  }
0xb0: {  	[tilespmem:s30+$0x9B30] =	vst v0  }
0xb1: {  	v0 =	vld.idx.msk [tilespmem:v3+s2+$0x0], $0xffff  }
0xb2: {  	v1 =	vld [tilespmem:s30+$0x8240]  }
0xb3: {  	v2 =	vld.idx.msk [tilespmem:v4+s23+$0x0], $0xffff  }
0xb4: {  	v3 =	vld [tilespmem:s30+$0x5050]  }
0xb5: {  	v4 =	vld [tilespmem:s30+$0x6950];
	_ =	sdelay $0x1  }
0xb6: {  	v0 =	vadd.f32 v1, v0;
	_ =	sdelay $0x1  }
0xb7: {  	v0 =	vadd.f32 v0, v2;
	_ =	sdelay $0x1  }
0xb8: {  	[tilespmem:s30+$0x9B40] =	vst v0;
	v0 =	vld [tilespmem:s30+$0x8250]  }
0xb9: {  	v1 =	vld.idx.msk [tilespmem:v3+s2+$0x0], $0xffff  }
0xba: {  	v2 =	vld.idx.msk [tilespmem:v4+s23+$0x0], $0xffff;
	_ =	sdelay $0x1  }
0xbb: {  	v3 =	vld [tilespmem:s30+$0x5060]  }
0xbc: {  	v4 =	vld [tilespmem:s30+$0x6960];
	_ =	sdelay $0x1  }
0xbd: {  	v0 =	vadd.f32 v0, v1;
	_ =	sdelay $0x1  }
0xbe: {  	v0 =	vadd.f32 v0, v2;
	_ =	sdelay $0x1  }
0xbf: {  	[tilespmem:s30+$0x9B50] =	vst v0;
	v0 =	vld [tilespmem:s30+$0x8260]  }
0xc0: {  	v1 =	vld.idx.msk [tilespmem:v3+s2+$0x0], $0xffff  }
0xc1: {  	v2 =	vld.idx.msk [tilespmem:v4+s23+$0x0], $0xffff;
	_ =	sdelay $0x1  }
0xc2: {  	v3 =	vld [tilespmem:s30+$0x5070]  }
0xc3: {  	v4 =	vld [tilespmem:s30+$0x6970];
	_ =	sdelay $0x1  }
0xc4: {  	v0 =	vadd.f32 v0, v1;
	_ =	sdelay $0x1  }
0xc5: {  	v0 =	vadd.f32 v0, v2;
	_ =	sdelay $0x1  }
0xc6: {  	[tilespmem:s30+$0x9B60] =	vst v0;
	v2 =	vld [tilespmem:s30+$0x8270]  }
0xc7: {  	v3 =	vld.idx.msk [tilespmem:v3+s2+$0x0], $0xffff  }
0xc8: {  	v4 =	vld.idx.msk [tilespmem:v4+s23+$0x0], $0xffff  }
0xc9: {  	s0 =	sshra.s32 s1, $0x2  }
0xca: {  	v1 =	vld [tilespmem:s0+$0x5000]  }
.Ltmp7:
0xcb: {  	v0 =	vld [tilespmem:s0+$0x6900];
	(pc) =	sbr.rel @p0 .LBB2_15-.Ltmp7, $3  }
0xcc: {  	_ = 	snop  }
0xcd: {  	v2 =	vadd.f32 v2, v3;
	_ =	sdelay $0x1  }
0xce: {  	v2 =	vadd.f32 v2, v4  }
0xcf: {  	_ =	sdelay $0x2  }
0xd0: {  	[tilespmem:s30+$0x9B70] =	vst v2  }
0xd1: {  	v1 =	vld.idx.msk [tilespmem:v1+s2+$0x0], $0xffff  }
0xd2: {  	v2 =	vld [tilespmem:s0+$0x8200]  }
0xd3: {  	v0 =	vld.idx.msk [tilespmem:v0+s23+$0x0], $0xffff  }
0xd4: {  	v3 =	vld [tilespmem:s0+$0x5010];
	_ =	sdelay $0x1  }
0xd5: {  	v4 =	vld [tilespmem:s0+$0x6910]  }
0xd6: {  	v1 =	vadd.f32 v2, v1;
	_ =	sdelay $0x1  }
0xd7: {  	v0 =	vadd.f32 v1, v0;
	_ =	sdelay $0x1  }
0xd8: {  	v35 =	vld [tilespmem:s0+$0x8210];
	[tilespmem:s0+$0x9B00] =	vst v0  }
0xd9: {  	v0 =	vld.idx.msk [tilespmem:v3+s2+$0x0], $0xffff  }
0xda: {  	v37 =	vld [tilespmem:s0+$0x5020]  }
0xdb: {  	v36 =	vld.idx.msk [tilespmem:v4+s23+$0x0], $0xffff;
	_ =	sdelay $0x1  }
0xdc: {  	v38 =	vld [tilespmem:s0+$0x6920]  }
0xdd: {  	v0 =	vadd.f32 v35, v0;
	_ =	sdelay $0x1  }
0xde: {  	v0 =	vadd.f32 v0, v36;
	_ =	sdelay $0x1  }
0xdf: {  	v39 =	vld [tilespmem:s0+$0x8220];
	[tilespmem:s0+$0x9B10] =	vst v0  }
0xe0: {  	v0 =	vld.idx.msk [tilespmem:v37+s2+$0x0], $0xffff  }
0xe1: {  	v41 =	vld [tilespmem:s0+$0x5030]  }
0xe2: {  	v40 =	vld.idx.msk [tilespmem:v38+s23+$0x0], $0xffff;
	_ =	sdelay $0x1  }
0xe3: {  	v42 =	vld [tilespmem:s0+$0x6930]  }
0xe4: {  	v0 =	vadd.f32 v39, v0;
	_ =	sdelay $0x1  }
0xe5: {  	v0 =	vadd.f32 v0, v40;
	_ =	sdelay $0x1  }
0xe6: {  	v43 =	vld [tilespmem:s0+$0x8230];
	[tilespmem:s0+$0x9B20] =	vst v0  }
0xe7: {  	v0 =	vld.idx.msk [tilespmem:v41+s2+$0x0], $0xffff  }
0xe8: {  	v45 =	vld [tilespmem:s0+$0x5040]  }
0xe9: {  	v44 =	vld.idx.msk [tilespmem:v42+s23+$0x0], $0xffff;
	_ =	sdelay $0x1  }
0xea: {  	v46 =	vld [tilespmem:s0+$0x6940]  }
0xeb: {  	v0 =	vadd.f32 v43, v0;
	_ =	sdelay $0x1  }
0xec: {  	v0 =	vadd.f32 v0, v44;
	_ =	sdelay $0x1  }
0xed: {  	v47 =	vld [tilespmem:s0+$0x8240];
	[tilespmem:s0+$0x9B30] =	vst v0  }
0xee: {  	v0 =	vld.idx.msk [tilespmem:v45+s2+$0x0], $0xffff  }
0xef: {  	v49 =	vld [tilespmem:s0+$0x5050]  }
0xf0: {  	v48 =	vld.idx.msk [tilespmem:v46+s23+$0x0], $0xffff;
	_ =	sdelay $0x1  }
0xf1: {  	v50 =	vld [tilespmem:s0+$0x6950]  }
0xf2: {  	v0 =	vadd.f32 v47, v0;
	_ =	sdelay $0x1  }
0xf3: {  	v0 =	vadd.f32 v0, v48;
	_ =	sdelay $0x1  }
0xf4: {  	v51 =	vld [tilespmem:s0+$0x8250];
	[tilespmem:s0+$0x9B40] =	vst v0  }
0xf5: {  	v52 =	vld.idx.msk [tilespmem:v49+s2+$0x0], $0xffff  }
0xf6: {  	v54 =	vld [tilespmem:s0+$0x5060]  }
0xf7: {  	v53 =	vld.idx.msk [tilespmem:v50+s23+$0x0], $0xffff;
	_ =	sdelay $0x1  }
0xf8: {  	v55 =	vld [tilespmem:s0+$0x6960]  }
0xf9: {  	v0 =	vadd.f32 v51, v52;
	_ =	sdelay $0x1  }
0xfa: {  	v0 =	vadd.f32 v0, v53;
	_ =	sdelay $0x1  }
0xfb: {  	v56 =	vld [tilespmem:s0+$0x8260];
	[tilespmem:s0+$0x9B50] =	vst v0  }
0xfc: {  	v57 =	vld.idx.msk [tilespmem:v54+s2+$0x0], $0xffff  }
0xfd: {  	v59 =	vld [tilespmem:s0+$0x5070]  }
0xfe: {  	v58 =	vld.idx.msk [tilespmem:v55+s23+$0x0], $0xffff;
	_ =	sdelay $0x1  }
0xff: {  	v60 =	vld [tilespmem:s0+$0x6970]  }
0x100: {  	v0 =	vadd.f32 v56, v57;
	_ =	sdelay $0x1  }
0x101: {  	v0 =	vadd.f32 v0, v58;
	_ =	sdelay $0x1  }
0x102: {  	v61 =	vld [tilespmem:s0+$0x8270];
	[tilespmem:s0+$0x9B60] =	vst v0  }
0x103: {  	v62 =	vld.idx.msk [tilespmem:v59+s2+$0x0], $0xffff;
	_ =	sdelay $0x1  }
0x104: {  	v63 =	vld.idx.msk [tilespmem:v60+s23+$0x0], $0xffff;
	_ =	sdelay $0x2  }
0x105: {  	v0 =	vadd.f32 v61, v62;
	_ =	sdelay $0x1  }
0x106: {  	v0 =	vadd.f32 v0, v63  }
0x107: {  	s1 =	simm.s32 $0x9B00  }
0x108: {  	s31 =	sadd.s32 $0x0, s11;
	s30 =	simm.s32 $0x9C00;
	[tilespmem:s0+$0x9B70] =	vst v0;
	s0 =	simm.s32 $0x10  }
.LBB2_17:
0x109: {  	[hbm4b:s31+s2] =	stream.linear.scatter [tilespmem:s1], [sflag:$0x3], $0x80, $0x38;
	[tilespmem:$0xB400] =	vst v63  }
0x10a: {  	s31 =	smov.u32 s0;
	s1 =	smov.u32 s30;
	p0 =	sne.s32 s0, $0x180  }
.Ltmp8:
0x10b: {  	s0 =	sadd.s32 $0x10, s0;
	(pc) =	sbr.rel @p0 .LBB2_17-.Ltmp8, $2  }
0x10c: {  	_ =	sdelay $0x2  }
0x10d: {  	s30 =	sadd.s32 $0x100, s30;
	s31 =	sadd.s32 s31, s11  }
0x10e: {  	[hbm4b:s31+s2] =	stream.linear.scatter [tilespmem:s1], [sflag:$0x3], $0x80, $0x38;
	[tilespmem:$0xB400] =	vst v63  }
0x10f: {  	s0 =	simm.s32 $0x5000  }
0x110: {  	s1 =	simm.s32 $0x10;
	s31 =	sadd.s32 $0x0, s12;
	s30 =	simm.s32 $0x5100  }
.LBB2_19:
0x111: {  	[tilespmem:s0], [sflag:$0x1] =	stream.linear.gather [hbm4b:s31+s2], $0x80, $0x38;
	[tilespmem:$0xB400] =	vst v63  }
0x112: {  	s31 =	smov.u32 s1;
	s0 =	smov.u32 s30;
	p0 =	sne.s32 s1, $0x180  }
.Ltmp9:
0x113: {  	s1 =	sadd.s32 $0x10, s1;
	(pc) =	sbr.rel @p0 .LBB2_19-.Ltmp9, $2  }
0x114: {  	_ =	sdelay $0x2  }
0x115: {  	s30 =	sadd.s32 $0x100, s30;
	s31 =	sadd.s32 s31, s12  }
0x116: {  	[tilespmem:s0], [sflag:$0x1] =	stream.linear.gather [hbm4b:s31+s2], $0x80, $0x38;
	[tilespmem:$0xB400] =	vst v63  }
0x117: {  	s0 =	simm.s32 $0x6900  }
0x118: {  	s1 =	simm.s32 $0x10;
	s31 =	sadd.s32 $0x0, s13;
	s30 =	simm.s32 $0x6A00  }
.LBB2_21:
0x119: {  	[tilespmem:s0], [sflag:$0x1] =	stream.linear.gather [hbm4b:s31+s2], $0x80, $0x38;
	[tilespmem:$0xB400] =	vst v63  }
0x11a: {  	s31 =	smov.u32 s1;
	s0 =	smov.u32 s30;
	p0 =	sne.s32 s1, $0x180  }
.Ltmp10:
0x11b: {  	s1 =	sadd.s32 $0x10, s1;
	(pc) =	sbr.rel @p0 .LBB2_21-.Ltmp10, $2  }
0x11c: {  	_ =	sdelay $0x2  }
0x11d: {  	s30 =	sadd.s32 $0x100, s30;
	s31 =	sadd.s32 s31, s13  }
0x11e: {  	[tilespmem:s0], [sflag:$0x1] =	stream.linear.gather [hbm4b:s31+s2], $0x80, $0x38;
	[tilespmem:$0xB400] =	vst v63  }
0x11f: {  	s0 =	simm.s32 $0x8200  }
0x120: {  	s1 =	simm.s32 $0x10;
	s31 =	sadd.s32 $0x0, s14;
	s30 =	simm.s32 $0x8300  }
.LBB2_23:
0x121: {  	[tilespmem:s0], [sflag:$0x1] =	stream.linear.gather [hbm4b:s31+s2], $0x80, $0x38;
	[tilespmem:$0xB400] =	vst v63  }
0x122: {  	s31 =	smov.u32 s1;
	s0 =	smov.u32 s30;
	p0 =	sne.s32 s1, $0x180  }
.Ltmp11:
0x123: {  	s1 =	sadd.s32 $0x10, s1;
	(pc) =	sbr.rel @p0 .LBB2_23-.Ltmp11, $2  }
0x124: {  	_ =	sdelay $0x2  }
0x125: {  	s30 =	sadd.s32 $0x100, s30;
	s31 =	sadd.s32 s31, s14  }
0x126: {  	[tilespmem:s0], [sflag:$0x1] =	stream.linear.gather [hbm4b:s31+s2], $0x80, $0x38;
	[tilespmem:$0xB400] =	vst v63  }
0x127: {  	_ =	swait.ge [sflag:s25], $0xC80  }
0x128: {  	[sflag:s25] =	ssyncset.done $0x0  }
0x129: {  	[sflag:s25] =	ssyncadd.s32 $0xFFFFF380  }
0x12a: {  	_ =	swait.ge [sflag:s25], $0xC80  }
0x12b: {  	[sflag:s25] =	ssyncset.done $0x0  }
0x12c: {  	[sflag:s25] =	ssyncadd.s32 $0xFFFFF380  }
0x12d: {  	_ =	swait.ge [sflag:s25], $0xC80  }
0x12e: {  	[sflag:s25] =	ssyncset.done $0x0  }
0x12f: {  	s30 =	simm.s32 $0x0;
	[sflag:s25] =	ssyncadd.s32 $0xFFFFF380  }
0x130: {  	v0 =	vld [tilespmem:s30+$0x5080];
	_ =	sdelay $0x1  }
0x131: {  	v1 =	vld [tilespmem:s30+$0x6980];
	_ =	sdelay $0x4  }
0x132: {  	v2 =	vld [tilespmem:s30+$0x8280]  }
0x133: {  	v0 =	vld.idx.msk [tilespmem:v0+s2+$0x0], $0xffff  }
0x134: {  	v3 =	vld [tilespmem:s30+$0x5090]  }
0x135: {  	v1 =	vld.idx.msk [tilespmem:v1+s23+$0x0], $0xffff  }
0x136: {  	v4 =	vld [tilespmem:s30+$0x6990];
	_ =	sdelay $0x1  }
0x137: {  	v0 =	vadd.f32 v2, v0;
	_ =	sdelay $0x1  }
0x138: {  	v0 =	vadd.f32 v0, v1;
	_ =	sdelay $0x1  }
0x139: {  	v1 =	vld [tilespmem:s30+$0x8290];
	[tilespmem:s30+$0x9B80] =	vst v0  }
0x13a: {  	v0 =	vld.idx.msk [tilespmem:v3+s2+$0x0], $0xffff  }
0x13b: {  	v2 =	vld.idx.msk [tilespmem:v4+s23+$0x0], $0xffff  }
0x13c: {  	v3 =	vld [tilespmem:s30+$0x50A0]  }
0x13d: {  	v58 =	vld [tilespmem:s30+$0x69A0];
	_ =	sdelay $0x1  }
0x13e: {  	v0 =	vadd.f32 v1, v0;
	_ =	sdelay $0x1  }
0x13f: {  	v0 =	vadd.f32 v0, v2;
	_ =	sdelay $0x1  }
0x140: {  	v1 =	vld [tilespmem:s30+$0x82A0];
	[tilespmem:s30+$0x9B90] =	vst v0  }
0x141: {  	v0 =	vld.idx.msk [tilespmem:v3+s2+$0x0], $0xffff  }
0x142: {  	v2 =	vld.idx.msk [tilespmem:v58+s23+$0x0], $0xffff  }
0x143: {  	v3 =	vld [tilespmem:s30+$0x50B0]  }
0x144: {  	v59 =	vld [tilespmem:s30+$0x69B0];
	_ =	sdelay $0x1  }
0x145: {  	v0 =	vadd.f32 v1, v0;
	_ =	sdelay $0x1  }
0x146: {  	v0 =	vadd.f32 v0, v2;
	_ =	sdelay $0x1  }
0x147: {  	v1 =	vld [tilespmem:s30+$0x82B0];
	[tilespmem:s30+$0x9BA0] =	vst v0  }
0x148: {  	v0 =	vld.idx.msk [tilespmem:v3+s2+$0x0], $0xffff  }
0x149: {  	v2 =	vld.idx.msk [tilespmem:v59+s23+$0x0], $0xffff  }
0x14a: {  	v3 =	vld [tilespmem:s30+$0x50C0]  }
0x14b: {  	v60 =	vld [tilespmem:s30+$0x69C0];
	_ =	sdelay $0x1  }
0x14c: {  	v0 =	vadd.f32 v1, v0;
	_ =	sdelay $0x1  }
0x14d: {  	v0 =	vadd.f32 v0, v2;
	_ =	sdelay $0x1  }
0x14e: {  	v1 =	vld [tilespmem:s30+$0x82C0];
	[tilespmem:s30+$0x9BB0] =	vst v0  }
0x14f: {  	v0 =	vld.idx.msk [tilespmem:v3+s2+$0x0], $0xffff  }
0x150: {  	v2 =	vld.idx.msk [tilespmem:v60+s23+$0x0], $0xffff  }
0x151: {  	v3 =	vld [tilespmem:s30+$0x50D0]  }
0x152: {  	v61 =	vld [tilespmem:s30+$0x69D0];
	_ =	sdelay $0x1  }
0x153: {  	v0 =	vadd.f32 v1, v0;
	_ =	sdelay $0x1  }
0x154: {  	v0 =	vadd.f32 v0, v2;
	_ =	sdelay $0x1  }
0x155: {  	[tilespmem:s30+$0x9BC0] =	vst v0;
	v0 =	vld [tilespmem:s30+$0x82D0]  }
0x156: {  	v1 =	vld.idx.msk [tilespmem:v3+s2+$0x0], $0xffff  }
0x157: {  	v2 =	vld.idx.msk [tilespmem:v61+s23+$0x0], $0xffff  }
0x158: {  	v3 =	vld [tilespmem:s30+$0x50E0]  }
0x159: {  	v62 =	vld [tilespmem:s30+$0x69E0];
	_ =	sdelay $0x1  }
0x15a: {  	v0 =	vadd.f32 v0, v1;
	_ =	sdelay $0x1  }
0x15b: {  	v0 =	vadd.f32 v0, v2;
	_ =	sdelay $0x1  }
0x15c: {  	[tilespmem:s30+$0x9BD0] =	vst v0;
	v0 =	vld [tilespmem:s30+$0x82E0]  }
0x15d: {  	v1 =	vld.idx.msk [tilespmem:v3+s2+$0x0], $0xffff  }
0x15e: {  	v2 =	vld.idx.msk [tilespmem:v62+s23+$0x0], $0xffff  }
0x15f: {  	v3 =	vld [tilespmem:s30+$0x50F0];
	_ =	sdelay $0x2  }
0x160: {  	v0 =	vadd.f32 v0, v1  }
0x161: {  	v63 =	vld [tilespmem:s30+$0x69F0]  }
0x162: {  	v0 =	vadd.f32 v0, v2;
	_ =	sdelay $0x1  }
0x163: {  	[tilespmem:s30+$0x9BE0] =	vst v0;
	v0 =	vld [tilespmem:s30+$0x82F0]  }
0x164: {  	v1 =	vld.idx.msk [tilespmem:v3+s2+$0x0], $0xffff;
	_ =	sdelay $0x3  }
0x165: {  	s0 =	simm.s32 $0x100;
	v2 =	vld.idx.msk [tilespmem:v63+s23+$0x0], $0xffff  }
0x166: {  	v3 =	vadd.f32 v0, v1;
	v1 =	vld [tilespmem:s0+$0x5080];
	_ =	sdelay $0x1  }
0x167: {  	v0 =	vld [tilespmem:s0+$0x6980];
	_ =	sdelay $0x2  }
0x168: {  	s31 =	simm.s32 $0x800;
	v2 =	vadd.f32 v3, v2  }
.LBB2_25:
0x169: {  	_ = 	snop  }
0x16a: {  	p0 =	sne.s32 s31, $0x6000;
	s1 =	smov.u32 s31;
	s31 =	sadd.s32 $0x400, s31;
	[tilespmem:s30+$0x9BF0] =	vst v2  }
0x16b: {  	s30 =	smov.u32 s0;
	v1 =	vld.idx.msk [tilespmem:v1+s2+$0x0], $0xffff  }
0x16c: {  	v2 =	vld [tilespmem:s30+$0x8280]  }
0x16d: {  	v0 =	vld.idx.msk [tilespmem:v0+s23+$0x0], $0xffff  }
0x16e: {  	v3 =	vld [tilespmem:s30+$0x5090];
	_ =	sdelay $0x1  }
0x16f: {  	v4 =	vld [tilespmem:s30+$0x6990]  }
0x170: {  	v1 =	vadd.f32 v2, v1;
	_ =	sdelay $0x1  }
0x171: {  	v0 =	vadd.f32 v1, v0;
	_ =	sdelay $0x1  }
0x172: {  	[tilespmem:s30+$0x9B80] =	vst v0  }
0x173: {  	v0 =	vld.idx.msk [tilespmem:v3+s2+$0x0], $0xffff  }
0x174: {  	v1 =	vld [tilespmem:s30+$0x8290]  }
0x175: {  	v2 =	vld.idx.msk [tilespmem:v4+s23+$0x0], $0xffff  }
0x176: {  	v3 =	vld [tilespmem:s30+$0x50A0];
	_ =	sdelay $0x1  }
0x177: {  	v4 =	vld [tilespmem:s30+$0x69A0]  }
0x178: {  	v0 =	vadd.f32 v1, v0;
	_ =	sdelay $0x1  }
0x179: {  	v0 =	vadd.f32 v0, v2;
	_ =	sdelay $0x1  }
0x17a: {  	[tilespmem:s30+$0x9B90] =	vst v0  }
0x17b: {  	v0 =	vld.idx.msk [tilespmem:v3+s2+$0x0], $0xffff  }
0x17c: {  	v1 =	vld [tilespmem:s30+$0x82A0]  }
0x17d: {  	v2 =	vld.idx.msk [tilespmem:v4+s23+$0x0], $0xffff  }
0x17e: {  	v3 =	vld [tilespmem:s30+$0x50B0];
	_ =	sdelay $0x1  }
0x17f: {  	v4 =	vld [tilespmem:s30+$0x69B0]  }
0x180: {  	v0 =	vadd.f32 v1, v0;
	_ =	sdelay $0x1  }
0x181: {  	v0 =	vadd.f32 v0, v2;
	_ =	sdelay $0x1  }
0x182: {  	[tilespmem:s30+$0x9BA0] =	vst v0  }
0x183: {  	v0 =	vld.idx.msk [tilespmem:v3+s2+$0x0], $0xffff  }
0x184: {  	v1 =	vld [tilespmem:s30+$0x82B0]  }
0x185: {  	v2 =	vld.idx.msk [tilespmem:v4+s23+$0x0], $0xffff  }
0x186: {  	v3 =	vld [tilespmem:s30+$0x50C0];
	_ =	sdelay $0x1  }
0x187: {  	v4 =	vld [tilespmem:s30+$0x69C0]  }
0x188: {  	v0 =	vadd.f32 v1, v0;
	_ =	sdelay $0x1  }
0x189: {  	v0 =	vadd.f32 v0, v2;
	_ =	sdelay $0x1  }
0x18a: {  	[tilespmem:s30+$0x9BB0] =	vst v0  }
0x18b: {  	v0 =	vld.idx.msk [tilespmem:v3+s2+$0x0], $0xffff  }
0x18c: {  	v1 =	vld [tilespmem:s30+$0x82C0]  }
0x18d: {  	v2 =	vld.idx.msk [tilespmem:v4+s23+$0x0], $0xffff  }
0x18e: {  	v3 =	vld [tilespmem:s30+$0x50D0]  }
0x18f: {  	v4 =	vld [tilespmem:s30+$0x69D0];
	_ =	sdelay $0x1  }
0x190: {  	v0 =	vadd.f32 v1, v0;
	_ =	sdelay $0x1  }
0x191: {  	v0 =	vadd.f32 v0, v2;
	_ =	sdelay $0x1  }
0x192: {  	[tilespmem:s30+$0x9BC0] =	vst v0;
	v0 =	vld [tilespmem:s30+$0x82D0]  }
0x193: {  	v1 =	vld.idx.msk [tilespmem:v3+s2+$0x0], $0xffff  }
0x194: {  	v2 =	vld.idx.msk [tilespmem:v4+s23+$0x0], $0xffff;
	_ =	sdelay $0x1  }
0x195: {  	v3 =	vld [tilespmem:s30+$0x50E0]  }
0x196: {  	v4 =	vld [tilespmem:s30+$0x69E0];
	_ =	sdelay $0x1  }
0x197: {  	v0 =	vadd.f32 v0, v1;
	_ =	sdelay $0x1  }
0x198: {  	v0 =	vadd.f32 v0, v2;
	_ =	sdelay $0x1  }
0x199: {  	[tilespmem:s30+$0x9BD0] =	vst v0;
	v0 =	vld [tilespmem:s30+$0x82E0]  }
0x19a: {  	v1 =	vld.idx.msk [tilespmem:v3+s2+$0x0], $0xffff  }
0x19b: {  	v2 =	vld.idx.msk [tilespmem:v4+s23+$0x0], $0xffff;
	_ =	sdelay $0x1  }
0x19c: {  	v3 =	vld [tilespmem:s30+$0x50F0]  }
0x19d: {  	v4 =	vld [tilespmem:s30+$0x69F0];
	_ =	sdelay $0x1  }
0x19e: {  	v0 =	vadd.f32 v0, v1;
	_ =	sdelay $0x1  }
0x19f: {  	v0 =	vadd.f32 v0, v2;
	_ =	sdelay $0x1  }
0x1a0: {  	[tilespmem:s30+$0x9BE0] =	vst v0;
	v2 =	vld [tilespmem:s30+$0x82F0]  }
0x1a1: {  	v3 =	vld.idx.msk [tilespmem:v3+s2+$0x0], $0xffff  }
0x1a2: {  	v4 =	vld.idx.msk [tilespmem:v4+s23+$0x0], $0xffff  }
0x1a3: {  	s0 =	sshra.s32 s1, $0x2  }
0x1a4: {  	v1 =	vld [tilespmem:s0+$0x5080]  }
.Ltmp12:
0x1a5: {  	v0 =	vld [tilespmem:s0+$0x6980];
	(pc) =	sbr.rel @p0 .LBB2_25-.Ltmp12, $3  }
0x1a6: {  	_ = 	snop  }
0x1a7: {  	v2 =	vadd.f32 v2, v3;
	_ =	sdelay $0x1  }
0x1a8: {  	v2 =	vadd.f32 v2, v4  }
0x1a9: {  	_ =	sdelay $0x2  }
0x1aa: {  	[tilespmem:s30+$0x9BF0] =	vst v2  }
0x1ab: {  	v1 =	vld.idx.msk [tilespmem:v1+s2+$0x0], $0xffff  }
0x1ac: {  	v2 =	vld [tilespmem:s0+$0x8280]  }
0x1ad: {  	v0 =	vld.idx.msk [tilespmem:v0+s23+$0x0], $0xffff  }
0x1ae: {  	v3 =	vld [tilespmem:s0+$0x5090];
	_ =	sdelay $0x1  }
0x1af: {  	v4 =	vld [tilespmem:s0+$0x6990]  }
0x1b0: {  	v1 =	vadd.f32 v2, v1;
	_ =	sdelay $0x1  }
0x1b1: {  	v0 =	vadd.f32 v1, v0;
	_ =	sdelay $0x1  }
0x1b2: {  	v35 =	vld [tilespmem:s0+$0x8290];
	[tilespmem:s0+$0x9B80] =	vst v0  }
0x1b3: {  	v0 =	vld.idx.msk [tilespmem:v3+s2+$0x0], $0xffff  }
0x1b4: {  	v37 =	vld [tilespmem:s0+$0x50A0]  }
0x1b5: {  	v36 =	vld.idx.msk [tilespmem:v4+s23+$0x0], $0xffff;
	_ =	sdelay $0x1  }
0x1b6: {  	v38 =	vld [tilespmem:s0+$0x69A0]  }
0x1b7: {  	v0 =	vadd.f32 v35, v0;
	_ =	sdelay $0x1  }
0x1b8: {  	v0 =	vadd.f32 v0, v36;
	_ =	sdelay $0x1  }
0x1b9: {  	v39 =	vld [tilespmem:s0+$0x82A0];
	[tilespmem:s0+$0x9B90] =	vst v0  }
0x1ba: {  	v0 =	vld.idx.msk [tilespmem:v37+s2+$0x0], $0xffff  }
0x1bb: {  	v41 =	vld [tilespmem:s0+$0x50B0]  }
0x1bc: {  	v40 =	vld.idx.msk [tilespmem:v38+s23+$0x0], $0xffff;
	_ =	sdelay $0x1  }
0x1bd: {  	v42 =	vld [tilespmem:s0+$0x69B0]  }
0x1be: {  	v0 =	vadd.f32 v39, v0;
	_ =	sdelay $0x1  }
0x1bf: {  	v0 =	vadd.f32 v0, v40;
	_ =	sdelay $0x1  }
0x1c0: {  	v43 =	vld [tilespmem:s0+$0x82B0];
	[tilespmem:s0+$0x9BA0] =	vst v0  }
0x1c1: {  	v0 =	vld.idx.msk [tilespmem:v41+s2+$0x0], $0xffff  }
0x1c2: {  	v45 =	vld [tilespmem:s0+$0x50C0]  }
0x1c3: {  	v44 =	vld.idx.msk [tilespmem:v42+s23+$0x0], $0xffff;
	_ =	sdelay $0x1  }
0x1c4: {  	v46 =	vld [tilespmem:s0+$0x69C0]  }
0x1c5: {  	v0 =	vadd.f32 v43, v0;
	_ =	sdelay $0x1  }
0x1c6: {  	v0 =	vadd.f32 v0, v44;
	_ =	sdelay $0x1  }
0x1c7: {  	v47 =	vld [tilespmem:s0+$0x82C0];
	[tilespmem:s0+$0x9BB0] =	vst v0  }
0x1c8: {  	v0 =	vld.idx.msk [tilespmem:v45+s2+$0x0], $0xffff  }
0x1c9: {  	v49 =	vld [tilespmem:s0+$0x50D0]  }
0x1ca: {  	v48 =	vld.idx.msk [tilespmem:v46+s23+$0x0], $0xffff;
	_ =	sdelay $0x1  }
0x1cb: {  	v50 =	vld [tilespmem:s0+$0x69D0]  }
0x1cc: {  	v0 =	vadd.f32 v47, v0;
	_ =	sdelay $0x1  }
0x1cd: {  	v0 =	vadd.f32 v0, v48;
	_ =	sdelay $0x1  }
0x1ce: {  	v51 =	vld [tilespmem:s0+$0x82D0];
	[tilespmem:s0+$0x9BC0] =	vst v0  }
0x1cf: {  	v52 =	vld.idx.msk [tilespmem:v49+s2+$0x0], $0xffff  }
0x1d0: {  	v54 =	vld [tilespmem:s0+$0x50E0]  }
0x1d1: {  	v53 =	vld.idx.msk [tilespmem:v50+s23+$0x0], $0xffff;
	_ =	sdelay $0x1  }
0x1d2: {  	v55 =	vld [tilespmem:s0+$0x69E0]  }
0x1d3: {  	v0 =	vadd.f32 v51, v52;
	_ =	sdelay $0x1  }
0x1d4: {  	v0 =	vadd.f32 v0, v53;
	_ =	sdelay $0x1  }
0x1d5: {  	v56 =	vld [tilespmem:s0+$0x82E0];
	[tilespmem:s0+$0x9BD0] =	vst v0  }
0x1d6: {  	v57 =	vld.idx.msk [tilespmem:v54+s2+$0x0], $0xffff  }
0x1d7: {  	v59 =	vld [tilespmem:s0+$0x50F0]  }
0x1d8: {  	v58 =	vld.idx.msk [tilespmem:v55+s23+$0x0], $0xffff;
	_ =	sdelay $0x1  }
0x1d9: {  	v60 =	vld [tilespmem:s0+$0x69F0]  }
0x1da: {  	v0 =	vadd.f32 v56, v57;
	_ =	sdelay $0x1  }
0x1db: {  	v0 =	vadd.f32 v0, v58;
	_ =	sdelay $0x1  }
0x1dc: {  	v61 =	vld [tilespmem:s0+$0x82F0];
	[tilespmem:s0+$0x9BE0] =	vst v0  }
0x1dd: {  	v62 =	vld.idx.msk [tilespmem:v59+s2+$0x0], $0xffff;
	_ =	sdelay $0x1  }
0x1de: {  	v63 =	vld.idx.msk [tilespmem:v60+s23+$0x0], $0xffff;
	_ =	sdelay $0x2  }
0x1df: {  	v0 =	vadd.f32 v61, v62;
	_ =	sdelay $0x1  }
0x1e0: {  	v0 =	vadd.f32 v0, v63  }
0x1e1: {  	s1 =	simm.s32 $0x9B80  }
0x1e2: {  	s31 =	sadd.s32 $0x0, s15;
	s30 =	simm.s32 $0x9C80;
	[tilespmem:s0+$0x9BF0] =	vst v0;
	s0 =	simm.s32 $0x10  }
.LBB2_27:
0x1e3: {  	[hbm4b:s31+s2] =	stream.linear.scatter [tilespmem:s1], [sflag:$0x4], $0x80, $0x38;
	[tilespmem:$0xB400] =	vst v63  }
0x1e4: {  	s31 =	smov.u32 s0;
	s1 =	smov.u32 s30;
	p0 =	sne.s32 s0, $0x180  }
.Ltmp13:
0x1e5: {  	s0 =	sadd.s32 $0x10, s0;
	(pc) =	sbr.rel @p0 .LBB2_27-.Ltmp13, $2  }
0x1e6: {  	_ =	sdelay $0x2  }
0x1e7: {  	s30 =	sadd.s32 $0x100, s30;
	s31 =	sadd.s32 s31, s15  }
0x1e8: {  	[hbm4b:s31+s2] =	stream.linear.scatter [tilespmem:s1], [sflag:$0x4], $0x80, $0x38;
	[tilespmem:$0xB400] =	vst v63  }
0x1e9: {  	s0 =	simm.s32 $0x5080  }
0x1ea: {  	s1 =	simm.s32 $0x10;
	s31 =	sadd.s32 $0x0, s16;
	s30 =	simm.s32 $0x5180  }
.LBB2_29:
0x1eb: {  	[tilespmem:s0], [sflag:$0x2] =	stream.linear.gather [hbm4b:s31+s2], $0x80, $0x38;
	[tilespmem:$0xB400] =	vst v63  }
0x1ec: {  	s31 =	smov.u32 s1;
	s0 =	smov.u32 s30;
	p0 =	sne.s32 s1, $0x180  }
.Ltmp14:
0x1ed: {  	s1 =	sadd.s32 $0x10, s1;
	(pc) =	sbr.rel @p0 .LBB2_29-.Ltmp14, $2  }
0x1ee: {  	_ =	sdelay $0x2  }
0x1ef: {  	s30 =	sadd.s32 $0x100, s30;
	s31 =	sadd.s32 s31, s16  }
0x1f0: {  	[tilespmem:s0], [sflag:$0x2] =	stream.linear.gather [hbm4b:s31+s2], $0x80, $0x38;
	[tilespmem:$0xB400] =	vst v63  }
0x1f1: {  	s0 =	simm.s32 $0x6980  }
0x1f2: {  	s1 =	simm.s32 $0x10;
	s31 =	sadd.s32 $0x0, s17;
	s30 =	simm.s32 $0x6A80  }
.LBB2_31:
0x1f3: {  	[tilespmem:s0], [sflag:$0x2] =	stream.linear.gather [hbm4b:s31+s2], $0x80, $0x38;
	[tilespmem:$0xB400] =	vst v63  }
0x1f4: {  	s31 =	smov.u32 s1;
	s0 =	smov.u32 s30;
	p0 =	sne.s32 s1, $0x180  }
.Ltmp15:
0x1f5: {  	s1 =	sadd.s32 $0x10, s1;
	(pc) =	sbr.rel @p0 .LBB2_31-.Ltmp15, $2  }
0x1f6: {  	_ =	sdelay $0x2  }
0x1f7: {  	s30 =	sadd.s32 $0x100, s30;
	s31 =	sadd.s32 s31, s17  }
0x1f8: {  	[tilespmem:s0], [sflag:$0x2] =	stream.linear.gather [hbm4b:s31+s2], $0x80, $0x38;
	[tilespmem:$0xB400] =	vst v63  }
0x1f9: {  	s0 =	simm.s32 $0x8280  }
0x1fa: {  	s1 =	simm.s32 $0x10;
	s31 =	sadd.s32 $0x0, s18;
	s30 =	simm.s32 $0x8380  }
.LBB2_33:
0x1fb: {  	[tilespmem:s0], [sflag:$0x2] =	stream.linear.gather [hbm4b:s31+s2], $0x80, $0x38;
	[tilespmem:$0xB400] =	vst v63  }
0x1fc: {  	s31 =	smov.u32 s1;
	s0 =	smov.u32 s30;
	p0 =	sne.s32 s1, $0x180  }
.Ltmp16:
0x1fd: {  	s1 =	sadd.s32 $0x10, s1;
	(pc) =	sbr.rel @p0 .LBB2_33-.Ltmp16, $2  }
0x1fe: {  	_ =	sdelay $0x2  }
0x1ff: {  	s30 =	sadd.s32 $0x100, s30;
	s31 =	sadd.s32 s31, s18  }
0x200: {  	[tilespmem:s0], [sflag:$0x2] =	stream.linear.gather [hbm4b:s31+s2], $0x80, $0x38;
	[tilespmem:$0xB400] =	vst v63  }
0x201: {  	_ =	swait.ge [sflag:s24], $0xC80  }
0x202: {  	[sflag:s24] =	ssyncset.done $0x0  }
0x203: {  	[sflag:s24] =	ssyncadd.s32 $0xFFFFF380  }
0x204: {  	_ =	swait.ge [sflag:s24], $0xC80  }
0x205: {  	[sflag:s24] =	ssyncset.done $0x0  }
0x206: {  	[sflag:s24] =	ssyncadd.s32 $0xFFFFF380  }
0x207: {  	_ =	swait.ge [sflag:s24], $0xC80  }
0x208: {  	[sflag:s24] =	ssyncset.done $0x0  }
0x209: {  	[sflag:s24] =	ssyncadd.s32 $0xFFFFF380  }
0x20a: {  	_ =	swait.ge [sflag:s26], $0xC80  }
0x20b: {  	[sflag:s26] =	ssyncset.done $0x0  }
0x20c: {  	s30 =	simm.s32 $0x0;
	[sflag:s26] =	ssyncadd.s32 $0xFFFFF380  }
0x20d: {  	v0 =	vld [tilespmem:s30+$0x5000];
	_ =	sdelay $0x1  }
0x20e: {  	v1 =	vld [tilespmem:s30+$0x6900];
	_ =	sdelay $0x4  }
0x20f: {  	v2 =	vld [tilespmem:s30+$0x8200]  }
0x210: {  	v0 =	vld.idx.msk [tilespmem:v0+s2+$0x0], $0xffff  }
0x211: {  	v3 =	vld [tilespmem:s30+$0x5010]  }
0x212: {  	v1 =	vld.idx.msk [tilespmem:v1+s23+$0x0], $0xffff  }
0x213: {  	v4 =	vld [tilespmem:s30+$0x6910];
	_ =	sdelay $0x1  }
0x214: {  	v0 =	vadd.f32 v2, v0;
	_ =	sdelay $0x1  }
0x215: {  	v0 =	vadd.f32 v0, v1;
	_ =	sdelay $0x1  }
0x216: {  	v1 =	vld [tilespmem:s30+$0x8210];
	[tilespmem:s30+$0x9B00] =	vst v0  }
0x217: {  	v0 =	vld.idx.msk [tilespmem:v3+s2+$0x0], $0xffff  }
0x218: {  	v2 =	vld.idx.msk [tilespmem:v4+s23+$0x0], $0xffff  }
0x219: {  	v3 =	vld [tilespmem:s30+$0x5020]  }
0x21a: {  	v58 =	vld [tilespmem:s30+$0x6920];
	_ =	sdelay $0x1  }
0x21b: {  	v0 =	vadd.f32 v1, v0;
	_ =	sdelay $0x1  }
0x21c: {  	v0 =	vadd.f32 v0, v2;
	_ =	sdelay $0x1  }
0x21d: {  	v1 =	vld [tilespmem:s30+$0x8220];
	[tilespmem:s30+$0x9B10] =	vst v0  }
0x21e: {  	v0 =	vld.idx.msk [tilespmem:v3+s2+$0x0], $0xffff  }
0x21f: {  	v2 =	vld.idx.msk [tilespmem:v58+s23+$0x0], $0xffff  }
0x220: {  	v3 =	vld [tilespmem:s30+$0x5030]  }
0x221: {  	v59 =	vld [tilespmem:s30+$0x6930];
	_ =	sdelay $0x1  }
0x222: {  	v0 =	vadd.f32 v1, v0;
	_ =	sdelay $0x1  }
0x223: {  	v0 =	vadd.f32 v0, v2;
	_ =	sdelay $0x1  }
0x224: {  	v1 =	vld [tilespmem:s30+$0x8230];
	[tilespmem:s30+$0x9B20] =	vst v0  }
0x225: {  	v0 =	vld.idx.msk [tilespmem:v3+s2+$0x0], $0xffff  }
0x226: {  	v2 =	vld.idx.msk [tilespmem:v59+s23+$0x0], $0xffff  }
0x227: {  	v3 =	vld [tilespmem:s30+$0x5040]  }
0x228: {  	v60 =	vld [tilespmem:s30+$0x6940];
	_ =	sdelay $0x1  }
0x229: {  	v0 =	vadd.f32 v1, v0;
	_ =	sdelay $0x1  }
0x22a: {  	v0 =	vadd.f32 v0, v2;
	_ =	sdelay $0x1  }
0x22b: {  	v1 =	vld [tilespmem:s30+$0x8240];
	[tilespmem:s30+$0x9B30] =	vst v0  }
0x22c: {  	v0 =	vld.idx.msk [tilespmem:v3+s2+$0x0], $0xffff  }
0x22d: {  	v2 =	vld.idx.msk [tilespmem:v60+s23+$0x0], $0xffff  }
0x22e: {  	v3 =	vld [tilespmem:s30+$0x5050]  }
0x22f: {  	v61 =	vld [tilespmem:s30+$0x6950];
	_ =	sdelay $0x1  }
0x230: {  	v0 =	vadd.f32 v1, v0;
	_ =	sdelay $0x1  }
0x231: {  	v0 =	vadd.f32 v0, v2;
	_ =	sdelay $0x1  }
0x232: {  	[tilespmem:s30+$0x9B40] =	vst v0;
	v0 =	vld [tilespmem:s30+$0x8250]  }
0x233: {  	v1 =	vld.idx.msk [tilespmem:v3+s2+$0x0], $0xffff  }
0x234: {  	v2 =	vld.idx.msk [tilespmem:v61+s23+$0x0], $0xffff  }
0x235: {  	v3 =	vld [tilespmem:s30+$0x5060]  }
0x236: {  	v62 =	vld [tilespmem:s30+$0x6960];
	_ =	sdelay $0x1  }
0x237: {  	v0 =	vadd.f32 v0, v1;
	_ =	sdelay $0x1  }
0x238: {  	v0 =	vadd.f32 v0, v2;
	_ =	sdelay $0x1  }
0x239: {  	[tilespmem:s30+$0x9B50] =	vst v0;
	v0 =	vld [tilespmem:s30+$0x8260]  }
0x23a: {  	v1 =	vld.idx.msk [tilespmem:v3+s2+$0x0], $0xffff  }
0x23b: {  	v2 =	vld.idx.msk [tilespmem:v62+s23+$0x0], $0xffff  }
0x23c: {  	v3 =	vld [tilespmem:s30+$0x5070];
	_ =	sdelay $0x2  }
0x23d: {  	v0 =	vadd.f32 v0, v1  }
0x23e: {  	v63 =	vld [tilespmem:s30+$0x6970]  }
0x23f: {  	v0 =	vadd.f32 v0, v2;
	_ =	sdelay $0x1  }
0x240: {  	[tilespmem:s30+$0x9B60] =	vst v0;
	v0 =	vld [tilespmem:s30+$0x8270]  }
0x241: {  	v1 =	vld.idx.msk [tilespmem:v3+s2+$0x0], $0xffff;
	_ =	sdelay $0x3  }
0x242: {  	s0 =	simm.s32 $0x100;
	v2 =	vld.idx.msk [tilespmem:v63+s23+$0x0], $0xffff  }
0x243: {  	v3 =	vadd.f32 v0, v1;
	v1 =	vld [tilespmem:s0+$0x5000];
	_ =	sdelay $0x1  }
0x244: {  	v0 =	vld [tilespmem:s0+$0x6900];
	_ =	sdelay $0x2  }
0x245: {  	s31 =	simm.s32 $0x800;
	v2 =	vadd.f32 v3, v2  }
.LBB2_35:
0x246: {  	_ = 	snop  }
0x247: {  	p0 =	sne.s32 s31, $0x6000;
	s1 =	smov.u32 s31;
	s31 =	sadd.s32 $0x400, s31;
	[tilespmem:s30+$0x9B70] =	vst v2  }
0x248: {  	s30 =	smov.u32 s0;
	v1 =	vld.idx.msk [tilespmem:v1+s2+$0x0], $0xffff  }
0x249: {  	v2 =	vld [tilespmem:s30+$0x8200]  }
0x24a: {  	v0 =	vld.idx.msk [tilespmem:v0+s23+$0x0], $0xffff  }
0x24b: {  	v3 =	vld [tilespmem:s30+$0x5010];
	_ =	sdelay $0x1  }
0x24c: {  	v4 =	vld [tilespmem:s30+$0x6910]  }
0x24d: {  	v1 =	vadd.f32 v2, v1;
	_ =	sdelay $0x1  }
0x24e: {  	v0 =	vadd.f32 v1, v0;
	_ =	sdelay $0x1  }
0x24f: {  	[tilespmem:s30+$0x9B00] =	vst v0  }
0x250: {  	v0 =	vld.idx.msk [tilespmem:v3+s2+$0x0], $0xffff  }
0x251: {  	v1 =	vld [tilespmem:s30+$0x8210]  }
0x252: {  	v2 =	vld.idx.msk [tilespmem:v4+s23+$0x0], $0xffff  }
0x253: {  	v3 =	vld [tilespmem:s30+$0x5020];
	_ =	sdelay $0x1  }
0x254: {  	v4 =	vld [tilespmem:s30+$0x6920]  }
0x255: {  	v0 =	vadd.f32 v1, v0;
	_ =	sdelay $0x1  }
0x256: {  	v0 =	vadd.f32 v0, v2;
	_ =	sdelay $0x1  }
0x257: {  	[tilespmem:s30+$0x9B10] =	vst v0  }
0x258: {  	v0 =	vld.idx.msk [tilespmem:v3+s2+$0x0], $0xffff  }
0x259: {  	v1 =	vld [tilespmem:s30+$0x8220]  }
0x25a: {  	v2 =	vld.idx.msk [tilespmem:v4+s23+$0x0], $0xffff  }
0x25b: {  	v3 =	vld [tilespmem:s30+$0x5030];
	_ =	sdelay $0x1  }
0x25c: {  	v4 =	vld [tilespmem:s30+$0x6930]  }
0x25d: {  	v0 =	vadd.f32 v1, v0;
	_ =	sdelay $0x1  }
0x25e: {  	v0 =	vadd.f32 v0, v2;
	_ =	sdelay $0x1  }
0x25f: {  	[tilespmem:s30+$0x9B20] =	vst v0  }
0x260: {  	v0 =	vld.idx.msk [tilespmem:v3+s2+$0x0], $0xffff  }
0x261: {  	v1 =	vld [tilespmem:s30+$0x8230]  }
0x262: {  	v2 =	vld.idx.msk [tilespmem:v4+s23+$0x0], $0xffff  }
0x263: {  	v3 =	vld [tilespmem:s30+$0x5040];
	_ =	sdelay $0x1  }
0x264: {  	v4 =	vld [tilespmem:s30+$0x6940]  }
0x265: {  	v0 =	vadd.f32 v1, v0;
	_ =	sdelay $0x1  }
0x266: {  	v0 =	vadd.f32 v0, v2;
	_ =	sdelay $0x1  }
0x267: {  	[tilespmem:s30+$0x9B30] =	vst v0  }
0x268: {  	v0 =	vld.idx.msk [tilespmem:v3+s2+$0x0], $0xffff  }
0x269: {  	v1 =	vld [tilespmem:s30+$0x8240]  }
0x26a: {  	v2 =	vld.idx.msk [tilespmem:v4+s23+$0x0], $0xffff  }
0x26b: {  	v3 =	vld [tilespmem:s30+$0x5050]  }
0x26c: {  	v4 =	vld [tilespmem:s30+$0x6950];
	_ =	sdelay $0x1  }
0x26d: {  	v0 =	vadd.f32 v1, v0;
	_ =	sdelay $0x1  }
0x26e: {  	v0 =	vadd.f32 v0, v2;
	_ =	sdelay $0x1  }
0x26f: {  	[tilespmem:s30+$0x9B40] =	vst v0;
	v0 =	vld [tilespmem:s30+$0x8250]  }
0x270: {  	v1 =	vld.idx.msk [tilespmem:v3+s2+$0x0], $0xffff  }
0x271: {  	v2 =	vld.idx.msk [tilespmem:v4+s23+$0x0], $0xffff;
	_ =	sdelay $0x1  }
0x272: {  	v3 =	vld [tilespmem:s30+$0x5060]  }
0x273: {  	v4 =	vld [tilespmem:s30+$0x6960];
	_ =	sdelay $0x1  }
0x274: {  	v0 =	vadd.f32 v0, v1;
	_ =	sdelay $0x1  }
0x275: {  	v0 =	vadd.f32 v0, v2;
	_ =	sdelay $0x1  }
0x276: {  	[tilespmem:s30+$0x9B50] =	vst v0;
	v0 =	vld [tilespmem:s30+$0x8260]  }
0x277: {  	v1 =	vld.idx.msk [tilespmem:v3+s2+$0x0], $0xffff  }
0x278: {  	v2 =	vld.idx.msk [tilespmem:v4+s23+$0x0], $0xffff;
	_ =	sdelay $0x1  }
0x279: {  	v3 =	vld [tilespmem:s30+$0x5070]  }
0x27a: {  	v4 =	vld [tilespmem:s30+$0x6970];
	_ =	sdelay $0x1  }
0x27b: {  	v0 =	vadd.f32 v0, v1;
	_ =	sdelay $0x1  }
0x27c: {  	v0 =	vadd.f32 v0, v2;
	_ =	sdelay $0x1  }
0x27d: {  	[tilespmem:s30+$0x9B60] =	vst v0;
	v2 =	vld [tilespmem:s30+$0x8270]  }
0x27e: {  	v3 =	vld.idx.msk [tilespmem:v3+s2+$0x0], $0xffff  }
0x27f: {  	v4 =	vld.idx.msk [tilespmem:v4+s23+$0x0], $0xffff  }
0x280: {  	s0 =	sshra.s32 s1, $0x2  }
0x281: {  	v1 =	vld [tilespmem:s0+$0x5000]  }
.Ltmp17:
0x282: {  	v0 =	vld [tilespmem:s0+$0x6900];
	(pc) =	sbr.rel @p0 .LBB2_35-.Ltmp17, $3  }
0x283: {  	_ = 	snop  }
0x284: {  	v2 =	vadd.f32 v2, v3;
	_ =	sdelay $0x1  }
0x285: {  	v2 =	vadd.f32 v2, v4  }
0x286: {  	_ =	sdelay $0x2  }
0x287: {  	[tilespmem:s30+$0x9B70] =	vst v2  }
0x288: {  	v1 =	vld.idx.msk [tilespmem:v1+s2+$0x0], $0xffff  }
0x289: {  	v2 =	vld [tilespmem:s0+$0x8200]  }
0x28a: {  	v0 =	vld.idx.msk [tilespmem:v0+s23+$0x0], $0xffff  }
0x28b: {  	v3 =	vld [tilespmem:s0+$0x5010];
	_ =	sdelay $0x1  }
0x28c: {  	v4 =	vld [tilespmem:s0+$0x6910]  }
0x28d: {  	v1 =	vadd.f32 v2, v1;
	_ =	sdelay $0x1  }
0x28e: {  	v0 =	vadd.f32 v1, v0;
	_ =	sdelay $0x1  }
0x28f: {  	v35 =	vld [tilespmem:s0+$0x8210];
	[tilespmem:s0+$0x9B00] =	vst v0  }
0x290: {  	v0 =	vld.idx.msk [tilespmem:v3+s2+$0x0], $0xffff  }
0x291: {  	v37 =	vld [tilespmem:s0+$0x5020]  }
0x292: {  	v36 =	vld.idx.msk [tilespmem:v4+s23+$0x0], $0xffff;
	_ =	sdelay $0x1  }
0x293: {  	v38 =	vld [tilespmem:s0+$0x6920]  }
0x294: {  	v0 =	vadd.f32 v35, v0;
	_ =	sdelay $0x1  }
0x295: {  	v0 =	vadd.f32 v0, v36;
	_ =	sdelay $0x1  }
0x296: {  	v39 =	vld [tilespmem:s0+$0x8220];
	[tilespmem:s0+$0x9B10] =	vst v0  }
0x297: {  	v0 =	vld.idx.msk [tilespmem:v37+s2+$0x0], $0xffff  }
0x298: {  	v41 =	vld [tilespmem:s0+$0x5030]  }
0x299: {  	v40 =	vld.idx.msk [tilespmem:v38+s23+$0x0], $0xffff;
	_ =	sdelay $0x1  }
0x29a: {  	v42 =	vld [tilespmem:s0+$0x6930]  }
0x29b: {  	v0 =	vadd.f32 v39, v0;
	_ =	sdelay $0x1  }
0x29c: {  	v0 =	vadd.f32 v0, v40;
	_ =	sdelay $0x1  }
0x29d: {  	v43 =	vld [tilespmem:s0+$0x8230];
	[tilespmem:s0+$0x9B20] =	vst v0  }
0x29e: {  	v0 =	vld.idx.msk [tilespmem:v41+s2+$0x0], $0xffff  }
0x29f: {  	v45 =	vld [tilespmem:s0+$0x5040]  }
0x2a0: {  	v44 =	vld.idx.msk [tilespmem:v42+s23+$0x0], $0xffff;
	_ =	sdelay $0x1  }
0x2a1: {  	v46 =	vld [tilespmem:s0+$0x6940]  }
0x2a2: {  	v0 =	vadd.f32 v43, v0;
	_ =	sdelay $0x1  }
0x2a3: {  	v0 =	vadd.f32 v0, v44;
	_ =	sdelay $0x1  }
0x2a4: {  	v47 =	vld [tilespmem:s0+$0x8240];
	[tilespmem:s0+$0x9B30] =	vst v0  }
0x2a5: {  	v0 =	vld.idx.msk [tilespmem:v45+s2+$0x0], $0xffff  }
0x2a6: {  	v49 =	vld [tilespmem:s0+$0x5050]  }
0x2a7: {  	v48 =	vld.idx.msk [tilespmem:v46+s23+$0x0], $0xffff;
	_ =	sdelay $0x1  }
0x2a8: {  	v50 =	vld [tilespmem:s0+$0x6950]  }
0x2a9: {  	v0 =	vadd.f32 v47, v0;
	_ =	sdelay $0x1  }
0x2aa: {  	v0 =	vadd.f32 v0, v48;
	_ =	sdelay $0x1  }
0x2ab: {  	v51 =	vld [tilespmem:s0+$0x8250];
	[tilespmem:s0+$0x9B40] =	vst v0  }
0x2ac: {  	v52 =	vld.idx.msk [tilespmem:v49+s2+$0x0], $0xffff  }
0x2ad: {  	v54 =	vld [tilespmem:s0+$0x5060]  }
0x2ae: {  	v53 =	vld.idx.msk [tilespmem:v50+s23+$0x0], $0xffff;
	_ =	sdelay $0x1  }
0x2af: {  	v55 =	vld [tilespmem:s0+$0x6960]  }
0x2b0: {  	v0 =	vadd.f32 v51, v52;
	_ =	sdelay $0x1  }
0x2b1: {  	v0 =	vadd.f32 v0, v53;
	_ =	sdelay $0x1  }
0x2b2: {  	v56 =	vld [tilespmem:s0+$0x8260];
	[tilespmem:s0+$0x9B50] =	vst v0  }
0x2b3: {  	v57 =	vld.idx.msk [tilespmem:v54+s2+$0x0], $0xffff  }
0x2b4: {  	v59 =	vld [tilespmem:s0+$0x5070]  }
0x2b5: {  	v58 =	vld.idx.msk [tilespmem:v55+s23+$0x0], $0xffff;
	_ =	sdelay $0x1  }
0x2b6: {  	v60 =	vld [tilespmem:s0+$0x6970]  }
0x2b7: {  	v0 =	vadd.f32 v56, v57;
	_ =	sdelay $0x1  }
0x2b8: {  	v0 =	vadd.f32 v0, v58;
	_ =	sdelay $0x1  }
0x2b9: {  	v61 =	vld [tilespmem:s0+$0x8270];
	[tilespmem:s0+$0x9B60] =	vst v0  }
0x2ba: {  	v62 =	vld.idx.msk [tilespmem:v59+s2+$0x0], $0xffff;
	_ =	sdelay $0x1  }
0x2bb: {  	v63 =	vld.idx.msk [tilespmem:v60+s23+$0x0], $0xffff;
	_ =	sdelay $0x2  }
0x2bc: {  	v0 =	vadd.f32 v61, v62;
	_ =	sdelay $0x1  }
0x2bd: {  	v0 =	vadd.f32 v0, v63  }
0x2be: {  	s1 =	simm.s32 $0x9B00  }
0x2bf: {  	s31 =	sadd.s32 $0x0, s19;
	s30 =	simm.s32 $0x9C00;
	[tilespmem:s0+$0x9B70] =	vst v0;
	s0 =	simm.s32 $0x10  }
.LBB2_37:
0x2c0: {  	[hbm4b:s31+s2] =	stream.linear.scatter [tilespmem:s1], [sflag:$0x3], $0x80, $0x38;
	[tilespmem:$0xB400] =	vst v63  }
0x2c1: {  	s31 =	smov.u32 s0;
	s1 =	smov.u32 s30;
	p0 =	sne.s32 s0, $0x180  }
.Ltmp18:
0x2c2: {  	s0 =	sadd.s32 $0x10, s0;
	(pc) =	sbr.rel @p0 .LBB2_37-.Ltmp18, $2  }
0x2c3: {  	_ =	sdelay $0x2  }
0x2c4: {  	s30 =	sadd.s32 $0x100, s30;
	s31 =	sadd.s32 s31, s19  }
0x2c5: {  	[hbm4b:s31+s2] =	stream.linear.scatter [tilespmem:s1], [sflag:$0x3], $0x80, $0x38;
	[tilespmem:$0xB400] =	vst v63  }
0x2c6: {  	_ =	swait.ge [sflag:s25], $0xC80  }
0x2c7: {  	[sflag:s25] =	ssyncset.done $0x0  }
0x2c8: {  	[sflag:s25] =	ssyncadd.s32 $0xFFFFF380  }
0x2c9: {  	_ =	swait.ge [sflag:s25], $0xC80  }
0x2ca: {  	[sflag:s25] =	ssyncset.done $0x0  }
0x2cb: {  	[sflag:s25] =	ssyncadd.s32 $0xFFFFF380  }
0x2cc: {  	_ =	swait.ge [sflag:s25], $0xC80  }
0x2cd: {  	[sflag:s25] =	ssyncset.done $0x0  }
0x2ce: {  	[sflag:s25] =	ssyncadd.s32 $0xFFFFF380  }
0x2cf: {  	_ =	swait.ge [sflag:s28], $0xC80  }
0x2d0: {  	[sflag:s28] =	ssyncset.done $0x0  }
0x2d1: {  	s30 =	simm.s32 $0x0;
	[sflag:s28] =	ssyncadd.s32 $0xFFFFF380  }
0x2d2: {  	v0 =	vld [tilespmem:s30+$0x5080];
	_ =	sdelay $0x1  }
0x2d3: {  	v1 =	vld [tilespmem:s30+$0x6980];
	_ =	sdelay $0x4  }
0x2d4: {  	v2 =	vld [tilespmem:s30+$0x8280]  }
0x2d5: {  	v0 =	vld.idx.msk [tilespmem:v0+s2+$0x0], $0xffff  }
0x2d6: {  	v3 =	vld [tilespmem:s30+$0x5090]  }
0x2d7: {  	v1 =	vld.idx.msk [tilespmem:v1+s23+$0x0], $0xffff  }
0x2d8: {  	v4 =	vld [tilespmem:s30+$0x6990];
	_ =	sdelay $0x1  }
0x2d9: {  	v0 =	vadd.f32 v2, v0;
	_ =	sdelay $0x1  }
0x2da: {  	v0 =	vadd.f32 v0, v1;
	_ =	sdelay $0x1  }
0x2db: {  	v1 =	vld [tilespmem:s30+$0x8290];
	[tilespmem:s30+$0x9B80] =	vst v0  }
0x2dc: {  	v0 =	vld.idx.msk [tilespmem:v3+s2+$0x0], $0xffff  }
0x2dd: {  	v2 =	vld.idx.msk [tilespmem:v4+s23+$0x0], $0xffff  }
0x2de: {  	v3 =	vld [tilespmem:s30+$0x50A0]  }
0x2df: {  	v58 =	vld [tilespmem:s30+$0x69A0];
	_ =	sdelay $0x1  }
0x2e0: {  	v0 =	vadd.f32 v1, v0;
	_ =	sdelay $0x1  }
0x2e1: {  	v0 =	vadd.f32 v0, v2;
	_ =	sdelay $0x1  }
0x2e2: {  	v1 =	vld [tilespmem:s30+$0x82A0];
	[tilespmem:s30+$0x9B90] =	vst v0  }
0x2e3: {  	v0 =	vld.idx.msk [tilespmem:v3+s2+$0x0], $0xffff  }
0x2e4: {  	v2 =	vld.idx.msk [tilespmem:v58+s23+$0x0], $0xffff  }
0x2e5: {  	v3 =	vld [tilespmem:s30+$0x50B0]  }
0x2e6: {  	v59 =	vld [tilespmem:s30+$0x69B0];
	_ =	sdelay $0x1  }
0x2e7: {  	v0 =	vadd.f32 v1, v0;
	_ =	sdelay $0x1  }
0x2e8: {  	v0 =	vadd.f32 v0, v2;
	_ =	sdelay $0x1  }
0x2e9: {  	v1 =	vld [tilespmem:s30+$0x82B0];
	[tilespmem:s30+$0x9BA0] =	vst v0  }
0x2ea: {  	v0 =	vld.idx.msk [tilespmem:v3+s2+$0x0], $0xffff  }
0x2eb: {  	v2 =	vld.idx.msk [tilespmem:v59+s23+$0x0], $0xffff  }
0x2ec: {  	v3 =	vld [tilespmem:s30+$0x50C0]  }
0x2ed: {  	v60 =	vld [tilespmem:s30+$0x69C0];
	_ =	sdelay $0x1  }
0x2ee: {  	v0 =	vadd.f32 v1, v0;
	_ =	sdelay $0x1  }
0x2ef: {  	v0 =	vadd.f32 v0, v2;
	_ =	sdelay $0x1  }
0x2f0: {  	v1 =	vld [tilespmem:s30+$0x82C0];
	[tilespmem:s30+$0x9BB0] =	vst v0  }
0x2f1: {  	v0 =	vld.idx.msk [tilespmem:v3+s2+$0x0], $0xffff  }
0x2f2: {  	v2 =	vld.idx.msk [tilespmem:v60+s23+$0x0], $0xffff  }
0x2f3: {  	v3 =	vld [tilespmem:s30+$0x50D0]  }
0x2f4: {  	v61 =	vld [tilespmem:s30+$0x69D0];
	_ =	sdelay $0x1  }
0x2f5: {  	v0 =	vadd.f32 v1, v0;
	_ =	sdelay $0x1  }
0x2f6: {  	v0 =	vadd.f32 v0, v2;
	_ =	sdelay $0x1  }
0x2f7: {  	[tilespmem:s30+$0x9BC0] =	vst v0;
	v0 =	vld [tilespmem:s30+$0x82D0]  }
0x2f8: {  	v1 =	vld.idx.msk [tilespmem:v3+s2+$0x0], $0xffff  }
0x2f9: {  	v2 =	vld.idx.msk [tilespmem:v61+s23+$0x0], $0xffff  }
0x2fa: {  	v3 =	vld [tilespmem:s30+$0x50E0]  }
0x2fb: {  	v62 =	vld [tilespmem:s30+$0x69E0];
	_ =	sdelay $0x1  }
0x2fc: {  	v0 =	vadd.f32 v0, v1;
	_ =	sdelay $0x1  }
0x2fd: {  	v0 =	vadd.f32 v0, v2;
	_ =	sdelay $0x1  }
0x2fe: {  	[tilespmem:s30+$0x9BD0] =	vst v0;
	v0 =	vld [tilespmem:s30+$0x82E0]  }
0x2ff: {  	v1 =	vld.idx.msk [tilespmem:v3+s2+$0x0], $0xffff  }
0x300: {  	v2 =	vld.idx.msk [tilespmem:v62+s23+$0x0], $0xffff  }
0x301: {  	v3 =	vld [tilespmem:s30+$0x50F0];
	_ =	sdelay $0x2  }
0x302: {  	v0 =	vadd.f32 v0, v1  }
0x303: {  	v63 =	vld [tilespmem:s30+$0x69F0]  }
0x304: {  	v0 =	vadd.f32 v0, v2;
	_ =	sdelay $0x1  }
0x305: {  	[tilespmem:s30+$0x9BE0] =	vst v0;
	v0 =	vld [tilespmem:s30+$0x82F0]  }
0x306: {  	v1 =	vld.idx.msk [tilespmem:v3+s2+$0x0], $0xffff;
	_ =	sdelay $0x3  }
0x307: {  	s0 =	simm.s32 $0x100;
	v2 =	vld.idx.msk [tilespmem:v63+s23+$0x0], $0xffff  }
0x308: {  	v3 =	vadd.f32 v0, v1;
	v1 =	vld [tilespmem:s0+$0x5080];
	_ =	sdelay $0x1  }
0x309: {  	v0 =	vld [tilespmem:s0+$0x6980];
	_ =	sdelay $0x2  }
0x30a: {  	s31 =	simm.s32 $0x800;
	v2 =	vadd.f32 v3, v2  }
.LBB2_39:
0x30b: {  	_ = 	snop  }
0x30c: {  	p0 =	sne.s32 s31, $0x6000;
	s1 =	smov.u32 s31;
	s31 =	sadd.s32 $0x400, s31;
	[tilespmem:s30+$0x9BF0] =	vst v2  }
0x30d: {  	s30 =	smov.u32 s0;
	v1 =	vld.idx.msk [tilespmem:v1+s2+$0x0], $0xffff  }
0x30e: {  	v2 =	vld [tilespmem:s30+$0x8280]  }
0x30f: {  	v0 =	vld.idx.msk [tilespmem:v0+s23+$0x0], $0xffff  }
0x310: {  	v3 =	vld [tilespmem:s30+$0x5090];
	_ =	sdelay $0x1  }
0x311: {  	v4 =	vld [tilespmem:s30+$0x6990]  }
0x312: {  	v1 =	vadd.f32 v2, v1;
	_ =	sdelay $0x1  }
0x313: {  	v0 =	vadd.f32 v1, v0;
	_ =	sdelay $0x1  }
0x314: {  	[tilespmem:s30+$0x9B80] =	vst v0  }
0x315: {  	v0 =	vld.idx.msk [tilespmem:v3+s2+$0x0], $0xffff  }
0x316: {  	v1 =	vld [tilespmem:s30+$0x8290]  }
0x317: {  	v2 =	vld.idx.msk [tilespmem:v4+s23+$0x0], $0xffff  }
0x318: {  	v3 =	vld [tilespmem:s30+$0x50A0];
	_ =	sdelay $0x1  }
0x319: {  	v4 =	vld [tilespmem:s30+$0x69A0]  }
0x31a: {  	v0 =	vadd.f32 v1, v0;
	_ =	sdelay $0x1  }
0x31b: {  	v0 =	vadd.f32 v0, v2;
	_ =	sdelay $0x1  }
0x31c: {  	[tilespmem:s30+$0x9B90] =	vst v0  }
0x31d: {  	v0 =	vld.idx.msk [tilespmem:v3+s2+$0x0], $0xffff  }
0x31e: {  	v1 =	vld [tilespmem:s30+$0x82A0]  }
0x31f: {  	v2 =	vld.idx.msk [tilespmem:v4+s23+$0x0], $0xffff  }
0x320: {  	v3 =	vld [tilespmem:s30+$0x50B0];
	_ =	sdelay $0x1  }
0x321: {  	v4 =	vld [tilespmem:s30+$0x69B0]  }
0x322: {  	v0 =	vadd.f32 v1, v0;
	_ =	sdelay $0x1  }
0x323: {  	v0 =	vadd.f32 v0, v2;
	_ =	sdelay $0x1  }
0x324: {  	[tilespmem:s30+$0x9BA0] =	vst v0  }
0x325: {  	v0 =	vld.idx.msk [tilespmem:v3+s2+$0x0], $0xffff  }
0x326: {  	v1 =	vld [tilespmem:s30+$0x82B0]  }
0x327: {  	v2 =	vld.idx.msk [tilespmem:v4+s23+$0x0], $0xffff  }
0x328: {  	v3 =	vld [tilespmem:s30+$0x50C0];
	_ =	sdelay $0x1  }
0x329: {  	v4 =	vld [tilespmem:s30+$0x69C0]  }
0x32a: {  	v0 =	vadd.f32 v1, v0;
	_ =	sdelay $0x1  }
0x32b: {  	v0 =	vadd.f32 v0, v2;
	_ =	sdelay $0x1  }
0x32c: {  	[tilespmem:s30+$0x9BB0] =	vst v0  }
0x32d: {  	v0 =	vld.idx.msk [tilespmem:v3+s2+$0x0], $0xffff  }
0x32e: {  	v1 =	vld [tilespmem:s30+$0x82C0]  }
0x32f: {  	v2 =	vld.idx.msk [tilespmem:v4+s23+$0x0], $0xffff  }
0x330: {  	v3 =	vld [tilespmem:s30+$0x50D0]  }
0x331: {  	v4 =	vld [tilespmem:s30+$0x69D0];
	_ =	sdelay $0x1  }
0x332: {  	v0 =	vadd.f32 v1, v0;
	_ =	sdelay $0x1  }
0x333: {  	v0 =	vadd.f32 v0, v2;
	_ =	sdelay $0x1  }
0x334: {  	[tilespmem:s30+$0x9BC0] =	vst v0;
	v0 =	vld [tilespmem:s30+$0x82D0]  }
0x335: {  	v1 =	vld.idx.msk [tilespmem:v3+s2+$0x0], $0xffff  }
0x336: {  	v2 =	vld.idx.msk [tilespmem:v4+s23+$0x0], $0xffff;
	_ =	sdelay $0x1  }
0x337: {  	v3 =	vld [tilespmem:s30+$0x50E0]  }
0x338: {  	v4 =	vld [tilespmem:s30+$0x69E0];
	_ =	sdelay $0x1  }
0x339: {  	v0 =	vadd.f32 v0, v1;
	_ =	sdelay $0x1  }
0x33a: {  	v0 =	vadd.f32 v0, v2;
	_ =	sdelay $0x1  }
0x33b: {  	[tilespmem:s30+$0x9BD0] =	vst v0;
	v0 =	vld [tilespmem:s30+$0x82E0]  }
0x33c: {  	v1 =	vld.idx.msk [tilespmem:v3+s2+$0x0], $0xffff  }
0x33d: {  	v2 =	vld.idx.msk [tilespmem:v4+s23+$0x0], $0xffff;
	_ =	sdelay $0x1  }
0x33e: {  	v3 =	vld [tilespmem:s30+$0x50F0]  }
0x33f: {  	v4 =	vld [tilespmem:s30+$0x69F0];
	_ =	sdelay $0x1  }
0x340: {  	v0 =	vadd.f32 v0, v1;
	_ =	sdelay $0x1  }
0x341: {  	v0 =	vadd.f32 v0, v2;
	_ =	sdelay $0x1  }
0x342: {  	[tilespmem:s30+$0x9BE0] =	vst v0;
	v2 =	vld [tilespmem:s30+$0x82F0]  }
0x343: {  	v3 =	vld.idx.msk [tilespmem:v3+s2+$0x0], $0xffff  }
0x344: {  	v4 =	vld.idx.msk [tilespmem:v4+s23+$0x0], $0xffff  }
0x345: {  	s0 =	sshra.s32 s1, $0x2  }
0x346: {  	v1 =	vld [tilespmem:s0+$0x5080]  }
.Ltmp19:
0x347: {  	v0 =	vld [tilespmem:s0+$0x6980];
	(pc) =	sbr.rel @p0 .LBB2_39-.Ltmp19, $3  }
0x348: {  	_ = 	snop  }
0x349: {  	v2 =	vadd.f32 v2, v3;
	_ =	sdelay $0x1  }
0x34a: {  	v2 =	vadd.f32 v2, v4  }
0x34b: {  	_ =	sdelay $0x2  }
0x34c: {  	[tilespmem:s30+$0x9BF0] =	vst v2  }
0x34d: {  	v1 =	vld.idx.msk [tilespmem:v1+s2+$0x0], $0xffff  }
0x34e: {  	v2 =	vld [tilespmem:s0+$0x8280]  }
0x34f: {  	v0 =	vld.idx.msk [tilespmem:v0+s23+$0x0], $0xffff  }
0x350: {  	v3 =	vld [tilespmem:s0+$0x5090];
	_ =	sdelay $0x1  }
0x351: {  	v4 =	vld [tilespmem:s0+$0x6990]  }
0x352: {  	v1 =	vadd.f32 v2, v1;
	_ =	sdelay $0x1  }
0x353: {  	v0 =	vadd.f32 v1, v0;
	_ =	sdelay $0x1  }
0x354: {  	v35 =	vld [tilespmem:s0+$0x8290];
	[tilespmem:s0+$0x9B80] =	vst v0  }
0x355: {  	v0 =	vld.idx.msk [tilespmem:v3+s2+$0x0], $0xffff  }
0x356: {  	v37 =	vld [tilespmem:s0+$0x50A0]  }
0x357: {  	v36 =	vld.idx.msk [tilespmem:v4+s23+$0x0], $0xffff;
	_ =	sdelay $0x1  }
0x358: {  	v38 =	vld [tilespmem:s0+$0x69A0]  }
0x359: {  	v0 =	vadd.f32 v35, v0;
	_ =	sdelay $0x1  }
0x35a: {  	v0 =	vadd.f32 v0, v36;
	_ =	sdelay $0x1  }
0x35b: {  	v39 =	vld [tilespmem:s0+$0x82A0];
	[tilespmem:s0+$0x9B90] =	vst v0  }
0x35c: {  	v0 =	vld.idx.msk [tilespmem:v37+s2+$0x0], $0xffff  }
0x35d: {  	v41 =	vld [tilespmem:s0+$0x50B0]  }
0x35e: {  	v40 =	vld.idx.msk [tilespmem:v38+s23+$0x0], $0xffff;
	_ =	sdelay $0x1  }
0x35f: {  	v42 =	vld [tilespmem:s0+$0x69B0]  }
0x360: {  	v0 =	vadd.f32 v39, v0;
	_ =	sdelay $0x1  }
0x361: {  	v0 =	vadd.f32 v0, v40;
	_ =	sdelay $0x1  }
0x362: {  	v43 =	vld [tilespmem:s0+$0x82B0];
	[tilespmem:s0+$0x9BA0] =	vst v0  }
0x363: {  	v0 =	vld.idx.msk [tilespmem:v41+s2+$0x0], $0xffff  }
0x364: {  	v45 =	vld [tilespmem:s0+$0x50C0]  }
0x365: {  	v44 =	vld.idx.msk [tilespmem:v42+s23+$0x0], $0xffff;
	_ =	sdelay $0x1  }
0x366: {  	v46 =	vld [tilespmem:s0+$0x69C0]  }
0x367: {  	v0 =	vadd.f32 v43, v0;
	_ =	sdelay $0x1  }
0x368: {  	v0 =	vadd.f32 v0, v44;
	_ =	sdelay $0x1  }
0x369: {  	v47 =	vld [tilespmem:s0+$0x82C0];
	[tilespmem:s0+$0x9BB0] =	vst v0  }
0x36a: {  	v0 =	vld.idx.msk [tilespmem:v45+s2+$0x0], $0xffff  }
0x36b: {  	v49 =	vld [tilespmem:s0+$0x50D0]  }
0x36c: {  	v48 =	vld.idx.msk [tilespmem:v46+s23+$0x0], $0xffff;
	_ =	sdelay $0x1  }
0x36d: {  	v50 =	vld [tilespmem:s0+$0x69D0]  }
0x36e: {  	v0 =	vadd.f32 v47, v0;
	_ =	sdelay $0x1  }
0x36f: {  	v0 =	vadd.f32 v0, v48;
	_ =	sdelay $0x1  }
0x370: {  	v51 =	vld [tilespmem:s0+$0x82D0];
	[tilespmem:s0+$0x9BC0] =	vst v0  }
0x371: {  	v52 =	vld.idx.msk [tilespmem:v49+s2+$0x0], $0xffff  }
0x372: {  	v54 =	vld [tilespmem:s0+$0x50E0]  }
0x373: {  	v53 =	vld.idx.msk [tilespmem:v50+s23+$0x0], $0xffff;
	_ =	sdelay $0x1  }
0x374: {  	v55 =	vld [tilespmem:s0+$0x69E0]  }
0x375: {  	v0 =	vadd.f32 v51, v52;
	_ =	sdelay $0x1  }
0x376: {  	v0 =	vadd.f32 v0, v53;
	_ =	sdelay $0x1  }
0x377: {  	v56 =	vld [tilespmem:s0+$0x82E0];
	[tilespmem:s0+$0x9BD0] =	vst v0  }
0x378: {  	v57 =	vld.idx.msk [tilespmem:v54+s2+$0x0], $0xffff  }
0x379: {  	v59 =	vld [tilespmem:s0+$0x50F0]  }
0x37a: {  	v58 =	vld.idx.msk [tilespmem:v55+s23+$0x0], $0xffff;
	_ =	sdelay $0x1  }
0x37b: {  	v60 =	vld [tilespmem:s0+$0x69F0]  }
0x37c: {  	v0 =	vadd.f32 v56, v57;
	_ =	sdelay $0x1  }
0x37d: {  	v0 =	vadd.f32 v0, v58;
	_ =	sdelay $0x1  }
0x37e: {  	v61 =	vld [tilespmem:s0+$0x82F0];
	[tilespmem:s0+$0x9BE0] =	vst v0  }
0x37f: {  	v62 =	vld.idx.msk [tilespmem:v59+s2+$0x0], $0xffff;
	_ =	sdelay $0x1  }
0x380: {  	v63 =	vld.idx.msk [tilespmem:v60+s23+$0x0], $0xffff;
	_ =	sdelay $0x2  }
0x381: {  	v0 =	vadd.f32 v61, v62;
	_ =	sdelay $0x1  }
0x382: {  	v0 =	vadd.f32 v0, v63  }
0x383: {  	s1 =	simm.s32 $0x9B80  }
0x384: {  	s31 =	sadd.s32 $0x0, s20;
	s30 =	simm.s32 $0x9C80;
	[tilespmem:s0+$0x9BF0] =	vst v0;
	s0 =	simm.s32 $0x10  }
.LBB2_41:
0x385: {  	[hbm4b:s31+s2] =	stream.linear.scatter [tilespmem:s1], [sflag:$0x4], $0x80, $0x38;
	[tilespmem:$0xB400] =	vst v63  }
0x386: {  	s31 =	smov.u32 s0;
	s1 =	smov.u32 s30;
	p0 =	sne.s32 s0, $0x180  }
.Ltmp20:
0x387: {  	s0 =	sadd.s32 $0x10, s0;
	(pc) =	sbr.rel @p0 .LBB2_41-.Ltmp20, $2  }
0x388: {  	_ =	sdelay $0x2  }
0x389: {  	s30 =	sadd.s32 $0x100, s30;
	s31 =	sadd.s32 s31, s20  }
0x38a: {  	[hbm4b:s31+s2] =	stream.linear.scatter [tilespmem:s1], [sflag:$0x4], $0x80, $0x38;
	[tilespmem:$0xB400] =	vst v63  }
0x38b: {  	s29 =	sadd.s32 $0x1, s29  }
0x38c: {  	_ =	swait.ge [sflag:s26], $0xC80;
	p0 =	sne.s32 s29, s21  }
.Ltmp21:
0x38d: {  	[sflag:s26] =	ssyncset.done $0x0;
	(pc) =	sbr.rel @p0 .LBB2_2-.Ltmp21, $4  }
0x38e: {  	[sflag:s26] =	ssyncadd.s32 $0xFFFFF380  }
0x38f: {  	_ =	swait.ge [sflag:s28], $0xC80  }
0x390: {  	[sflag:s28] =	ssyncset.done $0x0  }
0x391: {  	[sflag:s28] =	ssyncadd.s32 $0xFFFFF380  }
.LBB2_43:
0x392: {  	_ =	sfence.sel $0x180000  }
0x393: {  	[bflag:$0x0] =	sbarrier.arrive $0xFFFF  }
0x394: {  	_ =	strace $0x90000047  }
0x395: {  	s0 =	stileid.u32;
	[bflag:$0x2] =	sbarrier.arrive $0xFFFF  }
0x396: {  	p0 =	sne.s32 s0, $0x0;
	s0 =	rddreg [dreg:$0x2]  }
0x397: {  	s0 =	sadd.s32 @!p0 $0x100000, s0  }
0x398: {  	[sflag:s0] =	ssyncadd.tile.s32 @!p0 $0x1;
	_ =	shalt  }
.Lfunc_end2:
_tile_overlayer_lowered:
.L_overlay_start_2:
0x399: {  	(tag) =	ssettag $0x2  }
0x39a: {  	s0 =	rddreg [dreg:$0x0];
	s2 =	stileid.u32  }
0x39b: {  	s1 =	rddreg [dreg:$0x1];
	p0 =	sne.s32 s2, $0x0  }
0x39c: {  	s3 =	rddreg [dreg:$0x2];
	[bflag:$0x3] =	sbarrier.arrive $0xFFFF;
	s2 =	simm.s32 @!p0 $0x1C05  }
0x39d: {  	[timem:s3], [sflag:s2] =	dma.local @!p0 [hbm:s0], s1  }
0x39e: {  	s0 =	simm.s32 @!p0 $0x5  }
0x39f: {  	_ =	swait.ge @!p0 [sflag:s0], s1  }
0x3a0: {  	s1 =	ssub.s32 @!p0 $0x0, s1;
	[sflag:s0] =	ssyncset.done @!p0 $0x0  }
0x3a1: {  	[sflag:s0] =	ssyncadd.s32 @!p0 s1  }
0x3a2: {  	[bflag:$0x3] =	sbarrier.arrive $0xFFFF  }
0x3a3: {  	_ =	shalt  }

// kernel: kernel.9.cloned.1.call-start
scs
__scs_entry_jumppad:
0x0: {  	(pc) =	sbr.rel $0x88, $3  }
0x1: {  	(tag) =	ssettag $0x0;
	lr =	simm.s32 $0x1  }
0x2: {  	[smem:$0x3F95] =	sst lr;
	_ =	strace $0xD0000000  }
0x3: {  	_ = 	snop  }
0x4: {  	_ = 	snop  }
0x5: {  	_ = 	snop  }
0x6: {  	_ = 	snop  }
0x7: {  	_ = 	snop  }
__scs_overlays_trampoline_lowered:
0x8: {  	[smem:$0x3FA4] =	sst s0  }
0x9: {  	[smem:$0x3FA5] =	sst s1  }
0xa: {  	[smem:$0x3FA6] =	sst s2  }
0xb: {  	[smem:$0x3FA7] =	sst s3  }
0xc: {  	[smem:$0x3FA8] =	sst s4  }
0xd: {  	[smem:$0x3FA9] =	sst s5  }
0xe: {  	[smem:$0x3FAA] =	sst s6  }
0xf: {  	[smem:$0x3FAB] =	sst s7  }
0x10: {  	[smem:$0x3FAC] =	sst s8  }
0x11: {  	[smem:$0x3FAD] =	sst s9;
	s0 =	simm.s32 @!p0 $0x0  }
0x12: {  	s1 =	sld [smem:$0x3F93];
	s0 =	simm.s32 @p0 $0x1  }
0x13: {  	[smem:$0x3FAE] =	sst s0;
	s0 =	simm.s32 @!p1 $0x0  }
0x14: {  	s2 =	sld [smem:$0x3F92];
	s0 =	simm.s32 @p1 $0x1  }
0x15: {  	[smem:$0x3FAF] =	sst s0;
	s0 =	simm.s32 @!p2 $0x0  }
0x16: {  	s3 =	sld [smem:$0x3FDB];
	s0 =	simm.s32 @p2 $0x1  }
0x17: {  	s4 =	simm.s32 $0x1BF5;
	[smem:$0x3FB1] =	sst s0  }
0x18: {  	s0 =	sld [smem:$0x3F94];
	_ =	swait.ge [sflag:s4], $0x0  }
0x19: {  	s7 =	sld [smem:$0x3F95]  }
0x1a: {  	s8 =	sadd.s32 $0xFFFFE003, lr  }
0x1b: {  	s9 =	sadd.s32 $0xFFFFFEF7, lr;
	s5 =	simm.s32 $0xFFFFFFFF;
	p2 =	slt.u32 s8, $0xFFFFF086  }
0x1c: {  	p1 =	slt.u32 s9, $0xF7A;
	s5 =	simm.s32 @!p2 $0x0  }
0x1d: {  	s5 =	simm.s32 @p1 $0x1;
	p0 =	seq.s32 s7, s2  }
0x1e: {  	s7 =	smul.u32 @!p0 $0xF7A, s2;
	p2 =	seq.s32 @!p0 s5, $0x0  }
0x1f: {  	s9 =	smul.u32 $0xF7A, s1;
	s8 =	simm.s32 @!p0 $0x1BF5;
	p2 =	por !p2, p0  }
0x20: {  	[sflag:s8] =	ssyncset.s32 @!p0 $0xFFFFF086;
	s6 =	sadd.s32 @!p0 s3, s7;
	s7 =	simm.s32 @!p0 $0x108  }
0x21: {  	s3 =	sadd.s32 s3, s9;
	s6 =	sadd.s32 @!p0 $0x88, s6;
	s7 =	simm.s32 @p2 $0x1082  }
0x22: {  	[simem:s7], [sflag:s8] =	dma.local @!p0 [hbm:s6], $0xF7A  }
0x23: {  	s9 =	sor.u32 $0xD0000000, s2;
	s6 =	simm.s32 $0x108;
	_ =	swait.ge @!p0 [sflag:s8], $0x0  }
0x24: {  	s3 =	sadd.s32 $0x88, s3;
	s6 =	simm.s32 @!p1 $0x1082;
	[sflag:s4] =	ssyncset.s32 $0xFFFFF086  }
0x25: {  	[simem:s6], [sflag:s4] =	dma.local [hbm:s3], $0xF7A  }
0x26: {  	[smem:$0x3F95] =	sst s1;
	(tag) =	ssettag s2;
	_ =	strace s9  }
0x27: {  	s1 =	sld [smem:$0x3FA5]  }
0x28: {  	s2 =	sld [smem:$0x3FA6]  }
0x29: {  	s4 =	sld [smem:$0x3FA8]  }
0x2a: {  	p0 =	seq.s32 s5, $0x0;
	s5 =	sld [smem:$0x3FA9]  }
0x2b: {  	s6 =	sld [smem:$0x3FAA]  }
0x2c: {  	s7 =	sld [smem:$0x3FAB]  }
0x2d: {  	s3 =	simm.s32 $0x108;
	s8 =	sld [smem:$0x3FAC]  }
0x2e: {  	s3 =	simm.s32 @!p0 $0x1082;
	s9 =	sld [smem:$0x3FAD]  }
0x2f: {  	lr =	sadd.s32 s0, s3;
	s0 =	sld [smem:$0x3FA4]  }
0x30: {  	s3 =	sld [smem:$0x3FA7]  }
0x31: {  	[smem:$0x3FB0] =	sst s10  }
0x32: {  	s10 =	sld [smem:$0x3FAE];
	_ =	sdelay $0x3  }
0x33: {  	p0 =	seq.s32 s10, $0x1;
	s10 =	sld [smem:$0x3FB0];
	_ =	sdelay $0x3  }
0x34: {  	[smem:$0x3FB0] =	sst s10  }
0x35: {  	s10 =	sld [smem:$0x3FAF];
	_ =	sdelay $0x3  }
0x36: {  	p1 =	seq.s32 s10, $0x1;
	s10 =	sld [smem:$0x3FB0];
	_ =	sdelay $0x3  }
0x37: {  	[smem:$0x3FB0] =	sst s10  }
0x38: {  	s10 =	sld [smem:$0x3FB1]  }
0x39: {  	_ = 	snop;
	(pc) =	sbr.ind lr, $3  }
0x3a: {  	_ = 	snop  }
0x3b: {  	_ = 	snop  }
0x3c: {  	p2 =	seq.s32 s10, $0x1;
	s10 =	sld [smem:$0x3FB0]  }
0x3d: {  	_ =	shalt  }
0x3e: {  	_ =	shalt  }
0x3f: {  	_ =	shalt  }
0x40: {  	_ =	shalt  }
0x41: {  	_ =	shalt  }
0x42: {  	_ =	shalt  }
0x43: {  	_ =	shalt  }
0x44: {  	_ =	shalt  }
0x45: {  	_ =	shalt  }
0x46: {  	_ =	shalt  }
0x47: {  	_ =	shalt  }
0x48: {  	_ =	shalt  }
0x49: {  	_ =	shalt  }
0x4a: {  	_ =	shalt  }
0x4b: {  	_ =	shalt  }
0x4c: {  	_ =	shalt  }
0x4d: {  	_ =	shalt  }
0x4e: {  	_ =	shalt  }
0x4f: {  	_ =	shalt  }
0x50: {  	_ =	shalt  }
0x51: {  	_ =	shalt  }
0x52: {  	_ =	shalt  }
0x53: {  	_ =	shalt  }
0x54: {  	_ =	shalt  }
0x55: {  	_ =	shalt  }
0x56: {  	_ =	shalt  }
0x57: {  	_ =	shalt  }
0x58: {  	_ =	shalt  }
0x59: {  	_ =	shalt  }
0x5a: {  	_ =	shalt  }
0x5b: {  	_ =	shalt  }
0x5c: {  	_ =	shalt  }
0x5d: {  	_ =	shalt  }
0x5e: {  	_ =	shalt  }
0x5f: {  	_ =	shalt  }
0x60: {  	_ =	shalt  }
0x61: {  	_ =	shalt  }
0x62: {  	_ =	shalt  }
0x63: {  	_ =	shalt  }
0x64: {  	_ =	shalt  }
0x65: {  	_ =	shalt  }
0x66: {  	_ =	shalt  }
0x67: {  	_ =	shalt  }
0x68: {  	_ =	shalt  }
0x69: {  	_ =	shalt  }
0x6a: {  	_ =	shalt  }
0x6b: {  	_ =	shalt  }
0x6c: {  	_ =	shalt  }
0x6d: {  	_ =	shalt  }
0x6e: {  	_ =	shalt  }
0x6f: {  	_ =	shalt  }
0x70: {  	_ =	shalt  }
0x71: {  	_ =	shalt  }
0x72: {  	_ =	shalt  }
0x73: {  	_ =	shalt  }
0x74: {  	_ =	shalt  }
0x75: {  	_ =	shalt  }
0x76: {  	_ =	shalt  }
0x77: {  	_ =	shalt  }
0x78: {  	_ =	shalt  }
0x79: {  	_ =	shalt  }
0x7a: {  	_ =	shalt  }
0x7b: {  	_ =	shalt  }
0x7c: {  	_ =	shalt  }
0x7d: {  	_ =	shalt  }
0x7e: {  	_ =	shalt  }
0x7f: {  	_ =	shalt  }
0x80: {  	_ =	shalt  }
0x81: {  	_ =	shalt  }
0x82: {  	_ =	shalt  }
0x83: {  	_ =	shalt  }
0x84: {  	_ =	shalt  }
0x85: {  	_ =	shalt  }
0x86: {  	_ =	shalt  }
0x87: {  	_ =	shalt  }
.Lfunc_end0:
.L_simem_size_0:
called_computation.1_lowered:
.L_overlay_start_0:
0x88: {  	s2 =	sld [smem:$0x3FD9]  }
0x89: {  	s3 =	sld [smem:$0x3FFE];
	_ =	sdelay $0x1  }
0x8a: {  	s1 =	srdreg.scid  }
0x8b: {  	s0 =	sand.u32 $0x1, s1  }
0x8c: {  	s14 =	sshll.u32 s0, $0xA;
	s2 =	sadd.s32 s3, s2  }
0x8d: {  	s2 =	sadd.s32 s2, s14  }
0x8e: {  	[smem:$0x3FBC] =	sst s2  }
0x8f: {  	_ = 	snop  }
0x90: {  	s2 =	sld [smem:$0x3FD0];
	_ =	sdelay $0x2  }
0x91: {  	s15 =	simm.s32 $0xA;
	s4 =	simm.s32 $0x10  }
0x92: {  	[smem:s4], [sflag:s15] =	dma.local [hbm:s2], $0x1  }
0x93: {  	_ =	swait.eq [sflag:s15], $0x1  }
0x94: {  	[sflag:s15] =	ssyncset.done $0x0  }
0x95: {  	[sflag:s15] =	ssyncadd.s32 $0xFFFFFFFF  }
0x96: {  	s16 =	sld [smem:$0x11];
	(tm) =	ssettm $0x1  }
0x97: {  	s17 =	sld [smem:$0x3FFB];
	_ =	sdelay $0x3  }
0x98: {  	_ =	strace s17  }
0x99: {  	s3 =	sld [smem:$0x3FFC];
	_ =	sdelay $0x3  }
0x9a: {  	_ =	strace s3  }
0x9b: {  	s3 =	sld [smem:$0x3FFD];
	_ =	sdelay $0x3  }
0x9c: {  	_ =	strace s3  }
0x9d: {  	_ =	strace $0x8FFFFFFF  }
0x9e: {  	s18 =	sld [smem:$0x3FDB];
	_ =	sdelay $0x1  }
0x9f: {  	s19 =	simm.s32 $_scs_section_size  }
0xa0: {  	s5 =	simm.s32 $_size__tile_overlayer_lowered;
	s6 =	simm.s32 $_tile_overlayer_lowered  }
0xa1: {  	s22 =	simm.s32 $0x1BFF;
	s21 =	sshll.u32 s6, $0x1;
	s3 =	sadd.s32 s19, s18  }
0xa2: {  	s7 =	simm.s32 $0x0;
	s20 =	sshll.u32 s5, $0x1;
	s5 =	sadd.s32 s21, s3  }
0xa3: {  	[timem:s7], [sflag:s22] =	dma.local [hbm:s5], s20  }
0xa4: {  	_ =	swait.ge [sflag:s22], s20  }
0xa5: {  	s4 =	ssub.s32 $0x0, s20;
	[sflag:s22] =	ssyncset.done $0x0  }
0xa6: {  	[sflag:s22] =	ssyncadd.s32 s4;
	_ =	sdelay $0x1  }
0xa7: {  	s23 =	simm.s32 $0x1B8B  }
0xa8: {  	_ =	swait.ge [sflag:s23], $0x1  }
0xa9: {  	[sflag:s23] =	ssyncset.done $0x0  }
0xaa: {  	s25 =	simm.s32 $0x1B8E;
	s24 =	sld [smem:$0x3FFE];
	[sflag:s23] =	ssyncadd.s32 $0xFFFFFFFF  }
0xab: {  	s26 =	simm.s32 $execute0_lowered;
	[smem:$0x3FD2] =	sst s25  }
0xac: {  	s5 =	sshll.u32 s26, $0x1;
	_ =	strace $0x80000049;
	[dreg:$0x1] =	wrdreg $0xFFFFFFFF  }
0xad: {  	s28 =	simm.s32 $_size_execute0_lowered;
	s3 =	sadd.s32 s3, s5;
	[dreg:$0x0] =	wrdreg $0x0  }
0xae: {  	s5 =	sshll.u32 s28, $0x1;
	[dreg:$0x2] =	wrdreg s3  }
0xaf: {  	[dreg:$0x3] =	wrdreg s5  }
0xb0: {  	[dreg:$0x4] =	wrdreg $0xC0  }
0xb1: {  	_ =	task [dreg:s7], $0x5FFFF  }
0xb2: {  	[dreg:$0x1] =	wrdreg $0xFFFFFFFF  }
0xb3: {  	[dreg:$0x0] =	wrdreg $0x60  }
0xb4: {  	[dreg:$0x2] =	wrdreg s24  }
0xb5: {  	[dreg:$0x3] =	wrdreg s16  }
0xb6: {  	[dreg:$0x4] =	wrdreg $0x9  }
0xb7: {  	_ =	task.clear_ibuf [dreg:s7], $0x5FFFF;
	_ =	strace $0x90000049  }
0xb8: {  	s29 =	simm.s32 $0x9;
	_ =	strace $0x8000004B  }
0xb9: {  	_ =	swait.ge [sflag:s29], $0x1  }
0xba: {  	[sflag:s29] =	ssyncadd.s32 $0xFFFFFFFF  }
0xbb: {  	_ =	strace $0x9000004B  }
0xbc: {  	_ =	sfence  }
0xbd: {  	s30 =	sld [smem:$0x0];
	_ =	sdelay $0x2  }
0xbe: {  	s31 =	sshll.u32 s1, $0xD;
	s1 =	sshrl.u32 s1, $0x2  }
0xbf: {  	s3 =	sand.u32 $0x4000, s31;
	s1 =	sadd.s32 s1, s30  }
0xc0: {  	s0 =	sor.u32 s3, s0;
	s1 =	sshll.u32 s1, $0x11  }
0xc1: {  	s0 =	sor.u32 s1, s0  }
0xc2: {  	s0 =	sadd.s32 $0x8F2B, s0  }
0xc3: {  	[sflag:s0] =	ssyncadd.remote.s32 $0x1  }
0xc4: {  	_ =	sfence.sel $0xFFFF  }
0xc5: {  	[dreg:$0x0] =	wrdreg $0xFFFFFFFF;
	(pc) =	sbr.abs _section_cstart, $3  }
0xc6: {  	[dreg:$0x1] =	wrdreg $0xFFFFFFFF  }
0xc7: {  	_ =	task.clear_ibuf [dreg:s7], $0x2FFFF;
	_ =	strace $0x9FFFFFFF  }
0xc8: {  	(tm) =	ssettm $0x7FFFFFFF  }
0xc9: {  	_ =	shalt  }
tec
execute0_lowered:
.L_overlay_start_1:
0x0: {  	(tag) =	ssettag $0x1  }
0x1: {  	s1 =	srdreg.scid;
	s0 =	stileid.u32  }
0x2: {  	s10 =	sand.u32 $0x1, s1;
	s4 =	sshll.u32 s0, $0x1  }
0x3: {  	s4 =	sor.u32 s10, s4  }
0x4: {  	p0 =	sgt.u32 s4, $0x18  }
.Ltmp0:
0x5: {  	_ = 	snop;
	(pc) =	sbr.rel @p0 .LBB2_27-.Ltmp0, $4  }
0x6: {  	s3 =	rddreg [dreg:$0x0]  }
0x7: {  	s12 =	rddreg [dreg:$0x1];
	s2 =	simm.s32 $0x0  }
0x8: {  	[smem:$0x7FF] =	sst s2  }
0x9: {  	s1 =	rddreg [dreg:$0x2];
	_ =	strace $0x8000004A  }
0xa: {  	s15 =	smul.u32 $0x3200, s4;
	s14 =	sadd.s32 $0x15E00, s3  }
0xb: {  	s16 =	sadd.s32 $0x1FC00, s3;
	s30 =	sshll.u32 s4, $0x4;
	s19 =	ssub.s32 $0x2, s10  }
0xc: {  	s21 =	simm.s32 $0x3;
	s22 =	simm.s32 $0x4;
	s23 =	simm.s32 $0xFA00  }
0xd: {  	s24 =	simm.s32 $0x5;
	s25 =	simm.s32 $0x0;
	s13 =	sadd.s32 s30, s3  }
0xe: {  	s20 =	sshrl.u32 s19, $0x1;
	s5 =	sadd.s32 $0xC80, s15;
	s17 =	sshrl.u32 s15, $0x3  }
0xf: {  	s7 =	sadd.s32 $0x1900, s15;
	s18 =	sadd.s32 $0x2580, s15;
	s13 =	sadd.s32 $0x1800, s13  }
0x10: {  	s31 =	ssub.s32 s19, s20;
	s15 =	sadd.s32 s16, s15;
	s19 =	simm.s32 $0x1  }
0x11: {  	s20 =	simm.s32 $0x2;
	s8 =	sshrl.u32 s5, $0x3;
	s3 =	sadd.s32 s16, s5  }
0x12: {  	s5 =	sadd.s32 s12, s17;
	s6 =	sadd.s32 s16, s7;
	s11 =	sshrl.u32 s7, $0x3  }
0x13: {  	s9 =	sadd.s32 s16, s18;
	s18 =	sshrl.u32 s18, $0x3;
	s16 =	smax.u32 s31, $0x1  }
0x14: {  	s4 =	sadd.s32 s14, s8;
	s7 =	sadd.s32 s14, s11;
	s8 =	sadd.s32 s12, s8  }
0x15: {  	s10 =	sadd.s32 s14, s18;
	s11 =	sadd.s32 s12, s11;
	s12 =	sadd.s32 s12, s18  }
0x16: {  	s14 =	sadd.s32 s14, s17;
	s17 =	simm.s32 $0x1900;
	s18 =	simm.s32 $0x7D00  }
.LBB2_2:
0x17: {  	s26 =	simm.s32 $0x0  }
0x18: {  	s28 =	simm.s32 $0x10;
	s30 =	sadd.s32 $0x0, s14;
	s29 =	simm.s32 $0x100  }
0x19: {  	[tilespmem:s17], [sflag:$0x1] =	stream.linear.gather [hbm4b:s15+s26], $0x6400, $0x38;
	[tilespmem:$0xFA80] =	vst v63  }
.LBB2_3:
0x1a: {  	[tilespmem:s26], [sflag:$0x1] =	stream.linear.gather [hbm4b:s30+s2], $0x80, $0x38;
	[tilespmem:$0xFA80] =	vst v63  }
0x1b: {  	s30 =	smov.u32 s28;
	s26 =	smov.u32 s29;
	p0 =	sne.s32 s28, $0x180  }
.Ltmp1:
0x1c: {  	s28 =	sadd.s32 $0x10, s28;
	(pc) =	sbr.rel @p0 .LBB2_3-.Ltmp1, $2  }
0x1d: {  	_ =	sdelay $0x2  }
0x1e: {  	s29 =	sadd.s32 $0x100, s29;
	s30 =	sadd.s32 s30, s14  }
0x1f: {  	[tilespmem:s26], [sflag:$0x1] =	stream.linear.gather [hbm4b:s30+s2], $0x80, $0x38;
	[tilespmem:$0xFA80] =	vst v63  }
0x20: {  	s31 =	simm.s32 $0x0;
	s26 =	simm.s32 $0x80  }
0x21: {  	s28 =	simm.s32 $0x10;
	s30 =	sadd.s32 $0x0, s4;
	s29 =	simm.s32 $0x180  }
0x22: {  	[tilespmem:s18], [sflag:$0x2] =	stream.linear.gather [hbm4b:s3+s31], $0x6400, $0x38;
	[tilespmem:$0xFA80] =	vst v63  }
.LBB2_5:
0x23: {  	[tilespmem:s26], [sflag:$0x2] =	stream.linear.gather [hbm4b:s30+s2], $0x80, $0x38;
	[tilespmem:$0xFA80] =	vst v63  }
0x24: {  	s30 =	smov.u32 s28;
	s26 =	smov.u32 s29;
	p0 =	sne.s32 s28, $0x180  }
.Ltmp2:
0x25: {  	s28 =	sadd.s32 $0x10, s28;
	(pc) =	sbr.rel @p0 .LBB2_5-.Ltmp2, $2  }
0x26: {  	_ =	sdelay $0x2  }
0x27: {  	s29 =	sadd.s32 $0x100, s29;
	s30 =	sadd.s32 s30, s4  }
0x28: {  	[tilespmem:s26], [sflag:$0x2] =	stream.linear.gather [hbm4b:s30+s2], $0x80, $0x38;
	[tilespmem:$0xFA80] =	vst v63  }
0x29: {  	_ =	swait.ge [sflag:s19], $0x6400  }
0x2a: {  	[sflag:s19] =	ssyncset.done $0x0  }
0x2b: {  	[sflag:s19] =	ssyncadd.s32 $0xFFFF9C00  }
0x2c: {  	_ =	swait.ge [sflag:s19], $0xC80  }
0x2d: {  	[sflag:s19] =	ssyncset.done $0x0  }
0x2e: {  	s26 =	simm.s32 $0x0;
	[sflag:s19] =	ssyncadd.s32 $0xFFFFF380  }
0x2f: {  	v0 =	vimm.f32 $0.0e+00;
	s28 =	simm.s32 $0x1940;
	s29 =	simm.s32 $0x400;
	v1 =	vld [tilespmem:s26+$0x0]  }
.LBB2_7:
0x30: {  	p0 =	sne.s32 s29, $0x6000;
	v2 =	vld [tilespmem:s28+$0xFFFFFFC0];
	_ =	sdelay $0x4  }
0x31: {  	v1 =	vadd.f32 v1, v2;
	_ =	sdelay $0x1  }
0x32: {  	v1 =	vadd.f32 v1, v1;
	_ =	sdelay $0x1  }
0x33: {  	v1 =	vsub.f32 $0.0e+00, v1;
	_ =	sdelay $0x1  }
0x34: {  	v1 =	vmul.f32 $1.442695020e+00, v1;
	_ =	sdelay $0x1  }
0x35: {  	(erf) = vpow2.f32 v1;
	_ =	sdelay $0x8  }
0x36: {  	v1 =	vpop (erf)  }
0x37: {  	v1 =	vadd.f32 $1.000000000e+00, v1;
	_ =	sdelay $0x1  }
0x38: {  	(erf) = vrcp.f32 v1;
	_ =	sdelay $0x8  }
0x39: {  	v1 =	vpop (erf)  }
0x3a: {  	[tilespmem:s26+$0xE100] =	vst v1;
	v0 =	vadd.f32 v1, v0;
	v1 =	vld [tilespmem:s26+$0x10]  }
0x3b: {  	v2 =	vld [tilespmem:s28+$0xFFFFFFD0];
	_ =	sdelay $0x4  }
0x3c: {  	v1 =	vadd.f32 v1, v2;
	_ =	sdelay $0x1  }
0x3d: {  	v1 =	vadd.f32 v1, v1;
	_ =	sdelay $0x1  }
0x3e: {  	v1 =	vsub.f32 $0.0e+00, v1;
	_ =	sdelay $0x1  }
0x3f: {  	v1 =	vmul.f32 $1.442695020e+00, v1;
	_ =	sdelay $0x1  }
0x40: {  	(erf) = vpow2.f32 v1;
	_ =	sdelay $0x8  }
0x41: {  	v1 =	vpop (erf)  }
0x42: {  	v1 =	vadd.f32 $1.000000000e+00, v1;
	_ =	sdelay $0x1  }
0x43: {  	(erf) = vrcp.f32 v1;
	_ =	sdelay $0x8  }
0x44: {  	v1 =	vpop (erf)  }
0x45: {  	[tilespmem:s26+$0xE110] =	vst v1;
	v0 =	vadd.f32 v1, v0;
	v1 =	vld [tilespmem:s26+$0x20]  }
0x46: {  	v2 =	vld [tilespmem:s28+$0xFFFFFFE0];
	_ =	sdelay $0x4  }
0x47: {  	v1 =	vadd.f32 v1, v2;
	_ =	sdelay $0x1  }
0x48: {  	v1 =	vadd.f32 v1, v1;
	_ =	sdelay $0x1  }
0x49: {  	v1 =	vsub.f32 $0.0e+00, v1;
	_ =	sdelay $0x1  }
0x4a: {  	v1 =	vmul.f32 $1.442695020e+00, v1;
	_ =	sdelay $0x1  }
0x4b: {  	(erf) = vpow2.f32 v1;
	_ =	sdelay $0x8  }
0x4c: {  	v1 =	vpop (erf)  }
0x4d: {  	v1 =	vadd.f32 $1.000000000e+00, v1;
	_ =	sdelay $0x1  }
0x4e: {  	(erf) = vrcp.f32 v1;
	_ =	sdelay $0x8  }
0x4f: {  	v1 =	vpop (erf)  }
0x50: {  	[tilespmem:s26+$0xE120] =	vst v1;
	v0 =	vadd.f32 v1, v0;
	v1 =	vld [tilespmem:s26+$0x30]  }
0x51: {  	v2 =	vld [tilespmem:s28+$0xFFFFFFF0];
	_ =	sdelay $0x4  }
0x52: {  	v1 =	vadd.f32 v1, v2;
	_ =	sdelay $0x1  }
0x53: {  	v1 =	vadd.f32 v1, v1;
	_ =	sdelay $0x1  }
0x54: {  	v1 =	vsub.f32 $0.0e+00, v1;
	_ =	sdelay $0x1  }
0x55: {  	v1 =	vmul.f32 $1.442695020e+00, v1;
	_ =	sdelay $0x1  }
0x56: {  	(erf) = vpow2.f32 v1;
	_ =	sdelay $0x8  }
0x57: {  	v1 =	vpop (erf)  }
0x58: {  	v1 =	vadd.f32 $1.000000000e+00, v1;
	_ =	sdelay $0x1  }
0x59: {  	(erf) = vrcp.f32 v1;
	_ =	sdelay $0x8  }
0x5a: {  	v1 =	vpop (erf)  }
0x5b: {  	[tilespmem:s26+$0xE130] =	vst v1;
	v0 =	vadd.f32 v1, v0;
	v1 =	vld [tilespmem:s26+$0x40]  }
0x5c: {  	v2 =	vld [tilespmem:s28+$0x0];
	_ =	sdelay $0x4  }
0x5d: {  	v1 =	vadd.f32 v1, v2;
	_ =	sdelay $0x1  }
0x5e: {  	v1 =	vadd.f32 v1, v1;
	_ =	sdelay $0x1  }
0x5f: {  	v1 =	vsub.f32 $0.0e+00, v1;
	_ =	sdelay $0x1  }
0x60: {  	v1 =	vmul.f32 $1.442695020e+00, v1;
	_ =	sdelay $0x1  }
0x61: {  	(erf) = vpow2.f32 v1;
	_ =	sdelay $0x8  }
0x62: {  	v1 =	vpop (erf)  }
0x63: {  	v1 =	vadd.f32 $1.000000000e+00, v1;
	_ =	sdelay $0x1  }
0x64: {  	(erf) = vrcp.f32 v1;
	_ =	sdelay $0x8  }
0x65: {  	v1 =	vpop (erf)  }
0x66: {  	[tilespmem:s26+$0xE140] =	vst v1;
	v0 =	vadd.f32 v1, v0;
	v1 =	vld [tilespmem:s26+$0x50]  }
0x67: {  	v2 =	vld [tilespmem:s28+$0x10];
	_ =	sdelay $0x4  }
0x68: {  	v1 =	vadd.f32 v1, v2;
	_ =	sdelay $0x1  }
0x69: {  	v1 =	vadd.f32 v1, v1;
	_ =	sdelay $0x1  }
0x6a: {  	v1 =	vsub.f32 $0.0e+00, v1;
	_ =	sdelay $0x1  }
0x6b: {  	v1 =	vmul.f32 $1.442695020e+00, v1;
	_ =	sdelay $0x1  }
0x6c: {  	(erf) = vpow2.f32 v1;
	_ =	sdelay $0x8  }
0x6d: {  	v1 =	vpop (erf)  }
0x6e: {  	v1 =	vadd.f32 $1.000000000e+00, v1;
	_ =	sdelay $0x1  }
0x6f: {  	(erf) = vrcp.f32 v1;
	_ =	sdelay $0x8  }
0x70: {  	v1 =	vpop (erf)  }
0x71: {  	[tilespmem:s26+$0xE150] =	vst v1;
	v0 =	vadd.f32 v1, v0;
	v1 =	vld [tilespmem:s26+$0x60]  }
0x72: {  	v2 =	vld [tilespmem:s28+$0x20];
	_ =	sdelay $0x4  }
0x73: {  	v1 =	vadd.f32 v1, v2;
	_ =	sdelay $0x1  }
0x74: {  	v1 =	vadd.f32 v1, v1;
	_ =	sdelay $0x1  }
0x75: {  	v1 =	vsub.f32 $0.0e+00, v1;
	_ =	sdelay $0x1  }
0x76: {  	v1 =	vmul.f32 $1.442695020e+00, v1;
	_ =	sdelay $0x1  }
0x77: {  	(erf) = vpow2.f32 v1;
	_ =	sdelay $0x8  }
0x78: {  	v1 =	vpop (erf)  }
0x79: {  	v1 =	vadd.f32 $1.000000000e+00, v1;
	_ =	sdelay $0x1  }
0x7a: {  	(erf) = vrcp.f32 v1;
	_ =	sdelay $0x8  }
0x7b: {  	v1 =	vpop (erf)  }
0x7c: {  	[tilespmem:s26+$0xE160] =	vst v1;
	v0 =	vadd.f32 v1, v0;
	v1 =	vld [tilespmem:s26+$0x70]  }
0x7d: {  	v2 =	vld [tilespmem:s28+$0x30];
	_ =	sdelay $0x4  }
0x7e: {  	v1 =	vadd.f32 v1, v2;
	_ =	sdelay $0x1  }
0x7f: {  	v1 =	vadd.f32 v1, v1;
	_ =	sdelay $0x1  }
0x80: {  	v1 =	vsub.f32 $0.0e+00, v1;
	_ =	sdelay $0x1  }
0x81: {  	v1 =	vmul.f32 $1.442695020e+00, v1;
	_ =	sdelay $0x1  }
0x82: {  	(erf) = vpow2.f32 v1;
	_ =	sdelay $0x8  }
0x83: {  	v1 =	vpop (erf)  }
0x84: {  	v1 =	vadd.f32 $1.000000000e+00, v1;
	_ =	sdelay $0x1  }
0x85: {  	(erf) = vrcp.f32 v1;
	_ =	sdelay $0x5  }
.Ltmp3:
0x86: {  	(pc) =	sbr.rel @p0 .LBB2_7-.Ltmp3, $3  }
0x87: {  	_ =	sdelay $0x1  }
0x88: {  	s30 =	sshra.s32 s29, $0x2;
	v2 =	vpop (erf)  }
0x89: {  	s29 =	sadd.s32 $0x400, s29;
	s28 =	sadd.s32 $0x400, s28;
	v1 =	vld [tilespmem:s30+$0x0];
	[tilespmem:s26+$0xE170] =	vst v2;
	v0 =	vadd.f32 v2, v0;
	s26 =	smov.u32 s30  }
0x8a: {  	v2 =	vld [tilespmem:s28+$0xFFFFFFC0];
	_ =	sdelay $0x4  }
0x8b: {  	v1 =	vadd.f32 v1, v2;
	_ =	sdelay $0x1  }
0x8c: {  	v1 =	vadd.f32 v1, v1;
	_ =	sdelay $0x1  }
0x8d: {  	v1 =	vsub.f32 $0.0e+00, v1;
	_ =	sdelay $0x1  }
0x8e: {  	v1 =	vmul.f32 $1.442695020e+00, v1;
	_ =	sdelay $0x1  }
0x8f: {  	(erf) = vpow2.f32 v1;
	_ =	sdelay $0x8  }
0x90: {  	v1 =	vpop (erf)  }
0x91: {  	v1 =	vadd.f32 $1.000000000e+00, v1;
	_ =	sdelay $0x1  }
0x92: {  	(erf) = vrcp.f32 v1;
	_ =	sdelay $0x8  }
0x93: {  	v1 =	vpop (erf)  }
0x94: {  	v2 =	vld [tilespmem:s26+$0x10];
	[tilespmem:s26+$0xE100] =	vst v1  }
0x95: {  	v3 =	vld [tilespmem:s28+$0xFFFFFFD0];
	_ =	sdelay $0x4  }
0x96: {  	v2 =	vadd.f32 v2, v3;
	_ =	sdelay $0x1  }
0x97: {  	v2 =	vadd.f32 v2, v2;
	_ =	sdelay $0x1  }
0x98: {  	v2 =	vsub.f32 $0.0e+00, v2;
	_ =	sdelay $0x1  }
0x99: {  	v2 =	vmul.f32 $1.442695020e+00, v2;
	_ =	sdelay $0x1  }
0x9a: {  	(erf) = vpow2.f32 v2;
	_ =	sdelay $0x8  }
0x9b: {  	v2 =	vpop (erf)  }
0x9c: {  	v2 =	vadd.f32 $1.000000000e+00, v2;
	_ =	sdelay $0x1  }
0x9d: {  	(erf) = vrcp.f32 v2;
	_ =	sdelay $0x8  }
0x9e: {  	v2 =	vpop (erf)  }
0x9f: {  	v3 =	vld [tilespmem:s26+$0x20];
	[tilespmem:s26+$0xE110] =	vst v2  }
0xa0: {  	v4 =	vld [tilespmem:s28+$0xFFFFFFE0];
	_ =	sdelay $0x4  }
0xa1: {  	v3 =	vadd.f32 v3, v4;
	_ =	sdelay $0x1  }
0xa2: {  	v3 =	vadd.f32 v3, v3;
	_ =	sdelay $0x1  }
0xa3: {  	v3 =	vsub.f32 $0.0e+00, v3;
	_ =	sdelay $0x1  }
0xa4: {  	v3 =	vmul.f32 $1.442695020e+00, v3;
	_ =	sdelay $0x1  }
0xa5: {  	(erf) = vpow2.f32 v3;
	_ =	sdelay $0x8  }
0xa6: {  	v3 =	vpop (erf)  }
0xa7: {  	v3 =	vadd.f32 $1.000000000e+00, v3;
	_ =	sdelay $0x1  }
0xa8: {  	(erf) = vrcp.f32 v3;
	_ =	sdelay $0x8  }
0xa9: {  	v3 =	vpop (erf)  }
0xaa: {  	v59 =	vld [tilespmem:s26+$0x30];
	[tilespmem:s26+$0xE120] =	vst v3  }
0xab: {  	v5 =	vld [tilespmem:s28+$0xFFFFFFF0];
	_ =	sdelay $0x4  }
0xac: {  	v4 =	vadd.f32 v59, v5;
	_ =	sdelay $0x1  }
0xad: {  	v4 =	vadd.f32 v4, v4;
	_ =	sdelay $0x1  }
0xae: {  	v4 =	vsub.f32 $0.0e+00, v4;
	_ =	sdelay $0x1  }
0xaf: {  	v4 =	vmul.f32 $1.442695020e+00, v4;
	_ =	sdelay $0x1  }
0xb0: {  	(erf) = vpow2.f32 v4;
	_ =	sdelay $0x8  }
0xb1: {  	v4 =	vpop (erf)  }
0xb2: {  	v4 =	vadd.f32 $1.000000000e+00, v4;
	_ =	sdelay $0x1  }
0xb3: {  	(erf) = vrcp.f32 v4;
	_ =	sdelay $0x8  }
0xb4: {  	v4 =	vpop (erf)  }
0xb5: {  	v60 =	vld [tilespmem:s26+$0x40];
	[tilespmem:s26+$0xE130] =	vst v4  }
0xb6: {  	v6 =	vld [tilespmem:s28+$0x0];
	_ =	sdelay $0x4  }
0xb7: {  	v5 =	vadd.f32 v60, v6;
	_ =	sdelay $0x1  }
0xb8: {  	v5 =	vadd.f32 v5, v5;
	_ =	sdelay $0x1  }
0xb9: {  	v5 =	vsub.f32 $0.0e+00, v5;
	_ =	sdelay $0x1  }
0xba: {  	v5 =	vmul.f32 $1.442695020e+00, v5;
	_ =	sdelay $0x1  }
0xbb: {  	(erf) = vpow2.f32 v5;
	_ =	sdelay $0x8  }
0xbc: {  	v5 =	vpop (erf)  }
0xbd: {  	v5 =	vadd.f32 $1.000000000e+00, v5;
	_ =	sdelay $0x1  }
0xbe: {  	(erf) = vrcp.f32 v5;
	_ =	sdelay $0x8  }
0xbf: {  	v5 =	vpop (erf)  }
0xc0: {  	v61 =	vld [tilespmem:s26+$0x50];
	[tilespmem:s26+$0xE140] =	vst v5  }
0xc1: {  	v7 =	vld [tilespmem:s28+$0x10];
	_ =	sdelay $0x4  }
0xc2: {  	v6 =	vadd.f32 v61, v7;
	_ =	sdelay $0x1  }
0xc3: {  	v6 =	vadd.f32 v6, v6;
	_ =	sdelay $0x1  }
0xc4: {  	v6 =	vsub.f32 $0.0e+00, v6;
	_ =	sdelay $0x1  }
0xc5: {  	v6 =	vmul.f32 $1.442695020e+00, v6;
	_ =	sdelay $0x1  }
0xc6: {  	(erf) = vpow2.f32 v6;
	_ =	sdelay $0x8  }
0xc7: {  	v6 =	vpop (erf)  }
0xc8: {  	v6 =	vadd.f32 $1.000000000e+00, v6;
	_ =	sdelay $0x1  }
0xc9: {  	(erf) = vrcp.f32 v6;
	_ =	sdelay $0x8  }
0xca: {  	v6 =	vpop (erf)  }
0xcb: {  	v62 =	vld [tilespmem:s26+$0x60];
	[tilespmem:s26+$0xE150] =	vst v6  }
0xcc: {  	v8 =	vld [tilespmem:s28+$0x20];
	_ =	sdelay $0x4  }
0xcd: {  	v7 =	vadd.f32 v62, v8;
	_ =	sdelay $0x1  }
0xce: {  	v7 =	vadd.f32 v7, v7;
	_ =	sdelay $0x1  }
0xcf: {  	v7 =	vsub.f32 $0.0e+00, v7;
	_ =	sdelay $0x1  }
0xd0: {  	v7 =	vmul.f32 $1.442695020e+00, v7;
	_ =	sdelay $0x1  }
0xd1: {  	(erf) = vpow2.f32 v7;
	_ =	sdelay $0x8  }
0xd2: {  	v7 =	vpop (erf)  }
0xd3: {  	v7 =	vadd.f32 $1.000000000e+00, v7;
	_ =	sdelay $0x1  }
0xd4: {  	(erf) = vrcp.f32 v7;
	_ =	sdelay $0x8  }
0xd5: {  	v7 =	vpop (erf)  }
0xd6: {  	v63 =	vld [tilespmem:s26+$0x70];
	[tilespmem:s26+$0xE160] =	vst v7  }
0xd7: {  	v9 =	vld [tilespmem:s28+$0x30];
	_ =	sdelay $0x4  }
0xd8: {  	v8 =	vadd.f32 v63, v9;
	_ =	sdelay $0x1  }
0xd9: {  	v8 =	vadd.f32 v8, v8;
	_ =	sdelay $0x1  }
0xda: {  	v8 =	vsub.f32 $0.0e+00, v8;
	_ =	sdelay $0x1  }
0xdb: {  	v8 =	vmul.f32 $1.442695020e+00, v8;
	_ =	sdelay $0x1  }
0xdc: {  	(erf) = vpow2.f32 v8;
	_ =	sdelay $0x7  }
0xdd: {  	v0 =	vadd.f32 v1, v0  }
0xde: {  	v1 =	vpop (erf)  }
0xdf: {  	v0 =	vadd.f32 v2, v0;
	v1 =	vadd.f32 $1.000000000e+00, v1;
	_ =	sdelay $0x1  }
0xe0: {  	v0 =	vadd.f32 v3, v0;
	(erf) = vrcp.f32 v1;
	_ =	sdelay $0x1  }
0xe1: {  	v0 =	vadd.f32 v4, v0;
	_ =	sdelay $0x1  }
0xe2: {  	v0 =	vadd.f32 v5, v0;
	_ =	sdelay $0x1  }
0xe3: {  	v0 =	vadd.f32 v6, v0;
	_ =	sdelay $0x1  }
0xe4: {  	v0 =	vadd.f32 v7, v0  }
0xe5: {  	s30 =	sadd.s32 $0x0, s5;
	v1 =	vpop (erf)  }
0xe6: {  	s29 =	simm.s32 $0xE200;
	s28 =	simm.s32 $0xE100;
	[tilespmem:s26+$0xE170] =	vst v1;
	v0 =	vadd.f32 v1, v0;
	s26 =	simm.s32 $0x10  }
.LBB2_9:
0xe7: {  	[hbm4b:s30+s2] =	stream.linear.scatter [tilespmem:s28], [sflag:$0x3], $0x80, $0x38;
	[tilespmem:$0xFA80] =	vst v63  }
0xe8: {  	s30 =	smov.u32 s26;
	s28 =	smov.u32 s29;
	p0 =	sne.s32 s26, $0x180  }
.Ltmp4:
0xe9: {  	s26 =	sadd.s32 $0x10, s26;
	(pc) =	sbr.rel @p0 .LBB2_9-.Ltmp4, $2  }
0xea: {  	_ =	sdelay $0x2  }
0xeb: {  	s29 =	sadd.s32 $0x100, s29;
	s30 =	sadd.s32 s30, s5  }
0xec: {  	[hbm4b:s30+s2] =	stream.linear.scatter [tilespmem:s28], [sflag:$0x3], $0x80, $0x38;
	[tilespmem:$0xFA80] =	vst v63  }
0xed: {  	s26 =	simm.s32 $0x0  }
0xee: {  	s28 =	simm.s32 $0x10;
	s30 =	sadd.s32 $0x0, s7;
	s29 =	simm.s32 $0x100  }
0xef: {  	[tilespmem:s17], [sflag:$0x1] =	stream.linear.gather [hbm4b:s6+s26], $0x6400, $0x38;
	[tilespmem:$0xFA80] =	vst v63  }
.LBB2_11:
0xf0: {  	[tilespmem:s26], [sflag:$0x1] =	stream.linear.gather [hbm4b:s30+s2], $0x80, $0x38;
	[tilespmem:$0xFA80] =	vst v63  }
0xf1: {  	s30 =	smov.u32 s28;
	s26 =	smov.u32 s29;
	p0 =	sne.s32 s28, $0x180  }
.Ltmp5:
0xf2: {  	s28 =	sadd.s32 $0x10, s28;
	(pc) =	sbr.rel @p0 .LBB2_11-.Ltmp5, $2  }
0xf3: {  	_ =	sdelay $0x2  }
0xf4: {  	s29 =	sadd.s32 $0x100, s29;
	s30 =	sadd.s32 s30, s7  }
0xf5: {  	[tilespmem:s26], [sflag:$0x1] =	stream.linear.gather [hbm4b:s30+s2], $0x80, $0x38;
	[tilespmem:$0xFA80] =	vst v63  }
0xf6: {  	_ =	swait.ge [sflag:s20], $0x6400  }
0xf7: {  	[sflag:s20] =	ssyncset.done $0x0  }
0xf8: {  	[sflag:s20] =	ssyncadd.s32 $0xFFFF9C00  }
0xf9: {  	_ =	swait.ge [sflag:s20], $0xC80  }
0xfa: {  	s26 =	simm.s32 $0x0;
	[sflag:s20] =	ssyncset.done $0x0  }
0xfb: {  	s28 =	simm.s32 $0xE1F0;
	s29 =	simm.s32 $0xF0;
	[sflag:s20] =	ssyncadd.s32 $0xFFFFF380  }
.LBB2_13:
0xfc: {  	s30 =	sshra.s32 s26, $0x2;
	v2 =	vld [tilespmem:s29+$0xFFFFFF90]  }
0xfd: {  	v1 =	vld [tilespmem:s30+$0x7D00];
	_ =	sdelay $0x4  }
0xfe: {  	v1 =	vadd.f32 v2, v1;
	_ =	sdelay $0x1  }
0xff: {  	v1 =	vadd.f32 v1, v1;
	_ =	sdelay $0x1  }
0x100: {  	v1 =	vsub.f32 $0.0e+00, v1;
	_ =	sdelay $0x1  }
0x101: {  	v1 =	vmul.f32 $1.442695020e+00, v1;
	_ =	sdelay $0x1  }
0x102: {  	(erf) = vpow2.f32 v1;
	_ =	sdelay $0x8  }
0x103: {  	v1 =	vpop (erf)  }
0x104: {  	v1 =	vadd.f32 $1.000000000e+00, v1;
	_ =	sdelay $0x1  }
0x105: {  	(erf) = vrcp.f32 v1;
	_ =	sdelay $0x8  }
0x106: {  	v1 =	vpop (erf)  }
0x107: {  	[tilespmem:s28+$0xFFFFFF90] =	vst v1  }
0x108: {  	v2 =	vld [tilespmem:s30+$0x7D10]  }
0x109: {  	v3 =	vld [tilespmem:s29+$0xFFFFFFA0];
	_ =	sdelay $0x4  }
0x10a: {  	v2 =	vadd.f32 v3, v2;
	_ =	sdelay $0x1  }
0x10b: {  	v2 =	vadd.f32 v2, v2;
	_ =	sdelay $0x1  }
0x10c: {  	v2 =	vsub.f32 $0.0e+00, v2;
	_ =	sdelay $0x1  }
0x10d: {  	v2 =	vmul.f32 $1.442695020e+00, v2;
	_ =	sdelay $0x1  }
0x10e: {  	(erf) = vpow2.f32 v2;
	_ =	sdelay $0x8  }
0x10f: {  	v2 =	vpop (erf)  }
0x110: {  	v2 =	vadd.f32 $1.000000000e+00, v2;
	_ =	sdelay $0x1  }
0x111: {  	(erf) = vrcp.f32 v2;
	_ =	sdelay $0x8  }
0x112: {  	v2 =	vpop (erf)  }
0x113: {  	[tilespmem:s28+$0xFFFFFFA0] =	vst v2  }
0x114: {  	v3 =	vld [tilespmem:s30+$0x7D20]  }
0x115: {  	v4 =	vld [tilespmem:s29+$0xFFFFFFB0];
	_ =	sdelay $0x4  }
0x116: {  	v3 =	vadd.f32 v4, v3;
	_ =	sdelay $0x1  }
0x117: {  	v3 =	vadd.f32 v3, v3;
	_ =	sdelay $0x1  }
0x118: {  	v3 =	vsub.f32 $0.0e+00, v3;
	_ =	sdelay $0x1  }
0x119: {  	v3 =	vmul.f32 $1.442695020e+00, v3;
	_ =	sdelay $0x1  }
0x11a: {  	(erf) = vpow2.f32 v3;
	_ =	sdelay $0x8  }
0x11b: {  	v3 =	vpop (erf)  }
0x11c: {  	v3 =	vadd.f32 $1.000000000e+00, v3;
	_ =	sdelay $0x1  }
0x11d: {  	(erf) = vrcp.f32 v3;
	_ =	sdelay $0x8  }
0x11e: {  	v3 =	vpop (erf)  }
0x11f: {  	[tilespmem:s28+$0xFFFFFFB0] =	vst v3  }
0x120: {  	v59 =	vld [tilespmem:s30+$0x7D30]  }
0x121: {  	v5 =	vld [tilespmem:s29+$0xFFFFFFC0];
	_ =	sdelay $0x4  }
0x122: {  	v4 =	vadd.f32 v5, v59;
	_ =	sdelay $0x1  }
0x123: {  	v4 =	vadd.f32 v4, v4;
	_ =	sdelay $0x1  }
0x124: {  	v4 =	vsub.f32 $0.0e+00, v4;
	_ =	sdelay $0x1  }
0x125: {  	v4 =	vmul.f32 $1.442695020e+00, v4;
	_ =	sdelay $0x1  }
0x126: {  	(erf) = vpow2.f32 v4;
	_ =	sdelay $0x8  }
0x127: {  	v4 =	vpop (erf)  }
0x128: {  	v4 =	vadd.f32 $1.000000000e+00, v4;
	_ =	sdelay $0x1  }
0x129: {  	(erf) = vrcp.f32 v4;
	_ =	sdelay $0x8  }
0x12a: {  	v4 =	vpop (erf)  }
0x12b: {  	[tilespmem:s28+$0xFFFFFFC0] =	vst v4  }
0x12c: {  	v60 =	vld [tilespmem:s30+$0x7D40]  }
0x12d: {  	v6 =	vld [tilespmem:s29+$0xFFFFFFD0];
	_ =	sdelay $0x4  }
0x12e: {  	v5 =	vadd.f32 v6, v60;
	_ =	sdelay $0x1  }
0x12f: {  	v5 =	vadd.f32 v5, v5;
	_ =	sdelay $0x1  }
0x130: {  	v5 =	vsub.f32 $0.0e+00, v5;
	_ =	sdelay $0x1  }
0x131: {  	v5 =	vmul.f32 $1.442695020e+00, v5;
	_ =	sdelay $0x1  }
0x132: {  	(erf) = vpow2.f32 v5;
	_ =	sdelay $0x8  }
0x133: {  	v5 =	vpop (erf)  }
0x134: {  	v5 =	vadd.f32 $1.000000000e+00, v5;
	_ =	sdelay $0x1  }
0x135: {  	(erf) = vrcp.f32 v5;
	_ =	sdelay $0x8  }
0x136: {  	v5 =	vpop (erf)  }
0x137: {  	[tilespmem:s28+$0xFFFFFFD0] =	vst v5  }
0x138: {  	v61 =	vld [tilespmem:s30+$0x7D50]  }
0x139: {  	v7 =	vld [tilespmem:s29+$0xFFFFFFE0];
	_ =	sdelay $0x4  }
0x13a: {  	v6 =	vadd.f32 v7, v61;
	_ =	sdelay $0x1  }
0x13b: {  	v6 =	vadd.f32 v6, v6;
	_ =	sdelay $0x1  }
0x13c: {  	v6 =	vsub.f32 $0.0e+00, v6;
	_ =	sdelay $0x1  }
0x13d: {  	v6 =	vmul.f32 $1.442695020e+00, v6;
	_ =	sdelay $0x1  }
0x13e: {  	(erf) = vpow2.f32 v6;
	_ =	sdelay $0x8  }
0x13f: {  	v6 =	vpop (erf)  }
0x140: {  	v6 =	vadd.f32 $1.000000000e+00, v6;
	_ =	sdelay $0x1  }
0x141: {  	(erf) = vrcp.f32 v6;
	_ =	sdelay $0x8  }
0x142: {  	v6 =	vpop (erf)  }
0x143: {  	[tilespmem:s28+$0xFFFFFFE0] =	vst v6  }
0x144: {  	v62 =	vld [tilespmem:s30+$0x7D60]  }
0x145: {  	v8 =	vld [tilespmem:s29+$0xFFFFFFF0];
	_ =	sdelay $0x4  }
0x146: {  	v7 =	vadd.f32 v8, v62;
	_ =	sdelay $0x1  }
0x147: {  	v7 =	vadd.f32 v7, v7;
	_ =	sdelay $0x1  }
0x148: {  	v7 =	vsub.f32 $0.0e+00, v7;
	_ =	sdelay $0x1  }
0x149: {  	v7 =	vmul.f32 $1.442695020e+00, v7;
	_ =	sdelay $0x1  }
0x14a: {  	(erf) = vpow2.f32 v7;
	_ =	sdelay $0x8  }
0x14b: {  	v7 =	vpop (erf)  }
0x14c: {  	v7 =	vadd.f32 $1.000000000e+00, v7;
	_ =	sdelay $0x1  }
0x14d: {  	(erf) = vrcp.f32 v7;
	_ =	sdelay $0x8  }
0x14e: {  	v7 =	vpop (erf)  }
0x14f: {  	[tilespmem:s28+$0xFFFFFFF0] =	vst v7  }
0x150: {  	v63 =	vld [tilespmem:s30+$0x7D70]  }
0x151: {  	v9 =	vld [tilespmem:s29+$0x0];
	_ =	sdelay $0x4  }
0x152: {  	v8 =	vadd.f32 v9, v63;
	_ =	sdelay $0x1  }
0x153: {  	v8 =	vadd.f32 v8, v8;
	_ =	sdelay $0x1  }
0x154: {  	v8 =	vsub.f32 $0.0e+00, v8;
	_ =	sdelay $0x1  }
0x155: {  	v8 =	vmul.f32 $1.442695020e+00, v8;
	_ =	sdelay $0x1  }
0x156: {  	(erf) = vpow2.f32 v8;
	_ =	sdelay $0x7  }
0x157: {  	v0 =	vadd.f32 v1, v0  }
0x158: {  	v1 =	vpop (erf)  }
0x159: {  	v0 =	vadd.f32 v2, v0;
	v1 =	vadd.f32 $1.000000000e+00, v1;
	_ =	sdelay $0x1  }
0x15a: {  	v0 =	vadd.f32 v3, v0;
	(erf) = vrcp.f32 v1;
	_ =	sdelay $0x1  }
0x15b: {  	v0 =	vadd.f32 v4, v0;
	_ =	sdelay $0x1  }
0x15c: {  	v0 =	vadd.f32 v5, v0  }
0x15d: {  	p0 =	sne.s32 s26, $0x18000  }
.Ltmp6:
0x15e: {  	v0 =	vadd.f32 v6, v0;
	(pc) =	sbr.rel @p0 .LBB2_13-.Ltmp6, $4  }
0x15f: {  	_ = 	snop  }
0x160: {  	v0 =	vadd.f32 v7, v0  }
0x161: {  	v1 =	vpop (erf)  }
0x162: {  	s26 =	sadd.s32 $0x1000, s26;
	s29 =	sadd.s32 $0x100, s29;
	[tilespmem:s28+$0x0] =	vst v1;
	v0 =	vadd.f32 v1, v0;
	s28 =	sadd.s32 $0x100, s28  }
0x163: {  	s26 =	simm.s32 $0xE180  }
0x164: {  	s28 =	simm.s32 $0x10;
	s30 =	sadd.s32 $0x0, s8;
	s29 =	simm.s32 $0xE280  }
.LBB2_15:
0x165: {  	[hbm4b:s30+s2] =	stream.linear.scatter [tilespmem:s26], [sflag:$0x4], $0x80, $0x38;
	[tilespmem:$0xFA80] =	vst v63  }
0x166: {  	s30 =	smov.u32 s28;
	s26 =	smov.u32 s29;
	p0 =	sne.s32 s28, $0x180  }
.Ltmp7:
0x167: {  	s28 =	sadd.s32 $0x10, s28;
	(pc) =	sbr.rel @p0 .LBB2_15-.Ltmp7, $2  }
0x168: {  	_ =	sdelay $0x2  }
0x169: {  	s29 =	sadd.s32 $0x100, s29;
	s30 =	sadd.s32 s30, s8  }
0x16a: {  	[hbm4b:s30+s2] =	stream.linear.scatter [tilespmem:s26], [sflag:$0x4], $0x80, $0x38;
	[tilespmem:$0xFA80] =	vst v63  }
0x16b: {  	s31 =	simm.s32 $0x0;
	s26 =	simm.s32 $0x80  }
0x16c: {  	s28 =	simm.s32 $0x10;
	s30 =	sadd.s32 $0x0, s10;
	s29 =	simm.s32 $0x180  }
0x16d: {  	[tilespmem:s18], [sflag:$0x2] =	stream.linear.gather [hbm4b:s9+s31], $0x6400, $0x38;
	[tilespmem:$0xFA80] =	vst v63  }
.LBB2_17:
0x16e: {  	[tilespmem:s26], [sflag:$0x2] =	stream.linear.gather [hbm4b:s30+s2], $0x80, $0x38;
	[tilespmem:$0xFA80] =	vst v63  }
0x16f: {  	s30 =	smov.u32 s28;
	s26 =	smov.u32 s29;
	p0 =	sne.s32 s28, $0x180  }
.Ltmp8:
0x170: {  	s28 =	sadd.s32 $0x10, s28;
	(pc) =	sbr.rel @p0 .LBB2_17-.Ltmp8, $2  }
0x171: {  	_ =	sdelay $0x2  }
0x172: {  	s29 =	sadd.s32 $0x100, s29;
	s30 =	sadd.s32 s30, s10  }
0x173: {  	[tilespmem:s26], [sflag:$0x2] =	stream.linear.gather [hbm4b:s30+s2], $0x80, $0x38;
	[tilespmem:$0xFA80] =	vst v63  }
0x174: {  	_ =	swait.ge [sflag:s19], $0x6400  }
0x175: {  	[sflag:s19] =	ssyncset.done $0x0  }
0x176: {  	[sflag:s19] =	ssyncadd.s32 $0xFFFF9C00  }
0x177: {  	_ =	swait.ge [sflag:s19], $0xC80  }
0x178: {  	[sflag:s19] =	ssyncset.done $0x0  }
0x179: {  	[sflag:s19] =	ssyncadd.s32 $0xFFFFF380  }
0x17a: {  	_ =	swait.ge [sflag:s21], $0xC80  }
0x17b: {  	[sflag:s21] =	ssyncset.done $0x0  }
0x17c: {  	s26 =	simm.s32 $0x0;
	[sflag:s21] =	ssyncadd.s32 $0xFFFFF380  }
0x17d: {  	s28 =	simm.s32 $0x1940;
	s29 =	simm.s32 $0x400;
	v1 =	vld [tilespmem:s26+$0x0]  }
.LBB2_19:
0x17e: {  	p0 =	sne.s32 s29, $0x6000;
	v2 =	vld [tilespmem:s28+$0xFFFFFFC0];
	_ =	sdelay $0x4  }
0x17f: {  	v1 =	vadd.f32 v1, v2;
	_ =	sdelay $0x1  }
0x180: {  	v1 =	vadd.f32 v1, v1;
	_ =	sdelay $0x1  }
0x181: {  	v1 =	vsub.f32 $0.0e+00, v1;
	_ =	sdelay $0x1  }
0x182: {  	v1 =	vmul.f32 $1.442695020e+00, v1;
	_ =	sdelay $0x1  }
0x183: {  	(erf) = vpow2.f32 v1;
	_ =	sdelay $0x8  }
0x184: {  	v1 =	vpop (erf)  }
0x185: {  	v1 =	vadd.f32 $1.000000000e+00, v1;
	_ =	sdelay $0x1  }
0x186: {  	(erf) = vrcp.f32 v1;
	_ =	sdelay $0x8  }
0x187: {  	v1 =	vpop (erf)  }
0x188: {  	[tilespmem:s26+$0xE100] =	vst v1;
	v0 =	vadd.f32 v1, v0;
	v1 =	vld [tilespmem:s26+$0x10]  }
0x189: {  	v2 =	vld [tilespmem:s28+$0xFFFFFFD0];
	_ =	sdelay $0x4  }
0x18a: {  	v1 =	vadd.f32 v1, v2;
	_ =	sdelay $0x1  }
0x18b: {  	v1 =	vadd.f32 v1, v1;
	_ =	sdelay $0x1  }
0x18c: {  	v1 =	vsub.f32 $0.0e+00, v1;
	_ =	sdelay $0x1  }
0x18d: {  	v1 =	vmul.f32 $1.442695020e+00, v1;
	_ =	sdelay $0x1  }
0x18e: {  	(erf) = vpow2.f32 v1;
	_ =	sdelay $0x8  }
0x18f: {  	v1 =	vpop (erf)  }
0x190: {  	v1 =	vadd.f32 $1.000000000e+00, v1;
	_ =	sdelay $0x1  }
0x191: {  	(erf) = vrcp.f32 v1;
	_ =	sdelay $0x8  }
0x192: {  	v1 =	vpop (erf)  }
0x193: {  	[tilespmem:s26+$0xE110] =	vst v1;
	v0 =	vadd.f32 v1, v0;
	v1 =	vld [tilespmem:s26+$0x20]  }
0x194: {  	v2 =	vld [tilespmem:s28+$0xFFFFFFE0];
	_ =	sdelay $0x4  }
0x195: {  	v1 =	vadd.f32 v1, v2;
	_ =	sdelay $0x1  }
0x196: {  	v1 =	vadd.f32 v1, v1;
	_ =	sdelay $0x1  }
0x197: {  	v1 =	vsub.f32 $0.0e+00, v1;
	_ =	sdelay $0x1  }
0x198: {  	v1 =	vmul.f32 $1.442695020e+00, v1;
	_ =	sdelay $0x1  }
0x199: {  	(erf) = vpow2.f32 v1;
	_ =	sdelay $0x8  }
0x19a: {  	v1 =	vpop (erf)  }
0x19b: {  	v1 =	vadd.f32 $1.000000000e+00, v1;
	_ =	sdelay $0x1  }
0x19c: {  	(erf) = vrcp.f32 v1;
	_ =	sdelay $0x8  }
0x19d: {  	v1 =	vpop (erf)  }
0x19e: {  	[tilespmem:s26+$0xE120] =	vst v1;
	v0 =	vadd.f32 v1, v0;
	v1 =	vld [tilespmem:s26+$0x30]  }
0x19f: {  	v2 =	vld [tilespmem:s28+$0xFFFFFFF0];
	_ =	sdelay $0x4  }
0x1a0: {  	v1 =	vadd.f32 v1, v2;
	_ =	sdelay $0x1  }
0x1a1: {  	v1 =	vadd.f32 v1, v1;
	_ =	sdelay $0x1  }
0x1a2: {  	v1 =	vsub.f32 $0.0e+00, v1;
	_ =	sdelay $0x1  }
0x1a3: {  	v1 =	vmul.f32 $1.442695020e+00, v1;
	_ =	sdelay $0x1  }
0x1a4: {  	(erf) = vpow2.f32 v1;
	_ =	sdelay $0x8  }
0x1a5: {  	v1 =	vpop (erf)  }
0x1a6: {  	v1 =	vadd.f32 $1.000000000e+00, v1;
	_ =	sdelay $0x1  }
0x1a7: {  	(erf) = vrcp.f32 v1;
	_ =	sdelay $0x8  }
0x1a8: {  	v1 =	vpop (erf)  }
0x1a9: {  	[tilespmem:s26+$0xE130] =	vst v1;
	v0 =	vadd.f32 v1, v0;
	v1 =	vld [tilespmem:s26+$0x40]  }
0x1aa: {  	v2 =	vld [tilespmem:s28+$0x0];
	_ =	sdelay $0x4  }
0x1ab: {  	v1 =	vadd.f32 v1, v2;
	_ =	sdelay $0x1  }
0x1ac: {  	v1 =	vadd.f32 v1, v1;
	_ =	sdelay $0x1  }
0x1ad: {  	v1 =	vsub.f32 $0.0e+00, v1;
	_ =	sdelay $0x1  }
0x1ae: {  	v1 =	vmul.f32 $1.442695020e+00, v1;
	_ =	sdelay $0x1  }
0x1af: {  	(erf) = vpow2.f32 v1;
	_ =	sdelay $0x8  }
0x1b0: {  	v1 =	vpop (erf)  }
0x1b1: {  	v1 =	vadd.f32 $1.000000000e+00, v1;
	_ =	sdelay $0x1  }
0x1b2: {  	(erf) = vrcp.f32 v1;
	_ =	sdelay $0x8  }
0x1b3: {  	v1 =	vpop (erf)  }
0x1b4: {  	[tilespmem:s26+$0xE140] =	vst v1;
	v0 =	vadd.f32 v1, v0;
	v1 =	vld [tilespmem:s26+$0x50]  }
0x1b5: {  	v2 =	vld [tilespmem:s28+$0x10];
	_ =	sdelay $0x4  }
0x1b6: {  	v1 =	vadd.f32 v1, v2;
	_ =	sdelay $0x1  }
0x1b7: {  	v1 =	vadd.f32 v1, v1;
	_ =	sdelay $0x1  }
0x1b8: {  	v1 =	vsub.f32 $0.0e+00, v1;
	_ =	sdelay $0x1  }
0x1b9: {  	v1 =	vmul.f32 $1.442695020e+00, v1;
	_ =	sdelay $0x1  }
0x1ba: {  	(erf) = vpow2.f32 v1;
	_ =	sdelay $0x8  }
0x1bb: {  	v1 =	vpop (erf)  }
0x1bc: {  	v1 =	vadd.f32 $1.000000000e+00, v1;
	_ =	sdelay $0x1  }
0x1bd: {  	(erf) = vrcp.f32 v1;
	_ =	sdelay $0x8  }
0x1be: {  	v1 =	vpop (erf)  }
0x1bf: {  	[tilespmem:s26+$0xE150] =	vst v1;
	v0 =	vadd.f32 v1, v0;
	v1 =	vld [tilespmem:s26+$0x60]  }
0x1c0: {  	v2 =	vld [tilespmem:s28+$0x20];
	_ =	sdelay $0x4  }
0x1c1: {  	v1 =	vadd.f32 v1, v2;
	_ =	sdelay $0x1  }
0x1c2: {  	v1 =	vadd.f32 v1, v1;
	_ =	sdelay $0x1  }
0x1c3: {  	v1 =	vsub.f32 $0.0e+00, v1;
	_ =	sdelay $0x1  }
0x1c4: {  	v1 =	vmul.f32 $1.442695020e+00, v1;
	_ =	sdelay $0x1  }
0x1c5: {  	(erf) = vpow2.f32 v1;
	_ =	sdelay $0x8  }
0x1c6: {  	v1 =	vpop (erf)  }
0x1c7: {  	v1 =	vadd.f32 $1.000000000e+00, v1;
	_ =	sdelay $0x1  }
0x1c8: {  	(erf) = vrcp.f32 v1;
	_ =	sdelay $0x8  }
0x1c9: {  	v1 =	vpop (erf)  }
0x1ca: {  	[tilespmem:s26+$0xE160] =	vst v1;
	v0 =	vadd.f32 v1, v0;
	v1 =	vld [tilespmem:s26+$0x70]  }
0x1cb: {  	v2 =	vld [tilespmem:s28+$0x30];
	_ =	sdelay $0x4  }
0x1cc: {  	v1 =	vadd.f32 v1, v2;
	_ =	sdelay $0x1  }
0x1cd: {  	v1 =	vadd.f32 v1, v1;
	_ =	sdelay $0x1  }
0x1ce: {  	v1 =	vsub.f32 $0.0e+00, v1;
	_ =	sdelay $0x1  }
0x1cf: {  	v1 =	vmul.f32 $1.442695020e+00, v1;
	_ =	sdelay $0x1  }
0x1d0: {  	(erf) = vpow2.f32 v1;
	_ =	sdelay $0x8  }
0x1d1: {  	v1 =	vpop (erf)  }
0x1d2: {  	v1 =	vadd.f32 $1.000000000e+00, v1;
	_ =	sdelay $0x1  }
0x1d3: {  	(erf) = vrcp.f32 v1;
	_ =	sdelay $0x5  }
.Ltmp9:
0x1d4: {  	(pc) =	sbr.rel @p0 .LBB2_19-.Ltmp9, $3  }
0x1d5: {  	_ =	sdelay $0x1  }
0x1d6: {  	s30 =	sshra.s32 s29, $0x2;
	v2 =	vpop (erf)  }
0x1d7: {  	s29 =	sadd.s32 $0x400, s29;
	s28 =	sadd.s32 $0x400, s28;
	v1 =	vld [tilespmem:s30+$0x0];
	[tilespmem:s26+$0xE170] =	vst v2;
	v0 =	vadd.f32 v2, v0;
	s26 =	smov.u32 s30  }
0x1d8: {  	v2 =	vld [tilespmem:s28+$0xFFFFFFC0];
	_ =	sdelay $0x4  }
0x1d9: {  	v1 =	vadd.f32 v1, v2;
	_ =	sdelay $0x1  }
0x1da: {  	v1 =	vadd.f32 v1, v1;
	_ =	sdelay $0x1  }
0x1db: {  	v1 =	vsub.f32 $0.0e+00, v1;
	_ =	sdelay $0x1  }
0x1dc: {  	v1 =	vmul.f32 $1.442695020e+00, v1;
	_ =	sdelay $0x1  }
0x1dd: {  	(erf) = vpow2.f32 v1;
	_ =	sdelay $0x8  }
0x1de: {  	v1 =	vpop (erf)  }
0x1df: {  	v1 =	vadd.f32 $1.000000000e+00, v1;
	_ =	sdelay $0x1  }
0x1e0: {  	(erf) = vrcp.f32 v1;
	_ =	sdelay $0x8  }
0x1e1: {  	v1 =	vpop (erf)  }
0x1e2: {  	v2 =	vld [tilespmem:s26+$0x10];
	[tilespmem:s26+$0xE100] =	vst v1  }
0x1e3: {  	v3 =	vld [tilespmem:s28+$0xFFFFFFD0];
	_ =	sdelay $0x4  }
0x1e4: {  	v2 =	vadd.f32 v2, v3;
	_ =	sdelay $0x1  }
0x1e5: {  	v2 =	vadd.f32 v2, v2;
	_ =	sdelay $0x1  }
0x1e6: {  	v2 =	vsub.f32 $0.0e+00, v2;
	_ =	sdelay $0x1  }
0x1e7: {  	v2 =	vmul.f32 $1.442695020e+00, v2;
	_ =	sdelay $0x1  }
0x1e8: {  	(erf) = vpow2.f32 v2;
	_ =	sdelay $0x8  }
0x1e9: {  	v2 =	vpop (erf)  }
0x1ea: {  	v2 =	vadd.f32 $1.000000000e+00, v2;
	_ =	sdelay $0x1  }
0x1eb: {  	(erf) = vrcp.f32 v2;
	_ =	sdelay $0x8  }
0x1ec: {  	v2 =	vpop (erf)  }
0x1ed: {  	v3 =	vld [tilespmem:s26+$0x20];
	[tilespmem:s26+$0xE110] =	vst v2  }
0x1ee: {  	v4 =	vld [tilespmem:s28+$0xFFFFFFE0];
	_ =	sdelay $0x4  }
0x1ef: {  	v3 =	vadd.f32 v3, v4;
	_ =	sdelay $0x1  }
0x1f0: {  	v3 =	vadd.f32 v3, v3;
	_ =	sdelay $0x1  }
0x1f1: {  	v3 =	vsub.f32 $0.0e+00, v3;
	_ =	sdelay $0x1  }
0x1f2: {  	v3 =	vmul.f32 $1.442695020e+00, v3;
	_ =	sdelay $0x1  }
0x1f3: {  	(erf) = vpow2.f32 v3;
	_ =	sdelay $0x8  }
0x1f4: {  	v3 =	vpop (erf)  }
0x1f5: {  	v3 =	vadd.f32 $1.000000000e+00, v3;
	_ =	sdelay $0x1  }
0x1f6: {  	(erf) = vrcp.f32 v3;
	_ =	sdelay $0x8  }
0x1f7: {  	v3 =	vpop (erf)  }
0x1f8: {  	v59 =	vld [tilespmem:s26+$0x30];
	[tilespmem:s26+$0xE120] =	vst v3  }
0x1f9: {  	v5 =	vld [tilespmem:s28+$0xFFFFFFF0];
	_ =	sdelay $0x4  }
0x1fa: {  	v4 =	vadd.f32 v59, v5;
	_ =	sdelay $0x1  }
0x1fb: {  	v4 =	vadd.f32 v4, v4;
	_ =	sdelay $0x1  }
0x1fc: {  	v4 =	vsub.f32 $0.0e+00, v4;
	_ =	sdelay $0x1  }
0x1fd: {  	v4 =	vmul.f32 $1.442695020e+00, v4;
	_ =	sdelay $0x1  }
0x1fe: {  	(erf) = vpow2.f32 v4;
	_ =	sdelay $0x8  }
0x1ff: {  	v4 =	vpop (erf)  }
0x200: {  	v4 =	vadd.f32 $1.000000000e+00, v4;
	_ =	sdelay $0x1  }
0x201: {  	(erf) = vrcp.f32 v4;
	_ =	sdelay $0x8  }
0x202: {  	v4 =	vpop (erf)  }
0x203: {  	v60 =	vld [tilespmem:s26+$0x40];
	[tilespmem:s26+$0xE130] =	vst v4  }
0x204: {  	v6 =	vld [tilespmem:s28+$0x0];
	_ =	sdelay $0x4  }
0x205: {  	v5 =	vadd.f32 v60, v6;
	_ =	sdelay $0x1  }
0x206: {  	v5 =	vadd.f32 v5, v5;
	_ =	sdelay $0x1  }
0x207: {  	v5 =	vsub.f32 $0.0e+00, v5;
	_ =	sdelay $0x1  }
0x208: {  	v5 =	vmul.f32 $1.442695020e+00, v5;
	_ =	sdelay $0x1  }
0x209: {  	(erf) = vpow2.f32 v5;
	_ =	sdelay $0x8  }
0x20a: {  	v5 =	vpop (erf)  }
0x20b: {  	v5 =	vadd.f32 $1.000000000e+00, v5;
	_ =	sdelay $0x1  }
0x20c: {  	(erf) = vrcp.f32 v5;
	_ =	sdelay $0x8  }
0x20d: {  	v5 =	vpop (erf)  }
0x20e: {  	v61 =	vld [tilespmem:s26+$0x50];
	[tilespmem:s26+$0xE140] =	vst v5  }
0x20f: {  	v7 =	vld [tilespmem:s28+$0x10];
	_ =	sdelay $0x4  }
0x210: {  	v6 =	vadd.f32 v61, v7;
	_ =	sdelay $0x1  }
0x211: {  	v6 =	vadd.f32 v6, v6;
	_ =	sdelay $0x1  }
0x212: {  	v6 =	vsub.f32 $0.0e+00, v6;
	_ =	sdelay $0x1  }
0x213: {  	v6 =	vmul.f32 $1.442695020e+00, v6;
	_ =	sdelay $0x1  }
0x214: {  	(erf) = vpow2.f32 v6;
	_ =	sdelay $0x8  }
0x215: {  	v6 =	vpop (erf)  }
0x216: {  	v6 =	vadd.f32 $1.000000000e+00, v6;
	_ =	sdelay $0x1  }
0x217: {  	(erf) = vrcp.f32 v6;
	_ =	sdelay $0x8  }
0x218: {  	v6 =	vpop (erf)  }
0x219: {  	v62 =	vld [tilespmem:s26+$0x60];
	[tilespmem:s26+$0xE150] =	vst v6  }
0x21a: {  	v8 =	vld [tilespmem:s28+$0x20];
	_ =	sdelay $0x4  }
0x21b: {  	v7 =	vadd.f32 v62, v8;
	_ =	sdelay $0x1  }
0x21c: {  	v7 =	vadd.f32 v7, v7;
	_ =	sdelay $0x1  }
0x21d: {  	v7 =	vsub.f32 $0.0e+00, v7;
	_ =	sdelay $0x1  }
0x21e: {  	v7 =	vmul.f32 $1.442695020e+00, v7;
	_ =	sdelay $0x1  }
0x21f: {  	(erf) = vpow2.f32 v7;
	_ =	sdelay $0x8  }
0x220: {  	v7 =	vpop (erf)  }
0x221: {  	v7 =	vadd.f32 $1.000000000e+00, v7;
	_ =	sdelay $0x1  }
0x222: {  	(erf) = vrcp.f32 v7;
	_ =	sdelay $0x8  }
0x223: {  	v7 =	vpop (erf)  }
0x224: {  	v63 =	vld [tilespmem:s26+$0x70];
	[tilespmem:s26+$0xE160] =	vst v7  }
0x225: {  	v9 =	vld [tilespmem:s28+$0x30];
	_ =	sdelay $0x4  }
0x226: {  	v8 =	vadd.f32 v63, v9;
	_ =	sdelay $0x1  }
0x227: {  	v8 =	vadd.f32 v8, v8;
	_ =	sdelay $0x1  }
0x228: {  	v8 =	vsub.f32 $0.0e+00, v8;
	_ =	sdelay $0x1  }
0x229: {  	v8 =	vmul.f32 $1.442695020e+00, v8;
	_ =	sdelay $0x1  }
0x22a: {  	(erf) = vpow2.f32 v8;
	_ =	sdelay $0x7  }
0x22b: {  	v0 =	vadd.f32 v1, v0  }
0x22c: {  	v1 =	vpop (erf)  }
0x22d: {  	v0 =	vadd.f32 v2, v0;
	v1 =	vadd.f32 $1.000000000e+00, v1;
	_ =	sdelay $0x1  }
0x22e: {  	v0 =	vadd.f32 v3, v0;
	(erf) = vrcp.f32 v1;
	_ =	sdelay $0x1  }
0x22f: {  	v0 =	vadd.f32 v4, v0;
	_ =	sdelay $0x1  }
0x230: {  	v0 =	vadd.f32 v5, v0;
	_ =	sdelay $0x1  }
0x231: {  	v0 =	vadd.f32 v6, v0;
	_ =	sdelay $0x1  }
0x232: {  	v0 =	vadd.f32 v7, v0  }
0x233: {  	s30 =	sadd.s32 $0x0, s11;
	v1 =	vpop (erf)  }
0x234: {  	s29 =	simm.s32 $0xE200;
	s28 =	simm.s32 $0xE100;
	[tilespmem:s26+$0xE170] =	vst v1;
	v0 =	vadd.f32 v1, v0;
	s26 =	simm.s32 $0x10  }
.LBB2_21:
0x235: {  	[hbm4b:s30+s2] =	stream.linear.scatter [tilespmem:s28], [sflag:$0x3], $0x80, $0x38;
	[tilespmem:$0xFA80] =	vst v63  }
0x236: {  	s30 =	smov.u32 s26;
	s28 =	smov.u32 s29;
	p0 =	sne.s32 s26, $0x180  }
.Ltmp10:
0x237: {  	s26 =	sadd.s32 $0x10, s26;
	(pc) =	sbr.rel @p0 .LBB2_21-.Ltmp10, $2  }
0x238: {  	_ =	sdelay $0x2  }
0x239: {  	s29 =	sadd.s32 $0x100, s29;
	s30 =	sadd.s32 s30, s11  }
0x23a: {  	[hbm4b:s30+s2] =	stream.linear.scatter [tilespmem:s28], [sflag:$0x3], $0x80, $0x38;
	[tilespmem:$0xFA80] =	vst v63  }
0x23b: {  	_ =	swait.ge [sflag:s20], $0x6400  }
0x23c: {  	[sflag:s20] =	ssyncset.done $0x0  }
0x23d: {  	[sflag:s20] =	ssyncadd.s32 $0xFFFF9C00  }
0x23e: {  	_ =	swait.ge [sflag:s20], $0xC80  }
0x23f: {  	[sflag:s20] =	ssyncset.done $0x0  }
0x240: {  	[sflag:s20] =	ssyncadd.s32 $0xFFFFF380  }
0x241: {  	_ =	swait.ge [sflag:s22], $0xC80  }
0x242: {  	s26 =	simm.s32 $0x0;
	[sflag:s22] =	ssyncset.done $0x0  }
0x243: {  	s28 =	simm.s32 $0xE1F0;
	s29 =	simm.s32 $0xF0;
	[sflag:s22] =	ssyncadd.s32 $0xFFFFF380  }
.LBB2_23:
0x244: {  	s30 =	sshra.s32 s26, $0x2;
	v2 =	vld [tilespmem:s29+$0xFFFFFF90]  }
0x245: {  	v1 =	vld [tilespmem:s30+$0x7D00];
	_ =	sdelay $0x4  }
0x246: {  	v1 =	vadd.f32 v2, v1;
	_ =	sdelay $0x1  }
0x247: {  	v1 =	vadd.f32 v1, v1;
	_ =	sdelay $0x1  }
0x248: {  	v1 =	vsub.f32 $0.0e+00, v1;
	_ =	sdelay $0x1  }
0x249: {  	v1 =	vmul.f32 $1.442695020e+00, v1;
	_ =	sdelay $0x1  }
0x24a: {  	(erf) = vpow2.f32 v1;
	_ =	sdelay $0x8  }
0x24b: {  	v1 =	vpop (erf)  }
0x24c: {  	v1 =	vadd.f32 $1.000000000e+00, v1;
	_ =	sdelay $0x1  }
0x24d: {  	(erf) = vrcp.f32 v1;
	_ =	sdelay $0x8  }
0x24e: {  	v1 =	vpop (erf)  }
0x24f: {  	[tilespmem:s28+$0xFFFFFF90] =	vst v1  }
0x250: {  	v2 =	vld [tilespmem:s30+$0x7D10]  }
0x251: {  	v3 =	vld [tilespmem:s29+$0xFFFFFFA0];
	_ =	sdelay $0x4  }
0x252: {  	v2 =	vadd.f32 v3, v2;
	_ =	sdelay $0x1  }
0x253: {  	v2 =	vadd.f32 v2, v2;
	_ =	sdelay $0x1  }
0x254: {  	v2 =	vsub.f32 $0.0e+00, v2;
	_ =	sdelay $0x1  }
0x255: {  	v2 =	vmul.f32 $1.442695020e+00, v2;
	_ =	sdelay $0x1  }
0x256: {  	(erf) = vpow2.f32 v2;
	_ =	sdelay $0x8  }
0x257: {  	v2 =	vpop (erf)  }
0x258: {  	v2 =	vadd.f32 $1.000000000e+00, v2;
	_ =	sdelay $0x1  }
0x259: {  	(erf) = vrcp.f32 v2;
	_ =	sdelay $0x8  }
0x25a: {  	v2 =	vpop (erf)  }
0x25b: {  	[tilespmem:s28+$0xFFFFFFA0] =	vst v2  }
0x25c: {  	v3 =	vld [tilespmem:s30+$0x7D20]  }
0x25d: {  	v4 =	vld [tilespmem:s29+$0xFFFFFFB0];
	_ =	sdelay $0x4  }
0x25e: {  	v3 =	vadd.f32 v4, v3;
	_ =	sdelay $0x1  }
0x25f: {  	v3 =	vadd.f32 v3, v3;
	_ =	sdelay $0x1  }
0x260: {  	v3 =	vsub.f32 $0.0e+00, v3;
	_ =	sdelay $0x1  }
0x261: {  	v3 =	vmul.f32 $1.442695020e+00, v3;
	_ =	sdelay $0x1  }
0x262: {  	(erf) = vpow2.f32 v3;
	_ =	sdelay $0x8  }
0x263: {  	v3 =	vpop (erf)  }
0x264: {  	v3 =	vadd.f32 $1.000000000e+00, v3;
	_ =	sdelay $0x1  }
0x265: {  	(erf) = vrcp.f32 v3;
	_ =	sdelay $0x8  }
0x266: {  	v3 =	vpop (erf)  }
0x267: {  	[tilespmem:s28+$0xFFFFFFB0] =	vst v3  }
0x268: {  	v59 =	vld [tilespmem:s30+$0x7D30]  }
0x269: {  	v5 =	vld [tilespmem:s29+$0xFFFFFFC0];
	_ =	sdelay $0x4  }
0x26a: {  	v4 =	vadd.f32 v5, v59;
	_ =	sdelay $0x1  }
0x26b: {  	v4 =	vadd.f32 v4, v4;
	_ =	sdelay $0x1  }
0x26c: {  	v4 =	vsub.f32 $0.0e+00, v4;
	_ =	sdelay $0x1  }
0x26d: {  	v4 =	vmul.f32 $1.442695020e+00, v4;
	_ =	sdelay $0x1  }
0x26e: {  	(erf) = vpow2.f32 v4;
	_ =	sdelay $0x8  }
0x26f: {  	v4 =	vpop (erf)  }
0x270: {  	v4 =	vadd.f32 $1.000000000e+00, v4;
	_ =	sdelay $0x1  }
0x271: {  	(erf) = vrcp.f32 v4;
	_ =	sdelay $0x8  }
0x272: {  	v4 =	vpop (erf)  }
0x273: {  	[tilespmem:s28+$0xFFFFFFC0] =	vst v4  }
0x274: {  	v60 =	vld [tilespmem:s30+$0x7D40]  }
0x275: {  	v6 =	vld [tilespmem:s29+$0xFFFFFFD0];
	_ =	sdelay $0x4  }
0x276: {  	v5 =	vadd.f32 v6, v60;
	_ =	sdelay $0x1  }
0x277: {  	v5 =	vadd.f32 v5, v5;
	_ =	sdelay $0x1  }
0x278: {  	v5 =	vsub.f32 $0.0e+00, v5;
	_ =	sdelay $0x1  }
0x279: {  	v5 =	vmul.f32 $1.442695020e+00, v5;
	_ =	sdelay $0x1  }
0x27a: {  	(erf) = vpow2.f32 v5;
	_ =	sdelay $0x8  }
0x27b: {  	v5 =	vpop (erf)  }
0x27c: {  	v5 =	vadd.f32 $1.000000000e+00, v5;
	_ =	sdelay $0x1  }
0x27d: {  	(erf) = vrcp.f32 v5;
	_ =	sdelay $0x8  }
0x27e: {  	v5 =	vpop (erf)  }
0x27f: {  	[tilespmem:s28+$0xFFFFFFD0] =	vst v5  }
0x280: {  	v61 =	vld [tilespmem:s30+$0x7D50]  }
0x281: {  	v7 =	vld [tilespmem:s29+$0xFFFFFFE0];
	_ =	sdelay $0x4  }
0x282: {  	v6 =	vadd.f32 v7, v61;
	_ =	sdelay $0x1  }
0x283: {  	v6 =	vadd.f32 v6, v6;
	_ =	sdelay $0x1  }
0x284: {  	v6 =	vsub.f32 $0.0e+00, v6;
	_ =	sdelay $0x1  }
0x285: {  	v6 =	vmul.f32 $1.442695020e+00, v6;
	_ =	sdelay $0x1  }
0x286: {  	(erf) = vpow2.f32 v6;
	_ =	sdelay $0x8  }
0x287: {  	v6 =	vpop (erf)  }
0x288: {  	v6 =	vadd.f32 $1.000000000e+00, v6;
	_ =	sdelay $0x1  }
0x289: {  	(erf) = vrcp.f32 v6;
	_ =	sdelay $0x8  }
0x28a: {  	v6 =	vpop (erf)  }
0x28b: {  	[tilespmem:s28+$0xFFFFFFE0] =	vst v6  }
0x28c: {  	v62 =	vld [tilespmem:s30+$0x7D60]  }
0x28d: {  	v8 =	vld [tilespmem:s29+$0xFFFFFFF0];
	_ =	sdelay $0x4  }
0x28e: {  	v7 =	vadd.f32 v8, v62;
	_ =	sdelay $0x1  }
0x28f: {  	v7 =	vadd.f32 v7, v7;
	_ =	sdelay $0x1  }
0x290: {  	v7 =	vsub.f32 $0.0e+00, v7;
	_ =	sdelay $0x1  }
0x291: {  	v7 =	vmul.f32 $1.442695020e+00, v7;
	_ =	sdelay $0x1  }
0x292: {  	(erf) = vpow2.f32 v7;
	_ =	sdelay $0x8  }
0x293: {  	v7 =	vpop (erf)  }
0x294: {  	v7 =	vadd.f32 $1.000000000e+00, v7;
	_ =	sdelay $0x1  }
0x295: {  	(erf) = vrcp.f32 v7;
	_ =	sdelay $0x8  }
0x296: {  	v7 =	vpop (erf)  }
0x297: {  	[tilespmem:s28+$0xFFFFFFF0] =	vst v7  }
0x298: {  	v63 =	vld [tilespmem:s30+$0x7D70]  }
0x299: {  	v9 =	vld [tilespmem:s29+$0x0];
	_ =	sdelay $0x4  }
0x29a: {  	v8 =	vadd.f32 v9, v63;
	_ =	sdelay $0x1  }
0x29b: {  	v8 =	vadd.f32 v8, v8;
	_ =	sdelay $0x1  }
0x29c: {  	v8 =	vsub.f32 $0.0e+00, v8;
	_ =	sdelay $0x1  }
0x29d: {  	v8 =	vmul.f32 $1.442695020e+00, v8;
	_ =	sdelay $0x1  }
0x29e: {  	(erf) = vpow2.f32 v8;
	_ =	sdelay $0x7  }
0x29f: {  	v0 =	vadd.f32 v1, v0  }
0x2a0: {  	v1 =	vpop (erf)  }
0x2a1: {  	v0 =	vadd.f32 v2, v0;
	v1 =	vadd.f32 $1.000000000e+00, v1;
	_ =	sdelay $0x1  }
0x2a2: {  	v0 =	vadd.f32 v3, v0;
	(erf) = vrcp.f32 v1;
	_ =	sdelay $0x1  }
0x2a3: {  	v0 =	vadd.f32 v4, v0;
	_ =	sdelay $0x1  }
0x2a4: {  	v0 =	vadd.f32 v5, v0  }
0x2a5: {  	p0 =	sne.s32 s26, $0x18000  }
.Ltmp11:
0x2a6: {  	v0 =	vadd.f32 v6, v0;
	(pc) =	sbr.rel @p0 .LBB2_23-.Ltmp11, $4  }
0x2a7: {  	_ = 	snop  }
0x2a8: {  	v0 =	vadd.f32 v7, v0  }
0x2a9: {  	v1 =	vpop (erf)  }
0x2aa: {  	s26 =	sadd.s32 $0x1000, s26;
	s29 =	sadd.s32 $0x100, s29;
	[tilespmem:s28+$0x0] =	vst v1;
	v0 =	vadd.f32 v1, v0;
	s28 =	sadd.s32 $0x100, s28  }
0x2ab: {  	s26 =	simm.s32 $0xE180  }
0x2ac: {  	s28 =	simm.s32 $0x10;
	s30 =	sadd.s32 $0x0, s12;
	s29 =	simm.s32 $0xE280  }
.LBB2_25:
0x2ad: {  	[hbm4b:s30+s2] =	stream.linear.scatter [tilespmem:s26], [sflag:$0x4], $0x80, $0x38;
	[tilespmem:$0xFA80] =	vst v63  }
0x2ae: {  	s30 =	smov.u32 s28;
	s26 =	smov.u32 s29;
	p0 =	sne.s32 s28, $0x180  }
.Ltmp12:
0x2af: {  	s28 =	sadd.s32 $0x10, s28;
	(pc) =	sbr.rel @p0 .LBB2_25-.Ltmp12, $2  }
0x2b0: {  	_ =	sdelay $0x2  }
0x2b1: {  	s29 =	sadd.s32 $0x100, s29;
	s30 =	sadd.s32 s30, s12  }
0x2b2: {  	[hbm4b:s30+s2] =	stream.linear.scatter [tilespmem:s26], [sflag:$0x4], $0x80, $0x38;
	[tilespmem:$0xFA80] =	vst v63  }
0x2b3: {  	_ =	swait.ge [sflag:s21], $0xC80  }
0x2b4: {  	[sflag:s21] =	ssyncset.done $0x0  }
0x2b5: {  	[sflag:s21] =	ssyncadd.s32 $0xFFFFF380  }
0x2b6: {  	_ =	swait.ge [sflag:s22], $0xC80  }
0x2b7: {  	s25 =	sadd.s32 $0x1, s25;
	[sflag:s22] =	ssyncset.done $0x0  }
0x2b8: {  	p0 =	sne.s32 s25, s16;
	[sflag:s22] =	ssyncadd.s32 $0xFFFFF380  }
.Ltmp13:
0x2b9: {  	[tilespmem:$0xFA00] =	vst v0;
	(pc) =	sbr.rel @p0 .LBB2_2-.Ltmp13, $4  }
0x2ba: {  	[hbm4b:s13+s2] =	stream.linear.scatter [tilespmem:s23], [sflag:$0x5], $0x80, $0x38;
	[tilespmem:$0xFA80] =	vst v63  }
0x2bb: {  	_ =	swait.ge [sflag:s24], $0x80  }
0x2bc: {  	[sflag:s24] =	ssyncset.done $0x0  }
0x2bd: {  	[sflag:s24] =	ssyncadd.s32 $0xFFFFFF80  }
.LBB2_27:
0x2be: {  	_ =	sfence.sel $0x180000  }
0x2bf: {  	[bflag:$0x0] =	sbarrier.arrive $0xFFFF  }
0x2c0: {  	p0 =	sne.s32 s0, $0x0;
	_ =	strace $0x9000004A  }
0x2c1: {  	s0 =	sadd.s32 @!p0 $0x100000, s1;
	[bflag:$0x2] =	sbarrier.arrive $0xFFFF  }
0x2c2: {  	[sflag:s0] =	ssyncadd.tile.s32 @!p0 $0x1;
	_ =	shalt  }
.Lfunc_end2:
_tile_overlayer_lowered:
.L_overlay_start_2:
0x2c3: {  	(tag) =	ssettag $0x2  }
0x2c4: {  	s0 =	rddreg [dreg:$0x0];
	s2 =	stileid.u32  }
0x2c5: {  	s1 =	rddreg [dreg:$0x1];
	p0 =	sne.s32 s2, $0x0  }
0x2c6: {  	s3 =	rddreg [dreg:$0x2];
	[bflag:$0x3] =	sbarrier.arrive $0xFFFF;
	s2 =	simm.s32 @!p0 $0x1C05  }
0x2c7: {  	[timem:s3], [sflag:s2] =	dma.local @!p0 [hbm:s0], s1  }
0x2c8: {  	s0 =	simm.s32 @!p0 $0x5  }
0x2c9: {  	_ =	swait.ge @!p0 [sflag:s0], s1  }
0x2ca: {  	s1 =	ssub.s32 @!p0 $0x0, s1;
	[sflag:s0] =	ssyncset.done @!p0 $0x0  }
0x2cb: {  	[sflag:s0] =	ssyncadd.s32 @!p0 s1  }
0x2cc: {  	[bflag:$0x3] =	sbarrier.arrive $0xFFFF  }
0x2cd: {  	_ =	shalt  }

</sc_bundles>
